<compile_context>
chip_gen: v7x
topology: tpu7x:2x2x1
jax: 0.10.2.dev20260603
libtpu: 0.0.44.dev20260713+nightly
codegen_flags: <defaults>
</compile_context>

<pallas_src>
import functools

import jax
import jax.numpy as jnp
from jax import lax
from jax.experimental import pallas as pl
from jax.experimental.pallas import tpu as pltpu
from jax.experimental.pallas import tpu_sc as plsc

N = 10000
E = 320000
F = 64
ALPHA = 0.5
N_LAYERS = 3

NC = 2
NS = 16
NW = NC * NS
EPW = E // NW
SUB = 80
ROWS = E // SUB
RPW = ROWS // NW
CH = 400
SPC = CH // SUB
NCHUNK = EPW // CH
NPAD = 10240
NPT = NPAD // NS


def _pad_to(a, shape):
    pads = [(0, t - s) for s, t in zip(a.shape, shape)]
    return jnp.pad(a, pads)


def _bd(w):
    k, m = w.shape
    z = jnp.zeros((k, m), w.dtype)
    return jnp.concatenate(
        [jnp.concatenate([w, z], axis=1), jnp.concatenate([z, w], axis=1)],
        axis=0)


def _dup(b):
    return jnp.concatenate([b, b]).reshape(1, -1)



def _dot(a, b):
    return jax.lax.dot_general(a, b, (((1,), (0,)), ((), ())),
                               preferred_element_type=jnp.float32)


_NBLK = 2000
_PBLK = 3200
EP = E // 2


def _proj_body(x_ref, ws_ref, wd_ref, ps_ref, pd_ref):
    x = x_ref[...]
    ps_ref[...] = _dot(x, ws_ref[...])
    pd_ref[...] = _dot(x, wd_ref[...])


def _proj0(x, wsp, wdp):
    nd = x.shape[1]
    return pl.pallas_call(
        _proj_body,
        out_shape=(jax.ShapeDtypeStruct((N, F), jnp.float32),
                   jax.ShapeDtypeStruct((N, F), jnp.float32)),
        grid=(N // _NBLK,),
        in_specs=[pl.BlockSpec((_NBLK, nd), lambda i: (i, 0)),
                  pl.BlockSpec((nd, F), lambda i: (0, 0)),
                  pl.BlockSpec((nd, F), lambda i: (0, 0))],
        out_specs=(pl.BlockSpec((_NBLK, F), lambda i: (i, 0)),
                   pl.BlockSpec((_NBLK, F), lambda i: (i, 0))),
    )(x, wsp, wdp)


def _qe0_body(ea_a_ref, ea_b_ref, we_ref, b_ref, qe_ref):
    we = we_ref[...]
    b = b_ref[...]
    qa = _dot(ea_a_ref[...].T, we) + b
    qb = _dot(ea_b_ref[...].T, we) + b
    qe_ref[...] = jnp.concatenate([qa, qb], axis=1)


def _qe0(ea_t, wep, b1p):
    k = ea_t.shape[0]
    nblk = EP // _PBLK
    return pl.pallas_call(
        _qe0_body,
        out_shape=jax.ShapeDtypeStruct((EP, 2 * F), jnp.float32),
        grid=(nblk,),
        in_specs=[pl.BlockSpec((k, _PBLK), lambda i: (0, i)),
                  pl.BlockSpec((k, _PBLK), lambda i: (0, i + nblk)),
                  pl.BlockSpec((k, F), lambda i: (0, 0)),
                  pl.BlockSpec((1, F), lambda i: (0, 0))],
        out_specs=pl.BlockSpec((_PBLK, 2 * F), lambda i: (i, 0)),
    )(ea_t, ea_t, wep, b1p)


def _eot_body(nblk, w, eo_ref, out_ref):
    x = eo_ref[...]
    half = pl.program_id(0) // nblk
    sel = jnp.where(half == 0, x[:, :F], x[:, F:])
    out_ref[...] = sel[:, :w].T


def _eot(eo_p, width):
    w = max(8, width)
    nblk = EP // _PBLK
    return pl.pallas_call(
        functools.partial(_eot_body, nblk, w),
        out_shape=jax.ShapeDtypeStruct((w, E), jnp.float32),
        grid=(2 * nblk,),
        in_specs=[pl.BlockSpec((_PBLK, 2 * F), lambda i: (i % nblk, 0))],
        out_specs=pl.BlockSpec((w, _PBLK), lambda i: (0, i)),
    )(eo_p)


def _edge_body(r_ref, w2_ref, b2_ref, wen_ref, bn_ref, eo_ref, qn_ref):
    eo = _dot(r_ref[...], w2_ref[...]) + b2_ref[...]
    eo_ref[...] = eo
    qn_ref[...] = _dot(eo, wen_ref[...]) + bn_ref[...]


def _edge_tc(r_p, w2_bd, b2_p, wen_bd, bn_p):
    return pl.pallas_call(
        _edge_body,
        out_shape=(jax.ShapeDtypeStruct((EP, 2 * F), jnp.float32),
                   jax.ShapeDtypeStruct((EP, 2 * F), jnp.float32)),
        grid=(EP // _PBLK,),
        in_specs=[pl.BlockSpec((_PBLK, 2 * F), lambda i: (i, 0)),
                  pl.BlockSpec((2 * F, 2 * F), lambda i: (0, 0)),
                  pl.BlockSpec((1, 2 * F), lambda i: (0, 0)),
                  pl.BlockSpec((2 * F, 2 * F), lambda i: (0, 0)),
                  pl.BlockSpec((1, 2 * F), lambda i: (0, 0))],
        out_specs=(pl.BlockSpec((_PBLK, 2 * F), lambda i: (i, 0)),
                   pl.BlockSpec((_PBLK, 2 * F), lambda i: (i, 0))),
    )(r_p, w2_bd, b2_p, wen_bd, bn_p)


def _edge_last_body(r_ref, w2_ref, b2_ref, eo_ref):
    eo_ref[...] = _dot(r_ref[...], w2_ref[...]) + b2_ref[...]


def _edge_tc_last(r_p, w2_bd, b2_p):
    return pl.pallas_call(
        _edge_last_body,
        out_shape=jax.ShapeDtypeStruct((EP, 2 * F), jnp.float32),
        grid=(EP // _PBLK,),
        in_specs=[pl.BlockSpec((_PBLK, 2 * F), lambda i: (i, 0)),
                  pl.BlockSpec((2 * F, 2 * F), lambda i: (0, 0)),
                  pl.BlockSpec((1, 2 * F), lambda i: (0, 0))],
        out_specs=pl.BlockSpec((_PBLK, 2 * F), lambda i: (i, 0)),
    )(r_p, w2_bd, b2_p)


def _node_body(has_res, has_next, refs):
    (x_ref, a0_ref, a1_ref, woa_ref, wox_ref, bo1_ref,
     wo2_ref, bo2_ref) = refs[:8]
    idx = 8
    if has_res:
        r1w_ref, r1b_ref, r2w_ref, r2b_ref = refs[idx:idx + 4]
        idx += 4
    if has_next:
        wsn_ref, wdn_ref = refs[idx:idx + 2]
        idx += 2
    dep_ref = refs[idx]
    idx += 1
    outs = refs[idx:]
    x = x_ref[...] + dep_ref[0, 0] * 0.0
    agg = a0_ref[...] + a1_ref[...]
    h = _dot(x, wox_ref[...]) + _dot(agg, woa_ref[...]) + bo1_ref[...]
    h = jnp.maximum(h, 0.0)
    delta = _dot(h, wo2_ref[...]) + bo2_ref[...]
    if has_res:
        hr = jnp.maximum(_dot(x, r1w_ref[...]) + r1b_ref[...], 0.0)
        res = jnp.maximum(_dot(hr, r2w_ref[...]) + r2b_ref[...], 0.0)
    else:
        res = x
    xn = ALPHA * res + (1.0 - ALPHA) * jnp.maximum(delta, 0.0)
    outs[0][...] = xn
    if has_next:
        outs[1][...] = _dot(xn, wsn_ref[...])
        outs[2][...] = _dot(xn, wdn_ref[...])


def _node_tc(x, a0, a1, woa, wox, bo1, wo2, bo2, res_w=None, next_w=None,
             dep=None):
    ndo = wo2.shape[1]
    has_res = res_w is not None
    has_next = next_w is not None
    args = [x, a0, a1, woa, wox, bo1, wo2, bo2]
    if has_res:
        args += list(res_w)
    if has_next:
        args += list(next_w)
    if dep is None:
        dep = jnp.zeros((1, 1), jnp.float32)
    args.append(dep)
    out_shape = [jax.ShapeDtypeStruct((N, ndo), jnp.float32)]
    if has_next:
        out_shape += [jax.ShapeDtypeStruct((N, F), jnp.float32),
                      jax.ShapeDtypeStruct((N, F), jnp.float32)]

    def body(*refs):
        _node_body(has_res, has_next, refs)

    n_row_args = 3
    in_specs = [pl.BlockSpec((_NBLK, a.shape[1]), lambda i: (i, 0))
                for a in args[:n_row_args]]
    in_specs += [pl.BlockSpec(a.shape, lambda i: (0, 0))
                 for a in args[n_row_args:]]
    out_specs = tuple(pl.BlockSpec((_NBLK, s.shape[1]), lambda i: (i, 0))
                      for s in out_shape)
    outs = pl.pallas_call(
        body,
        out_shape=tuple(out_shape),
        grid=(N // _NBLK,),
        in_specs=in_specs,
        out_specs=out_specs,
    )(*args)
    return outs



def _gather_body(ps_hbm, pd_hbm, qe_hbm, src_hbm, dst_hbm, r_hbm,
                 srcv, dstv, ga, gb, qv, sem):
    c = lax.axis_index("c")
    s = lax.axis_index("s")
    wid = s * NC + c

    pltpu.sync_copy(src_hbm.at[wid], srcv)
    pltpu.sync_copy(dst_hbm.at[wid], dstv)

    def chunk(ci, _):
        ebase = wid * EPW + ci * CH
        irow = ci * SPC
        pltpu.sync_copy(qe_hbm.at[pl.ds(ebase, CH)], qv)
        cps = []
        for j in range(SPC):
            cps.append(pltpu.async_copy(
                ps_hbm.at[srcv.at[irow + j]],
                ga.at[pl.ds(j * SUB, SUB)], sem))
            cps.append(pltpu.async_copy(
                pd_hbm.at[dstv.at[irow + j]],
                gb.at[pl.ds(j * SUB, SUB)], sem))
        for cp in cps:
            cp.wait()

        def row(rj, _):
            for col in (0, 16, 32, 48):
                a = ga[rj, pl.ds(col, 16)]
                b = gb[rj, pl.ds(col, 16)]
                q = qv[rj, pl.ds(col, 16)]
                ga[rj, pl.ds(col, 16)] = jnp.maximum(a + b + q, 0.0)
            return 0
        lax.fori_loop(0, CH, row, 0)

        pltpu.sync_copy(ga, r_hbm.at[pl.ds(ebase, CH)])
        return 0
    lax.fori_loop(0, NCHUNK, chunk, 0)


@functools.cache
def _get_gather_sc():
    mesh = plsc.VectorSubcoreMesh(core_axis_name="c", subcore_axis_name="s")
    return pl.kernel(
        _gather_body,
        out_type=jax.ShapeDtypeStruct((E, F), jnp.float32),
        mesh=mesh,
        scratch_types=[
            pltpu.VMEM((RPW, SUB), jnp.int32),
            pltpu.VMEM((RPW, SUB), jnp.int32),
            pltpu.VMEM((CH, F), jnp.float32),
            pltpu.VMEM((CH, F), jnp.float32),
            pltpu.VMEM((CH, F), jnp.float32),
            pltpu.SemaphoreType.DMA,
        ],
        compiler_params=pltpu.CompilerParams(use_tc_tiling_on_sc=False),
    )


def _gather_sc(ps, pd, qe, src, dst):
    return _get_gather_sc()(ps, pd, qe, src, dst)


def _scatter_body(eo_hbm, dst_hbm, apart_hbm, dstv, ev, zv, acc, sem):
    c = lax.axis_index("c")
    s = lax.axis_index("s")
    wid = s * NC + c

    def fill_zero(j, _):
        for col in (0, 16, 32, 48):
            zv[j, pl.ds(col, 16)] = jnp.zeros((16,), jnp.float32)
        return 0
    lax.fori_loop(0, NPT, fill_zero, 0)
    pltpu.sync_copy(zv, acc.at[pl.ds(s * NPT, NPT)])
    plsc.subcore_barrier()

    pltpu.sync_copy(dst_hbm.at[wid], dstv)

    def chunk(ci, _):
        ebase = wid * EPW + ci * CH
        irow = ci * SPC
        pltpu.sync_copy(eo_hbm.at[pl.ds(ebase, CH)], ev)
        for j in range(SPC):
            pltpu.sync_copy(ev.at[pl.ds(j * SUB, SUB)],
                            acc.at[dstv.at[irow + j]], add=True)
        return 0
    lax.fori_loop(0, NCHUNK, chunk, 0)

    plsc.subcore_barrier()
    pltpu.sync_copy(acc.at[pl.ds(s * NPT, NPT)], zv)
    pltpu.sync_copy(zv, apart_hbm.at[c, pl.ds(s * NPT, NPT)])


@functools.cache
def _get_scatter_sc():
    mesh = plsc.VectorSubcoreMesh(core_axis_name="c", subcore_axis_name="s")
    return pl.kernel(
        _scatter_body,
        out_type=jax.ShapeDtypeStruct((NC, NPAD, F), jnp.float32),
        mesh=mesh,
        scratch_types=[
            pltpu.VMEM((RPW, SUB), jnp.int32),
            pltpu.VMEM((CH, F), jnp.float32),
            pltpu.VMEM((NPT, F), jnp.float32),
            pltpu.VMEM_SHARED((NPAD, F), jnp.float32),
            pltpu.SemaphoreType.DMA,
        ],
        compiler_params=pltpu.CompilerParams(use_tc_tiling_on_sc=False),
    )


def _scatter_sc(eo, dst):
    return _get_scatter_sc()(eo, dst)



def kernel(x, edge_index, edge_attr, params):
    ar = jnp.arange(E, dtype=jnp.int32)
    perm = (ar // 2) + (ar % 2) * EP

    def sigma(ix):
        return jnp.take(ix.astype(jnp.int32), perm).reshape(NW, RPW, SUB)

    src = sigma(edge_index[0])
    dst = sigma(edge_index[1])

    L = []
    for i in range(N_LAYERS):
        lp = params["layers"][i]
        rp = params["res"][i]
        nd = [128, 64, 64][i]
        w1 = lp["rel"]["l1"]["W"]
        b1 = lp["rel"]["l1"]["b"]
        ws, wd, we = w1[:nd], w1[nd:2 * nd], w1[2 * nd:]
        w2 = lp["rel"]["l2"]["W"]
        b2 = lp["rel"]["l2"]["b"]
        wo1 = lp["obj"]["l1"]["W"]
        bo1 = lp["obj"]["l1"]["b"]
        wox, woa = wo1[:nd], wo1[nd:]
        wo2 = lp["obj"]["l2"]["W"]
        bo2 = lp["obj"]["l2"]["b"]
        L.append(dict(nd=nd, ws=ws, wd=wd, we=we, b1=b1, w2=w2, b2=b2,
                      wox=wox, woa=woa, bo1=bo1, wo2=wo2, bo2=bo2, rp=rp))

    for li in L:
        li["wsp"] = _pad_to(li["ws"], (li["nd"], F))
        li["wdp"] = _pad_to(li["wd"], (li["nd"], F))
        do = li["w2"].shape[1]
        li["w2bd"] = _bd(_pad_to(li["w2"], (F, F)))
        li["b2p"] = _dup(_pad_to(li["b2"], (F,)))
        li["webd"] = _bd(_pad_to(li["we"], (li["we"].shape[0], F)))
        li["b1p"] = _dup(_pad_to(li["b1"], (F,)))
        li["woap"] = _pad_to(li["woa"], (F, 40))

    l2 = L[2]
    wo2_last = _pad_to(l2["wo2"], (40, 8))
    bo2_last = _pad_to(l2["bo2"].reshape(1, 3), (1, 8))
    r1w_last = _pad_to(l2["rp"]["l1"]["W"], (64, 8))
    r1b_last = _pad_to(l2["rp"]["l1"]["b"].reshape(1, 3), (1, 8))
    r2w_last = _pad_to(l2["rp"]["l2"]["W"], (8, 8))
    r2b_last = _pad_to(l2["rp"]["l2"]["b"].reshape(1, 3), (1, 8))

    ps, pd = _proj0(x, L[0]["wsp"], L[0]["wdp"])
    qe_p = _qe0(jnp.transpose(edge_attr), _pad_to(L[0]["we"], (16, F)),
                _pad_to(L[0]["b1"].reshape(1, 40), (1, F)))

    xs = [x]
    eas = [edge_attr]
    xcur = x
    for i in range(N_LAYERS):
        li = L[i]
        r = _gather_sc(ps, pd, qe_p.reshape(E, F), src, dst)
        r_p = r.reshape(EP, 2 * F)
        if i < N_LAYERS - 1:
            ln = L[i + 1]
            eo_p, qe_p = _edge_tc(r_p, li["w2bd"], li["b2p"],
                                  ln["webd"], ln["b1p"])
        else:
            eo_p = _edge_tc_last(r_p, li["w2bd"], li["b2p"])
        eot = _eot(eo_p, li["w2"].shape[1])
        eo_leaf = jnp.transpose(eot[:li["w2"].shape[1]])
        apart = _scatter_sc(eo_p.reshape(E, F), dst)
        a0, a1 = apart[0, :N], apart[1, :N]
        if i < N_LAYERS - 1:
            res_w = None
            if li["rp"] is not None:
                res_w = (li["rp"]["l1"]["W"],
                         li["rp"]["l1"]["b"].reshape(1, -1),
                         li["rp"]["l2"]["W"],
                         li["rp"]["l2"]["b"].reshape(1, -1))
            xcur, ps, pd = _node_tc(
                xcur, a0, a1, li["woap"], li["wox"], li["bo1"].reshape(1, -1),
                li["wo2"], li["bo2"].reshape(1, -1),
                res_w=res_w, next_w=(L[i + 1]["wsp"], L[i + 1]["wdp"]),
                dep=eot[:1, :1])
        else:
            res_w = (r1w_last, r1b_last, r2w_last, r2b_last)
            (xn8,) = _node_tc(
                xcur, a0, a1, li["woap"], li["wox"], li["bo1"].reshape(1, -1),
                wo2_last, bo2_last, res_w=res_w, next_w=None,
                dep=eot[:1, :1])
            xcur = xn8[:, :3]
        xs.append(xcur)
        eas.append(eo_leaf)

    return (xcur, tuple(xs), tuple(eas))

# --- scband reference (transcript-rebuilt; emitter-appended) ---
"""Pipeline reference for scband-res-in-19104014533099 (READ-ONLY COPY).

The authoritative reference and input builder live on the scoring server;
editing this copy changes nothing except your own understanding.
"""

import jax, jax.numpy as jnp
import numpy as np

N = 10000
E = 320000
NODE_DIMS = [128, 64, 64, 3]
EDGE_DIMS = [16, 64, 64, 4]
OBJ_H = 40
REL_H = 40
ALPHA = 0.5
N_LAYERS = 3


def _lin(key, din, dout):
    k1, _ = jax.random.split(key)
    return {"W": jax.random.normal(k1, (din, dout), dtype=jnp.float32) * np.sqrt(2.0 / din),
            "b": jnp.zeros((dout,), dtype=jnp.float32)}


def _relu(h):
    return jnp.maximum(h, 0.0)


def _mlp2(p, h, last_act=False):
    h = _relu(h @ p["l1"]["W"] + p["l1"]["b"])
    h = h @ p["l2"]["W"] + p["l2"]["b"]
    if last_act:
        h = _relu(h)
    return h


def setup_inputs(seed: int = 0) -> dict:
    key = jax.random.key(seed)
    ks = jax.random.split(key, 40)
    x = jax.random.normal(ks[0], (N, NODE_DIMS[0]), dtype=jnp.float32)
    edge_index = jax.random.randint(ks[1], (2, E), 0, N, dtype=jnp.int64)
    edge_attr = jax.random.normal(ks[2], (E, EDGE_DIMS[0]), dtype=jnp.float32)

    layers = []
    res = []
    ki = 3
    for i in range(N_LAYERS):
        nd_in, nd_out = NODE_DIMS[i], NODE_DIMS[i + 1]
        ed_in, ed_out = EDGE_DIMS[i], EDGE_DIMS[i + 1]
        rel = {"l1": _lin(ks[ki + 0], 2 * nd_in + ed_in, REL_H),
               "l2": _lin(ks[ki + 1], REL_H, ed_out)}
        obj = {"l1": _lin(ks[ki + 2], nd_in + ed_out, OBJ_H),
               "l2": _lin(ks[ki + 3], OBJ_H, nd_out)}
        layers.append({"rel": rel, "obj": obj})
        ki += 4
        if nd_in == nd_out:
            res.append(None)  # identity residue encoder
        else:
            # MLP residue encoder: hidden_dim = out_dim, include_last_activation=True, L=2
            res.append({"l1": _lin(ks[ki + 0], nd_in, nd_out),
                        "l2": _lin(ks[ki + 1], nd_out, nd_out)})
            ki += 2
    params = {"layers": layers, "res": res}
    return {"x": x, "edge_index": edge_index, "edge_attr": edge_attr, "params": params}


def reference(x, edge_index, edge_attr, params):
    src = edge_index[0]
    dst = edge_index[1]
    xs = [x]
    edge_attrs = [edge_attr]
    for i in range(N_LAYERS):
        lp = params["layers"][i]
        rp = params["res"][i]
        # Interaction network layer: relational model on concatenated endpoint
        # features + edge features, scatter-add aggregation to dst nodes,
        # object model on concatenated node features + aggregated messages.
        m_in = jnp.concatenate([jnp.take(x, src, axis=0), jnp.take(x, dst, axis=0), edge_attr], axis=1)
        edge_attr = _mlp2(lp["rel"], m_in, last_act=False)
        agg = jax.ops.segment_sum(edge_attr, dst, num_segments=N)
        delta_x = _mlp2(lp["obj"], jnp.concatenate([x, agg], axis=1), last_act=False)
        # convex combination with (encoded) residue
        residue = x if rp is None else _mlp2(rp, x, last_act=True)
        x = ALPHA * residue + (1.0 - ALPHA) * _relu(delta_x)
        xs.append(x)
        edge_attrs.append(edge_attr)
    return (x, tuple(xs), tuple(edge_attrs))

if __name__ == "__main__":
    import jax
    _d = setup_inputs()
    print(jax.jit(kernel)(*tuple(_d.values())))

</pallas_src>

<mosaic_0001>
#map = affine_map<(d0, d1) -> (0, 0)>
#map1 = affine_map<(d0, d1) -> (0, 0, 0)>
module attributes {stable_mosaic.version = 14 : i64} {
  func.func @_gather_body(%arg0: i32, %arg1: i32, %arg2: memref<10000x64xf32, #tpu.memory_space<hbm>>, %arg3: memref<10000x64xf32, #tpu.memory_space<hbm>>, %arg4: memref<320000x64xf32, #tpu.memory_space<hbm>>, %arg5: memref<32x125x80xi32, #tpu.memory_space<hbm>>, %arg6: memref<32x125x80xi32, #tpu.memory_space<hbm>>, %arg7: memref<320000x64xf32, #tpu.memory_space<hbm>>, %arg8: memref<125x80xi32, #tpu.memory_space<vmem>>, %arg9: memref<125x80xi32, #tpu.memory_space<vmem>>, %arg10: memref<400x64xf32, #tpu.memory_space<vmem>>, %arg11: memref<400x64xf32, #tpu.memory_space<vmem>>, %arg12: memref<400x64xf32, #tpu.memory_space<vmem>>, %arg13: memref<!tpu.dma_semaphore, #tpu.memory_space<semaphore_mem>>) attributes {dimension_semantics = [#tpu.dimension_semantics<core_parallel>, #tpu.dimension_semantics<subcore_parallel>], iteration_bounds = array<i64: 2, 16>, scalar_prefetch = 0 : i64, scratch_operands = 6 : i64, tpu.core_type = #tpu.core_type<sc_vector_subcore>, window_params = [{transform_indices = #map}, {transform_indices = #map}, {transform_indices = #map}, {transform_indices = #map1}, {transform_indices = #map1}, {transform_indices = #map}]} {
    %mul3A = arith.constant 2 : i32
    %mul3A_0 = arith.muli %arg1, %mul3A : i32
    %add3A = arith.addi %mul3A_0, %arg0 : i32
    "tpu.region"() ({
      %run_scoped3A = tpu.sem_alloc : memref<!tpu.dma_semaphore, #tpu.memory_space<semaphore_mem>>
      %dma_start3A = arith.constant 0 : i32
      %dma_start3A_7 = arith.constant 0 : i32
      %dma_start3A_8 = tpu.memref_slice %arg5[%add3A, %dma_start3A, %dma_start3A_7] : memref<32x125x80xi32, #tpu.memory_space<hbm>> -> memref<1x125x80xi32, #tpu.memory_space<hbm>>
      %dma_start3A_9 = tpu.memref_squeeze %dma_start3A_8 : memref<1x125x80xi32, #tpu.memory_space<hbm>> -> memref<125x80xi32, #tpu.memory_space<hbm>>
      %dma_start3A_10 = arith.constant 0 : i32
      %dma_start3A_11 = arith.constant 0 : i32
      %dma_start3A_12 = tpu.memref_slice %arg5[%add3A, %dma_start3A_10, %dma_start3A_11] : memref<32x125x80xi32, #tpu.memory_space<hbm>> -> memref<1x125x80xi32, #tpu.memory_space<hbm>>
      %dma_start3A_13 = tpu.memref_squeeze %dma_start3A_12 : memref<1x125x80xi32, #tpu.memory_space<hbm>> -> memref<125x80xi32, #tpu.memory_space<hbm>>
      tpu.enqueue_dma source(%dma_start3A_13 : memref<125x80xi32, #tpu.memory_space<hbm>>) target(%arg8 : memref<125x80xi32, #tpu.memory_space<vmem>>) target_semaphore(%run_scoped3A : memref<!tpu.dma_semaphore, #tpu.memory_space<semaphore_mem>>)
      %dma_wait3A = arith.constant 0 : i32
      %dma_wait3A_14 = arith.constant 0 : i32
      %dma_wait3A_15 = tpu.memref_slice %arg5[%add3A, %dma_wait3A, %dma_wait3A_14] : memref<32x125x80xi32, #tpu.memory_space<hbm>> -> memref<1x125x80xi32, #tpu.memory_space<hbm>>
      %dma_wait3A_16 = tpu.memref_squeeze %dma_wait3A_15 : memref<1x125x80xi32, #tpu.memory_space<hbm>> -> memref<125x80xi32, #tpu.memory_space<hbm>>
      %dma_wait3A_17 = arith.constant 0 : i32
      %dma_wait3A_18 = arith.constant 0 : i32
      %dma_wait3A_19 = tpu.memref_slice %arg5[%add3A, %dma_wait3A_17, %dma_wait3A_18] : memref<32x125x80xi32, #tpu.memory_space<hbm>> -> memref<1x125x80xi32, #tpu.memory_space<hbm>>
      %dma_wait3A_20 = tpu.memref_squeeze %dma_wait3A_19 : memref<1x125x80xi32, #tpu.memory_space<hbm>> -> memref<125x80xi32, #tpu.memory_space<hbm>>
      tpu.wait_dma2 semaphore(%run_scoped3A : memref<!tpu.dma_semaphore, #tpu.memory_space<semaphore_mem>>) src(%dma_wait3A_20 : memref<125x80xi32, #tpu.memory_space<hbm>>) dst(%arg8 : memref<125x80xi32, #tpu.memory_space<vmem>>)
      tpu.yield
    }) : () -> ()
    "tpu.region"() ({
      %run_scoped3A = tpu.sem_alloc : memref<!tpu.dma_semaphore, #tpu.memory_space<semaphore_mem>>
      %dma_start3A = arith.constant 0 : i32
      %dma_start3A_7 = arith.constant 0 : i32
      %dma_start3A_8 = tpu.memref_slice %arg6[%add3A, %dma_start3A, %dma_start3A_7] : memref<32x125x80xi32, #tpu.memory_space<hbm>> -> memref<1x125x80xi32, #tpu.memory_space<hbm>>
      %dma_start3A_9 = tpu.memref_squeeze %dma_start3A_8 : memref<1x125x80xi32, #tpu.memory_space<hbm>> -> memref<125x80xi32, #tpu.memory_space<hbm>>
      %dma_start3A_10 = arith.constant 0 : i32
      %dma_start3A_11 = arith.constant 0 : i32
      %dma_start3A_12 = tpu.memref_slice %arg6[%add3A, %dma_start3A_10, %dma_start3A_11] : memref<32x125x80xi32, #tpu.memory_space<hbm>> -> memref<1x125x80xi32, #tpu.memory_space<hbm>>
      %dma_start3A_13 = tpu.memref_squeeze %dma_start3A_12 : memref<1x125x80xi32, #tpu.memory_space<hbm>> -> memref<125x80xi32, #tpu.memory_space<hbm>>
      tpu.enqueue_dma source(%dma_start3A_13 : memref<125x80xi32, #tpu.memory_space<hbm>>) target(%arg9 : memref<125x80xi32, #tpu.memory_space<vmem>>) target_semaphore(%run_scoped3A : memref<!tpu.dma_semaphore, #tpu.memory_space<semaphore_mem>>)
      %dma_wait3A = arith.constant 0 : i32
      %dma_wait3A_14 = arith.constant 0 : i32
      %dma_wait3A_15 = tpu.memref_slice %arg6[%add3A, %dma_wait3A, %dma_wait3A_14] : memref<32x125x80xi32, #tpu.memory_space<hbm>> -> memref<1x125x80xi32, #tpu.memory_space<hbm>>
      %dma_wait3A_16 = tpu.memref_squeeze %dma_wait3A_15 : memref<1x125x80xi32, #tpu.memory_space<hbm>> -> memref<125x80xi32, #tpu.memory_space<hbm>>
      %dma_wait3A_17 = arith.constant 0 : i32
      %dma_wait3A_18 = arith.constant 0 : i32
      %dma_wait3A_19 = tpu.memref_slice %arg6[%add3A, %dma_wait3A_17, %dma_wait3A_18] : memref<32x125x80xi32, #tpu.memory_space<hbm>> -> memref<1x125x80xi32, #tpu.memory_space<hbm>>
      %dma_wait3A_20 = tpu.memref_squeeze %dma_wait3A_19 : memref<1x125x80xi32, #tpu.memory_space<hbm>> -> memref<125x80xi32, #tpu.memory_space<hbm>>
      tpu.wait_dma2 semaphore(%run_scoped3A : memref<!tpu.dma_semaphore, #tpu.memory_space<semaphore_mem>>) src(%dma_wait3A_20 : memref<125x80xi32, #tpu.memory_space<hbm>>) dst(%arg9 : memref<125x80xi32, #tpu.memory_space<vmem>>)
      tpu.yield
    }) : () -> ()
    %scan3A = arith.constant 0 : i32
    %scan3A_1 = arith.constant 0 : i32
    %scan3A_2 = arith.constant 25 : i32
    %scan3A_3 = arith.addi %scan3A_1, %scan3A_2 : i32
    %scan3A_4 = arith.constant 1 : i32
    %scan3A_5 = scf.for %scan3A_7 = %scan3A_1 to %scan3A_3 step %scan3A_4 iter_args(%scan3A_8 = %scan3A) -> (i32)  : i32 {
      %mul3A_9 = arith.constant 10000 : i32
      %mul3A_10 = arith.muli %add3A, %mul3A_9 : i32
      %mul3A_11 = arith.constant 400 : i32
      %mul3A_12 = arith.muli %scan3A_7, %mul3A_11 : i32
      %add3A_13 = arith.addi %mul3A_10, %mul3A_12 : i32
      %mul3A_14 = arith.constant 5 : i32
      %mul3A_15 = arith.muli %scan3A_7, %mul3A_14 : i32
      "tpu.region"() ({
        %run_scoped3A = tpu.sem_alloc : memref<!tpu.dma_semaphore, #tpu.memory_space<semaphore_mem>>
        %dma_start3A_222 = arith.constant 0 : i32
        %dma_start3A_223 = tpu.memref_slice %arg4[%add3A_13, %dma_start3A_222] : memref<320000x64xf32, #tpu.memory_space<hbm>> -> memref<400x64xf32, #tpu.memory_space<hbm>>
        %dma_start3A_224 = arith.constant 0 : i32
        %dma_start3A_225 = tpu.memref_slice %arg4[%add3A_13, %dma_start3A_224] : memref<320000x64xf32, #tpu.memory_space<hbm>> -> memref<400x64xf32, #tpu.memory_space<hbm>>
        tpu.enqueue_dma source(%dma_start3A_225 : memref<400x64xf32, #tpu.memory_space<hbm>>) target(%arg12 : memref<400x64xf32, #tpu.memory_space<vmem>>) target_semaphore(%run_scoped3A : memref<!tpu.dma_semaphore, #tpu.memory_space<semaphore_mem>>)
        %dma_wait3A_226 = arith.constant 0 : i32
        %dma_wait3A_227 = tpu.memref_slice %arg4[%add3A_13, %dma_wait3A_226] : memref<320000x64xf32, #tpu.memory_space<hbm>> -> memref<400x64xf32, #tpu.memory_space<hbm>>
        %dma_wait3A_228 = arith.constant 0 : i32
        %dma_wait3A_229 = tpu.memref_slice %arg4[%add3A_13, %dma_wait3A_228] : memref<320000x64xf32, #tpu.memory_space<hbm>> -> memref<400x64xf32, #tpu.memory_space<hbm>>
        tpu.wait_dma2 semaphore(%run_scoped3A : memref<!tpu.dma_semaphore, #tpu.memory_space<semaphore_mem>>) src(%dma_wait3A_229 : memref<400x64xf32, #tpu.memory_space<hbm>>) dst(%arg12 : memref<400x64xf32, #tpu.memory_space<vmem>>)
        tpu.yield
      }) : () -> ()
      %add3A_16 = arith.constant 0 : i32
      %add3A_17 = arith.addi %mul3A_15, %add3A_16 : i32
      %dma_start3A = arith.constant 0 : i32
      %dma_start3A_18 = arith.constant 0 : i32
      %dma_start3A_19 = tpu.memref_slice %arg10[%dma_start3A, %dma_start3A_18] : memref<400x64xf32, #tpu.memory_space<vmem>> -> memref<80x64xf32, #tpu.memory_space<vmem>>
      %dma_start3A_20 = arith.constant 0 : i32
      %dma_start3A_21 = tpu.memref_slice %arg8[%add3A_17, %dma_start3A_20] : memref<125x80xi32, #tpu.memory_space<vmem>> -> memref<1x80xi32, #tpu.memory_space<vmem>>
      %dma_start3A_22 = tpu.memref_squeeze %dma_start3A_21 : memref<1x80xi32, #tpu.memory_space<vmem>> -> memref<80xi32, #tpu.memory_space<vmem>>
      %dma_start3A_23 = arith.constant 0 : i32
      %dma_start3A_24 = arith.constant 0 : i32
      %dma_start3A_25 = tpu.memref_slice %arg2[%dma_start3A_23, %dma_start3A_24] : memref<10000x64xf32, #tpu.memory_space<hbm>> -> memref<10000x64xf32, #tpu.memory_space<hbm>>
      tpu.enqueue_indirect_dma source(%dma_start3A_25 : memref<10000x64xf32, #tpu.memory_space<hbm>>) target(%dma_start3A_19 : memref<80x64xf32, #tpu.memory_space<vmem>>) offsets(%dma_start3A_22 : memref<80xi32, #tpu.memory_space<vmem>>) semaphore(%arg13 : memref<!tpu.dma_semaphore, #tpu.memory_space<semaphore_mem>>)
      %add3A_26 = arith.constant 0 : i32
      %add3A_27 = arith.addi %mul3A_15, %add3A_26 : i32
      %dma_start3A_28 = arith.constant 0 : i32
      %dma_start3A_29 = arith.constant 0 : i32
      %dma_start3A_30 = tpu.memref_slice %arg11[%dma_start3A_28, %dma_start3A_29] : memref<400x64xf32, #tpu.memory_space<vmem>> -> memref<80x64xf32, #tpu.memory_space<vmem>>
      %dma_start3A_31 = arith.constant 0 : i32
      %dma_start3A_32 = tpu.memref_slice %arg9[%add3A_27, %dma_start3A_31] : memref<125x80xi32, #tpu.memory_space<vmem>> -> memref<1x80xi32, #tpu.memory_space<vmem>>
      %dma_start3A_33 = tpu.memref_squeeze %dma_start3A_32 : memref<1x80xi32, #tpu.memory_space<vmem>> -> memref<80xi32, #tpu.memory_space<vmem>>
      %dma_start3A_34 = arith.constant 0 : i32
      %dma_start3A_35 = arith.constant 0 : i32
      %dma_start3A_36 = tpu.memref_slice %arg3[%dma_start3A_34, %dma_start3A_35] : memref<10000x64xf32, #tpu.memory_space<hbm>> -> memref<10000x64xf32, #tpu.memory_space<hbm>>
      tpu.enqueue_indirect_dma source(%dma_start3A_36 : memref<10000x64xf32, #tpu.memory_space<hbm>>) target(%dma_start3A_30 : memref<80x64xf32, #tpu.memory_space<vmem>>) offsets(%dma_start3A_33 : memref<80xi32, #tpu.memory_space<vmem>>) semaphore(%arg13 : memref<!tpu.dma_semaphore, #tpu.memory_space<semaphore_mem>>)
      %add3A_37 = arith.constant 1 : i32
      %add3A_38 = arith.addi %mul3A_15, %add3A_37 : i32
      %dma_start3A_39 = arith.constant 80 : i32
      %dma_start3A_40 = arith.constant 0 : i32
      %dma_start3A_41 = tpu.memref_slice %arg10[%dma_start3A_39, %dma_start3A_40] : memref<400x64xf32, #tpu.memory_space<vmem>> -> memref<80x64xf32, #tpu.memory_space<vmem>>
      %dma_start3A_42 = arith.constant 0 : i32
      %dma_start3A_43 = tpu.memref_slice %arg8[%add3A_38, %dma_start3A_42] : memref<125x80xi32, #tpu.memory_space<vmem>> -> memref<1x80xi32, #tpu.memory_space<vmem>>
      %dma_start3A_44 = tpu.memref_squeeze %dma_start3A_43 : memref<1x80xi32, #tpu.memory_space<vmem>> -> memref<80xi32, #tpu.memory_space<vmem>>
      %dma_start3A_45 = arith.constant 0 : i32
      %dma_start3A_46 = arith.constant 0 : i32
      %dma_start3A_47 = tpu.memref_slice %arg2[%dma_start3A_45, %dma_start3A_46] : memref<10000x64xf32, #tpu.memory_space<hbm>> -> memref<10000x64xf32, #tpu.memory_space<hbm>>
      tpu.enqueue_indirect_dma source(%dma_start3A_47 : memref<10000x64xf32, #tpu.memory_space<hbm>>) target(%dma_start3A_41 : memref<80x64xf32, #tpu.memory_space<vmem>>) offsets(%dma_start3A_44 : memref<80xi32, #tpu.memory_space<vmem>>) semaphore(%arg13 : memref<!tpu.dma_semaphore, #tpu.memory_space<semaphore_mem>>)
      %add3A_48 = arith.constant 1 : i32
      %add3A_49 = arith.addi %mul3A_15, %add3A_48 : i32
      %dma_start3A_50 = arith.constant 80 : i32
      %dma_start3A_51 = arith.constant 0 : i32
      %dma_start3A_52 = tpu.memref_slice %arg11[%dma_start3A_50, %dma_start3A_51] : memref<400x64xf32, #tpu.memory_space<vmem>> -> memref<80x64xf32, #tpu.memory_space<vmem>>
      %dma_start3A_53 = arith.constant 0 : i32
      %dma_start3A_54 = tpu.memref_slice %arg9[%add3A_49, %dma_start3A_53] : memref<125x80xi32, #tpu.memory_space<vmem>> -> memref<1x80xi32, #tpu.memory_space<vmem>>
      %dma_start3A_55 = tpu.memref_squeeze %dma_start3A_54 : memref<1x80xi32, #tpu.memory_space<vmem>> -> memref<80xi32, #tpu.memory_space<vmem>>
      %dma_start3A_56 = arith.constant 0 : i32
      %dma_start3A_57 = arith.constant 0 : i32
      %dma_start3A_58 = tpu.memref_slice %arg3[%dma_start3A_56, %dma_start3A_57] : memref<10000x64xf32, #tpu.memory_space<hbm>> -> memref<10000x64xf32, #tpu.memory_space<hbm>>
      tpu.enqueue_indirect_dma source(%dma_start3A_58 : memref<10000x64xf32, #tpu.memory_space<hbm>>) target(%dma_start3A_52 : memref<80x64xf32, #tpu.memory_space<vmem>>) offsets(%dma_start3A_55 : memref<80xi32, #tpu.memory_space<vmem>>) semaphore(%arg13 : memref<!tpu.dma_semaphore, #tpu.memory_space<semaphore_mem>>)
      %add3A_59 = arith.constant 2 : i32
      %add3A_60 = arith.addi %mul3A_15, %add3A_59 : i32
      %dma_start3A_61 = arith.constant 160 : i32
      %dma_start3A_62 = arith.constant 0 : i32
      %dma_start3A_63 = tpu.memref_slice %arg10[%dma_start3A_61, %dma_start3A_62] : memref<400x64xf32, #tpu.memory_space<vmem>> -> memref<80x64xf32, #tpu.memory_space<vmem>>
      %dma_start3A_64 = arith.constant 0 : i32
      %dma_start3A_65 = tpu.memref_slice %arg8[%add3A_60, %dma_start3A_64] : memref<125x80xi32, #tpu.memory_space<vmem>> -> memref<1x80xi32, #tpu.memory_space<vmem>>
      %dma_start3A_66 = tpu.memref_squeeze %dma_start3A_65 : memref<1x80xi32, #tpu.memory_space<vmem>> -> memref<80xi32, #tpu.memory_space<vmem>>
      %dma_start3A_67 = arith.constant 0 : i32
      %dma_start3A_68 = arith.constant 0 : i32
      %dma_start3A_69 = tpu.memref_slice %arg2[%dma_start3A_67, %dma_start3A_68] : memref<10000x64xf32, #tpu.memory_space<hbm>> -> memref<10000x64xf32, #tpu.memory_space<hbm>>
      tpu.enqueue_indirect_dma source(%dma_start3A_69 : memref<10000x64xf32, #tpu.memory_space<hbm>>) target(%dma_start3A_63 : memref<80x64xf32, #tpu.memory_space<vmem>>) offsets(%dma_start3A_66 : memref<80xi32, #tpu.memory_space<vmem>>) semaphore(%arg13 : memref<!tpu.dma_semaphore, #tpu.memory_space<semaphore_mem>>)
      %add3A_70 = arith.constant 2 : i32
      %add3A_71 = arith.addi %mul3A_15, %add3A_70 : i32
      %dma_start3A_72 = arith.constant 160 : i32
      %dma_start3A_73 = arith.constant 0 : i32
      %dma_start3A_74 = tpu.memref_slice %arg11[%dma_start3A_72, %dma_start3A_73] : memref<400x64xf32, #tpu.memory_space<vmem>> -> memref<80x64xf32, #tpu.memory_space<vmem>>
      %dma_start3A_75 = arith.constant 0 : i32
      %dma_start3A_76 = tpu.memref_slice %arg9[%add3A_71, %dma_start3A_75] : memref<125x80xi32, #tpu.memory_space<vmem>> -> memref<1x80xi32, #tpu.memory_space<vmem>>
      %dma_start3A_77 = tpu.memref_squeeze %dma_start3A_76 : memref<1x80xi32, #tpu.memory_space<vmem>> -> memref<80xi32, #tpu.memory_space<vmem>>
      %dma_start3A_78 = arith.constant 0 : i32
      %dma_start3A_79 = arith.constant 0 : i32
      %dma_start3A_80 = tpu.memref_slice %arg3[%dma_start3A_78, %dma_start3A_79] : memref<10000x64xf32, #tpu.memory_space<hbm>> -> memref<10000x64xf32, #tpu.memory_space<hbm>>
      tpu.enqueue_indirect_dma source(%dma_start3A_80 : memref<10000x64xf32, #tpu.memory_space<hbm>>) target(%dma_start3A_74 : memref<80x64xf32, #tpu.memory_space<vmem>>) offsets(%dma_start3A_77 : memref<80xi32, #tpu.memory_space<vmem>>) semaphore(%arg13 : memref<!tpu.dma_semaphore, #tpu.memory_space<semaphore_mem>>)
      %add3A_81 = arith.constant 3 : i32
      %add3A_82 = arith.addi %mul3A_15, %add3A_81 : i32
      %dma_start3A_83 = arith.constant 240 : i32
      %dma_start3A_84 = arith.constant 0 : i32
      %dma_start3A_85 = tpu.memref_slice %arg10[%dma_start3A_83, %dma_start3A_84] : memref<400x64xf32, #tpu.memory_space<vmem>> -> memref<80x64xf32, #tpu.memory_space<vmem>>
      %dma_start3A_86 = arith.constant 0 : i32
      %dma_start3A_87 = tpu.memref_slice %arg8[%add3A_82, %dma_start3A_86] : memref<125x80xi32, #tpu.memory_space<vmem>> -> memref<1x80xi32, #tpu.memory_space<vmem>>
      %dma_start3A_88 = tpu.memref_squeeze %dma_start3A_87 : memref<1x80xi32, #tpu.memory_space<vmem>> -> memref<80xi32, #tpu.memory_space<vmem>>
      %dma_start3A_89 = arith.constant 0 : i32
      %dma_start3A_90 = arith.constant 0 : i32
      %dma_start3A_91 = tpu.memref_slice %arg2[%dma_start3A_89, %dma_start3A_90] : memref<10000x64xf32, #tpu.memory_space<hbm>> -> memref<10000x64xf32, #tpu.memory_space<hbm>>
      tpu.enqueue_indirect_dma source(%dma_start3A_91 : memref<10000x64xf32, #tpu.memory_space<hbm>>) target(%dma_start3A_85 : memref<80x64xf32, #tpu.memory_space<vmem>>) offsets(%dma_start3A_88 : memref<80xi32, #tpu.memory_space<vmem>>) semaphore(%arg13 : memref<!tpu.dma_semaphore, #tpu.memory_space<semaphore_mem>>)
      %add3A_92 = arith.constant 3 : i32
      %add3A_93 = arith.addi %mul3A_15, %add3A_92 : i32
      %dma_start3A_94 = arith.constant 240 : i32
      %dma_start3A_95 = arith.constant 0 : i32
      %dma_start3A_96 = tpu.memref_slice %arg11[%dma_start3A_94, %dma_start3A_95] : memref<400x64xf32, #tpu.memory_space<vmem>> -> memref<80x64xf32, #tpu.memory_space<vmem>>
      %dma_start3A_97 = arith.constant 0 : i32
      %dma_start3A_98 = tpu.memref_slice %arg9[%add3A_93, %dma_start3A_97] : memref<125x80xi32, #tpu.memory_space<vmem>> -> memref<1x80xi32, #tpu.memory_space<vmem>>
      %dma_start3A_99 = tpu.memref_squeeze %dma_start3A_98 : memref<1x80xi32, #tpu.memory_space<vmem>> -> memref<80xi32, #tpu.memory_space<vmem>>
      %dma_start3A_100 = arith.constant 0 : i32
      %dma_start3A_101 = arith.constant 0 : i32
      %dma_start3A_102 = tpu.memref_slice %arg3[%dma_start3A_100, %dma_start3A_101] : memref<10000x64xf32, #tpu.memory_space<hbm>> -> memref<10000x64xf32, #tpu.memory_space<hbm>>
      tpu.enqueue_indirect_dma source(%dma_start3A_102 : memref<10000x64xf32, #tpu.memory_space<hbm>>) target(%dma_start3A_96 : memref<80x64xf32, #tpu.memory_space<vmem>>) offsets(%dma_start3A_99 : memref<80xi32, #tpu.memory_space<vmem>>) semaphore(%arg13 : memref<!tpu.dma_semaphore, #tpu.memory_space<semaphore_mem>>)
      %add3A_103 = arith.constant 4 : i32
      %add3A_104 = arith.addi %mul3A_15, %add3A_103 : i32
      %dma_start3A_105 = arith.constant 320 : i32
      %dma_start3A_106 = arith.constant 0 : i32
      %dma_start3A_107 = tpu.memref_slice %arg10[%dma_start3A_105, %dma_start3A_106] : memref<400x64xf32, #tpu.memory_space<vmem>> -> memref<80x64xf32, #tpu.memory_space<vmem>>
      %dma_start3A_108 = arith.constant 0 : i32
      %dma_start3A_109 = tpu.memref_slice %arg8[%add3A_104, %dma_start3A_108] : memref<125x80xi32, #tpu.memory_space<vmem>> -> memref<1x80xi32, #tpu.memory_space<vmem>>
      %dma_start3A_110 = tpu.memref_squeeze %dma_start3A_109 : memref<1x80xi32, #tpu.memory_space<vmem>> -> memref<80xi32, #tpu.memory_space<vmem>>
      %dma_start3A_111 = arith.constant 0 : i32
      %dma_start3A_112 = arith.constant 0 : i32
      %dma_start3A_113 = tpu.memref_slice %arg2[%dma_start3A_111, %dma_start3A_112] : memref<10000x64xf32, #tpu.memory_space<hbm>> -> memref<10000x64xf32, #tpu.memory_space<hbm>>
      tpu.enqueue_indirect_dma source(%dma_start3A_113 : memref<10000x64xf32, #tpu.memory_space<hbm>>) target(%dma_start3A_107 : memref<80x64xf32, #tpu.memory_space<vmem>>) offsets(%dma_start3A_110 : memref<80xi32, #tpu.memory_space<vmem>>) semaphore(%arg13 : memref<!tpu.dma_semaphore, #tpu.memory_space<semaphore_mem>>)
      %add3A_114 = arith.constant 4 : i32
      %add3A_115 = arith.addi %mul3A_15, %add3A_114 : i32
      %dma_start3A_116 = arith.constant 320 : i32
      %dma_start3A_117 = arith.constant 0 : i32
      %dma_start3A_118 = tpu.memref_slice %arg11[%dma_start3A_116, %dma_start3A_117] : memref<400x64xf32, #tpu.memory_space<vmem>> -> memref<80x64xf32, #tpu.memory_space<vmem>>
      %dma_start3A_119 = arith.constant 0 : i32
      %dma_start3A_120 = tpu.memref_slice %arg9[%add3A_115, %dma_start3A_119] : memref<125x80xi32, #tpu.memory_space<vmem>> -> memref<1x80xi32, #tpu.memory_space<vmem>>
      %dma_start3A_121 = tpu.memref_squeeze %dma_start3A_120 : memref<1x80xi32, #tpu.memory_space<vmem>> -> memref<80xi32, #tpu.memory_space<vmem>>
      %dma_start3A_122 = arith.constant 0 : i32
      %dma_start3A_123 = arith.constant 0 : i32
      %dma_start3A_124 = tpu.memref_slice %arg3[%dma_start3A_122, %dma_start3A_123] : memref<10000x64xf32, #tpu.memory_space<hbm>> -> memref<10000x64xf32, #tpu.memory_space<hbm>>
      tpu.enqueue_indirect_dma source(%dma_start3A_124 : memref<10000x64xf32, #tpu.memory_space<hbm>>) target(%dma_start3A_118 : memref<80x64xf32, #tpu.memory_space<vmem>>) offsets(%dma_start3A_121 : memref<80xi32, #tpu.memory_space<vmem>>) semaphore(%arg13 : memref<!tpu.dma_semaphore, #tpu.memory_space<semaphore_mem>>)
      %dma_wait3A = arith.constant 0 : i32
      %dma_wait3A_125 = arith.constant 0 : i32
      %dma_wait3A_126 = tpu.memref_slice %arg10[%dma_wait3A, %dma_wait3A_125] : memref<400x64xf32, #tpu.memory_space<vmem>> -> memref<80x64xf32, #tpu.memory_space<vmem>>
      %dma_wait3A_127 = arith.constant 0 : i32
      %dma_wait3A_128 = tpu.memref_slice %arg8[%add3A_17, %dma_wait3A_127] : memref<125x80xi32, #tpu.memory_space<vmem>> -> memref<1x80xi32, #tpu.memory_space<vmem>>
      %dma_wait3A_129 = tpu.memref_squeeze %dma_wait3A_128 : memref<1x80xi32, #tpu.memory_space<vmem>> -> memref<80xi32, #tpu.memory_space<vmem>>
      %dma_wait3A_130 = arith.constant 0 : i32
      %dma_wait3A_131 = arith.constant 0 : i32
      %dma_wait3A_132 = tpu.memref_slice %arg2[%dma_wait3A_130, %dma_wait3A_131] : memref<10000x64xf32, #tpu.memory_space<hbm>> -> memref<10000x64xf32, #tpu.memory_space<hbm>>
      tpu.wait_indirect_dma semaphore(%arg13 : memref<!tpu.dma_semaphore, #tpu.memory_space<semaphore_mem>>) src(%dma_wait3A_132 : memref<10000x64xf32, #tpu.memory_space<hbm>>) dst(%dma_wait3A_126 : memref<80x64xf32, #tpu.memory_space<vmem>>)
      %dma_wait3A_133 = arith.constant 0 : i32
      %dma_wait3A_134 = arith.constant 0 : i32
      %dma_wait3A_135 = tpu.memref_slice %arg11[%dma_wait3A_133, %dma_wait3A_134] : memref<400x64xf32, #tpu.memory_space<vmem>> -> memref<80x64xf32, #tpu.memory_space<vmem>>
      %dma_wait3A_136 = arith.constant 0 : i32
      %dma_wait3A_137 = tpu.memref_slice %arg9[%add3A_27, %dma_wait3A_136] : memref<125x80xi32, #tpu.memory_space<vmem>> -> memref<1x80xi32, #tpu.memory_space<vmem>>
      %dma_wait3A_138 = tpu.memref_squeeze %dma_wait3A_137 : memref<1x80xi32, #tpu.memory_space<vmem>> -> memref<80xi32, #tpu.memory_space<vmem>>
      %dma_wait3A_139 = arith.constant 0 : i32
      %dma_wait3A_140 = arith.constant 0 : i32
      %dma_wait3A_141 = tpu.memref_slice %arg3[%dma_wait3A_139, %dma_wait3A_140] : memref<10000x64xf32, #tpu.memory_space<hbm>> -> memref<10000x64xf32, #tpu.memory_space<hbm>>
      tpu.wait_indirect_dma semaphore(%arg13 : memref<!tpu.dma_semaphore, #tpu.memory_space<semaphore_mem>>) src(%dma_wait3A_141 : memref<10000x64xf32, #tpu.memory_space<hbm>>) dst(%dma_wait3A_135 : memref<80x64xf32, #tpu.memory_space<vmem>>)
      %dma_wait3A_142 = arith.constant 80 : i32
      %dma_wait3A_143 = arith.constant 0 : i32
      %dma_wait3A_144 = tpu.memref_slice %arg10[%dma_wait3A_142, %dma_wait3A_143] : memref<400x64xf32, #tpu.memory_space<vmem>> -> memref<80x64xf32, #tpu.memory_space<vmem>>
      %dma_wait3A_145 = arith.constant 0 : i32
      %dma_wait3A_146 = tpu.memref_slice %arg8[%add3A_38, %dma_wait3A_145] : memref<125x80xi32, #tpu.memory_space<vmem>> -> memref<1x80xi32, #tpu.memory_space<vmem>>
      %dma_wait3A_147 = tpu.memref_squeeze %dma_wait3A_146 : memref<1x80xi32, #tpu.memory_space<vmem>> -> memref<80xi32, #tpu.memory_space<vmem>>
      %dma_wait3A_148 = arith.constant 0 : i32
      %dma_wait3A_149 = arith.constant 0 : i32
      %dma_wait3A_150 = tpu.memref_slice %arg2[%dma_wait3A_148, %dma_wait3A_149] : memref<10000x64xf32, #tpu.memory_space<hbm>> -> memref<10000x64xf32, #tpu.memory_space<hbm>>
      tpu.wait_indirect_dma semaphore(%arg13 : memref<!tpu.dma_semaphore, #tpu.memory_space<semaphore_mem>>) src(%dma_wait3A_150 : memref<10000x64xf32, #tpu.memory_space<hbm>>) dst(%dma_wait3A_144 : memref<80x64xf32, #tpu.memory_space<vmem>>)
      %dma_wait3A_151 = arith.constant 80 : i32
      %dma_wait3A_152 = arith.constant 0 : i32
      %dma_wait3A_153 = tpu.memref_slice %arg11[%dma_wait3A_151, %dma_wait3A_152] : memref<400x64xf32, #tpu.memory_space<vmem>> -> memref<80x64xf32, #tpu.memory_space<vmem>>
      %dma_wait3A_154 = arith.constant 0 : i32
      %dma_wait3A_155 = tpu.memref_slice %arg9[%add3A_49, %dma_wait3A_154] : memref<125x80xi32, #tpu.memory_space<vmem>> -> memref<1x80xi32, #tpu.memory_space<vmem>>
      %dma_wait3A_156 = tpu.memref_squeeze %dma_wait3A_155 : memref<1x80xi32, #tpu.memory_space<vmem>> -> memref<80xi32, #tpu.memory_space<vmem>>
      %dma_wait3A_157 = arith.constant 0 : i32
      %dma_wait3A_158 = arith.constant 0 : i32
      %dma_wait3A_159 = tpu.memref_slice %arg3[%dma_wait3A_157, %dma_wait3A_158] : memref<10000x64xf32, #tpu.memory_space<hbm>> -> memref<10000x64xf32, #tpu.memory_space<hbm>>
      tpu.wait_indirect_dma semaphore(%arg13 : memref<!tpu.dma_semaphore, #tpu.memory_space<semaphore_mem>>) src(%dma_wait3A_159 : memref<10000x64xf32, #tpu.memory_space<hbm>>) dst(%dma_wait3A_153 : memref<80x64xf32, #tpu.memory_space<vmem>>)
      %dma_wait3A_160 = arith.constant 160 : i32
      %dma_wait3A_161 = arith.constant 0 : i32
      %dma_wait3A_162 = tpu.memref_slice %arg10[%dma_wait3A_160, %dma_wait3A_161] : memref<400x64xf32, #tpu.memory_space<vmem>> -> memref<80x64xf32, #tpu.memory_space<vmem>>
      %dma_wait3A_163 = arith.constant 0 : i32
      %dma_wait3A_164 = tpu.memref_slice %arg8[%add3A_60, %dma_wait3A_163] : memref<125x80xi32, #tpu.memory_space<vmem>> -> memref<1x80xi32, #tpu.memory_space<vmem>>
      %dma_wait3A_165 = tpu.memref_squeeze %dma_wait3A_164 : memref<1x80xi32, #tpu.memory_space<vmem>> -> memref<80xi32, #tpu.memory_space<vmem>>
      %dma_wait3A_166 = arith.constant 0 : i32
      %dma_wait3A_167 = arith.constant 0 : i32
      %dma_wait3A_168 = tpu.memref_slice %arg2[%dma_wait3A_166, %dma_wait3A_167] : memref<10000x64xf32, #tpu.memory_space<hbm>> -> memref<10000x64xf32, #tpu.memory_space<hbm>>
      tpu.wait_indirect_dma semaphore(%arg13 : memref<!tpu.dma_semaphore, #tpu.memory_space<semaphore_mem>>) src(%dma_wait3A_168 : memref<10000x64xf32, #tpu.memory_space<hbm>>) dst(%dma_wait3A_162 : memref<80x64xf32, #tpu.memory_space<vmem>>)
      %dma_wait3A_169 = arith.constant 160 : i32
      %dma_wait3A_170 = arith.constant 0 : i32
      %dma_wait3A_171 = tpu.memref_slice %arg11[%dma_wait3A_169, %dma_wait3A_170] : memref<400x64xf32, #tpu.memory_space<vmem>> -> memref<80x64xf32, #tpu.memory_space<vmem>>
      %dma_wait3A_172 = arith.constant 0 : i32
      %dma_wait3A_173 = tpu.memref_slice %arg9[%add3A_71, %dma_wait3A_172] : memref<125x80xi32, #tpu.memory_space<vmem>> -> memref<1x80xi32, #tpu.memory_space<vmem>>
      %dma_wait3A_174 = tpu.memref_squeeze %dma_wait3A_173 : memref<1x80xi32, #tpu.memory_space<vmem>> -> memref<80xi32, #tpu.memory_space<vmem>>
      %dma_wait3A_175 = arith.constant 0 : i32
      %dma_wait3A_176 = arith.constant 0 : i32
      %dma_wait3A_177 = tpu.memref_slice %arg3[%dma_wait3A_175, %dma_wait3A_176] : memref<10000x64xf32, #tpu.memory_space<hbm>> -> memref<10000x64xf32, #tpu.memory_space<hbm>>
      tpu.wait_indirect_dma semaphore(%arg13 : memref<!tpu.dma_semaphore, #tpu.memory_space<semaphore_mem>>) src(%dma_wait3A_177 : memref<10000x64xf32, #tpu.memory_space<hbm>>) dst(%dma_wait3A_171 : memref<80x64xf32, #tpu.memory_space<vmem>>)
      %dma_wait3A_178 = arith.constant 240 : i32
      %dma_wait3A_179 = arith.constant 0 : i32
      %dma_wait3A_180 = tpu.memref_slice %arg10[%dma_wait3A_178, %dma_wait3A_179] : memref<400x64xf32, #tpu.memory_space<vmem>> -> memref<80x64xf32, #tpu.memory_space<vmem>>
      %dma_wait3A_181 = arith.constant 0 : i32
      %dma_wait3A_182 = tpu.memref_slice %arg8[%add3A_82, %dma_wait3A_181] : memref<125x80xi32, #tpu.memory_space<vmem>> -> memref<1x80xi32, #tpu.memory_space<vmem>>
      %dma_wait3A_183 = tpu.memref_squeeze %dma_wait3A_182 : memref<1x80xi32, #tpu.memory_space<vmem>> -> memref<80xi32, #tpu.memory_space<vmem>>
      %dma_wait3A_184 = arith.constant 0 : i32
      %dma_wait3A_185 = arith.constant 0 : i32
      %dma_wait3A_186 = tpu.memref_slice %arg2[%dma_wait3A_184, %dma_wait3A_185] : memref<10000x64xf32, #tpu.memory_space<hbm>> -> memref<10000x64xf32, #tpu.memory_space<hbm>>
      tpu.wait_indirect_dma semaphore(%arg13 : memref<!tpu.dma_semaphore, #tpu.memory_space<semaphore_mem>>) src(%dma_wait3A_186 : memref<10000x64xf32, #tpu.memory_space<hbm>>) dst(%dma_wait3A_180 : memref<80x64xf32, #tpu.memory_space<vmem>>)
      %dma_wait3A_187 = arith.constant 240 : i32
      %dma_wait3A_188 = arith.constant 0 : i32
      %dma_wait3A_189 = tpu.memref_slice %arg11[%dma_wait3A_187, %dma_wait3A_188] : memref<400x64xf32, #tpu.memory_space<vmem>> -> memref<80x64xf32, #tpu.memory_space<vmem>>
      %dma_wait3A_190 = arith.constant 0 : i32
      %dma_wait3A_191 = tpu.memref_slice %arg9[%add3A_93, %dma_wait3A_190] : memref<125x80xi32, #tpu.memory_space<vmem>> -> memref<1x80xi32, #tpu.memory_space<vmem>>
      %dma_wait3A_192 = tpu.memref_squeeze %dma_wait3A_191 : memref<1x80xi32, #tpu.memory_space<vmem>> -> memref<80xi32, #tpu.memory_space<vmem>>
      %dma_wait3A_193 = arith.constant 0 : i32
      %dma_wait3A_194 = arith.constant 0 : i32
      %dma_wait3A_195 = tpu.memref_slice %arg3[%dma_wait3A_193, %dma_wait3A_194] : memref<10000x64xf32, #tpu.memory_space<hbm>> -> memref<10000x64xf32, #tpu.memory_space<hbm>>
      tpu.wait_indirect_dma semaphore(%arg13 : memref<!tpu.dma_semaphore, #tpu.memory_space<semaphore_mem>>) src(%dma_wait3A_195 : memref<10000x64xf32, #tpu.memory_space<hbm>>) dst(%dma_wait3A_189 : memref<80x64xf32, #tpu.memory_space<vmem>>)
      %dma_wait3A_196 = arith.constant 320 : i32
      %dma_wait3A_197 = arith.constant 0 : i32
      %dma_wait3A_198 = tpu.memref_slice %arg10[%dma_wait3A_196, %dma_wait3A_197] : memref<400x64xf32, #tpu.memory_space<vmem>> -> memref<80x64xf32, #tpu.memory_space<vmem>>
      %dma_wait3A_199 = arith.constant 0 : i32
      %dma_wait3A_200 = tpu.memref_slice %arg8[%add3A_104, %dma_wait3A_199] : memref<125x80xi32, #tpu.memory_space<vmem>> -> memref<1x80xi32, #tpu.memory_space<vmem>>
      %dma_wait3A_201 = tpu.memref_squeeze %dma_wait3A_200 : memref<1x80xi32, #tpu.memory_space<vmem>> -> memref<80xi32, #tpu.memory_space<vmem>>
      %dma_wait3A_202 = arith.constant 0 : i32
      %dma_wait3A_203 = arith.constant 0 : i32
      %dma_wait3A_204 = tpu.memref_slice %arg2[%dma_wait3A_202, %dma_wait3A_203] : memref<10000x64xf32, #tpu.memory_space<hbm>> -> memref<10000x64xf32, #tpu.memory_space<hbm>>
      tpu.wait_indirect_dma semaphore(%arg13 : memref<!tpu.dma_semaphore, #tpu.memory_space<semaphore_mem>>) src(%dma_wait3A_204 : memref<10000x64xf32, #tpu.memory_space<hbm>>) dst(%dma_wait3A_198 : memref<80x64xf32, #tpu.memory_space<vmem>>)
      %dma_wait3A_205 = arith.constant 320 : i32
      %dma_wait3A_206 = arith.constant 0 : i32
      %dma_wait3A_207 = tpu.memref_slice %arg11[%dma_wait3A_205, %dma_wait3A_206] : memref<400x64xf32, #tpu.memory_space<vmem>> -> memref<80x64xf32, #tpu.memory_space<vmem>>
      %dma_wait3A_208 = arith.constant 0 : i32
      %dma_wait3A_209 = tpu.memref_slice %arg9[%add3A_115, %dma_wait3A_208] : memref<125x80xi32, #tpu.memory_space<vmem>> -> memref<1x80xi32, #tpu.memory_space<vmem>>
      %dma_wait3A_210 = tpu.memref_squeeze %dma_wait3A_209 : memref<1x80xi32, #tpu.memory_space<vmem>> -> memref<80xi32, #tpu.memory_space<vmem>>
      %dma_wait3A_211 = arith.constant 0 : i32
      %dma_wait3A_212 = arith.constant 0 : i32
      %dma_wait3A_213 = tpu.memref_slice %arg3[%dma_wait3A_211, %dma_wait3A_212] : memref<10000x64xf32, #tpu.memory_space<hbm>> -> memref<10000x64xf32, #tpu.memory_space<hbm>>
      tpu.wait_indirect_dma semaphore(%arg13 : memref<!tpu.dma_semaphore, #tpu.memory_space<semaphore_mem>>) src(%dma_wait3A_213 : memref<10000x64xf32, #tpu.memory_space<hbm>>) dst(%dma_wait3A_207 : memref<80x64xf32, #tpu.memory_space<vmem>>)
      %scan3A_214 = arith.constant 0 : i32
      %scan3A_215 = arith.constant 0 : i32
      %scan3A_216 = arith.constant 400 : i32
      %scan3A_217 = arith.addi %scan3A_215, %scan3A_216 : i32
      %scan3A_218 = arith.constant 1 : i32
      %scan3A_219 = scf.for %scan3A_222 = %scan3A_215 to %scan3A_217 step %scan3A_218 iter_args(%scan3A_223 = %scan3A_214) -> (i32)  : i32 {
        %get3A = arith.index_cast %scan3A_222 : i32 to index
        %get3A_224 = arith.constant 0 : index
        %get3A_225 = tpu.vector_load %arg10[%get3A, %get3A_224] {strides = array<i32>} : memref<400x64xf32, #tpu.memory_space<vmem>>, vector<1x16xf32>,
        %get3A_226 = vector.shape_cast %get3A_225 : vector<1x16xf32> to vector<16xf32>
        %get3A_227 = arith.index_cast %scan3A_222 : i32 to index
        %get3A_228 = arith.constant 0 : index
        %get3A_229 = tpu.vector_load %arg11[%get3A_227, %get3A_228] {strides = array<i32>} : memref<400x64xf32, #tpu.memory_space<vmem>>, vector<1x16xf32>,
        %get3A_230 = vector.shape_cast %get3A_229 : vector<1x16xf32> to vector<16xf32>
        %get3A_231 = arith.index_cast %scan3A_222 : i32 to index
        %get3A_232 = arith.constant 0 : index
        %get3A_233 = tpu.vector_load %arg12[%get3A_231, %get3A_232] {strides = array<i32>} : memref<400x64xf32, #tpu.memory_space<vmem>>, vector<1x16xf32>,
        %get3A_234 = vector.shape_cast %get3A_233 : vector<1x16xf32> to vector<16xf32>
        %add3A_235 = arith.addf %get3A_226, %get3A_230 : vector<16xf32>
        %add3A_236 = arith.addf %add3A_235, %get3A_234 : vector<16xf32>
        %max3A = arith.constant 0.000000e+00 : f32
        %max3A_237 = vector.broadcast %max3A : f32 to vector<16xf32>
        %max3A_238 = arith.maximumf %add3A_236, %max3A_237 : vector<16xf32>
        %swap3A = arith.index_cast %scan3A_222 : i32 to index
        %swap3A_239 = arith.constant 0 : index
        %swap3A_240 = tpu.vector_load %arg10[%swap3A, %swap3A_239] {strides = array<i32>} : memref<400x64xf32, #tpu.memory_space<vmem>>, vector<1x16xf32>,
        %swap3A_241 = vector.shape_cast %swap3A_240 : vector<1x16xf32> to vector<16xf32>
        %swap3A_242 = vector.shape_cast %max3A_238 : vector<16xf32> to vector<1x16xf32>
        tpu.vector_store %arg10[%swap3A, %swap3A_239], %swap3A_242 {strides = array<i32>} : memref<400x64xf32, #tpu.memory_space<vmem>>, vector<1x16xf32>,
        %get3A_243 = arith.index_cast %scan3A_222 : i32 to index
        %get3A_244 = arith.constant 16 : index
        %get3A_245 = tpu.vector_load %arg10[%get3A_243, %get3A_244] {strides = array<i32>} : memref<400x64xf32, #tpu.memory_space<vmem>>, vector<1x16xf32>,
        %get3A_246 = vector.shape_cast %get3A_245 : vector<1x16xf32> to vector<16xf32>
        %get3A_247 = arith.index_cast %scan3A_222 : i32 to index
        %get3A_248 = arith.constant 16 : index
        %get3A_249 = tpu.vector_load %arg11[%get3A_247, %get3A_248] {strides = array<i32>} : memref<400x64xf32, #tpu.memory_space<vmem>>, vector<1x16xf32>,
        %get3A_250 = vector.shape_cast %get3A_249 : vector<1x16xf32> to vector<16xf32>
        %get3A_251 = arith.index_cast %scan3A_222 : i32 to index
        %get3A_252 = arith.constant 16 : index
        %get3A_253 = tpu.vector_load %arg12[%get3A_251, %get3A_252] {strides = array<i32>} : memref<400x64xf32, #tpu.memory_space<vmem>>, vector<1x16xf32>,
        %get3A_254 = vector.shape_cast %get3A_253 : vector<1x16xf32> to vector<16xf32>
        %add3A_255 = arith.addf %get3A_246, %get3A_250 : vector<16xf32>
        %add3A_256 = arith.addf %add3A_255, %get3A_254 : vector<16xf32>
        %max3A_257 = arith.constant 0.000000e+00 : f32
        %max3A_258 = vector.broadcast %max3A_257 : f32 to vector<16xf32>
        %max3A_259 = arith.maximumf %add3A_256, %max3A_258 : vector<16xf32>
        %swap3A_260 = arith.index_cast %scan3A_222 : i32 to index
        %swap3A_261 = arith.constant 16 : index
        %swap3A_262 = tpu.vector_load %arg10[%swap3A_260, %swap3A_261] {strides = array<i32>} : memref<400x64xf32, #tpu.memory_space<vmem>>, vector<1x16xf32>,
        %swap3A_263 = vector.shape_cast %swap3A_262 : vector<1x16xf32> to vector<16xf32>
        %swap3A_264 = vector.shape_cast %max3A_259 : vector<16xf32> to vector<1x16xf32>
        tpu.vector_store %arg10[%swap3A_260, %swap3A_261], %swap3A_264 {strides = array<i32>} : memref<400x64xf32, #tpu.memory_space<vmem>>, vector<1x16xf32>,
        %get3A_265 = arith.index_cast %scan3A_222 : i32 to index
        %get3A_266 = arith.constant 32 : index
        %get3A_267 = tpu.vector_load %arg10[%get3A_265, %get3A_266] {strides = array<i32>} : memref<400x64xf32, #tpu.memory_space<vmem>>, vector<1x16xf32>,
        %get3A_268 = vector.shape_cast %get3A_267 : vector<1x16xf32> to vector<16xf32>
        %get3A_269 = arith.index_cast %scan3A_222 : i32 to index
        %get3A_270 = arith.constant 32 : index
        %get3A_271 = tpu.vector_load %arg11[%get3A_269, %get3A_270] {strides = array<i32>} : memref<400x64xf32, #tpu.memory_space<vmem>>, vector<1x16xf32>,
        %get3A_272 = vector.shape_cast %get3A_271 : vector<1x16xf32> to vector<16xf32>
        %get3A_273 = arith.index_cast %scan3A_222 : i32 to index
        %get3A_274 = arith.constant 32 : index
        %get3A_275 = tpu.vector_load %arg12[%get3A_273, %get3A_274] {strides = array<i32>} : memref<400x64xf32, #tpu.memory_space<vmem>>, vector<1x16xf32>,
        %get3A_276 = vector.shape_cast %get3A_275 : vector<1x16xf32> to vector<16xf32>
        %add3A_277 = arith.addf %get3A_268, %get3A_272 : vector<16xf32>
        %add3A_278 = arith.addf %add3A_277, %get3A_276 : vector<16xf32>
        %max3A_279 = arith.constant 0.000000e+00 : f32
        %max3A_280 = vector.broadcast %max3A_279 : f32 to vector<16xf32>
        %max3A_281 = arith.maximumf %add3A_278, %max3A_280 : vector<16xf32>
        %swap3A_282 = arith.index_cast %scan3A_222 : i32 to index
        %swap3A_283 = arith.constant 32 : index
        %swap3A_284 = tpu.vector_load %arg10[%swap3A_282, %swap3A_283] {strides = array<i32>} : memref<400x64xf32, #tpu.memory_space<vmem>>, vector<1x16xf32>,
        %swap3A_285 = vector.shape_cast %swap3A_284 : vector<1x16xf32> to vector<16xf32>
        %swap3A_286 = vector.shape_cast %max3A_281 : vector<16xf32> to vector<1x16xf32>
        tpu.vector_store %arg10[%swap3A_282, %swap3A_283], %swap3A_286 {strides = array<i32>} : memref<400x64xf32, #tpu.memory_space<vmem>>, vector<1x16xf32>,
        %get3A_287 = arith.index_cast %scan3A_222 : i32 to index
        %get3A_288 = arith.constant 48 : index
        %get3A_289 = tpu.vector_load %arg10[%get3A_287, %get3A_288] {strides = array<i32>} : memref<400x64xf32, #tpu.memory_space<vmem>>, vector<1x16xf32>,
        %get3A_290 = vector.shape_cast %get3A_289 : vector<1x16xf32> to vector<16xf32>
        %get3A_291 = arith.index_cast %scan3A_222 : i32 to index
        %get3A_292 = arith.constant 48 : index
        %get3A_293 = tpu.vector_load %arg11[%get3A_291, %get3A_292] {strides = array<i32>} : memref<400x64xf32, #tpu.memory_space<vmem>>, vector<1x16xf32>,
        %get3A_294 = vector.shape_cast %get3A_293 : vector<1x16xf32> to vector<16xf32>
        %get3A_295 = arith.index_cast %scan3A_222 : i32 to index
        %get3A_296 = arith.constant 48 : index
        %get3A_297 = tpu.vector_load %arg12[%get3A_295, %get3A_296] {strides = array<i32>} : memref<400x64xf32, #tpu.memory_space<vmem>>, vector<1x16xf32>,
        %get3A_298 = vector.shape_cast %get3A_297 : vector<1x16xf32> to vector<16xf32>
        %add3A_299 = arith.addf %get3A_290, %get3A_294 : vector<16xf32>
        %add3A_300 = arith.addf %add3A_299, %get3A_298 : vector<16xf32>
        %max3A_301 = arith.constant 0.000000e+00 : f32
        %max3A_302 = vector.broadcast %max3A_301 : f32 to vector<16xf32>
        %max3A_303 = arith.maximumf %add3A_300, %max3A_302 : vector<16xf32>
        %swap3A_304 = arith.index_cast %scan3A_222 : i32 to index
        %swap3A_305 = arith.constant 48 : index
        %swap3A_306 = tpu.vector_load %arg10[%swap3A_304, %swap3A_305] {strides = array<i32>} : memref<400x64xf32, #tpu.memory_space<vmem>>, vector<1x16xf32>,
        %swap3A_307 = vector.shape_cast %swap3A_306 : vector<1x16xf32> to vector<16xf32>
        %swap3A_308 = vector.shape_cast %max3A_303 : vector<16xf32> to vector<1x16xf32>
        tpu.vector_store %arg10[%swap3A_304, %swap3A_305], %swap3A_308 {strides = array<i32>} : memref<400x64xf32, #tpu.memory_space<vmem>>, vector<1x16xf32>,
        %scan3A_309 = arith.constant 0 : i32
        scf.yield %scan3A_309 : i32
      }
      %scan3A_220 = arith.constant 400 : i32
      "tpu.region"() ({
        %run_scoped3A = tpu.sem_alloc : memref<!tpu.dma_semaphore, #tpu.memory_space<semaphore_mem>>
        %dma_start3A_222 = arith.constant 0 : i32
        %dma_start3A_223 = tpu.memref_slice %arg7[%add3A_13, %dma_start3A_222] : memref<320000x64xf32, #tpu.memory_space<hbm>> -> memref<400x64xf32, #tpu.memory_space<hbm>>
        %dma_start3A_224 = arith.constant 0 : i32
        %dma_start3A_225 = tpu.memref_slice %arg7[%add3A_13, %dma_start3A_224] : memref<320000x64xf32, #tpu.memory_space<hbm>> -> memref<400x64xf32, #tpu.memory_space<hbm>>
        tpu.enqueue_dma source(%arg10 : memref<400x64xf32, #tpu.memory_space<vmem>>) target(%dma_start3A_225 : memref<400x64xf32, #tpu.memory_space<hbm>>) target_semaphore(%run_scoped3A : memref<!tpu.dma_semaphore, #tpu.memory_space<semaphore_mem>>)
        %dma_wait3A_226 = arith.constant 0 : i32
        %dma_wait3A_227 = tpu.memref_slice %arg7[%add3A_13, %dma_wait3A_226] : memref<320000x64xf32, #tpu.memory_space<hbm>> -> memref<400x64xf32, #tpu.memory_space<hbm>>
        %dma_wait3A_228 = arith.constant 0 : i32
        %dma_wait3A_229 = tpu.memref_slice %arg7[%add3A_13, %dma_wait3A_228] : memref<320000x64xf32, #tpu.memory_space<hbm>> -> memref<400x64xf32, #tpu.memory_space<hbm>>
        tpu.wait_dma2 semaphore(%run_scoped3A : memref<!tpu.dma_semaphore, #tpu.memory_space<semaphore_mem>>) src(%arg10 : memref<400x64xf32, #tpu.memory_space<vmem>>) dst(%dma_wait3A_229 : memref<400x64xf32, #tpu.memory_space<hbm>>)
        tpu.yield
      }) : () -> ()
      %scan3A_221 = arith.constant 0 : i32
      scf.yield %scan3A_221 : i32
    }
    %scan3A_6 = arith.constant 25 : i32
    return
  }
}

#map = affine_map<(d0, d1) -> (0, 0)>
#map1 = affine_map<(d0, d1) -> (0, 0, 0)>
module attributes {stable_mosaic.version = 14 : i64} {
  func.func @_gather_body(%arg0: i32, %arg1: i32, %arg2: memref<10000x64xf32, #tpu.memory_space<hbm>>, %arg3: memref<10000x64xf32, #tpu.memory_space<hbm>>, %arg4: memref<320000x64xf32, #tpu.memory_space<hbm>>, %arg5: memref<32x125x80xi32, #tpu.memory_space<hbm>>, %arg6: memref<32x125x80xi32, #tpu.memory_space<hbm>>, %arg7: memref<320000x64xf32, #tpu.memory_space<hbm>>, %arg8: memref<125x80xi32, #tpu.memory_space<vmem>>, %arg9: memref<125x80xi32, #tpu.memory_space<vmem>>, %arg10: memref<400x64xf32, #tpu.memory_space<vmem>>, %arg11: memref<400x64xf32, #tpu.memory_space<vmem>>, %arg12: memref<400x64xf32, #tpu.memory_space<vmem>>, %arg13: memref<!tpu.dma_semaphore, #tpu.memory_space<semaphore_mem>>) attributes {dimension_semantics = [#tpu.dimension_semantics<core_parallel>, #tpu.dimension_semantics<subcore_parallel>], iteration_bounds = array<i64: 2, 16>, scalar_prefetch = 0 : i64, scratch_operands = 6 : i64, tpu.core_type = #tpu.core_type<sc_vector_subcore>, window_params = [{transform_indices = #map}, {transform_indices = #map}, {transform_indices = #map}, {transform_indices = #map1}, {transform_indices = #map1}, {transform_indices = #map}]} {
    %mul3A = arith.constant 2 : i32
    %mul3A_0 = arith.muli %arg1, %mul3A : i32
    %add3A = arith.addi %mul3A_0, %arg0 : i32
    "tpu.region"() ({
      %run_scoped3A = tpu.sem_alloc : memref<!tpu.dma_semaphore, #tpu.memory_space<semaphore_mem>>
      %dma_start3A = arith.constant 0 : i32
      %dma_start3A_7 = arith.constant 0 : i32
      %dma_start3A_8 = tpu.memref_slice %arg5[%add3A, %dma_start3A, %dma_start3A_7] : memref<32x125x80xi32, #tpu.memory_space<hbm>> -> memref<1x125x80xi32, #tpu.memory_space<hbm>>
      %dma_start3A_9 = tpu.memref_squeeze %dma_start3A_8 : memref<1x125x80xi32, #tpu.memory_space<hbm>> -> memref<125x80xi32, #tpu.memory_space<hbm>>
      %dma_start3A_10 = arith.constant 0 : i32
      %dma_start3A_11 = arith.constant 0 : i32
      %dma_start3A_12 = tpu.memref_slice %arg5[%add3A, %dma_start3A_10, %dma_start3A_11] : memref<32x125x80xi32, #tpu.memory_space<hbm>> -> memref<1x125x80xi32, #tpu.memory_space<hbm>>
      %dma_start3A_13 = tpu.memref_squeeze %dma_start3A_12 : memref<1x125x80xi32, #tpu.memory_space<hbm>> -> memref<125x80xi32, #tpu.memory_space<hbm>>
      tpu.enqueue_dma source(%dma_start3A_13 : memref<125x80xi32, #tpu.memory_space<hbm>>) target(%arg8 : memref<125x80xi32, #tpu.memory_space<vmem>>) target_semaphore(%run_scoped3A : memref<!tpu.dma_semaphore, #tpu.memory_space<semaphore_mem>>)
      %dma_wait3A = arith.constant 0 : i32
      %dma_wait3A_14 = arith.constant 0 : i32
      %dma_wait3A_15 = tpu.memref_slice %arg5[%add3A, %dma_wait3A, %dma_wait3A_14] : memref<32x125x80xi32, #tpu.memory_space<hbm>> -> memref<1x125x80xi32, #tpu.memory_space<hbm>>
      %dma_wait3A_16 = tpu.memref_squeeze %dma_wait3A_15 : memref<1x125x80xi32, #tpu.memory_space<hbm>> -> memref<125x80xi32, #tpu.memory_space<hbm>>
      %dma_wait3A_17 = arith.constant 0 : i32
      %dma_wait3A_18 = arith.constant 0 : i32
      %dma_wait3A_19 = tpu.memref_slice %arg5[%add3A, %dma_wait3A_17, %dma_wait3A_18] : memref<32x125x80xi32, #tpu.memory_space<hbm>> -> memref<1x125x80xi32, #tpu.memory_space<hbm>>
      %dma_wait3A_20 = tpu.memref_squeeze %dma_wait3A_19 : memref<1x125x80xi32, #tpu.memory_space<hbm>> -> memref<125x80xi32, #tpu.memory_space<hbm>>
      tpu.wait_dma2 semaphore(%run_scoped3A : memref<!tpu.dma_semaphore, #tpu.memory_space<semaphore_mem>>) src(%dma_wait3A_20 : memref<125x80xi32, #tpu.memory_space<hbm>>) dst(%arg8 : memref<125x80xi32, #tpu.memory_space<vmem>>)
      tpu.yield
    }) : () -> ()
    "tpu.region"() ({
      %run_scoped3A = tpu.sem_alloc : memref<!tpu.dma_semaphore, #tpu.memory_space<semaphore_mem>>
      %dma_start3A = arith.constant 0 : i32
      %dma_start3A_7 = arith.constant 0 : i32
      %dma_start3A_8 = tpu.memref_slice %arg6[%add3A, %dma_start3A, %dma_start3A_7] : memref<32x125x80xi32, #tpu.memory_space<hbm>> -> memref<1x125x80xi32, #tpu.memory_space<hbm>>
      %dma_start3A_9 = tpu.memref_squeeze %dma_start3A_8 : memref<1x125x80xi32, #tpu.memory_space<hbm>> -> memref<125x80xi32, #tpu.memory_space<hbm>>
      %dma_start3A_10 = arith.constant 0 : i32
      %dma_start3A_11 = arith.constant 0 : i32
      %dma_start3A_12 = tpu.memref_slice %arg6[%add3A, %dma_start3A_10, %dma_start3A_11] : memref<32x125x80xi32, #tpu.memory_space<hbm>> -> memref<1x125x80xi32, #tpu.memory_space<hbm>>
      %dma_start3A_13 = tpu.memref_squeeze %dma_start3A_12 : memref<1x125x80xi32, #tpu.memory_space<hbm>> -> memref<125x80xi32, #tpu.memory_space<hbm>>
      tpu.enqueue_dma source(%dma_start3A_13 : memref<125x80xi32, #tpu.memory_space<hbm>>) target(%arg9 : memref<125x80xi32, #tpu.memory_space<vmem>>) target_semaphore(%run_scoped3A : memref<!tpu.dma_semaphore, #tpu.memory_space<semaphore_mem>>)
      %dma_wait3A = arith.constant 0 : i32
      %dma_wait3A_14 = arith.constant 0 : i32
      %dma_wait3A_15 = tpu.memref_slice %arg6[%add3A, %dma_wait3A, %dma_wait3A_14] : memref<32x125x80xi32, #tpu.memory_space<hbm>> -> memref<1x125x80xi32, #tpu.memory_space<hbm>>
      %dma_wait3A_16 = tpu.memref_squeeze %dma_wait3A_15 : memref<1x125x80xi32, #tpu.memory_space<hbm>> -> memref<125x80xi32, #tpu.memory_space<hbm>>
      %dma_wait3A_17 = arith.constant 0 : i32
      %dma_wait3A_18 = arith.constant 0 : i32
      %dma_wait3A_19 = tpu.memref_slice %arg6[%add3A, %dma_wait3A_17, %dma_wait3A_18] : memref<32x125x80xi32, #tpu.memory_space<hbm>> -> memref<1x125x80xi32, #tpu.memory_space<hbm>>
      %dma_wait3A_20 = tpu.memref_squeeze %dma_wait3A_19 : memref<1x125x80xi32, #tpu.memory_space<hbm>> -> memref<125x80xi32, #tpu.memory_space<hbm>>
      tpu.wait_dma2 semaphore(%run_scoped3A : memref<!tpu.dma_semaphore, #tpu.memory_space<semaphore_mem>>) src(%dma_wait3A_20 : memref<125x80xi32, #tpu.memory_space<hbm>>) dst(%arg9 : memref<125x80xi32, #tpu.memory_space<vmem>>)
      tpu.yield
    }) : () -> ()
    %scan3A = arith.constant 0 : i32
    %scan3A_1 = arith.constant 0 : i32
    %scan3A_2 = arith.constant 25 : i32
    %scan3A_3 = arith.addi %scan3A_1, %scan3A_2 : i32
    %scan3A_4 = arith.constant 1 : i32
    %scan3A_5 = scf.for %scan3A_7 = %scan3A_1 to %scan3A_3 step %scan3A_4 iter_args(%scan3A_8 = %scan3A) -> (i32)  : i32 {
      %mul3A_9 = arith.constant 10000 : i32
      %mul3A_10 = arith.muli %add3A, %mul3A_9 : i32
      %mul3A_11 = arith.constant 400 : i32
      %mul3A_12 = arith.muli %scan3A_7, %mul3A_11 : i32
      %add3A_13 = arith.addi %mul3A_10, %mul3A_12 : i32
      %mul3A_14 = arith.constant 5 : i32
      %mul3A_15 = arith.muli %scan3A_7, %mul3A_14 : i32
      "tpu.region"() ({
        %run_scoped3A = tpu.sem_alloc : memref<!tpu.dma_semaphore, #tpu.memory_space<semaphore_mem>>
        %dma_start3A_222 = arith.constant 0 : i32
        %dma_start3A_223 = tpu.memref_slice %arg4[%add3A_13, %dma_start3A_222] : memref<320000x64xf32, #tpu.memory_space<hbm>> -> memref<400x64xf32, #tpu.memory_space<hbm>>
        %dma_start3A_224 = arith.constant 0 : i32
        %dma_start3A_225 = tpu.memref_slice %arg4[%add3A_13, %dma_start3A_224] : memref<320000x64xf32, #tpu.memory_space<hbm>> -> memref<400x64xf32, #tpu.memory_space<hbm>>
        tpu.enqueue_dma source(%dma_start3A_225 : memref<400x64xf32, #tpu.memory_space<hbm>>) target(%arg12 : memref<400x64xf32, #tpu.memory_space<vmem>>) target_semaphore(%run_scoped3A : memref<!tpu.dma_semaphore, #tpu.memory_space<semaphore_mem>>)
        %dma_wait3A_226 = arith.constant 0 : i32
        %dma_wait3A_227 = tpu.memref_slice %arg4[%add3A_13, %dma_wait3A_226] : memref<320000x64xf32, #tpu.memory_space<hbm>> -> memref<400x64xf32, #tpu.memory_space<hbm>>
        %dma_wait3A_228 = arith.constant 0 : i32
        %dma_wait3A_229 = tpu.memref_slice %arg4[%add3A_13, %dma_wait3A_228] : memref<320000x64xf32, #tpu.memory_space<hbm>> -> memref<400x64xf32, #tpu.memory_space<hbm>>
        tpu.wait_dma2 semaphore(%run_scoped3A : memref<!tpu.dma_semaphore, #tpu.memory_space<semaphore_mem>>) src(%dma_wait3A_229 : memref<400x64xf32, #tpu.memory_space<hbm>>) dst(%arg12 : memref<400x64xf32, #tpu.memory_space<vmem>>)
        tpu.yield
      }) : () -> ()
      %add3A_16 = arith.constant 0 : i32
      %add3A_17 = arith.addi %mul3A_15, %add3A_16 : i32
      %dma_start3A = arith.constant 0 : i32
      %dma_start3A_18 = arith.constant 0 : i32
      %dma_start3A_19 = tpu.memref_slice %arg10[%dma_start3A, %dma_start3A_18] : memref<400x64xf32, #tpu.memory_space<vmem>> -> memref<80x64xf32, #tpu.memory_space<vmem>>
      %dma_start3A_20 = arith.constant 0 : i32
      %dma_start3A_21 = tpu.memref_slice %arg8[%add3A_17, %dma_start3A_20] : memref<125x80xi32, #tpu.memory_space<vmem>> -> memref<1x80xi32, #tpu.memory_space<vmem>>
      %dma_start3A_22 = tpu.memref_squeeze %dma_start3A_21 : memref<1x80xi32, #tpu.memory_space<vmem>> -> memref<80xi32, #tpu.memory_space<vmem>>
      %dma_start3A_23 = arith.constant 0 : i32
      %dma_start3A_24 = arith.constant 0 : i32
      %dma_start3A_25 = tpu.memref_slice %arg2[%dma_start3A_23, %dma_start3A_24] : memref<10000x64xf32, #tpu.memory_space<hbm>> -> memref<10000x64xf32, #tpu.memory_space<hbm>>
      tpu.enqueue_indirect_dma source(%dma_start3A_25 : memref<10000x64xf32, #tpu.memory_space<hbm>>) target(%dma_start3A_19 : memref<80x64xf32, #tpu.memory_space<vmem>>) offsets(%dma_start3A_22 : memref<80xi32, #tpu.memory_space<vmem>>) semaphore(%arg13 : memref<!tpu.dma_semaphore, #tpu.memory_space<semaphore_mem>>)
      %add3A_26 = arith.constant 0 : i32
      %add3A_27 = arith.addi %mul3A_15, %add3A_26 : i32
      %dma_start3A_28 = arith.constant 0 : i32
      %dma_start3A_29 = arith.constant 0 : i32
      %dma_start3A_30 = tpu.memref_slice %arg11[%dma_start3A_28, %dma_start3A_29] : memref<400x64xf32, #tpu.memory_space<vmem>> -> memref<80x64xf32, #tpu.memory_space<vmem>>
      %dma_start3A_31 = arith.constant 0 : i32
      %dma_start3A_32 = tpu.memref_slice %arg9[%add3A_27, %dma_start3A_31] : memref<125x80xi32, #tpu.memory_space<vmem>> -> memref<1x80xi32, #tpu.memory_space<vmem>>
      %dma_start3A_33 = tpu.memref_squeeze %dma_start3A_32 : memref<1x80xi32, #tpu.memory_space<vmem>> -> memref<80xi32, #tpu.memory_space<vmem>>
      %dma_start3A_34 = arith.constant 0 : i32
      %dma_start3A_35 = arith.constant 0 : i32
      %dma_start3A_36 = tpu.memref_slice %arg3[%dma_start3A_34, %dma_start3A_35] : memref<10000x64xf32, #tpu.memory_space<hbm>> -> memref<10000x64xf32, #tpu.memory_space<hbm>>
      tpu.enqueue_indirect_dma source(%dma_start3A_36 : memref<10000x64xf32, #tpu.memory_space<hbm>>) target(%dma_start3A_30 : memref<80x64xf32, #tpu.memory_space<vmem>>) offsets(%dma_start3A_33 : memref<80xi32, #tpu.memory_space<vmem>>) semaphore(%arg13 : memref<!tpu.dma_semaphore, #tpu.memory_space<semaphore_mem>>)
      %add3A_37 = arith.constant 1 : i32
      %add3A_38 = arith.addi %mul3A_15, %add3A_37 : i32
      %dma_start3A_39 = arith.constant 80 : i32
      %dma_start3A_40 = arith.constant 0 : i32
      %dma_start3A_41 = tpu.memref_slice %arg10[%dma_start3A_39, %dma_start3A_40] : memref<400x64xf32, #tpu.memory_space<vmem>> -> memref<80x64xf32, #tpu.memory_space<vmem>>
      %dma_start3A_42 = arith.constant 0 : i32
      %dma_start3A_43 = tpu.memref_slice %arg8[%add3A_38, %dma_start3A_42] : memref<125x80xi32, #tpu.memory_space<vmem>> -> memref<1x80xi32, #tpu.memory_space<vmem>>
      %dma_start3A_44 = tpu.memref_squeeze %dma_start3A_43 : memref<1x80xi32, #tpu.memory_space<vmem>> -> memref<80xi32, #tpu.memory_space<vmem>>
      %dma_start3A_45 = arith.constant 0 : i32
      %dma_start3A_46 = arith.constant 0 : i32
      %dma_start3A_47 = tpu.memref_slice %arg2[%dma_start3A_45, %dma_start3A_46] : memref<10000x64xf32, #tpu.memory_space<hbm>> -> memref<10000x64xf32, #tpu.memory_space<hbm>>
      tpu.enqueue_indirect_dma source(%dma_start3A_47 : memref<10000x64xf32, #tpu.memory_space<hbm>>) target(%dma_start3A_41 : memref<80x64xf32, #tpu.memory_space<vmem>>) offsets(%dma_start3A_44 : memref<80xi32, #tpu.memory_space<vmem>>) semaphore(%arg13 : memref<!tpu.dma_semaphore, #tpu.memory_space<semaphore_mem>>)
      %add3A_48 = arith.constant 1 : i32
      %add3A_49 = arith.addi %mul3A_15, %add3A_48 : i32
      %dma_start3A_50 = arith.constant 80 : i32
      %dma_start3A_51 = arith.constant 0 : i32
      %dma_start3A_52 = tpu.memref_slice %arg11[%dma_start3A_50, %dma_start3A_51] : memref<400x64xf32, #tpu.memory_space<vmem>> -> memref<80x64xf32, #tpu.memory_space<vmem>>
      %dma_start3A_53 = arith.constant 0 : i32
      %dma_start3A_54 = tpu.memref_slice %arg9[%add3A_49, %dma_start3A_53] : memref<125x80xi32, #tpu.memory_space<vmem>> -> memref<1x80xi32, #tpu.memory_space<vmem>>
      %dma_start3A_55 = tpu.memref_squeeze %dma_start3A_54 : memref<1x80xi32, #tpu.memory_space<vmem>> -> memref<80xi32, #tpu.memory_space<vmem>>
      %dma_start3A_56 = arith.constant 0 : i32
      %dma_start3A_57 = arith.constant 0 : i32
      %dma_start3A_58 = tpu.memref_slice %arg3[%dma_start3A_56, %dma_start3A_57] : memref<10000x64xf32, #tpu.memory_space<hbm>> -> memref<10000x64xf32, #tpu.memory_space<hbm>>
      tpu.enqueue_indirect_dma source(%dma_start3A_58 : memref<10000x64xf32, #tpu.memory_space<hbm>>) target(%dma_start3A_52 : memref<80x64xf32, #tpu.memory_space<vmem>>) offsets(%dma_start3A_55 : memref<80xi32, #tpu.memory_space<vmem>>) semaphore(%arg13 : memref<!tpu.dma_semaphore, #tpu.memory_space<semaphore_mem>>)
      %add3A_59 = arith.constant 2 : i32
      %add3A_60 = arith.addi %mul3A_15, %add3A_59 : i32
      %dma_start3A_61 = arith.constant 160 : i32
      %dma_start3A_62 = arith.constant 0 : i32
      %dma_start3A_63 = tpu.memref_slice %arg10[%dma_start3A_61, %dma_start3A_62] : memref<400x64xf32, #tpu.memory_space<vmem>> -> memref<80x64xf32, #tpu.memory_space<vmem>>
      %dma_start3A_64 = arith.constant 0 : i32
      %dma_start3A_65 = tpu.memref_slice %arg8[%add3A_60, %dma_start3A_64] : memref<125x80xi32, #tpu.memory_space<vmem>> -> memref<1x80xi32, #tpu.memory_space<vmem>>
      %dma_start3A_66 = tpu.memref_squeeze %dma_start3A_65 : memref<1x80xi32, #tpu.memory_space<vmem>> -> memref<80xi32, #tpu.memory_space<vmem>>
      %dma_start3A_67 = arith.constant 0 : i32
      %dma_start3A_68 = arith.constant 0 : i32
      %dma_start3A_69 = tpu.memref_slice %arg2[%dma_start3A_67, %dma_start3A_68] : memref<10000x64xf32, #tpu.memory_space<hbm>> -> memref<10000x64xf32, #tpu.memory_space<hbm>>
      tpu.enqueue_indirect_dma source(%dma_start3A_69 : memref<10000x64xf32, #tpu.memory_space<hbm>>) target(%dma_start3A_63 : memref<80x64xf32, #tpu.memory_space<vmem>>) offsets(%dma_start3A_66 : memref<80xi32, #tpu.memory_space<vmem>>) semaphore(%arg13 : memref<!tpu.dma_semaphore, #tpu.memory_space<semaphore_mem>>)
      %add3A_70 = arith.constant 2 : i32
      %add3A_71 = arith.addi %mul3A_15, %add3A_70 : i32
      %dma_start3A_72 = arith.constant 160 : i32
      %dma_start3A_73 = arith.constant 0 : i32
      %dma_start3A_74 = tpu.memref_slice %arg11[%dma_start3A_72, %dma_start3A_73] : memref<400x64xf32, #tpu.memory_space<vmem>> -> memref<80x64xf32, #tpu.memory_space<vmem>>
      %dma_start3A_75 = arith.constant 0 : i32
      %dma_start3A_76 = tpu.memref_slice %arg9[%add3A_71, %dma_start3A_75] : memref<125x80xi32, #tpu.memory_space<vmem>> -> memref<1x80xi32, #tpu.memory_space<vmem>>
      %dma_start3A_77 = tpu.memref_squeeze %dma_start3A_76 : memref<1x80xi32, #tpu.memory_space<vmem>> -> memref<80xi32, #tpu.memory_space<vmem>>
      %dma_start3A_78 = arith.constant 0 : i32
      %dma_start3A_79 = arith.constant 0 : i32
      %dma_start3A_80 = tpu.memref_slice %arg3[%dma_start3A_78, %dma_start3A_79] : memref<10000x64xf32, #tpu.memory_space<hbm>> -> memref<10000x64xf32, #tpu.memory_space<hbm>>
      tpu.enqueue_indirect_dma source(%dma_start3A_80 : memref<10000x64xf32, #tpu.memory_space<hbm>>) target(%dma_start3A_74 : memref<80x64xf32, #tpu.memory_space<vmem>>) offsets(%dma_start3A_77 : memref<80xi32, #tpu.memory_space<vmem>>) semaphore(%arg13 : memref<!tpu.dma_semaphore, #tpu.memory_space<semaphore_mem>>)
      %add3A_81 = arith.constant 3 : i32
      %add3A_82 = arith.addi %mul3A_15, %add3A_81 : i32
      %dma_start3A_83 = arith.constant 240 : i32
      %dma_start3A_84 = arith.constant 0 : i32
      %dma_start3A_85 = tpu.memref_slice %arg10[%dma_start3A_83, %dma_start3A_84] : memref<400x64xf32, #tpu.memory_space<vmem>> -> memref<80x64xf32, #tpu.memory_space<vmem>>
      %dma_start3A_86 = arith.constant 0 : i32
      %dma_start3A_87 = tpu.memref_slice %arg8[%add3A_82, %dma_start3A_86] : memref<125x80xi32, #tpu.memory_space<vmem>> -> memref<1x80xi32, #tpu.memory_space<vmem>>
      %dma_start3A_88 = tpu.memref_squeeze %dma_start3A_87 : memref<1x80xi32, #tpu.memory_space<vmem>> -> memref<80xi32, #tpu.memory_space<vmem>>
      %dma_start3A_89 = arith.constant 0 : i32
      %dma_start3A_90 = arith.constant 0 : i32
      %dma_start3A_91 = tpu.memref_slice %arg2[%dma_start3A_89, %dma_start3A_90] : memref<10000x64xf32, #tpu.memory_space<hbm>> -> memref<10000x64xf32, #tpu.memory_space<hbm>>
      tpu.enqueue_indirect_dma source(%dma_start3A_91 : memref<10000x64xf32, #tpu.memory_space<hbm>>) target(%dma_start3A_85 : memref<80x64xf32, #tpu.memory_space<vmem>>) offsets(%dma_start3A_88 : memref<80xi32, #tpu.memory_space<vmem>>) semaphore(%arg13 : memref<!tpu.dma_semaphore, #tpu.memory_space<semaphore_mem>>)
      %add3A_92 = arith.constant 3 : i32
      %add3A_93 = arith.addi %mul3A_15, %add3A_92 : i32
      %dma_start3A_94 = arith.constant 240 : i32
      %dma_start3A_95 = arith.constant 0 : i32
      %dma_start3A_96 = tpu.memref_slice %arg11[%dma_start3A_94, %dma_start3A_95] : memref<400x64xf32, #tpu.memory_space<vmem>> -> memref<80x64xf32, #tpu.memory_space<vmem>>
      %dma_start3A_97 = arith.constant 0 : i32
      %dma_start3A_98 = tpu.memref_slice %arg9[%add3A_93, %dma_start3A_97] : memref<125x80xi32, #tpu.memory_space<vmem>> -> memref<1x80xi32, #tpu.memory_space<vmem>>
      %dma_start3A_99 = tpu.memref_squeeze %dma_start3A_98 : memref<1x80xi32, #tpu.memory_space<vmem>> -> memref<80xi32, #tpu.memory_space<vmem>>
      %dma_start3A_100 = arith.constant 0 : i32
      %dma_start3A_101 = arith.constant 0 : i32
      %dma_start3A_102 = tpu.memref_slice %arg3[%dma_start3A_100, %dma_start3A_101] : memref<10000x64xf32, #tpu.memory_space<hbm>> -> memref<10000x64xf32, #tpu.memory_space<hbm>>
      tpu.enqueue_indirect_dma source(%dma_start3A_102 : memref<10000x64xf32, #tpu.memory_space<hbm>>) target(%dma_start3A_96 : memref<80x64xf32, #tpu.memory_space<vmem>>) offsets(%dma_start3A_99 : memref<80xi32, #tpu.memory_space<vmem>>) semaphore(%arg13 : memref<!tpu.dma_semaphore, #tpu.memory_space<semaphore_mem>>)
      %add3A_103 = arith.constant 4 : i32
      %add3A_104 = arith.addi %mul3A_15, %add3A_103 : i32
      %dma_start3A_105 = arith.constant 320 : i32
      %dma_start3A_106 = arith.constant 0 : i32
      %dma_start3A_107 = tpu.memref_slice %arg10[%dma_start3A_105, %dma_start3A_106] : memref<400x64xf32, #tpu.memory_space<vmem>> -> memref<80x64xf32, #tpu.memory_space<vmem>>
      %dma_start3A_108 = arith.constant 0 : i32
      %dma_start3A_109 = tpu.memref_slice %arg8[%add3A_104, %dma_start3A_108] : memref<125x80xi32, #tpu.memory_space<vmem>> -> memref<1x80xi32, #tpu.memory_space<vmem>>
      %dma_start3A_110 = tpu.memref_squeeze %dma_start3A_109 : memref<1x80xi32, #tpu.memory_space<vmem>> -> memref<80xi32, #tpu.memory_space<vmem>>
      %dma_start3A_111 = arith.constant 0 : i32
      %dma_start3A_112 = arith.constant 0 : i32
      %dma_start3A_113 = tpu.memref_slice %arg2[%dma_start3A_111, %dma_start3A_112] : memref<10000x64xf32, #tpu.memory_space<hbm>> -> memref<10000x64xf32, #tpu.memory_space<hbm>>
      tpu.enqueue_indirect_dma source(%dma_start3A_113 : memref<10000x64xf32, #tpu.memory_space<hbm>>) target(%dma_start3A_107 : memref<80x64xf32, #tpu.memory_space<vmem>>) offsets(%dma_start3A_110 : memref<80xi32, #tpu.memory_space<vmem>>) semaphore(%arg13 : memref<!tpu.dma_semaphore, #tpu.memory_space<semaphore_mem>>)
      %add3A_114 = arith.constant 4 : i32
      %add3A_115 = arith.addi %mul3A_15, %add3A_114 : i32
      %dma_start3A_116 = arith.constant 320 : i32
      %dma_start3A_117 = arith.constant 0 : i32
      %dma_start3A_118 = tpu.memref_slice %arg11[%dma_start3A_116, %dma_start3A_117] : memref<400x64xf32, #tpu.memory_space<vmem>> -> memref<80x64xf32, #tpu.memory_space<vmem>>
      %dma_start3A_119 = arith.constant 0 : i32
      %dma_start3A_120 = tpu.memref_slice %arg9[%add3A_115, %dma_start3A_119] : memref<125x80xi32, #tpu.memory_space<vmem>> -> memref<1x80xi32, #tpu.memory_space<vmem>>
      %dma_start3A_121 = tpu.memref_squeeze %dma_start3A_120 : memref<1x80xi32, #tpu.memory_space<vmem>> -> memref<80xi32, #tpu.memory_space<vmem>>
      %dma_start3A_122 = arith.constant 0 : i32
      %dma_start3A_123 = arith.constant 0 : i32
      %dma_start3A_124 = tpu.memref_slice %arg3[%dma_start3A_122, %dma_start3A_123] : memref<10000x64xf32, #tpu.memory_space<hbm>> -> memref<10000x64xf32, #tpu.memory_space<hbm>>
      tpu.enqueue_indirect_dma source(%dma_start3A_124 : memref<10000x64xf32, #tpu.memory_space<hbm>>) target(%dma_start3A_118 : memref<80x64xf32, #tpu.memory_space<vmem>>) offsets(%dma_start3A_121 : memref<80xi32, #tpu.memory_space<vmem>>) semaphore(%arg13 : memref<!tpu.dma_semaphore, #tpu.memory_space<semaphore_mem>>)
      %dma_wait3A = arith.constant 0 : i32
      %dma_wait3A_125 = arith.constant 0 : i32
      %dma_wait3A_126 = tpu.memref_slice %arg10[%dma_wait3A, %dma_wait3A_125] : memref<400x64xf32, #tpu.memory_space<vmem>> -> memref<80x64xf32, #tpu.memory_space<vmem>>
      %dma_wait3A_127 = arith.constant 0 : i32
      %dma_wait3A_128 = tpu.memref_slice %arg8[%add3A_17, %dma_wait3A_127] : memref<125x80xi32, #tpu.memory_space<vmem>> -> memref<1x80xi32, #tpu.memory_space<vmem>>
      %dma_wait3A_129 = tpu.memref_squeeze %dma_wait3A_128 : memref<1x80xi32, #tpu.memory_space<vmem>> -> memref<80xi32, #tpu.memory_space<vmem>>
      %dma_wait3A_130 = arith.constant 0 : i32
      %dma_wait3A_131 = arith.constant 0 : i32
      %dma_wait3A_132 = tpu.memref_slice %arg2[%dma_wait3A_130, %dma_wait3A_131] : memref<10000x64xf32, #tpu.memory_space<hbm>> -> memref<10000x64xf32, #tpu.memory_space<hbm>>
      tpu.wait_indirect_dma semaphore(%arg13 : memref<!tpu.dma_semaphore, #tpu.memory_space<semaphore_mem>>) src(%dma_wait3A_132 : memref<10000x64xf32, #tpu.memory_space<hbm>>) dst(%dma_wait3A_126 : memref<80x64xf32, #tpu.memory_space<vmem>>)
      %dma_wait3A_133 = arith.constant 0 : i32
      %dma_wait3A_134 = arith.constant 0 : i32
      %dma_wait3A_135 = tpu.memref_slice %arg11[%dma_wait3A_133, %dma_wait3A_134] : memref<400x64xf32, #tpu.memory_space<vmem>> -> memref<80x64xf32, #tpu.memory_space<vmem>>
      %dma_wait3A_136 = arith.constant 0 : i32
      %dma_wait3A_137 = tpu.memref_slice %arg9[%add3A_27, %dma_wait3A_136] : memref<125x80xi32, #tpu.memory_space<vmem>> -> memref<1x80xi32, #tpu.memory_space<vmem>>
      %dma_wait3A_138 = tpu.memref_squeeze %dma_wait3A_137 : memref<1x80xi32, #tpu.memory_space<vmem>> -> memref<80xi32, #tpu.memory_space<vmem>>
      %dma_wait3A_139 = arith.constant 0 : i32
      %dma_wait3A_140 = arith.constant 0 : i32
      %dma_wait3A_141 = tpu.memref_slice %arg3[%dma_wait3A_139, %dma_wait3A_140] : memref<10000x64xf32, #tpu.memory_space<hbm>> -> memref<10000x64xf32, #tpu.memory_space<hbm>>
      tpu.wait_indirect_dma semaphore(%arg13 : memref<!tpu.dma_semaphore, #tpu.memory_space<semaphore_mem>>) src(%dma_wait3A_141 : memref<10000x64xf32, #tpu.memory_space<hbm>>) dst(%dma_wait3A_135 : memref<80x64xf32, #tpu.memory_space<vmem>>)
      %dma_wait3A_142 = arith.constant 80 : i32
      %dma_wait3A_143 = arith.constant 0 : i32
      %dma_wait3A_144 = tpu.memref_slice %arg10[%dma_wait3A_142, %dma_wait3A_143] : memref<400x64xf32, #tpu.memory_space<vmem>> -> memref<80x64xf32, #tpu.memory_space<vmem>>
      %dma_wait3A_145 = arith.constant 0 : i32
      %dma_wait3A_146 = tpu.memref_slice %arg8[%add3A_38, %dma_wait3A_145] : memref<125x80xi32, #tpu.memory_space<vmem>> -> memref<1x80xi32, #tpu.memory_space<vmem>>
      %dma_wait3A_147 = tpu.memref_squeeze %dma_wait3A_146 : memref<1x80xi32, #tpu.memory_space<vmem>> -> memref<80xi32, #tpu.memory_space<vmem>>
      %dma_wait3A_148 = arith.constant 0 : i32
      %dma_wait3A_149 = arith.constant 0 : i32
      %dma_wait3A_150 = tpu.memref_slice %arg2[%dma_wait3A_148, %dma_wait3A_149] : memref<10000x64xf32, #tpu.memory_space<hbm>> -> memref<10000x64xf32, #tpu.memory_space<hbm>>
      tpu.wait_indirect_dma semaphore(%arg13 : memref<!tpu.dma_semaphore, #tpu.memory_space<semaphore_mem>>) src(%dma_wait3A_150 : memref<10000x64xf32, #tpu.memory_space<hbm>>) dst(%dma_wait3A_144 : memref<80x64xf32, #tpu.memory_space<vmem>>)
      %dma_wait3A_151 = arith.constant 80 : i32
      %dma_wait3A_152 = arith.constant 0 : i32
      %dma_wait3A_153 = tpu.memref_slice %arg11[%dma_wait3A_151, %dma_wait3A_152] : memref<400x64xf32, #tpu.memory_space<vmem>> -> memref<80x64xf32, #tpu.memory_space<vmem>>
      %dma_wait3A_154 = arith.constant 0 : i32
      %dma_wait3A_155 = tpu.memref_slice %arg9[%add3A_49, %dma_wait3A_154] : memref<125x80xi32, #tpu.memory_space<vmem>> -> memref<1x80xi32, #tpu.memory_space<vmem>>
      %dma_wait3A_156 = tpu.memref_squeeze %dma_wait3A_155 : memref<1x80xi32, #tpu.memory_space<vmem>> -> memref<80xi32, #tpu.memory_space<vmem>>
      %dma_wait3A_157 = arith.constant 0 : i32
      %dma_wait3A_158 = arith.constant 0 : i32
      %dma_wait3A_159 = tpu.memref_slice %arg3[%dma_wait3A_157, %dma_wait3A_158] : memref<10000x64xf32, #tpu.memory_space<hbm>> -> memref<10000x64xf32, #tpu.memory_space<hbm>>
      tpu.wait_indirect_dma semaphore(%arg13 : memref<!tpu.dma_semaphore, #tpu.memory_space<semaphore_mem>>) src(%dma_wait3A_159 : memref<10000x64xf32, #tpu.memory_space<hbm>>) dst(%dma_wait3A_153 : memref<80x64xf32, #tpu.memory_space<vmem>>)
      %dma_wait3A_160 = arith.constant 160 : i32
      %dma_wait3A_161 = arith.constant 0 : i32
      %dma_wait3A_162 = tpu.memref_slice %arg10[%dma_wait3A_160, %dma_wait3A_161] : memref<400x64xf32, #tpu.memory_space<vmem>> -> memref<80x64xf32, #tpu.memory_space<vmem>>
      %dma_wait3A_163 = arith.constant 0 : i32
      %dma_wait3A_164 = tpu.memref_slice %arg8[%add3A_60, %dma_wait3A_163] : memref<125x80xi32, #tpu.memory_space<vmem>> -> memref<1x80xi32, #tpu.memory_space<vmem>>
      %dma_wait3A_165 = tpu.memref_squeeze %dma_wait3A_164 : memref<1x80xi32, #tpu.memory_space<vmem>> -> memref<80xi32, #tpu.memory_space<vmem>>
      %dma_wait3A_166 = arith.constant 0 : i32
      %dma_wait3A_167 = arith.constant 0 : i32
      %dma_wait3A_168 = tpu.memref_slice %arg2[%dma_wait3A_166, %dma_wait3A_167] : memref<10000x64xf32, #tpu.memory_space<hbm>> -> memref<10000x64xf32, #tpu.memory_space<hbm>>
      tpu.wait_indirect_dma semaphore(%arg13 : memref<!tpu.dma_semaphore, #tpu.memory_space<semaphore_mem>>) src(%dma_wait3A_168 : memref<10000x64xf32, #tpu.memory_space<hbm>>) dst(%dma_wait3A_162 : memref<80x64xf32, #tpu.memory_space<vmem>>)
      %dma_wait3A_169 = arith.constant 160 : i32
      %dma_wait3A_170 = arith.constant 0 : i32
      %dma_wait3A_171 = tpu.memref_slice %arg11[%dma_wait3A_169, %dma_wait3A_170] : memref<400x64xf32, #tpu.memory_space<vmem>> -> memref<80x64xf32, #tpu.memory_space<vmem>>
      %dma_wait3A_172 = arith.constant 0 : i32
      %dma_wait3A_173 = tpu.memref_slice %arg9[%add3A_71, %dma_wait3A_172] : memref<125x80xi32, #tpu.memory_space<vmem>> -> memref<1x80xi32, #tpu.memory_space<vmem>>
      %dma_wait3A_174 = tpu.memref_squeeze %dma_wait3A_173 : memref<1x80xi32, #tpu.memory_space<vmem>> -> memref<80xi32, #tpu.memory_space<vmem>>
      %dma_wait3A_175 = arith.constant 0 : i32
      %dma_wait3A_176 = arith.constant 0 : i32
      %dma_wait3A_177 = tpu.memref_slice %arg3[%dma_wait3A_175, %dma_wait3A_176] : memref<10000x64xf32, #tpu.memory_space<hbm>> -> memref<10000x64xf32, #tpu.memory_space<hbm>>
      tpu.wait_indirect_dma semaphore(%arg13 : memref<!tpu.dma_semaphore, #tpu.memory_space<semaphore_mem>>) src(%dma_wait3A_177 : memref<10000x64xf32, #tpu.memory_space<hbm>>) dst(%dma_wait3A_171 : memref<80x64xf32, #tpu.memory_space<vmem>>)
      %dma_wait3A_178 = arith.constant 240 : i32
      %dma_wait3A_179 = arith.constant 0 : i32
      %dma_wait3A_180 = tpu.memref_slice %arg10[%dma_wait3A_178, %dma_wait3A_179] : memref<400x64xf32, #tpu.memory_space<vmem>> -> memref<80x64xf32, #tpu.memory_space<vmem>>
      %dma_wait3A_181 = arith.constant 0 : i32
      %dma_wait3A_182 = tpu.memref_slice %arg8[%add3A_82, %dma_wait3A_181] : memref<125x80xi32, #tpu.memory_space<vmem>> -> memref<1x80xi32, #tpu.memory_space<vmem>>
      %dma_wait3A_183 = tpu.memref_squeeze %dma_wait3A_182 : memref<1x80xi32, #tpu.memory_space<vmem>> -> memref<80xi32, #tpu.memory_space<vmem>>
      %dma_wait3A_184 = arith.constant 0 : i32
      %dma_wait3A_185 = arith.constant 0 : i32
      %dma_wait3A_186 = tpu.memref_slice %arg2[%dma_wait3A_184, %dma_wait3A_185] : memref<10000x64xf32, #tpu.memory_space<hbm>> -> memref<10000x64xf32, #tpu.memory_space<hbm>>
      tpu.wait_indirect_dma semaphore(%arg13 : memref<!tpu.dma_semaphore, #tpu.memory_space<semaphore_mem>>) src(%dma_wait3A_186 : memref<10000x64xf32, #tpu.memory_space<hbm>>) dst(%dma_wait3A_180 : memref<80x64xf32, #tpu.memory_space<vmem>>)
      %dma_wait3A_187 = arith.constant 240 : i32
      %dma_wait3A_188 = arith.constant 0 : i32
      %dma_wait3A_189 = tpu.memref_slice %arg11[%dma_wait3A_187, %dma_wait3A_188] : memref<400x64xf32, #tpu.memory_space<vmem>> -> memref<80x64xf32, #tpu.memory_space<vmem>>
      %dma_wait3A_190 = arith.constant 0 : i32
      %dma_wait3A_191 = tpu.memref_slice %arg9[%add3A_93, %dma_wait3A_190] : memref<125x80xi32, #tpu.memory_space<vmem>> -> memref<1x80xi32, #tpu.memory_space<vmem>>
      %dma_wait3A_192 = tpu.memref_squeeze %dma_wait3A_191 : memref<1x80xi32, #tpu.memory_space<vmem>> -> memref<80xi32, #tpu.memory_space<vmem>>
      %dma_wait3A_193 = arith.constant 0 : i32
      %dma_wait3A_194 = arith.constant 0 : i32
      %dma_wait3A_195 = tpu.memref_slice %arg3[%dma_wait3A_193, %dma_wait3A_194] : memref<10000x64xf32, #tpu.memory_space<hbm>> -> memref<10000x64xf32, #tpu.memory_space<hbm>>
      tpu.wait_indirect_dma semaphore(%arg13 : memref<!tpu.dma_semaphore, #tpu.memory_space<semaphore_mem>>) src(%dma_wait3A_195 : memref<10000x64xf32, #tpu.memory_space<hbm>>) dst(%dma_wait3A_189 : memref<80x64xf32, #tpu.memory_space<vmem>>)
      %dma_wait3A_196 = arith.constant 320 : i32
      %dma_wait3A_197 = arith.constant 0 : i32
      %dma_wait3A_198 = tpu.memref_slice %arg10[%dma_wait3A_196, %dma_wait3A_197] : memref<400x64xf32, #tpu.memory_space<vmem>> -> memref<80x64xf32, #tpu.memory_space<vmem>>
      %dma_wait3A_199 = arith.constant 0 : i32
      %dma_wait3A_200 = tpu.memref_slice %arg8[%add3A_104, %dma_wait3A_199] : memref<125x80xi32, #tpu.memory_space<vmem>> -> memref<1x80xi32, #tpu.memory_space<vmem>>
      %dma_wait3A_201 = tpu.memref_squeeze %dma_wait3A_200 : memref<1x80xi32, #tpu.memory_space<vmem>> -> memref<80xi32, #tpu.memory_space<vmem>>
      %dma_wait3A_202 = arith.constant 0 : i32
      %dma_wait3A_203 = arith.constant 0 : i32
      %dma_wait3A_204 = tpu.memref_slice %arg2[%dma_wait3A_202, %dma_wait3A_203] : memref<10000x64xf32, #tpu.memory_space<hbm>> -> memref<10000x64xf32, #tpu.memory_space<hbm>>
      tpu.wait_indirect_dma semaphore(%arg13 : memref<!tpu.dma_semaphore, #tpu.memory_space<semaphore_mem>>) src(%dma_wait3A_204 : memref<10000x64xf32, #tpu.memory_space<hbm>>) dst(%dma_wait3A_198 : memref<80x64xf32, #tpu.memory_space<vmem>>)
      %dma_wait3A_205 = arith.constant 320 : i32
      %dma_wait3A_206 = arith.constant 0 : i32
      %dma_wait3A_207 = tpu.memref_slice %arg11[%dma_wait3A_205, %dma_wait3A_206] : memref<400x64xf32, #tpu.memory_space<vmem>> -> memref<80x64xf32, #tpu.memory_space<vmem>>
      %dma_wait3A_208 = arith.constant 0 : i32
      %dma_wait3A_209 = tpu.memref_slice %arg9[%add3A_115, %dma_wait3A_208] : memref<125x80xi32, #tpu.memory_space<vmem>> -> memref<1x80xi32, #tpu.memory_space<vmem>>
      %dma_wait3A_210 = tpu.memref_squeeze %dma_wait3A_209 : memref<1x80xi32, #tpu.memory_space<vmem>> -> memref<80xi32, #tpu.memory_space<vmem>>
      %dma_wait3A_211 = arith.constant 0 : i32
      %dma_wait3A_212 = arith.constant 0 : i32
      %dma_wait3A_213 = tpu.memref_slice %arg3[%dma_wait3A_211, %dma_wait3A_212] : memref<10000x64xf32, #tpu.memory_space<hbm>> -> memref<10000x64xf32, #tpu.memory_space<hbm>>
      tpu.wait_indirect_dma semaphore(%arg13 : memref<!tpu.dma_semaphore, #tpu.memory_space<semaphore_mem>>) src(%dma_wait3A_213 : memref<10000x64xf32, #tpu.memory_space<hbm>>) dst(%dma_wait3A_207 : memref<80x64xf32, #tpu.memory_space<vmem>>)
      %scan3A_214 = arith.constant 0 : i32
      %scan3A_215 = arith.constant 0 : i32
      %scan3A_216 = arith.constant 400 : i32
      %scan3A_217 = arith.addi %scan3A_215, %scan3A_216 : i32
      %scan3A_218 = arith.constant 1 : i32
      %scan3A_219 = scf.for %scan3A_222 = %scan3A_215 to %scan3A_217 step %scan3A_218 iter_args(%scan3A_223 = %scan3A_214) -> (i32)  : i32 {
        %get3A = arith.index_cast %scan3A_222 : i32 to index
        %get3A_224 = arith.constant 0 : index
        %get3A_225 = tpu.vector_load %arg10[%get3A, %get3A_224] {strides = array<i32>} : memref<400x64xf32, #tpu.memory_space<vmem>>, vector<1x16xf32>,
        %get3A_226 = vector.shape_cast %get3A_225 : vector<1x16xf32> to vector<16xf32>
        %get3A_227 = arith.index_cast %scan3A_222 : i32 to index
        %get3A_228 = arith.constant 0 : index
        %get3A_229 = tpu.vector_load %arg11[%get3A_227, %get3A_228] {strides = array<i32>} : memref<400x64xf32, #tpu.memory_space<vmem>>, vector<1x16xf32>,
        %get3A_230 = vector.shape_cast %get3A_229 : vector<1x16xf32> to vector<16xf32>
        %get3A_231 = arith.index_cast %scan3A_222 : i32 to index
        %get3A_232 = arith.constant 0 : index
        %get3A_233 = tpu.vector_load %arg12[%get3A_231, %get3A_232] {strides = array<i32>} : memref<400x64xf32, #tpu.memory_space<vmem>>, vector<1x16xf32>,
        %get3A_234 = vector.shape_cast %get3A_233 : vector<1x16xf32> to vector<16xf32>
        %add3A_235 = arith.addf %get3A_226, %get3A_230 : vector<16xf32>
        %add3A_236 = arith.addf %add3A_235, %get3A_234 : vector<16xf32>
        %max3A = arith.constant 0.000000e+00 : f32
        %max3A_237 = vector.broadcast %max3A : f32 to vector<16xf32>
        %max3A_238 = arith.maximumf %add3A_236, %max3A_237 : vector<16xf32>
        %swap3A = arith.index_cast %scan3A_222 : i32 to index
        %swap3A_239 = arith.constant 0 : index
        %swap3A_240 = tpu.vector_load %arg10[%swap3A, %swap3A_239] {strides = array<i32>} : memref<400x64xf32, #tpu.memory_space<vmem>>, vector<1x16xf32>,
        %swap3A_241 = vector.shape_cast %swap3A_240 : vector<1x16xf32> to vector<16xf32>
        %swap3A_242 = vector.shape_cast %max3A_238 : vector<16xf32> to vector<1x16xf32>
        tpu.vector_store %arg10[%swap3A, %swap3A_239], %swap3A_242 {strides = array<i32>} : memref<400x64xf32, #tpu.memory_space<vmem>>, vector<1x16xf32>,
        %get3A_243 = arith.index_cast %scan3A_222 : i32 to index
        %get3A_244 = arith.constant 16 : index
        %get3A_245 = tpu.vector_load %arg10[%get3A_243, %get3A_244] {strides = array<i32>} : memref<400x64xf32, #tpu.memory_space<vmem>>, vector<1x16xf32>,
        %get3A_246 = vector.shape_cast %get3A_245 : vector<1x16xf32> to vector<16xf32>
        %get3A_247 = arith.index_cast %scan3A_222 : i32 to index
        %get3A_248 = arith.constant 16 : index
        %get3A_249 = tpu.vector_load %arg11[%get3A_247, %get3A_248] {strides = array<i32>} : memref<400x64xf32, #tpu.memory_space<vmem>>, vector<1x16xf32>,
        %get3A_250 = vector.shape_cast %get3A_249 : vector<1x16xf32> to vector<16xf32>
        %get3A_251 = arith.index_cast %scan3A_222 : i32 to index
        %get3A_252 = arith.constant 16 : index
        %get3A_253 = tpu.vector_load %arg12[%get3A_251, %get3A_252] {strides = array<i32>} : memref<400x64xf32, #tpu.memory_space<vmem>>, vector<1x16xf32>,
        %get3A_254 = vector.shape_cast %get3A_253 : vector<1x16xf32> to vector<16xf32>
        %add3A_255 = arith.addf %get3A_246, %get3A_250 : vector<16xf32>
        %add3A_256 = arith.addf %add3A_255, %get3A_254 : vector<16xf32>
        %max3A_257 = arith.constant 0.000000e+00 : f32
        %max3A_258 = vector.broadcast %max3A_257 : f32 to vector<16xf32>
        %max3A_259 = arith.maximumf %add3A_256, %max3A_258 : vector<16xf32>
        %swap3A_260 = arith.index_cast %scan3A_222 : i32 to index
        %swap3A_261 = arith.constant 16 : index
        %swap3A_262 = tpu.vector_load %arg10[%swap3A_260, %swap3A_261] {strides = array<i32>} : memref<400x64xf32, #tpu.memory_space<vmem>>, vector<1x16xf32>,
        %swap3A_263 = vector.shape_cast %swap3A_262 : vector<1x16xf32> to vector<16xf32>
        %swap3A_264 = vector.shape_cast %max3A_259 : vector<16xf32> to vector<1x16xf32>
        tpu.vector_store %arg10[%swap3A_260, %swap3A_261], %swap3A_264 {strides = array<i32>} : memref<400x64xf32, #tpu.memory_space<vmem>>, vector<1x16xf32>,
        %get3A_265 = arith.index_cast %scan3A_222 : i32 to index
        %get3A_266 = arith.constant 32 : index
        %get3A_267 = tpu.vector_load %arg10[%get3A_265, %get3A_266] {strides = array<i32>} : memref<400x64xf32, #tpu.memory_space<vmem>>, vector<1x16xf32>,
        %get3A_268 = vector.shape_cast %get3A_267 : vector<1x16xf32> to vector<16xf32>
        %get3A_269 = arith.index_cast %scan3A_222 : i32 to index
        %get3A_270 = arith.constant 32 : index
        %get3A_271 = tpu.vector_load %arg11[%get3A_269, %get3A_270] {strides = array<i32>} : memref<400x64xf32, #tpu.memory_space<vmem>>, vector<1x16xf32>,
        %get3A_272 = vector.shape_cast %get3A_271 : vector<1x16xf32> to vector<16xf32>
        %get3A_273 = arith.index_cast %scan3A_222 : i32 to index
        %get3A_274 = arith.constant 32 : index
        %get3A_275 = tpu.vector_load %arg12[%get3A_273, %get3A_274] {strides = array<i32>} : memref<400x64xf32, #tpu.memory_space<vmem>>, vector<1x16xf32>,
        %get3A_276 = vector.shape_cast %get3A_275 : vector<1x16xf32> to vector<16xf32>
        %add3A_277 = arith.addf %get3A_268, %get3A_272 : vector<16xf32>
        %add3A_278 = arith.addf %add3A_277, %get3A_276 : vector<16xf32>
        %max3A_279 = arith.constant 0.000000e+00 : f32
        %max3A_280 = vector.broadcast %max3A_279 : f32 to vector<16xf32>
        %max3A_281 = arith.maximumf %add3A_278, %max3A_280 : vector<16xf32>
        %swap3A_282 = arith.index_cast %scan3A_222 : i32 to index
        %swap3A_283 = arith.constant 32 : index
        %swap3A_284 = tpu.vector_load %arg10[%swap3A_282, %swap3A_283] {strides = array<i32>} : memref<400x64xf32, #tpu.memory_space<vmem>>, vector<1x16xf32>,
        %swap3A_285 = vector.shape_cast %swap3A_284 : vector<1x16xf32> to vector<16xf32>
        %swap3A_286 = vector.shape_cast %max3A_281 : vector<16xf32> to vector<1x16xf32>
        tpu.vector_store %arg10[%swap3A_282, %swap3A_283], %swap3A_286 {strides = array<i32>} : memref<400x64xf32, #tpu.memory_space<vmem>>, vector<1x16xf32>,
        %get3A_287 = arith.index_cast %scan3A_222 : i32 to index
        %get3A_288 = arith.constant 48 : index
        %get3A_289 = tpu.vector_load %arg10[%get3A_287, %get3A_288] {strides = array<i32>} : memref<400x64xf32, #tpu.memory_space<vmem>>, vector<1x16xf32>,
        %get3A_290 = vector.shape_cast %get3A_289 : vector<1x16xf32> to vector<16xf32>
        %get3A_291 = arith.index_cast %scan3A_222 : i32 to index
        %get3A_292 = arith.constant 48 : index
        %get3A_293 = tpu.vector_load %arg11[%get3A_291, %get3A_292] {strides = array<i32>} : memref<400x64xf32, #tpu.memory_space<vmem>>, vector<1x16xf32>,
        %get3A_294 = vector.shape_cast %get3A_293 : vector<1x16xf32> to vector<16xf32>
        %get3A_295 = arith.index_cast %scan3A_222 : i32 to index
        %get3A_296 = arith.constant 48 : index
        %get3A_297 = tpu.vector_load %arg12[%get3A_295, %get3A_296] {strides = array<i32>} : memref<400x64xf32, #tpu.memory_space<vmem>>, vector<1x16xf32>,
        %get3A_298 = vector.shape_cast %get3A_297 : vector<1x16xf32> to vector<16xf32>
        %add3A_299 = arith.addf %get3A_290, %get3A_294 : vector<16xf32>
        %add3A_300 = arith.addf %add3A_299, %get3A_298 : vector<16xf32>
        %max3A_301 = arith.constant 0.000000e+00 : f32
        %max3A_302 = vector.broadcast %max3A_301 : f32 to vector<16xf32>
        %max3A_303 = arith.maximumf %add3A_300, %max3A_302 : vector<16xf32>
        %swap3A_304 = arith.index_cast %scan3A_222 : i32 to index
        %swap3A_305 = arith.constant 48 : index
        %swap3A_306 = tpu.vector_load %arg10[%swap3A_304, %swap3A_305] {strides = array<i32>} : memref<400x64xf32, #tpu.memory_space<vmem>>, vector<1x16xf32>,
        %swap3A_307 = vector.shape_cast %swap3A_306 : vector<1x16xf32> to vector<16xf32>
        %swap3A_308 = vector.shape_cast %max3A_303 : vector<16xf32> to vector<1x16xf32>
        tpu.vector_store %arg10[%swap3A_304, %swap3A_305], %swap3A_308 {strides = array<i32>} : memref<400x64xf32, #tpu.memory_space<vmem>>, vector<1x16xf32>,
        %scan3A_309 = arith.constant 0 : i32
        scf.yield %scan3A_309 : i32
      }
      %scan3A_220 = arith.constant 400 : i32
      "tpu.region"() ({
        %run_scoped3A = tpu.sem_alloc : memref<!tpu.dma_semaphore, #tpu.memory_space<semaphore_mem>>
        %dma_start3A_222 = arith.constant 0 : i32
        %dma_start3A_223 = tpu.memref_slice %arg7[%add3A_13, %dma_start3A_222] : memref<320000x64xf32, #tpu.memory_space<hbm>> -> memref<400x64xf32, #tpu.memory_space<hbm>>
        %dma_start3A_224 = arith.constant 0 : i32
        %dma_start3A_225 = tpu.memref_slice %arg7[%add3A_13, %dma_start3A_224] : memref<320000x64xf32, #tpu.memory_space<hbm>> -> memref<400x64xf32, #tpu.memory_space<hbm>>
        tpu.enqueue_dma source(%arg10 : memref<400x64xf32, #tpu.memory_space<vmem>>) target(%dma_start3A_225 : memref<400x64xf32, #tpu.memory_space<hbm>>) target_semaphore(%run_scoped3A : memref<!tpu.dma_semaphore, #tpu.memory_space<semaphore_mem>>)
        %dma_wait3A_226 = arith.constant 0 : i32
        %dma_wait3A_227 = tpu.memref_slice %arg7[%add3A_13, %dma_wait3A_226] : memref<320000x64xf32, #tpu.memory_space<hbm>> -> memref<400x64xf32, #tpu.memory_space<hbm>>
        %dma_wait3A_228 = arith.constant 0 : i32
        %dma_wait3A_229 = tpu.memref_slice %arg7[%add3A_13, %dma_wait3A_228] : memref<320000x64xf32, #tpu.memory_space<hbm>> -> memref<400x64xf32, #tpu.memory_space<hbm>>
        tpu.wait_dma2 semaphore(%run_scoped3A : memref<!tpu.dma_semaphore, #tpu.memory_space<semaphore_mem>>) src(%arg10 : memref<400x64xf32, #tpu.memory_space<vmem>>) dst(%dma_wait3A_229 : memref<400x64xf32, #tpu.memory_space<hbm>>)
        tpu.yield
      }) : () -> ()
      %scan3A_221 = arith.constant 0 : i32
      scf.yield %scan3A_221 : i32
    }
    %scan3A_6 = arith.constant 25 : i32
    return
  }
}

#map = affine_map<(d0, d1) -> (0, 0)>
#map1 = affine_map<(d0, d1) -> (0, 0, 0)>
module attributes {stable_mosaic.version = 14 : i64} {
  func.func @_scatter_body(%arg0: i32, %arg1: i32, %arg2: memref<320000x64xf32, #tpu.memory_space<hbm>>, %arg3: memref<32x125x80xi32, #tpu.memory_space<hbm>>, %arg4: memref<2x10240x64xf32, #tpu.memory_space<hbm>>, %arg5: memref<125x80xi32, #tpu.memory_space<vmem>>, %arg6: memref<400x64xf32, #tpu.memory_space<vmem>>, %arg7: memref<640x64xf32, #tpu.memory_space<vmem>>, %arg8: memref<10240x64xf32, #tpu.memory_space<vmem_shared>>, %arg9: memref<!tpu.dma_semaphore, #tpu.memory_space<semaphore_mem>>) attributes {dimension_semantics = [#tpu.dimension_semantics<core_parallel>, #tpu.dimension_semantics<subcore_parallel>], iteration_bounds = array<i64: 2, 16>, scalar_prefetch = 0 : i64, scratch_operands = 5 : i64, tpu.core_type = #tpu.core_type<sc_vector_subcore>, window_params = [{transform_indices = #map}, {transform_indices = #map1}, {transform_indices = #map1}]} {
    %mul3A = arith.constant 2 : i32
    %mul3A_0 = arith.muli %arg1, %mul3A : i32
    %add3A = arith.addi %mul3A_0, %arg0 : i32
    %scan3A = arith.constant 0 : i32
    %scan3A_1 = arith.constant 0 : i32
    %scan3A_2 = arith.constant 640 : i32
    %scan3A_3 = arith.addi %scan3A_1, %scan3A_2 : i32
    %scan3A_4 = arith.constant 1 : i32
    %scan3A_5 = scf.for %scan3A_21 = %scan3A_1 to %scan3A_3 step %scan3A_4 iter_args(%scan3A_22 = %scan3A) -> (i32)  : i32 {
      %broadcast_in_dim3A = arith.constant 0.000000e+00 : f32
      %broadcast_in_dim3A_23 = vector.broadcast %broadcast_in_dim3A : f32 to vector<16xf32>
      %swap3A = arith.index_cast %scan3A_21 : i32 to index
      %swap3A_24 = arith.constant 0 : index
      %swap3A_25 = tpu.vector_load %arg7[%swap3A, %swap3A_24] {strides = array<i32>} : memref<640x64xf32, #tpu.memory_space<vmem>>, vector<1x16xf32>,
      %swap3A_26 = vector.shape_cast %swap3A_25 : vector<1x16xf32> to vector<16xf32>
      %swap3A_27 = vector.shape_cast %broadcast_in_dim3A_23 : vector<16xf32> to vector<1x16xf32>
      tpu.vector_store %arg7[%swap3A, %swap3A_24], %swap3A_27 {strides = array<i32>} : memref<640x64xf32, #tpu.memory_space<vmem>>, vector<1x16xf32>,
      %broadcast_in_dim3A_28 = arith.constant 0.000000e+00 : f32
      %broadcast_in_dim3A_29 = vector.broadcast %broadcast_in_dim3A_28 : f32 to vector<16xf32>
      %swap3A_30 = arith.index_cast %scan3A_21 : i32 to index
      %swap3A_31 = arith.constant 16 : index
      %swap3A_32 = tpu.vector_load %arg7[%swap3A_30, %swap3A_31] {strides = array<i32>} : memref<640x64xf32, #tpu.memory_space<vmem>>, vector<1x16xf32>,
      %swap3A_33 = vector.shape_cast %swap3A_32 : vector<1x16xf32> to vector<16xf32>
      %swap3A_34 = vector.shape_cast %broadcast_in_dim3A_29 : vector<16xf32> to vector<1x16xf32>
      tpu.vector_store %arg7[%swap3A_30, %swap3A_31], %swap3A_34 {strides = array<i32>} : memref<640x64xf32, #tpu.memory_space<vmem>>, vector<1x16xf32>,
      %broadcast_in_dim3A_35 = arith.constant 0.000000e+00 : f32
      %broadcast_in_dim3A_36 = vector.broadcast %broadcast_in_dim3A_35 : f32 to vector<16xf32>
      %swap3A_37 = arith.index_cast %scan3A_21 : i32 to index
      %swap3A_38 = arith.constant 32 : index
      %swap3A_39 = tpu.vector_load %arg7[%swap3A_37, %swap3A_38] {strides = array<i32>} : memref<640x64xf32, #tpu.memory_space<vmem>>, vector<1x16xf32>,
      %swap3A_40 = vector.shape_cast %swap3A_39 : vector<1x16xf32> to vector<16xf32>
      %swap3A_41 = vector.shape_cast %broadcast_in_dim3A_36 : vector<16xf32> to vector<1x16xf32>
      tpu.vector_store %arg7[%swap3A_37, %swap3A_38], %swap3A_41 {strides = array<i32>} : memref<640x64xf32, #tpu.memory_space<vmem>>, vector<1x16xf32>,
      %broadcast_in_dim3A_42 = arith.constant 0.000000e+00 : f32
      %broadcast_in_dim3A_43 = vector.broadcast %broadcast_in_dim3A_42 : f32 to vector<16xf32>
      %swap3A_44 = arith.index_cast %scan3A_21 : i32 to index
      %swap3A_45 = arith.constant 48 : index
      %swap3A_46 = tpu.vector_load %arg7[%swap3A_44, %swap3A_45] {strides = array<i32>} : memref<640x64xf32, #tpu.memory_space<vmem>>, vector<1x16xf32>,
      %swap3A_47 = vector.shape_cast %swap3A_46 : vector<1x16xf32> to vector<16xf32>
      %swap3A_48 = vector.shape_cast %broadcast_in_dim3A_43 : vector<16xf32> to vector<1x16xf32>
      tpu.vector_store %arg7[%swap3A_44, %swap3A_45], %swap3A_48 {strides = array<i32>} : memref<640x64xf32, #tpu.memory_space<vmem>>, vector<1x16xf32>,
      %scan3A_49 = arith.constant 0 : i32
      scf.yield %scan3A_49 : i32
    }
    %scan3A_6 = arith.constant 640 : i32
    %mul3A_7 = arith.constant 640 : i32
    %mul3A_8 = arith.muli %arg1, %mul3A_7 : i32
    "tpu.region"() ({
      %run_scoped3A = tpu.sem_alloc : memref<!tpu.dma_semaphore, #tpu.memory_space<semaphore_mem>>
      %dma_start3A = arith.constant 0 : i32
      %dma_start3A_21 = tpu.memref_slice %arg8[%mul3A_8, %dma_start3A] : memref<10240x64xf32, #tpu.memory_space<vmem_shared>> -> memref<640x64xf32, #tpu.memory_space<vmem_shared>>
      %dma_start3A_22 = arith.constant 0 : i32
      %dma_start3A_23 = tpu.memref_slice %arg8[%mul3A_8, %dma_start3A_22] : memref<10240x64xf32, #tpu.memory_space<vmem_shared>> -> memref<640x64xf32, #tpu.memory_space<vmem_shared>>
      tpu.enqueue_dma source(%arg7 : memref<640x64xf32, #tpu.memory_space<vmem>>) target(%dma_start3A_23 : memref<640x64xf32, #tpu.memory_space<vmem_shared>>) target_semaphore(%run_scoped3A : memref<!tpu.dma_semaphore, #tpu.memory_space<semaphore_mem>>)
      %dma_wait3A = arith.constant 0 : i32
      %dma_wait3A_24 = tpu.memref_slice %arg8[%mul3A_8, %dma_wait3A] : memref<10240x64xf32, #tpu.memory_space<vmem_shared>> -> memref<640x64xf32, #tpu.memory_space<vmem_shared>>
      %dma_wait3A_25 = arith.constant 0 : i32
      %dma_wait3A_26 = tpu.memref_slice %arg8[%mul3A_8, %dma_wait3A_25] : memref<10240x64xf32, #tpu.memory_space<vmem_shared>> -> memref<640x64xf32, #tpu.memory_space<vmem_shared>>
      tpu.wait_dma2 semaphore(%run_scoped3A : memref<!tpu.dma_semaphore, #tpu.memory_space<semaphore_mem>>) src(%arg7 : memref<640x64xf32, #tpu.memory_space<vmem>>) dst(%dma_wait3A_26 : memref<640x64xf32, #tpu.memory_space<vmem_shared>>)
      tpu.yield
    }) : () -> ()
    %barrier3A = arith.constant 0 : index
    tpu.barrier barrier_id(%barrier3A)
    "tpu.region"() ({
      %run_scoped3A = tpu.sem_alloc : memref<!tpu.dma_semaphore, #tpu.memory_space<semaphore_mem>>
      %dma_start3A = arith.constant 0 : i32
      %dma_start3A_21 = arith.constant 0 : i32
      %dma_start3A_22 = tpu.memref_slice %arg3[%add3A, %dma_start3A, %dma_start3A_21] : memref<32x125x80xi32, #tpu.memory_space<hbm>> -> memref<1x125x80xi32, #tpu.memory_space<hbm>>
      %dma_start3A_23 = tpu.memref_squeeze %dma_start3A_22 : memref<1x125x80xi32, #tpu.memory_space<hbm>> -> memref<125x80xi32, #tpu.memory_space<hbm>>
      %dma_start3A_24 = arith.constant 0 : i32
      %dma_start3A_25 = arith.constant 0 : i32
      %dma_start3A_26 = tpu.memref_slice %arg3[%add3A, %dma_start3A_24, %dma_start3A_25] : memref<32x125x80xi32, #tpu.memory_space<hbm>> -> memref<1x125x80xi32, #tpu.memory_space<hbm>>
      %dma_start3A_27 = tpu.memref_squeeze %dma_start3A_26 : memref<1x125x80xi32, #tpu.memory_space<hbm>> -> memref<125x80xi32, #tpu.memory_space<hbm>>
      tpu.enqueue_dma source(%dma_start3A_27 : memref<125x80xi32, #tpu.memory_space<hbm>>) target(%arg5 : memref<125x80xi32, #tpu.memory_space<vmem>>) target_semaphore(%run_scoped3A : memref<!tpu.dma_semaphore, #tpu.memory_space<semaphore_mem>>)
      %dma_wait3A = arith.constant 0 : i32
      %dma_wait3A_28 = arith.constant 0 : i32
      %dma_wait3A_29 = tpu.memref_slice %arg3[%add3A, %dma_wait3A, %dma_wait3A_28] : memref<32x125x80xi32, #tpu.memory_space<hbm>> -> memref<1x125x80xi32, #tpu.memory_space<hbm>>
      %dma_wait3A_30 = tpu.memref_squeeze %dma_wait3A_29 : memref<1x125x80xi32, #tpu.memory_space<hbm>> -> memref<125x80xi32, #tpu.memory_space<hbm>>
      %dma_wait3A_31 = arith.constant 0 : i32
      %dma_wait3A_32 = arith.constant 0 : i32
      %dma_wait3A_33 = tpu.memref_slice %arg3[%add3A, %dma_wait3A_31, %dma_wait3A_32] : memref<32x125x80xi32, #tpu.memory_space<hbm>> -> memref<1x125x80xi32, #tpu.memory_space<hbm>>
      %dma_wait3A_34 = tpu.memref_squeeze %dma_wait3A_33 : memref<1x125x80xi32, #tpu.memory_space<hbm>> -> memref<125x80xi32, #tpu.memory_space<hbm>>
      tpu.wait_dma2 semaphore(%run_scoped3A : memref<!tpu.dma_semaphore, #tpu.memory_space<semaphore_mem>>) src(%dma_wait3A_34 : memref<125x80xi32, #tpu.memory_space<hbm>>) dst(%arg5 : memref<125x80xi32, #tpu.memory_space<vmem>>)
      tpu.yield
    }) : () -> ()
    %scan3A_9 = arith.constant 0 : i32
    %scan3A_10 = arith.constant 0 : i32
    %scan3A_11 = arith.constant 25 : i32
    %scan3A_12 = arith.addi %scan3A_10, %scan3A_11 : i32
    %scan3A_13 = arith.constant 1 : i32
    %scan3A_14 = scf.for %scan3A_21 = %scan3A_10 to %scan3A_12 step %scan3A_13 iter_args(%scan3A_22 = %scan3A_9) -> (i32)  : i32 {
      %mul3A_23 = arith.constant 10000 : i32
      %mul3A_24 = arith.muli %add3A, %mul3A_23 : i32
      %mul3A_25 = arith.constant 400 : i32
      %mul3A_26 = arith.muli %scan3A_21, %mul3A_25 : i32
      %add3A_27 = arith.addi %mul3A_24, %mul3A_26 : i32
      %mul3A_28 = arith.constant 5 : i32
      %mul3A_29 = arith.muli %scan3A_21, %mul3A_28 : i32
      "tpu.region"() ({
        %run_scoped3A = tpu.sem_alloc : memref<!tpu.dma_semaphore, #tpu.memory_space<semaphore_mem>>
        %dma_start3A = arith.constant 0 : i32
        %dma_start3A_41 = tpu.memref_slice %arg2[%add3A_27, %dma_start3A] : memref<320000x64xf32, #tpu.memory_space<hbm>> -> memref<400x64xf32, #tpu.memory_space<hbm>>
        %dma_start3A_42 = arith.constant 0 : i32
        %dma_start3A_43 = tpu.memref_slice %arg2[%add3A_27, %dma_start3A_42] : memref<320000x64xf32, #tpu.memory_space<hbm>> -> memref<400x64xf32, #tpu.memory_space<hbm>>
        tpu.enqueue_dma source(%dma_start3A_43 : memref<400x64xf32, #tpu.memory_space<hbm>>) target(%arg6 : memref<400x64xf32, #tpu.memory_space<vmem>>) target_semaphore(%run_scoped3A : memref<!tpu.dma_semaphore, #tpu.memory_space<semaphore_mem>>)
        %dma_wait3A = arith.constant 0 : i32
        %dma_wait3A_44 = tpu.memref_slice %arg2[%add3A_27, %dma_wait3A] : memref<320000x64xf32, #tpu.memory_space<hbm>> -> memref<400x64xf32, #tpu.memory_space<hbm>>
        %dma_wait3A_45 = arith.constant 0 : i32
        %dma_wait3A_46 = tpu.memref_slice %arg2[%add3A_27, %dma_wait3A_45] : memref<320000x64xf32, #tpu.memory_space<hbm>> -> memref<400x64xf32, #tpu.memory_space<hbm>>
        tpu.wait_dma2 semaphore(%run_scoped3A : memref<!tpu.dma_semaphore, #tpu.memory_space<semaphore_mem>>) src(%dma_wait3A_46 : memref<400x64xf32, #tpu.memory_space<hbm>>) dst(%arg6 : memref<400x64xf32, #tpu.memory_space<vmem>>)
        tpu.yield
      }) : () -> ()
      %add3A_30 = arith.constant 0 : i32
      %add3A_31 = arith.addi %mul3A_29, %add3A_30 : i32
      "tpu.region"() ({
        %run_scoped3A = tpu.sem_alloc : memref<!tpu.dma_semaphore, #tpu.memory_space<semaphore_mem>>
        %dma_start3A = arith.constant 0 : i32
        %dma_start3A_41 = arith.constant 0 : i32
        %dma_start3A_42 = tpu.memref_slice %arg6[%dma_start3A, %dma_start3A_41] : memref<400x64xf32, #tpu.memory_space<vmem>> -> memref<80x64xf32, #tpu.memory_space<vmem>>
        %dma_start3A_43 = arith.constant 0 : i32
        %dma_start3A_44 = tpu.memref_slice %arg5[%add3A_31, %dma_start3A_43] : memref<125x80xi32, #tpu.memory_space<vmem>> -> memref<1x80xi32, #tpu.memory_space<vmem>>
        %dma_start3A_45 = tpu.memref_squeeze %dma_start3A_44 : memref<1x80xi32, #tpu.memory_space<vmem>> -> memref<80xi32, #tpu.memory_space<vmem>>
        %dma_start3A_46 = arith.constant 0 : i32
        %dma_start3A_47 = arith.constant 0 : i32
        %dma_start3A_48 = tpu.memref_slice %arg8[%dma_start3A_46, %dma_start3A_47] : memref<10240x64xf32, #tpu.memory_space<vmem_shared>> -> memref<10240x64xf32, #tpu.memory_space<vmem_shared>>
        tpu.enqueue_indirect_dma source(%dma_start3A_42 : memref<80x64xf32, #tpu.memory_space<vmem>>) target(%dma_start3A_48 : memref<10240x64xf32, #tpu.memory_space<vmem_shared>>) offsets(%dma_start3A_45 : memref<80xi32, #tpu.memory_space<vmem>>) semaphore(%run_scoped3A : memref<!tpu.dma_semaphore, #tpu.memory_space<semaphore_mem>>) {add = true}
        %dma_wait3A = arith.constant 0 : i32
        %dma_wait3A_49 = arith.constant 0 : i32
        %dma_wait3A_50 = tpu.memref_slice %arg6[%dma_wait3A, %dma_wait3A_49] : memref<400x64xf32, #tpu.memory_space<vmem>> -> memref<80x64xf32, #tpu.memory_space<vmem>>
        %dma_wait3A_51 = arith.constant 0 : i32
        %dma_wait3A_52 = tpu.memref_slice %arg5[%add3A_31, %dma_wait3A_51] : memref<125x80xi32, #tpu.memory_space<vmem>> -> memref<1x80xi32, #tpu.memory_space<vmem>>
        %dma_wait3A_53 = tpu.memref_squeeze %dma_wait3A_52 : memref<1x80xi32, #tpu.memory_space<vmem>> -> memref<80xi32, #tpu.memory_space<vmem>>
        %dma_wait3A_54 = arith.constant 0 : i32
        %dma_wait3A_55 = arith.constant 0 : i32
        %dma_wait3A_56 = tpu.memref_slice %arg8[%dma_wait3A_54, %dma_wait3A_55] : memref<10240x64xf32, #tpu.memory_space<vmem_shared>> -> memref<10240x64xf32, #tpu.memory_space<vmem_shared>>
        tpu.wait_indirect_dma semaphore(%run_scoped3A : memref<!tpu.dma_semaphore, #tpu.memory_space<semaphore_mem>>) src(%dma_wait3A_50 : memref<80x64xf32, #tpu.memory_space<vmem>>) dst(%dma_wait3A_56 : memref<10240x64xf32, #tpu.memory_space<vmem_shared>>)
        tpu.yield
      }) : () -> ()
      %add3A_32 = arith.constant 1 : i32
      %add3A_33 = arith.addi %mul3A_29, %add3A_32 : i32
      "tpu.region"() ({
        %run_scoped3A = tpu.sem_alloc : memref<!tpu.dma_semaphore, #tpu.memory_space<semaphore_mem>>
        %dma_start3A = arith.constant 80 : i32
        %dma_start3A_41 = arith.constant 0 : i32
        %dma_start3A_42 = tpu.memref_slice %arg6[%dma_start3A, %dma_start3A_41] : memref<400x64xf32, #tpu.memory_space<vmem>> -> memref<80x64xf32, #tpu.memory_space<vmem>>
        %dma_start3A_43 = arith.constant 0 : i32
        %dma_start3A_44 = tpu.memref_slice %arg5[%add3A_33, %dma_start3A_43] : memref<125x80xi32, #tpu.memory_space<vmem>> -> memref<1x80xi32, #tpu.memory_space<vmem>>
        %dma_start3A_45 = tpu.memref_squeeze %dma_start3A_44 : memref<1x80xi32, #tpu.memory_space<vmem>> -> memref<80xi32, #tpu.memory_space<vmem>>
        %dma_start3A_46 = arith.constant 0 : i32
        %dma_start3A_47 = arith.constant 0 : i32
        %dma_start3A_48 = tpu.memref_slice %arg8[%dma_start3A_46, %dma_start3A_47] : memref<10240x64xf32, #tpu.memory_space<vmem_shared>> -> memref<10240x64xf32, #tpu.memory_space<vmem_shared>>
        tpu.enqueue_indirect_dma source(%dma_start3A_42 : memref<80x64xf32, #tpu.memory_space<vmem>>) target(%dma_start3A_48 : memref<10240x64xf32, #tpu.memory_space<vmem_shared>>) offsets(%dma_start3A_45 : memref<80xi32, #tpu.memory_space<vmem>>) semaphore(%run_scoped3A : memref<!tpu.dma_semaphore, #tpu.memory_space<semaphore_mem>>) {add = true}
        %dma_wait3A = arith.constant 80 : i32
        %dma_wait3A_49 = arith.constant 0 : i32
        %dma_wait3A_50 = tpu.memref_slice %arg6[%dma_wait3A, %dma_wait3A_49] : memref<400x64xf32, #tpu.memory_space<vmem>> -> memref<80x64xf32, #tpu.memory_space<vmem>>
        %dma_wait3A_51 = arith.constant 0 : i32
        %dma_wait3A_52 = tpu.memref_slice %arg5[%add3A_33, %dma_wait3A_51] : memref<125x80xi32, #tpu.memory_space<vmem>> -> memref<1x80xi32, #tpu.memory_space<vmem>>
        %dma_wait3A_53 = tpu.memref_squeeze %dma_wait3A_52 : memref<1x80xi32, #tpu.memory_space<vmem>> -> memref<80xi32, #tpu.memory_space<vmem>>
        %dma_wait3A_54 = arith.constant 0 : i32
        %dma_wait3A_55 = arith.constant 0 : i32
        %dma_wait3A_56 = tpu.memref_slice %arg8[%dma_wait3A_54, %dma_wait3A_55] : memref<10240x64xf32, #tpu.memory_space<vmem_shared>> -> memref<10240x64xf32, #tpu.memory_space<vmem_shared>>
        tpu.wait_indirect_dma semaphore(%run_scoped3A : memref<!tpu.dma_semaphore, #tpu.memory_space<semaphore_mem>>) src(%dma_wait3A_50 : memref<80x64xf32, #tpu.memory_space<vmem>>) dst(%dma_wait3A_56 : memref<10240x64xf32, #tpu.memory_space<vmem_shared>>)
        tpu.yield
      }) : () -> ()
      %add3A_34 = arith.constant 2 : i32
      %add3A_35 = arith.addi %mul3A_29, %add3A_34 : i32
      "tpu.region"() ({
        %run_scoped3A = tpu.sem_alloc : memref<!tpu.dma_semaphore, #tpu.memory_space<semaphore_mem>>
        %dma_start3A = arith.constant 160 : i32
        %dma_start3A_41 = arith.constant 0 : i32
        %dma_start3A_42 = tpu.memref_slice %arg6[%dma_start3A, %dma_start3A_41] : memref<400x64xf32, #tpu.memory_space<vmem>> -> memref<80x64xf32, #tpu.memory_space<vmem>>
        %dma_start3A_43 = arith.constant 0 : i32
        %dma_start3A_44 = tpu.memref_slice %arg5[%add3A_35, %dma_start3A_43] : memref<125x80xi32, #tpu.memory_space<vmem>> -> memref<1x80xi32, #tpu.memory_space<vmem>>
        %dma_start3A_45 = tpu.memref_squeeze %dma_start3A_44 : memref<1x80xi32, #tpu.memory_space<vmem>> -> memref<80xi32, #tpu.memory_space<vmem>>
        %dma_start3A_46 = arith.constant 0 : i32
        %dma_start3A_47 = arith.constant 0 : i32
        %dma_start3A_48 = tpu.memref_slice %arg8[%dma_start3A_46, %dma_start3A_47] : memref<10240x64xf32, #tpu.memory_space<vmem_shared>> -> memref<10240x64xf32, #tpu.memory_space<vmem_shared>>
        tpu.enqueue_indirect_dma source(%dma_start3A_42 : memref<80x64xf32, #tpu.memory_space<vmem>>) target(%dma_start3A_48 : memref<10240x64xf32, #tpu.memory_space<vmem_shared>>) offsets(%dma_start3A_45 : memref<80xi32, #tpu.memory_space<vmem>>) semaphore(%run_scoped3A : memref<!tpu.dma_semaphore, #tpu.memory_space<semaphore_mem>>) {add = true}
        %dma_wait3A = arith.constant 160 : i32
        %dma_wait3A_49 = arith.constant 0 : i32
        %dma_wait3A_50 = tpu.memref_slice %arg6[%dma_wait3A, %dma_wait3A_49] : memref<400x64xf32, #tpu.memory_space<vmem>> -> memref<80x64xf32, #tpu.memory_space<vmem>>
        %dma_wait3A_51 = arith.constant 0 : i32
        %dma_wait3A_52 = tpu.memref_slice %arg5[%add3A_35, %dma_wait3A_51] : memref<125x80xi32, #tpu.memory_space<vmem>> -> memref<1x80xi32, #tpu.memory_space<vmem>>
        %dma_wait3A_53 = tpu.memref_squeeze %dma_wait3A_52 : memref<1x80xi32, #tpu.memory_space<vmem>> -> memref<80xi32, #tpu.memory_space<vmem>>
        %dma_wait3A_54 = arith.constant 0 : i32
        %dma_wait3A_55 = arith.constant 0 : i32
        %dma_wait3A_56 = tpu.memref_slice %arg8[%dma_wait3A_54, %dma_wait3A_55] : memref<10240x64xf32, #tpu.memory_space<vmem_shared>> -> memref<10240x64xf32, #tpu.memory_space<vmem_shared>>
        tpu.wait_indirect_dma semaphore(%run_scoped3A : memref<!tpu.dma_semaphore, #tpu.memory_space<semaphore_mem>>) src(%dma_wait3A_50 : memref<80x64xf32, #tpu.memory_space<vmem>>) dst(%dma_wait3A_56 : memref<10240x64xf32, #tpu.memory_space<vmem_shared>>)
        tpu.yield
      }) : () -> ()
      %add3A_36 = arith.constant 3 : i32
      %add3A_37 = arith.addi %mul3A_29, %add3A_36 : i32
      "tpu.region"() ({
        %run_scoped3A = tpu.sem_alloc : memref<!tpu.dma_semaphore, #tpu.memory_space<semaphore_mem>>
        %dma_start3A = arith.constant 240 : i32
        %dma_start3A_41 = arith.constant 0 : i32
        %dma_start3A_42 = tpu.memref_slice %arg6[%dma_start3A, %dma_start3A_41] : memref<400x64xf32, #tpu.memory_space<vmem>> -> memref<80x64xf32, #tpu.memory_space<vmem>>
        %dma_start3A_43 = arith.constant 0 : i32
        %dma_start3A_44 = tpu.memref_slice %arg5[%add3A_37, %dma_start3A_43] : memref<125x80xi32, #tpu.memory_space<vmem>> -> memref<1x80xi32, #tpu.memory_space<vmem>>
        %dma_start3A_45 = tpu.memref_squeeze %dma_start3A_44 : memref<1x80xi32, #tpu.memory_space<vmem>> -> memref<80xi32, #tpu.memory_space<vmem>>
        %dma_start3A_46 = arith.constant 0 : i32
        %dma_start3A_47 = arith.constant 0 : i32
        %dma_start3A_48 = tpu.memref_slice %arg8[%dma_start3A_46, %dma_start3A_47] : memref<10240x64xf32, #tpu.memory_space<vmem_shared>> -> memref<10240x64xf32, #tpu.memory_space<vmem_shared>>
        tpu.enqueue_indirect_dma source(%dma_start3A_42 : memref<80x64xf32, #tpu.memory_space<vmem>>) target(%dma_start3A_48 : memref<10240x64xf32, #tpu.memory_space<vmem_shared>>) offsets(%dma_start3A_45 : memref<80xi32, #tpu.memory_space<vmem>>) semaphore(%run_scoped3A : memref<!tpu.dma_semaphore, #tpu.memory_space<semaphore_mem>>) {add = true}
        %dma_wait3A = arith.constant 240 : i32
        %dma_wait3A_49 = arith.constant 0 : i32
        %dma_wait3A_50 = tpu.memref_slice %arg6[%dma_wait3A, %dma_wait3A_49] : memref<400x64xf32, #tpu.memory_space<vmem>> -> memref<80x64xf32, #tpu.memory_space<vmem>>
        %dma_wait3A_51 = arith.constant 0 : i32
        %dma_wait3A_52 = tpu.memref_slice %arg5[%add3A_37, %dma_wait3A_51] : memref<125x80xi32, #tpu.memory_space<vmem>> -> memref<1x80xi32, #tpu.memory_space<vmem>>
        %dma_wait3A_53 = tpu.memref_squeeze %dma_wait3A_52 : memref<1x80xi32, #tpu.memory_space<vmem>> -> memref<80xi32, #tpu.memory_space<vmem>>
        %dma_wait3A_54 = arith.constant 0 : i32
        %dma_wait3A_55 = arith.constant 0 : i32
        %dma_wait3A_56 = tpu.memref_slice %arg8[%dma_wait3A_54, %dma_wait3A_55] : memref<10240x64xf32, #tpu.memory_space<vmem_shared>> -> memref<10240x64xf32, #tpu.memory_space<vmem_shared>>
        tpu.wait_indirect_dma semaphore(%run_scoped3A : memref<!tpu.dma_semaphore, #tpu.memory_space<semaphore_mem>>) src(%dma_wait3A_50 : memref<80x64xf32, #tpu.memory_space<vmem>>) dst(%dma_wait3A_56 : memref<10240x64xf32, #tpu.memory_space<vmem_shared>>)
        tpu.yield
      }) : () -> ()
      %add3A_38 = arith.constant 4 : i32
      %add3A_39 = arith.addi %mul3A_29, %add3A_38 : i32
      "tpu.region"() ({
        %run_scoped3A = tpu.sem_alloc : memref<!tpu.dma_semaphore, #tpu.memory_space<semaphore_mem>>
        %dma_start3A = arith.constant 320 : i32
        %dma_start3A_41 = arith.constant 0 : i32
        %dma_start3A_42 = tpu.memref_slice %arg6[%dma_start3A, %dma_start3A_41] : memref<400x64xf32, #tpu.memory_space<vmem>> -> memref<80x64xf32, #tpu.memory_space<vmem>>
        %dma_start3A_43 = arith.constant 0 : i32
        %dma_start3A_44 = tpu.memref_slice %arg5[%add3A_39, %dma_start3A_43] : memref<125x80xi32, #tpu.memory_space<vmem>> -> memref<1x80xi32, #tpu.memory_space<vmem>>
        %dma_start3A_45 = tpu.memref_squeeze %dma_start3A_44 : memref<1x80xi32, #tpu.memory_space<vmem>> -> memref<80xi32, #tpu.memory_space<vmem>>
        %dma_start3A_46 = arith.constant 0 : i32
        %dma_start3A_47 = arith.constant 0 : i32
        %dma_start3A_48 = tpu.memref_slice %arg8[%dma_start3A_46, %dma_start3A_47] : memref<10240x64xf32, #tpu.memory_space<vmem_shared>> -> memref<10240x64xf32, #tpu.memory_space<vmem_shared>>
        tpu.enqueue_indirect_dma source(%dma_start3A_42 : memref<80x64xf32, #tpu.memory_space<vmem>>) target(%dma_start3A_48 : memref<10240x64xf32, #tpu.memory_space<vmem_shared>>) offsets(%dma_start3A_45 : memref<80xi32, #tpu.memory_space<vmem>>) semaphore(%run_scoped3A : memref<!tpu.dma_semaphore, #tpu.memory_space<semaphore_mem>>) {add = true}
        %dma_wait3A = arith.constant 320 : i32
        %dma_wait3A_49 = arith.constant 0 : i32
        %dma_wait3A_50 = tpu.memref_slice %arg6[%dma_wait3A, %dma_wait3A_49] : memref<400x64xf32, #tpu.memory_space<vmem>> -> memref<80x64xf32, #tpu.memory_space<vmem>>
        %dma_wait3A_51 = arith.constant 0 : i32
        %dma_wait3A_52 = tpu.memref_slice %arg5[%add3A_39, %dma_wait3A_51] : memref<125x80xi32, #tpu.memory_space<vmem>> -> memref<1x80xi32, #tpu.memory_space<vmem>>
        %dma_wait3A_53 = tpu.memref_squeeze %dma_wait3A_52 : memref<1x80xi32, #tpu.memory_space<vmem>> -> memref<80xi32, #tpu.memory_space<vmem>>
        %dma_wait3A_54 = arith.constant 0 : i32
        %dma_wait3A_55 = arith.constant 0 : i32
        %dma_wait3A_56 = tpu.memref_slice %arg8[%dma_wait3A_54, %dma_wait3A_55] : memref<10240x64xf32, #tpu.memory_space<vmem_shared>> -> memref<10240x64xf32, #tpu.memory_space<vmem_shared>>
        tpu.wait_indirect_dma semaphore(%run_scoped3A : memref<!tpu.dma_semaphore, #tpu.memory_space<semaphore_mem>>) src(%dma_wait3A_50 : memref<80x64xf32, #tpu.memory_space<vmem>>) dst(%dma_wait3A_56 : memref<10240x64xf32, #tpu.memory_space<vmem_shared>>)
        tpu.yield
      }) : () -> ()
      %scan3A_40 = arith.constant 0 : i32
      scf.yield %scan3A_40 : i32
    }
    %scan3A_15 = arith.constant 25 : i32
    %barrier3A_16 = arith.constant 0 : index
    tpu.barrier barrier_id(%barrier3A_16)
    %mul3A_17 = arith.constant 640 : i32
    %mul3A_18 = arith.muli %arg1, %mul3A_17 : i32
    "tpu.region"() ({
      %run_scoped3A = tpu.sem_alloc : memref<!tpu.dma_semaphore, #tpu.memory_space<semaphore_mem>>
      %dma_start3A = arith.constant 0 : i32
      %dma_start3A_21 = tpu.memref_slice %arg8[%mul3A_18, %dma_start3A] : memref<10240x64xf32, #tpu.memory_space<vmem_shared>> -> memref<640x64xf32, #tpu.memory_space<vmem_shared>>
      %dma_start3A_22 = arith.constant 0 : i32
      %dma_start3A_23 = tpu.memref_slice %arg8[%mul3A_18, %dma_start3A_22] : memref<10240x64xf32, #tpu.memory_space<vmem_shared>> -> memref<640x64xf32, #tpu.memory_space<vmem_shared>>
      tpu.enqueue_dma source(%dma_start3A_23 : memref<640x64xf32, #tpu.memory_space<vmem_shared>>) target(%arg7 : memref<640x64xf32, #tpu.memory_space<vmem>>) target_semaphore(%run_scoped3A : memref<!tpu.dma_semaphore, #tpu.memory_space<semaphore_mem>>)
      %dma_wait3A = arith.constant 0 : i32
      %dma_wait3A_24 = tpu.memref_slice %arg8[%mul3A_18, %dma_wait3A] : memref<10240x64xf32, #tpu.memory_space<vmem_shared>> -> memref<640x64xf32, #tpu.memory_space<vmem_shared>>
      %dma_wait3A_25 = arith.constant 0 : i32
      %dma_wait3A_26 = tpu.memref_slice %arg8[%mul3A_18, %dma_wait3A_25] : memref<10240x64xf32, #tpu.memory_space<vmem_shared>> -> memref<640x64xf32, #tpu.memory_space<vmem_shared>>
      tpu.wait_dma2 semaphore(%run_scoped3A : memref<!tpu.dma_semaphore, #tpu.memory_space<semaphore_mem>>) src(%dma_wait3A_26 : memref<640x64xf32, #tpu.memory_space<vmem_shared>>) dst(%arg7 : memref<640x64xf32, #tpu.memory_space<vmem>>)
      tpu.yield
    }) : () -> ()
    %mul3A_19 = arith.constant 640 : i32
    %mul3A_20 = arith.muli %arg1, %mul3A_19 : i32
    "tpu.region"() ({
      %run_scoped3A = tpu.sem_alloc : memref<!tpu.dma_semaphore, #tpu.memory_space<semaphore_mem>>
      %dma_start3A = arith.constant 0 : i32
      %dma_start3A_21 = tpu.memref_slice %arg4[%arg0, %mul3A_20, %dma_start3A] : memref<2x10240x64xf32, #tpu.memory_space<hbm>> -> memref<1x640x64xf32, #tpu.memory_space<hbm>>
      %dma_start3A_22 = tpu.memref_squeeze %dma_start3A_21 : memref<1x640x64xf32, #tpu.memory_space<hbm>> -> memref<640x64xf32, #tpu.memory_space<hbm>>
      %dma_start3A_23 = arith.constant 0 : i32
      %dma_start3A_24 = tpu.memref_slice %arg4[%arg0, %mul3A_20, %dma_start3A_23] : memref<2x10240x64xf32, #tpu.memory_space<hbm>> -> memref<1x640x64xf32, #tpu.memory_space<hbm>>
      %dma_start3A_25 = tpu.memref_squeeze %dma_start3A_24 : memref<1x640x64xf32, #tpu.memory_space<hbm>> -> memref<640x64xf32, #tpu.memory_space<hbm>>
      tpu.enqueue_dma source(%arg7 : memref<640x64xf32, #tpu.memory_space<vmem>>) target(%dma_start3A_25 : memref<640x64xf32, #tpu.memory_space<hbm>>) target_semaphore(%run_scoped3A : memref<!tpu.dma_semaphore, #tpu.memory_space<semaphore_mem>>)
      %dma_wait3A = arith.constant 0 : i32
      %dma_wait3A_26 = tpu.memref_slice %arg4[%arg0, %mul3A_20, %dma_wait3A] : memref<2x10240x64xf32, #tpu.memory_space<hbm>> -> memref<1x640x64xf32, #tpu.memory_space<hbm>>
      %dma_wait3A_27 = tpu.memref_squeeze %dma_wait3A_26 : memref<1x640x64xf32, #tpu.memory_space<hbm>> -> memref<640x64xf32, #tpu.memory_space<hbm>>
      %dma_wait3A_28 = arith.constant 0 : i32
      %dma_wait3A_29 = tpu.memref_slice %arg4[%arg0, %mul3A_20, %dma_wait3A_28] : memref<2x10240x64xf32, #tpu.memory_space<hbm>> -> memref<1x640x64xf32, #tpu.memory_space<hbm>>
      %dma_wait3A_30 = tpu.memref_squeeze %dma_wait3A_29 : memref<1x640x64xf32, #tpu.memory_space<hbm>> -> memref<640x64xf32, #tpu.memory_space<hbm>>
      tpu.wait_dma2 semaphore(%run_scoped3A : memref<!tpu.dma_semaphore, #tpu.memory_space<semaphore_mem>>) src(%arg7 : memref<640x64xf32, #tpu.memory_space<vmem>>) dst(%dma_wait3A_30 : memref<640x64xf32, #tpu.memory_space<hbm>>)
      tpu.yield
    }) : () -> ()
    return
  }
}

#map = affine_map<(d0, d1) -> (0, 0)>
#map1 = affine_map<(d0, d1) -> (0, 0, 0)>
module attributes {stable_mosaic.version = 14 : i64} {
  func.func @_scatter_body(%arg0: i32, %arg1: i32, %arg2: memref<320000x64xf32, #tpu.memory_space<hbm>>, %arg3: memref<32x125x80xi32, #tpu.memory_space<hbm>>, %arg4: memref<2x10240x64xf32, #tpu.memory_space<hbm>>, %arg5: memref<125x80xi32, #tpu.memory_space<vmem>>, %arg6: memref<400x64xf32, #tpu.memory_space<vmem>>, %arg7: memref<640x64xf32, #tpu.memory_space<vmem>>, %arg8: memref<10240x64xf32, #tpu.memory_space<vmem_shared>>, %arg9: memref<!tpu.dma_semaphore, #tpu.memory_space<semaphore_mem>>) attributes {dimension_semantics = [#tpu.dimension_semantics<core_parallel>, #tpu.dimension_semantics<subcore_parallel>], iteration_bounds = array<i64: 2, 16>, scalar_prefetch = 0 : i64, scratch_operands = 5 : i64, tpu.core_type = #tpu.core_type<sc_vector_subcore>, window_params = [{transform_indices = #map}, {transform_indices = #map1}, {transform_indices = #map1}]} {
    %mul3A = arith.constant 2 : i32
    %mul3A_0 = arith.muli %arg1, %mul3A : i32
    %add3A = arith.addi %mul3A_0, %arg0 : i32
    %scan3A = arith.constant 0 : i32
    %scan3A_1 = arith.constant 0 : i32
    %scan3A_2 = arith.constant 640 : i32
    %scan3A_3 = arith.addi %scan3A_1, %scan3A_2 : i32
    %scan3A_4 = arith.constant 1 : i32
    %scan3A_5 = scf.for %scan3A_21 = %scan3A_1 to %scan3A_3 step %scan3A_4 iter_args(%scan3A_22 = %scan3A) -> (i32)  : i32 {
      %broadcast_in_dim3A = arith.constant 0.000000e+00 : f32
      %broadcast_in_dim3A_23 = vector.broadcast %broadcast_in_dim3A : f32 to vector<16xf32>
      %swap3A = arith.index_cast %scan3A_21 : i32 to index
      %swap3A_24 = arith.constant 0 : index
      %swap3A_25 = tpu.vector_load %arg7[%swap3A, %swap3A_24] {strides = array<i32>} : memref<640x64xf32, #tpu.memory_space<vmem>>, vector<1x16xf32>,
      %swap3A_26 = vector.shape_cast %swap3A_25 : vector<1x16xf32> to vector<16xf32>
      %swap3A_27 = vector.shape_cast %broadcast_in_dim3A_23 : vector<16xf32> to vector<1x16xf32>
      tpu.vector_store %arg7[%swap3A, %swap3A_24], %swap3A_27 {strides = array<i32>} : memref<640x64xf32, #tpu.memory_space<vmem>>, vector<1x16xf32>,
      %broadcast_in_dim3A_28 = arith.constant 0.000000e+00 : f32
      %broadcast_in_dim3A_29 = vector.broadcast %broadcast_in_dim3A_28 : f32 to vector<16xf32>
      %swap3A_30 = arith.index_cast %scan3A_21 : i32 to index
      %swap3A_31 = arith.constant 16 : index
      %swap3A_32 = tpu.vector_load %arg7[%swap3A_30, %swap3A_31] {strides = array<i32>} : memref<640x64xf32, #tpu.memory_space<vmem>>, vector<1x16xf32>,
      %swap3A_33 = vector.shape_cast %swap3A_32 : vector<1x16xf32> to vector<16xf32>
      %swap3A_34 = vector.shape_cast %broadcast_in_dim3A_29 : vector<16xf32> to vector<1x16xf32>
      tpu.vector_store %arg7[%swap3A_30, %swap3A_31], %swap3A_34 {strides = array<i32>} : memref<640x64xf32, #tpu.memory_space<vmem>>, vector<1x16xf32>,
      %broadcast_in_dim3A_35 = arith.constant 0.000000e+00 : f32
      %broadcast_in_dim3A_36 = vector.broadcast %broadcast_in_dim3A_35 : f32 to vector<16xf32>
      %swap3A_37 = arith.index_cast %scan3A_21 : i32 to index
      %swap3A_38 = arith.constant 32 : index
      %swap3A_39 = tpu.vector_load %arg7[%swap3A_37, %swap3A_38] {strides = array<i32>} : memref<640x64xf32, #tpu.memory_space<vmem>>, vector<1x16xf32>,
      %swap3A_40 = vector.shape_cast %swap3A_39 : vector<1x16xf32> to vector<16xf32>
      %swap3A_41 = vector.shape_cast %broadcast_in_dim3A_36 : vector<16xf32> to vector<1x16xf32>
      tpu.vector_store %arg7[%swap3A_37, %swap3A_38], %swap3A_41 {strides = array<i32>} : memref<640x64xf32, #tpu.memory_space<vmem>>, vector<1x16xf32>,
      %broadcast_in_dim3A_42 = arith.constant 0.000000e+00 : f32
      %broadcast_in_dim3A_43 = vector.broadcast %broadcast_in_dim3A_42 : f32 to vector<16xf32>
      %swap3A_44 = arith.index_cast %scan3A_21 : i32 to index
      %swap3A_45 = arith.constant 48 : index
      %swap3A_46 = tpu.vector_load %arg7[%swap3A_44, %swap3A_45] {strides = array<i32>} : memref<640x64xf32, #tpu.memory_space<vmem>>, vector<1x16xf32>,
      %swap3A_47 = vector.shape_cast %swap3A_46 : vector<1x16xf32> to vector<16xf32>
      %swap3A_48 = vector.shape_cast %broadcast_in_dim3A_43 : vector<16xf32> to vector<1x16xf32>
      tpu.vector_store %arg7[%swap3A_44, %swap3A_45], %swap3A_48 {strides = array<i32>} : memref<640x64xf32, #tpu.memory_space<vmem>>, vector<1x16xf32>,
      %scan3A_49 = arith.constant 0 : i32
      scf.yield %scan3A_49 : i32
    }
    %scan3A_6 = arith.constant 640 : i32
    %mul3A_7 = arith.constant 640 : i32
    %mul3A_8 = arith.muli %arg1, %mul3A_7 : i32
    "tpu.region"() ({
      %run_scoped3A = tpu.sem_alloc : memref<!tpu.dma_semaphore, #tpu.memory_space<semaphore_mem>>
      %dma_start3A = arith.constant 0 : i32
      %dma_start3A_21 = tpu.memref_slice %arg8[%mul3A_8, %dma_start3A] : memref<10240x64xf32, #tpu.memory_space<vmem_shared>> -> memref<640x64xf32, #tpu.memory_space<vmem_shared>>
      %dma_start3A_22 = arith.constant 0 : i32
      %dma_start3A_23 = tpu.memref_slice %arg8[%mul3A_8, %dma_start3A_22] : memref<10240x64xf32, #tpu.memory_space<vmem_shared>> -> memref<640x64xf32, #tpu.memory_space<vmem_shared>>
      tpu.enqueue_dma source(%arg7 : memref<640x64xf32, #tpu.memory_space<vmem>>) target(%dma_start3A_23 : memref<640x64xf32, #tpu.memory_space<vmem_shared>>) target_semaphore(%run_scoped3A : memref<!tpu.dma_semaphore, #tpu.memory_space<semaphore_mem>>)
      %dma_wait3A = arith.constant 0 : i32
      %dma_wait3A_24 = tpu.memref_slice %arg8[%mul3A_8, %dma_wait3A] : memref<10240x64xf32, #tpu.memory_space<vmem_shared>> -> memref<640x64xf32, #tpu.memory_space<vmem_shared>>
      %dma_wait3A_25 = arith.constant 0 : i32
      %dma_wait3A_26 = tpu.memref_slice %arg8[%mul3A_8, %dma_wait3A_25] : memref<10240x64xf32, #tpu.memory_space<vmem_shared>> -> memref<640x64xf32, #tpu.memory_space<vmem_shared>>
      tpu.wait_dma2 semaphore(%run_scoped3A : memref<!tpu.dma_semaphore, #tpu.memory_space<semaphore_mem>>) src(%arg7 : memref<640x64xf32, #tpu.memory_space<vmem>>) dst(%dma_wait3A_26 : memref<640x64xf32, #tpu.memory_space<vmem_shared>>)
      tpu.yield
    }) : () -> ()
    %barrier3A = arith.constant 0 : index
    tpu.barrier barrier_id(%barrier3A)
    "tpu.region"() ({
      %run_scoped3A = tpu.sem_alloc : memref<!tpu.dma_semaphore, #tpu.memory_space<semaphore_mem>>
      %dma_start3A = arith.constant 0 : i32
      %dma_start3A_21 = arith.constant 0 : i32
      %dma_start3A_22 = tpu.memref_slice %arg3[%add3A, %dma_start3A, %dma_start3A_21] : memref<32x125x80xi32, #tpu.memory_space<hbm>> -> memref<1x125x80xi32, #tpu.memory_space<hbm>>
      %dma_start3A_23 = tpu.memref_squeeze %dma_start3A_22 : memref<1x125x80xi32, #tpu.memory_space<hbm>> -> memref<125x80xi32, #tpu.memory_space<hbm>>
      %dma_start3A_24 = arith.constant 0 : i32
      %dma_start3A_25 = arith.constant 0 : i32
      %dma_start3A_26 = tpu.memref_slice %arg3[%add3A, %dma_start3A_24, %dma_start3A_25] : memref<32x125x80xi32, #tpu.memory_space<hbm>> -> memref<1x125x80xi32, #tpu.memory_space<hbm>>
      %dma_start3A_27 = tpu.memref_squeeze %dma_start3A_26 : memref<1x125x80xi32, #tpu.memory_space<hbm>> -> memref<125x80xi32, #tpu.memory_space<hbm>>
      tpu.enqueue_dma source(%dma_start3A_27 : memref<125x80xi32, #tpu.memory_space<hbm>>) target(%arg5 : memref<125x80xi32, #tpu.memory_space<vmem>>) target_semaphore(%run_scoped3A : memref<!tpu.dma_semaphore, #tpu.memory_space<semaphore_mem>>)
      %dma_wait3A = arith.constant 0 : i32
      %dma_wait3A_28 = arith.constant 0 : i32
      %dma_wait3A_29 = tpu.memref_slice %arg3[%add3A, %dma_wait3A, %dma_wait3A_28] : memref<32x125x80xi32, #tpu.memory_space<hbm>> -> memref<1x125x80xi32, #tpu.memory_space<hbm>>
      %dma_wait3A_30 = tpu.memref_squeeze %dma_wait3A_29 : memref<1x125x80xi32, #tpu.memory_space<hbm>> -> memref<125x80xi32, #tpu.memory_space<hbm>>
      %dma_wait3A_31 = arith.constant 0 : i32
      %dma_wait3A_32 = arith.constant 0 : i32
      %dma_wait3A_33 = tpu.memref_slice %arg3[%add3A, %dma_wait3A_31, %dma_wait3A_32] : memref<32x125x80xi32, #tpu.memory_space<hbm>> -> memref<1x125x80xi32, #tpu.memory_space<hbm>>
      %dma_wait3A_34 = tpu.memref_squeeze %dma_wait3A_33 : memref<1x125x80xi32, #tpu.memory_space<hbm>> -> memref<125x80xi32, #tpu.memory_space<hbm>>
      tpu.wait_dma2 semaphore(%run_scoped3A : memref<!tpu.dma_semaphore, #tpu.memory_space<semaphore_mem>>) src(%dma_wait3A_34 : memref<125x80xi32, #tpu.memory_space<hbm>>) dst(%arg5 : memref<125x80xi32, #tpu.memory_space<vmem>>)
      tpu.yield
    }) : () -> ()
    %scan3A_9 = arith.constant 0 : i32
    %scan3A_10 = arith.constant 0 : i32
    %scan3A_11 = arith.constant 25 : i32
    %scan3A_12 = arith.addi %scan3A_10, %scan3A_11 : i32
    %scan3A_13 = arith.constant 1 : i32
    %scan3A_14 = scf.for %scan3A_21 = %scan3A_10 to %scan3A_12 step %scan3A_13 iter_args(%scan3A_22 = %scan3A_9) -> (i32)  : i32 {
      %mul3A_23 = arith.constant 10000 : i32
      %mul3A_24 = arith.muli %add3A, %mul3A_23 : i32
      %mul3A_25 = arith.constant 400 : i32
      %mul3A_26 = arith.muli %scan3A_21, %mul3A_25 : i32
      %add3A_27 = arith.addi %mul3A_24, %mul3A_26 : i32
      %mul3A_28 = arith.constant 5 : i32
      %mul3A_29 = arith.muli %scan3A_21, %mul3A_28 : i32
      "tpu.region"() ({
        %run_scoped3A = tpu.sem_alloc : memref<!tpu.dma_semaphore, #tpu.memory_space<semaphore_mem>>
        %dma_start3A = arith.constant 0 : i32
        %dma_start3A_41 = tpu.memref_slice %arg2[%add3A_27, %dma_start3A] : memref<320000x64xf32, #tpu.memory_space<hbm>> -> memref<400x64xf32, #tpu.memory_space<hbm>>
        %dma_start3A_42 = arith.constant 0 : i32
        %dma_start3A_43 = tpu.memref_slice %arg2[%add3A_27, %dma_start3A_42] : memref<320000x64xf32, #tpu.memory_space<hbm>> -> memref<400x64xf32, #tpu.memory_space<hbm>>
        tpu.enqueue_dma source(%dma_start3A_43 : memref<400x64xf32, #tpu.memory_space<hbm>>) target(%arg6 : memref<400x64xf32, #tpu.memory_space<vmem>>) target_semaphore(%run_scoped3A : memref<!tpu.dma_semaphore, #tpu.memory_space<semaphore_mem>>)
        %dma_wait3A = arith.constant 0 : i32
        %dma_wait3A_44 = tpu.memref_slice %arg2[%add3A_27, %dma_wait3A] : memref<320000x64xf32, #tpu.memory_space<hbm>> -> memref<400x64xf32, #tpu.memory_space<hbm>>
        %dma_wait3A_45 = arith.constant 0 : i32
        %dma_wait3A_46 = tpu.memref_slice %arg2[%add3A_27, %dma_wait3A_45] : memref<320000x64xf32, #tpu.memory_space<hbm>> -> memref<400x64xf32, #tpu.memory_space<hbm>>
        tpu.wait_dma2 semaphore(%run_scoped3A : memref<!tpu.dma_semaphore, #tpu.memory_space<semaphore_mem>>) src(%dma_wait3A_46 : memref<400x64xf32, #tpu.memory_space<hbm>>) dst(%arg6 : memref<400x64xf32, #tpu.memory_space<vmem>>)
        tpu.yield
      }) : () -> ()
      %add3A_30 = arith.constant 0 : i32
      %add3A_31 = arith.addi %mul3A_29, %add3A_30 : i32
      "tpu.region"() ({
        %run_scoped3A = tpu.sem_alloc : memref<!tpu.dma_semaphore, #tpu.memory_space<semaphore_mem>>
        %dma_start3A = arith.constant 0 : i32
        %dma_start3A_41 = arith.constant 0 : i32
        %dma_start3A_42 = tpu.memref_slice %arg6[%dma_start3A, %dma_start3A_41] : memref<400x64xf32, #tpu.memory_space<vmem>> -> memref<80x64xf32, #tpu.memory_space<vmem>>
        %dma_start3A_43 = arith.constant 0 : i32
        %dma_start3A_44 = tpu.memref_slice %arg5[%add3A_31, %dma_start3A_43] : memref<125x80xi32, #tpu.memory_space<vmem>> -> memref<1x80xi32, #tpu.memory_space<vmem>>
        %dma_start3A_45 = tpu.memref_squeeze %dma_start3A_44 : memref<1x80xi32, #tpu.memory_space<vmem>> -> memref<80xi32, #tpu.memory_space<vmem>>
        %dma_start3A_46 = arith.constant 0 : i32
        %dma_start3A_47 = arith.constant 0 : i32
        %dma_start3A_48 = tpu.memref_slice %arg8[%dma_start3A_46, %dma_start3A_47] : memref<10240x64xf32, #tpu.memory_space<vmem_shared>> -> memref<10240x64xf32, #tpu.memory_space<vmem_shared>>
        tpu.enqueue_indirect_dma source(%dma_start3A_42 : memref<80x64xf32, #tpu.memory_space<vmem>>) target(%dma_start3A_48 : memref<10240x64xf32, #tpu.memory_space<vmem_shared>>) offsets(%dma_start3A_45 : memref<80xi32, #tpu.memory_space<vmem>>) semaphore(%run_scoped3A : memref<!tpu.dma_semaphore, #tpu.memory_space<semaphore_mem>>) {add = true}
        %dma_wait3A = arith.constant 0 : i32
        %dma_wait3A_49 = arith.constant 0 : i32
        %dma_wait3A_50 = tpu.memref_slice %arg6[%dma_wait3A, %dma_wait3A_49] : memref<400x64xf32, #tpu.memory_space<vmem>> -> memref<80x64xf32, #tpu.memory_space<vmem>>
        %dma_wait3A_51 = arith.constant 0 : i32
        %dma_wait3A_52 = tpu.memref_slice %arg5[%add3A_31, %dma_wait3A_51] : memref<125x80xi32, #tpu.memory_space<vmem>> -> memref<1x80xi32, #tpu.memory_space<vmem>>
        %dma_wait3A_53 = tpu.memref_squeeze %dma_wait3A_52 : memref<1x80xi32, #tpu.memory_space<vmem>> -> memref<80xi32, #tpu.memory_space<vmem>>
        %dma_wait3A_54 = arith.constant 0 : i32
        %dma_wait3A_55 = arith.constant 0 : i32
        %dma_wait3A_56 = tpu.memref_slice %arg8[%dma_wait3A_54, %dma_wait3A_55] : memref<10240x64xf32, #tpu.memory_space<vmem_shared>> -> memref<10240x64xf32, #tpu.memory_space<vmem_shared>>
        tpu.wait_indirect_dma semaphore(%run_scoped3A : memref<!tpu.dma_semaphore, #tpu.memory_space<semaphore_mem>>) src(%dma_wait3A_50 : memref<80x64xf32, #tpu.memory_space<vmem>>) dst(%dma_wait3A_56 : memref<10240x64xf32, #tpu.memory_space<vmem_shared>>)
        tpu.yield
      }) : () -> ()
      %add3A_32 = arith.constant 1 : i32
      %add3A_33 = arith.addi %mul3A_29, %add3A_32 : i32
      "tpu.region"() ({
        %run_scoped3A = tpu.sem_alloc : memref<!tpu.dma_semaphore, #tpu.memory_space<semaphore_mem>>
        %dma_start3A = arith.constant 80 : i32
        %dma_start3A_41 = arith.constant 0 : i32
        %dma_start3A_42 = tpu.memref_slice %arg6[%dma_start3A, %dma_start3A_41] : memref<400x64xf32, #tpu.memory_space<vmem>> -> memref<80x64xf32, #tpu.memory_space<vmem>>
        %dma_start3A_43 = arith.constant 0 : i32
        %dma_start3A_44 = tpu.memref_slice %arg5[%add3A_33, %dma_start3A_43] : memref<125x80xi32, #tpu.memory_space<vmem>> -> memref<1x80xi32, #tpu.memory_space<vmem>>
        %dma_start3A_45 = tpu.memref_squeeze %dma_start3A_44 : memref<1x80xi32, #tpu.memory_space<vmem>> -> memref<80xi32, #tpu.memory_space<vmem>>
        %dma_start3A_46 = arith.constant 0 : i32
        %dma_start3A_47 = arith.constant 0 : i32
        %dma_start3A_48 = tpu.memref_slice %arg8[%dma_start3A_46, %dma_start3A_47] : memref<10240x64xf32, #tpu.memory_space<vmem_shared>> -> memref<10240x64xf32, #tpu.memory_space<vmem_shared>>
        tpu.enqueue_indirect_dma source(%dma_start3A_42 : memref<80x64xf32, #tpu.memory_space<vmem>>) target(%dma_start3A_48 : memref<10240x64xf32, #tpu.memory_space<vmem_shared>>) offsets(%dma_start3A_45 : memref<80xi32, #tpu.memory_space<vmem>>) semaphore(%run_scoped3A : memref<!tpu.dma_semaphore, #tpu.memory_space<semaphore_mem>>) {add = true}
        %dma_wait3A = arith.constant 80 : i32
        %dma_wait3A_49 = arith.constant 0 : i32
        %dma_wait3A_50 = tpu.memref_slice %arg6[%dma_wait3A, %dma_wait3A_49] : memref<400x64xf32, #tpu.memory_space<vmem>> -> memref<80x64xf32, #tpu.memory_space<vmem>>
        %dma_wait3A_51 = arith.constant 0 : i32
        %dma_wait3A_52 = tpu.memref_slice %arg5[%add3A_33, %dma_wait3A_51] : memref<125x80xi32, #tpu.memory_space<vmem>> -> memref<1x80xi32, #tpu.memory_space<vmem>>
        %dma_wait3A_53 = tpu.memref_squeeze %dma_wait3A_52 : memref<1x80xi32, #tpu.memory_space<vmem>> -> memref<80xi32, #tpu.memory_space<vmem>>
        %dma_wait3A_54 = arith.constant 0 : i32
        %dma_wait3A_55 = arith.constant 0 : i32
        %dma_wait3A_56 = tpu.memref_slice %arg8[%dma_wait3A_54, %dma_wait3A_55] : memref<10240x64xf32, #tpu.memory_space<vmem_shared>> -> memref<10240x64xf32, #tpu.memory_space<vmem_shared>>
        tpu.wait_indirect_dma semaphore(%run_scoped3A : memref<!tpu.dma_semaphore, #tpu.memory_space<semaphore_mem>>) src(%dma_wait3A_50 : memref<80x64xf32, #tpu.memory_space<vmem>>) dst(%dma_wait3A_56 : memref<10240x64xf32, #tpu.memory_space<vmem_shared>>)
        tpu.yield
      }) : () -> ()
      %add3A_34 = arith.constant 2 : i32
      %add3A_35 = arith.addi %mul3A_29, %add3A_34 : i32
      "tpu.region"() ({
        %run_scoped3A = tpu.sem_alloc : memref<!tpu.dma_semaphore, #tpu.memory_space<semaphore_mem>>
        %dma_start3A = arith.constant 160 : i32
        %dma_start3A_41 = arith.constant 0 : i32
        %dma_start3A_42 = tpu.memref_slice %arg6[%dma_start3A, %dma_start3A_41] : memref<400x64xf32, #tpu.memory_space<vmem>> -> memref<80x64xf32, #tpu.memory_space<vmem>>
        %dma_start3A_43 = arith.constant 0 : i32
        %dma_start3A_44 = tpu.memref_slice %arg5[%add3A_35, %dma_start3A_43] : memref<125x80xi32, #tpu.memory_space<vmem>> -> memref<1x80xi32, #tpu.memory_space<vmem>>
        %dma_start3A_45 = tpu.memref_squeeze %dma_start3A_44 : memref<1x80xi32, #tpu.memory_space<vmem>> -> memref<80xi32, #tpu.memory_space<vmem>>
        %dma_start3A_46 = arith.constant 0 : i32
        %dma_start3A_47 = arith.constant 0 : i32
        %dma_start3A_48 = tpu.memref_slice %arg8[%dma_start3A_46, %dma_start3A_47] : memref<10240x64xf32, #tpu.memory_space<vmem_shared>> -> memref<10240x64xf32, #tpu.memory_space<vmem_shared>>
        tpu.enqueue_indirect_dma source(%dma_start3A_42 : memref<80x64xf32, #tpu.memory_space<vmem>>) target(%dma_start3A_48 : memref<10240x64xf32, #tpu.memory_space<vmem_shared>>) offsets(%dma_start3A_45 : memref<80xi32, #tpu.memory_space<vmem>>) semaphore(%run_scoped3A : memref<!tpu.dma_semaphore, #tpu.memory_space<semaphore_mem>>) {add = true}
        %dma_wait3A = arith.constant 160 : i32
        %dma_wait3A_49 = arith.constant 0 : i32
        %dma_wait3A_50 = tpu.memref_slice %arg6[%dma_wait3A, %dma_wait3A_49] : memref<400x64xf32, #tpu.memory_space<vmem>> -> memref<80x64xf32, #tpu.memory_space<vmem>>
        %dma_wait3A_51 = arith.constant 0 : i32
        %dma_wait3A_52 = tpu.memref_slice %arg5[%add3A_35, %dma_wait3A_51] : memref<125x80xi32, #tpu.memory_space<vmem>> -> memref<1x80xi32, #tpu.memory_space<vmem>>
        %dma_wait3A_53 = tpu.memref_squeeze %dma_wait3A_52 : memref<1x80xi32, #tpu.memory_space<vmem>> -> memref<80xi32, #tpu.memory_space<vmem>>
        %dma_wait3A_54 = arith.constant 0 : i32
        %dma_wait3A_55 = arith.constant 0 : i32
        %dma_wait3A_56 = tpu.memref_slice %arg8[%dma_wait3A_54, %dma_wait3A_55] : memref<10240x64xf32, #tpu.memory_space<vmem_shared>> -> memref<10240x64xf32, #tpu.memory_space<vmem_shared>>
        tpu.wait_indirect_dma semaphore(%run_scoped3A : memref<!tpu.dma_semaphore, #tpu.memory_space<semaphore_mem>>) src(%dma_wait3A_50 : memref<80x64xf32, #tpu.memory_space<vmem>>) dst(%dma_wait3A_56 : memref<10240x64xf32, #tpu.memory_space<vmem_shared>>)
        tpu.yield
      }) : () -> ()
      %add3A_36 = arith.constant 3 : i32
      %add3A_37 = arith.addi %mul3A_29, %add3A_36 : i32
      "tpu.region"() ({
        %run_scoped3A = tpu.sem_alloc : memref<!tpu.dma_semaphore, #tpu.memory_space<semaphore_mem>>
        %dma_start3A = arith.constant 240 : i32
        %dma_start3A_41 = arith.constant 0 : i32
        %dma_start3A_42 = tpu.memref_slice %arg6[%dma_start3A, %dma_start3A_41] : memref<400x64xf32, #tpu.memory_space<vmem>> -> memref<80x64xf32, #tpu.memory_space<vmem>>
        %dma_start3A_43 = arith.constant 0 : i32
        %dma_start3A_44 = tpu.memref_slice %arg5[%add3A_37, %dma_start3A_43] : memref<125x80xi32, #tpu.memory_space<vmem>> -> memref<1x80xi32, #tpu.memory_space<vmem>>
        %dma_start3A_45 = tpu.memref_squeeze %dma_start3A_44 : memref<1x80xi32, #tpu.memory_space<vmem>> -> memref<80xi32, #tpu.memory_space<vmem>>
        %dma_start3A_46 = arith.constant 0 : i32
        %dma_start3A_47 = arith.constant 0 : i32
        %dma_start3A_48 = tpu.memref_slice %arg8[%dma_start3A_46, %dma_start3A_47] : memref<10240x64xf32, #tpu.memory_space<vmem_shared>> -> memref<10240x64xf32, #tpu.memory_space<vmem_shared>>
        tpu.enqueue_indirect_dma source(%dma_start3A_42 : memref<80x64xf32, #tpu.memory_space<vmem>>) target(%dma_start3A_48 : memref<10240x64xf32, #tpu.memory_space<vmem_shared>>) offsets(%dma_start3A_45 : memref<80xi32, #tpu.memory_space<vmem>>) semaphore(%run_scoped3A : memref<!tpu.dma_semaphore, #tpu.memory_space<semaphore_mem>>) {add = true}
        %dma_wait3A = arith.constant 240 : i32
        %dma_wait3A_49 = arith.constant 0 : i32
        %dma_wait3A_50 = tpu.memref_slice %arg6[%dma_wait3A, %dma_wait3A_49] : memref<400x64xf32, #tpu.memory_space<vmem>> -> memref<80x64xf32, #tpu.memory_space<vmem>>
        %dma_wait3A_51 = arith.constant 0 : i32
        %dma_wait3A_52 = tpu.memref_slice %arg5[%add3A_37, %dma_wait3A_51] : memref<125x80xi32, #tpu.memory_space<vmem>> -> memref<1x80xi32, #tpu.memory_space<vmem>>
        %dma_wait3A_53 = tpu.memref_squeeze %dma_wait3A_52 : memref<1x80xi32, #tpu.memory_space<vmem>> -> memref<80xi32, #tpu.memory_space<vmem>>
        %dma_wait3A_54 = arith.constant 0 : i32
        %dma_wait3A_55 = arith.constant 0 : i32
        %dma_wait3A_56 = tpu.memref_slice %arg8[%dma_wait3A_54, %dma_wait3A_55] : memref<10240x64xf32, #tpu.memory_space<vmem_shared>> -> memref<10240x64xf32, #tpu.memory_space<vmem_shared>>
        tpu.wait_indirect_dma semaphore(%run_scoped3A : memref<!tpu.dma_semaphore, #tpu.memory_space<semaphore_mem>>) src(%dma_wait3A_50 : memref<80x64xf32, #tpu.memory_space<vmem>>) dst(%dma_wait3A_56 : memref<10240x64xf32, #tpu.memory_space<vmem_shared>>)
        tpu.yield
      }) : () -> ()
      %add3A_38 = arith.constant 4 : i32
      %add3A_39 = arith.addi %mul3A_29, %add3A_38 : i32
      "tpu.region"() ({
        %run_scoped3A = tpu.sem_alloc : memref<!tpu.dma_semaphore, #tpu.memory_space<semaphore_mem>>
        %dma_start3A = arith.constant 320 : i32
        %dma_start3A_41 = arith.constant 0 : i32
        %dma_start3A_42 = tpu.memref_slice %arg6[%dma_start3A, %dma_start3A_41] : memref<400x64xf32, #tpu.memory_space<vmem>> -> memref<80x64xf32, #tpu.memory_space<vmem>>
        %dma_start3A_43 = arith.constant 0 : i32
        %dma_start3A_44 = tpu.memref_slice %arg5[%add3A_39, %dma_start3A_43] : memref<125x80xi32, #tpu.memory_space<vmem>> -> memref<1x80xi32, #tpu.memory_space<vmem>>
        %dma_start3A_45 = tpu.memref_squeeze %dma_start3A_44 : memref<1x80xi32, #tpu.memory_space<vmem>> -> memref<80xi32, #tpu.memory_space<vmem>>
        %dma_start3A_46 = arith.constant 0 : i32
        %dma_start3A_47 = arith.constant 0 : i32
        %dma_start3A_48 = tpu.memref_slice %arg8[%dma_start3A_46, %dma_start3A_47] : memref<10240x64xf32, #tpu.memory_space<vmem_shared>> -> memref<10240x64xf32, #tpu.memory_space<vmem_shared>>
        tpu.enqueue_indirect_dma source(%dma_start3A_42 : memref<80x64xf32, #tpu.memory_space<vmem>>) target(%dma_start3A_48 : memref<10240x64xf32, #tpu.memory_space<vmem_shared>>) offsets(%dma_start3A_45 : memref<80xi32, #tpu.memory_space<vmem>>) semaphore(%run_scoped3A : memref<!tpu.dma_semaphore, #tpu.memory_space<semaphore_mem>>) {add = true}
        %dma_wait3A = arith.constant 320 : i32
        %dma_wait3A_49 = arith.constant 0 : i32
        %dma_wait3A_50 = tpu.memref_slice %arg6[%dma_wait3A, %dma_wait3A_49] : memref<400x64xf32, #tpu.memory_space<vmem>> -> memref<80x64xf32, #tpu.memory_space<vmem>>
        %dma_wait3A_51 = arith.constant 0 : i32
        %dma_wait3A_52 = tpu.memref_slice %arg5[%add3A_39, %dma_wait3A_51] : memref<125x80xi32, #tpu.memory_space<vmem>> -> memref<1x80xi32, #tpu.memory_space<vmem>>
        %dma_wait3A_53 = tpu.memref_squeeze %dma_wait3A_52 : memref<1x80xi32, #tpu.memory_space<vmem>> -> memref<80xi32, #tpu.memory_space<vmem>>
        %dma_wait3A_54 = arith.constant 0 : i32
        %dma_wait3A_55 = arith.constant 0 : i32
        %dma_wait3A_56 = tpu.memref_slice %arg8[%dma_wait3A_54, %dma_wait3A_55] : memref<10240x64xf32, #tpu.memory_space<vmem_shared>> -> memref<10240x64xf32, #tpu.memory_space<vmem_shared>>
        tpu.wait_indirect_dma semaphore(%run_scoped3A : memref<!tpu.dma_semaphore, #tpu.memory_space<semaphore_mem>>) src(%dma_wait3A_50 : memref<80x64xf32, #tpu.memory_space<vmem>>) dst(%dma_wait3A_56 : memref<10240x64xf32, #tpu.memory_space<vmem_shared>>)
        tpu.yield
      }) : () -> ()
      %scan3A_40 = arith.constant 0 : i32
      scf.yield %scan3A_40 : i32
    }
    %scan3A_15 = arith.constant 25 : i32
    %barrier3A_16 = arith.constant 0 : index
    tpu.barrier barrier_id(%barrier3A_16)
    %mul3A_17 = arith.constant 640 : i32
    %mul3A_18 = arith.muli %arg1, %mul3A_17 : i32
    "tpu.region"() ({
      %run_scoped3A = tpu.sem_alloc : memref<!tpu.dma_semaphore, #tpu.memory_space<semaphore_mem>>
      %dma_start3A = arith.constant 0 : i32
      %dma_start3A_21 = tpu.memref_slice %arg8[%mul3A_18, %dma_start3A] : memref<10240x64xf32, #tpu.memory_space<vmem_shared>> -> memref<640x64xf32, #tpu.memory_space<vmem_shared>>
      %dma_start3A_22 = arith.constant 0 : i32
      %dma_start3A_23 = tpu.memref_slice %arg8[%mul3A_18, %dma_start3A_22] : memref<10240x64xf32, #tpu.memory_space<vmem_shared>> -> memref<640x64xf32, #tpu.memory_space<vmem_shared>>
      tpu.enqueue_dma source(%dma_start3A_23 : memref<640x64xf32, #tpu.memory_space<vmem_shared>>) target(%arg7 : memref<640x64xf32, #tpu.memory_space<vmem>>) target_semaphore(%run_scoped3A : memref<!tpu.dma_semaphore, #tpu.memory_space<semaphore_mem>>)
      %dma_wait3A = arith.constant 0 : i32
      %dma_wait3A_24 = tpu.memref_slice %arg8[%mul3A_18, %dma_wait3A] : memref<10240x64xf32, #tpu.memory_space<vmem_shared>> -> memref<640x64xf32, #tpu.memory_space<vmem_shared>>
      %dma_wait3A_25 = arith.constant 0 : i32
      %dma_wait3A_26 = tpu.memref_slice %arg8[%mul3A_18, %dma_wait3A_25] : memref<10240x64xf32, #tpu.memory_space<vmem_shared>> -> memref<640x64xf32, #tpu.memory_space<vmem_shared>>
      tpu.wait_dma2 semaphore(%run_scoped3A : memref<!tpu.dma_semaphore, #tpu.memory_space<semaphore_mem>>) src(%dma_wait3A_26 : memref<640x64xf32, #tpu.memory_space<vmem_shared>>) dst(%arg7 : memref<640x64xf32, #tpu.memory_space<vmem>>)
      tpu.yield
    }) : () -> ()
    %mul3A_19 = arith.constant 640 : i32
    %mul3A_20 = arith.muli %arg1, %mul3A_19 : i32
    "tpu.region"() ({
      %run_scoped3A = tpu.sem_alloc : memref<!tpu.dma_semaphore, #tpu.memory_space<semaphore_mem>>
      %dma_start3A = arith.constant 0 : i32
      %dma_start3A_21 = tpu.memref_slice %arg4[%arg0, %mul3A_20, %dma_start3A] : memref<2x10240x64xf32, #tpu.memory_space<hbm>> -> memref<1x640x64xf32, #tpu.memory_space<hbm>>
      %dma_start3A_22 = tpu.memref_squeeze %dma_start3A_21 : memref<1x640x64xf32, #tpu.memory_space<hbm>> -> memref<640x64xf32, #tpu.memory_space<hbm>>
      %dma_start3A_23 = arith.constant 0 : i32
      %dma_start3A_24 = tpu.memref_slice %arg4[%arg0, %mul3A_20, %dma_start3A_23] : memref<2x10240x64xf32, #tpu.memory_space<hbm>> -> memref<1x640x64xf32, #tpu.memory_space<hbm>>
      %dma_start3A_25 = tpu.memref_squeeze %dma_start3A_24 : memref<1x640x64xf32, #tpu.memory_space<hbm>> -> memref<640x64xf32, #tpu.memory_space<hbm>>
      tpu.enqueue_dma source(%arg7 : memref<640x64xf32, #tpu.memory_space<vmem>>) target(%dma_start3A_25 : memref<640x64xf32, #tpu.memory_space<hbm>>) target_semaphore(%run_scoped3A : memref<!tpu.dma_semaphore, #tpu.memory_space<semaphore_mem>>)
      %dma_wait3A = arith.constant 0 : i32
      %dma_wait3A_26 = tpu.memref_slice %arg4[%arg0, %mul3A_20, %dma_wait3A] : memref<2x10240x64xf32, #tpu.memory_space<hbm>> -> memref<1x640x64xf32, #tpu.memory_space<hbm>>
      %dma_wait3A_27 = tpu.memref_squeeze %dma_wait3A_26 : memref<1x640x64xf32, #tpu.memory_space<hbm>> -> memref<640x64xf32, #tpu.memory_space<hbm>>
      %dma_wait3A_28 = arith.constant 0 : i32
      %dma_wait3A_29 = tpu.memref_slice %arg4[%arg0, %mul3A_20, %dma_wait3A_28] : memref<2x10240x64xf32, #tpu.memory_space<hbm>> -> memref<1x640x64xf32, #tpu.memory_space<hbm>>
      %dma_wait3A_30 = tpu.memref_squeeze %dma_wait3A_29 : memref<1x640x64xf32, #tpu.memory_space<hbm>> -> memref<640x64xf32, #tpu.memory_space<hbm>>
      tpu.wait_dma2 semaphore(%run_scoped3A : memref<!tpu.dma_semaphore, #tpu.memory_space<semaphore_mem>>) src(%arg7 : memref<640x64xf32, #tpu.memory_space<vmem>>) dst(%dma_wait3A_30 : memref<640x64xf32, #tpu.memory_space<hbm>>)
      tpu.yield
    }) : () -> ()
    return
  }
}

#map = affine_map<(d0, d1) -> (0, 0)>
#map1 = affine_map<(d0, d1) -> (0, 0, 0)>
module attributes {stable_mosaic.version = 14 : i64} {
  func.func @_gather_body(%arg0: i32, %arg1: i32, %arg2: memref<10000x64xf32, #tpu.memory_space<hbm>>, %arg3: memref<10000x64xf32, #tpu.memory_space<hbm>>, %arg4: memref<320000x64xf32, #tpu.memory_space<hbm>>, %arg5: memref<32x125x80xi32, #tpu.memory_space<hbm>>, %arg6: memref<32x125x80xi32, #tpu.memory_space<hbm>>, %arg7: memref<320000x64xf32, #tpu.memory_space<hbm>>, %arg8: memref<125x80xi32, #tpu.memory_space<vmem>>, %arg9: memref<125x80xi32, #tpu.memory_space<vmem>>, %arg10: memref<400x64xf32, #tpu.memory_space<vmem>>, %arg11: memref<400x64xf32, #tpu.memory_space<vmem>>, %arg12: memref<400x64xf32, #tpu.memory_space<vmem>>, %arg13: memref<!tpu.dma_semaphore, #tpu.memory_space<semaphore_mem>>) attributes {dimension_semantics = [#tpu.dimension_semantics<core_parallel>, #tpu.dimension_semantics<subcore_parallel>], iteration_bounds = array<i64: 2, 16>, scalar_prefetch = 0 : i64, scratch_operands = 6 : i64, tpu.core_type = #tpu.core_type<sc_vector_subcore>, window_params = [{transform_indices = #map}, {transform_indices = #map}, {transform_indices = #map}, {transform_indices = #map1}, {transform_indices = #map1}, {transform_indices = #map}]} {
    %mul3A = arith.constant 2 : i32
    %mul3A_0 = arith.muli %arg1, %mul3A : i32
    %add3A = arith.addi %mul3A_0, %arg0 : i32
    "tpu.region"() ({
      %run_scoped3A = tpu.sem_alloc : memref<!tpu.dma_semaphore, #tpu.memory_space<semaphore_mem>>
      %dma_start3A = arith.constant 0 : i32
      %dma_start3A_7 = arith.constant 0 : i32
      %dma_start3A_8 = tpu.memref_slice %arg5[%add3A, %dma_start3A, %dma_start3A_7] : memref<32x125x80xi32, #tpu.memory_space<hbm>> -> memref<1x125x80xi32, #tpu.memory_space<hbm>>
      %dma_start3A_9 = tpu.memref_squeeze %dma_start3A_8 : memref<1x125x80xi32, #tpu.memory_space<hbm>> -> memref<125x80xi32, #tpu.memory_space<hbm>>
      %dma_start3A_10 = arith.constant 0 : i32
      %dma_start3A_11 = arith.constant 0 : i32
      %dma_start3A_12 = tpu.memref_slice %arg5[%add3A, %dma_start3A_10, %dma_start3A_11] : memref<32x125x80xi32, #tpu.memory_space<hbm>> -> memref<1x125x80xi32, #tpu.memory_space<hbm>>
      %dma_start3A_13 = tpu.memref_squeeze %dma_start3A_12 : memref<1x125x80xi32, #tpu.memory_space<hbm>> -> memref<125x80xi32, #tpu.memory_space<hbm>>
      tpu.enqueue_dma source(%dma_start3A_13 : memref<125x80xi32, #tpu.memory_space<hbm>>) target(%arg8 : memref<125x80xi32, #tpu.memory_space<vmem>>) target_semaphore(%run_scoped3A : memref<!tpu.dma_semaphore, #tpu.memory_space<semaphore_mem>>)
      %dma_wait3A = arith.constant 0 : i32
      %dma_wait3A_14 = arith.constant 0 : i32
      %dma_wait3A_15 = tpu.memref_slice %arg5[%add3A, %dma_wait3A, %dma_wait3A_14] : memref<32x125x80xi32, #tpu.memory_space<hbm>> -> memref<1x125x80xi32, #tpu.memory_space<hbm>>
      %dma_wait3A_16 = tpu.memref_squeeze %dma_wait3A_15 : memref<1x125x80xi32, #tpu.memory_space<hbm>> -> memref<125x80xi32, #tpu.memory_space<hbm>>
      %dma_wait3A_17 = arith.constant 0 : i32
      %dma_wait3A_18 = arith.constant 0 : i32
      %dma_wait3A_19 = tpu.memref_slice %arg5[%add3A, %dma_wait3A_17, %dma_wait3A_18] : memref<32x125x80xi32, #tpu.memory_space<hbm>> -> memref<1x125x80xi32, #tpu.memory_space<hbm>>
      %dma_wait3A_20 = tpu.memref_squeeze %dma_wait3A_19 : memref<1x125x80xi32, #tpu.memory_space<hbm>> -> memref<125x80xi32, #tpu.memory_space<hbm>>
      tpu.wait_dma2 semaphore(%run_scoped3A : memref<!tpu.dma_semaphore, #tpu.memory_space<semaphore_mem>>) src(%dma_wait3A_20 : memref<125x80xi32, #tpu.memory_space<hbm>>) dst(%arg8 : memref<125x80xi32, #tpu.memory_space<vmem>>)
      tpu.yield
    }) : () -> ()
    "tpu.region"() ({
      %run_scoped3A = tpu.sem_alloc : memref<!tpu.dma_semaphore, #tpu.memory_space<semaphore_mem>>
      %dma_start3A = arith.constant 0 : i32
      %dma_start3A_7 = arith.constant 0 : i32
      %dma_start3A_8 = tpu.memref_slice %arg6[%add3A, %dma_start3A, %dma_start3A_7] : memref<32x125x80xi32, #tpu.memory_space<hbm>> -> memref<1x125x80xi32, #tpu.memory_space<hbm>>
      %dma_start3A_9 = tpu.memref_squeeze %dma_start3A_8 : memref<1x125x80xi32, #tpu.memory_space<hbm>> -> memref<125x80xi32, #tpu.memory_space<hbm>>
      %dma_start3A_10 = arith.constant 0 : i32
      %dma_start3A_11 = arith.constant 0 : i32
      %dma_start3A_12 = tpu.memref_slice %arg6[%add3A, %dma_start3A_10, %dma_start3A_11] : memref<32x125x80xi32, #tpu.memory_space<hbm>> -> memref<1x125x80xi32, #tpu.memory_space<hbm>>
      %dma_start3A_13 = tpu.memref_squeeze %dma_start3A_12 : memref<1x125x80xi32, #tpu.memory_space<hbm>> -> memref<125x80xi32, #tpu.memory_space<hbm>>
      tpu.enqueue_dma source(%dma_start3A_13 : memref<125x80xi32, #tpu.memory_space<hbm>>) target(%arg9 : memref<125x80xi32, #tpu.memory_space<vmem>>) target_semaphore(%run_scoped3A : memref<!tpu.dma_semaphore, #tpu.memory_space<semaphore_mem>>)
      %dma_wait3A = arith.constant 0 : i32
      %dma_wait3A_14 = arith.constant 0 : i32
      %dma_wait3A_15 = tpu.memref_slice %arg6[%add3A, %dma_wait3A, %dma_wait3A_14] : memref<32x125x80xi32, #tpu.memory_space<hbm>> -> memref<1x125x80xi32, #tpu.memory_space<hbm>>
      %dma_wait3A_16 = tpu.memref_squeeze %dma_wait3A_15 : memref<1x125x80xi32, #tpu.memory_space<hbm>> -> memref<125x80xi32, #tpu.memory_space<hbm>>
      %dma_wait3A_17 = arith.constant 0 : i32
      %dma_wait3A_18 = arith.constant 0 : i32
      %dma_wait3A_19 = tpu.memref_slice %arg6[%add3A, %dma_wait3A_17, %dma_wait3A_18] : memref<32x125x80xi32, #tpu.memory_space<hbm>> -> memref<1x125x80xi32, #tpu.memory_space<hbm>>
      %dma_wait3A_20 = tpu.memref_squeeze %dma_wait3A_19 : memref<1x125x80xi32, #tpu.memory_space<hbm>> -> memref<125x80xi32, #tpu.memory_space<hbm>>
      tpu.wait_dma2 semaphore(%run_scoped3A : memref<!tpu.dma_semaphore, #tpu.memory_space<semaphore_mem>>) src(%dma_wait3A_20 : memref<125x80xi32, #tpu.memory_space<hbm>>) dst(%arg9 : memref<125x80xi32, #tpu.memory_space<vmem>>)
      tpu.yield
    }) : () -> ()
    %scan3A = arith.constant 0 : i32
    %scan3A_1 = arith.constant 0 : i32
    %scan3A_2 = arith.constant 25 : i32
    %scan3A_3 = arith.addi %scan3A_1, %scan3A_2 : i32
    %scan3A_4 = arith.constant 1 : i32
    %scan3A_5 = scf.for %scan3A_7 = %scan3A_1 to %scan3A_3 step %scan3A_4 iter_args(%scan3A_8 = %scan3A) -> (i32)  : i32 {
      %mul3A_9 = arith.constant 10000 : i32
      %mul3A_10 = arith.muli %add3A, %mul3A_9 : i32
      %mul3A_11 = arith.constant 400 : i32
      %mul3A_12 = arith.muli %scan3A_7, %mul3A_11 : i32
      %add3A_13 = arith.addi %mul3A_10, %mul3A_12 : i32
      %mul3A_14 = arith.constant 5 : i32
      %mul3A_15 = arith.muli %scan3A_7, %mul3A_14 : i32
      "tpu.region"() ({
        %run_scoped3A = tpu.sem_alloc : memref<!tpu.dma_semaphore, #tpu.memory_space<semaphore_mem>>
        %dma_start3A_222 = arith.constant 0 : i32
        %dma_start3A_223 = tpu.memref_slice %arg4[%add3A_13, %dma_start3A_222] : memref<320000x64xf32, #tpu.memory_space<hbm>> -> memref<400x64xf32, #tpu.memory_space<hbm>>
        %dma_start3A_224 = arith.constant 0 : i32
        %dma_start3A_225 = tpu.memref_slice %arg4[%add3A_13, %dma_start3A_224] : memref<320000x64xf32, #tpu.memory_space<hbm>> -> memref<400x64xf32, #tpu.memory_space<hbm>>
        tpu.enqueue_dma source(%dma_start3A_225 : memref<400x64xf32, #tpu.memory_space<hbm>>) target(%arg12 : memref<400x64xf32, #tpu.memory_space<vmem>>) target_semaphore(%run_scoped3A : memref<!tpu.dma_semaphore, #tpu.memory_space<semaphore_mem>>)
        %dma_wait3A_226 = arith.constant 0 : i32
        %dma_wait3A_227 = tpu.memref_slice %arg4[%add3A_13, %dma_wait3A_226] : memref<320000x64xf32, #tpu.memory_space<hbm>> -> memref<400x64xf32, #tpu.memory_space<hbm>>
        %dma_wait3A_228 = arith.constant 0 : i32
        %dma_wait3A_229 = tpu.memref_slice %arg4[%add3A_13, %dma_wait3A_228] : memref<320000x64xf32, #tpu.memory_space<hbm>> -> memref<400x64xf32, #tpu.memory_space<hbm>>
        tpu.wait_dma2 semaphore(%run_scoped3A : memref<!tpu.dma_semaphore, #tpu.memory_space<semaphore_mem>>) src(%dma_wait3A_229 : memref<400x64xf32, #tpu.memory_space<hbm>>) dst(%arg12 : memref<400x64xf32, #tpu.memory_space<vmem>>)
        tpu.yield
      }) : () -> ()
      %add3A_16 = arith.constant 0 : i32
      %add3A_17 = arith.addi %mul3A_15, %add3A_16 : i32
      %dma_start3A = arith.constant 0 : i32
      %dma_start3A_18 = arith.constant 0 : i32
      %dma_start3A_19 = tpu.memref_slice %arg10[%dma_start3A, %dma_start3A_18] : memref<400x64xf32, #tpu.memory_space<vmem>> -> memref<80x64xf32, #tpu.memory_space<vmem>>
      %dma_start3A_20 = arith.constant 0 : i32
      %dma_start3A_21 = tpu.memref_slice %arg8[%add3A_17, %dma_start3A_20] : memref<125x80xi32, #tpu.memory_space<vmem>> -> memref<1x80xi32, #tpu.memory_space<vmem>>
      %dma_start3A_22 = tpu.memref_squeeze %dma_start3A_21 : memref<1x80xi32, #tpu.memory_space<vmem>> -> memref<80xi32, #tpu.memory_space<vmem>>
      %dma_start3A_23 = arith.constant 0 : i32
      %dma_start3A_24 = arith.constant 0 : i32
      %dma_start3A_25 = tpu.memref_slice %arg2[%dma_start3A_23, %dma_start3A_24] : memref<10000x64xf32, #tpu.memory_space<hbm>> -> memref<10000x64xf32, #tpu.memory_space<hbm>>
      tpu.enqueue_indirect_dma source(%dma_start3A_25 : memref<10000x64xf32, #tpu.memory_space<hbm>>) target(%dma_start3A_19 : memref<80x64xf32, #tpu.memory_space<vmem>>) offsets(%dma_start3A_22 : memref<80xi32, #tpu.memory_space<vmem>>) semaphore(%arg13 : memref<!tpu.dma_semaphore, #tpu.memory_space<semaphore_mem>>)
      %add3A_26 = arith.constant 0 : i32
      %add3A_27 = arith.addi %mul3A_15, %add3A_26 : i32
      %dma_start3A_28 = arith.constant 0 : i32
      %dma_start3A_29 = arith.constant 0 : i32
      %dma_start3A_30 = tpu.memref_slice %arg11[%dma_start3A_28, %dma_start3A_29] : memref<400x64xf32, #tpu.memory_space<vmem>> -> memref<80x64xf32, #tpu.memory_space<vmem>>
      %dma_start3A_31 = arith.constant 0 : i32
      %dma_start3A_32 = tpu.memref_slice %arg9[%add3A_27, %dma_start3A_31] : memref<125x80xi32, #tpu.memory_space<vmem>> -> memref<1x80xi32, #tpu.memory_space<vmem>>
      %dma_start3A_33 = tpu.memref_squeeze %dma_start3A_32 : memref<1x80xi32, #tpu.memory_space<vmem>> -> memref<80xi32, #tpu.memory_space<vmem>>
      %dma_start3A_34 = arith.constant 0 : i32
      %dma_start3A_35 = arith.constant 0 : i32
      %dma_start3A_36 = tpu.memref_slice %arg3[%dma_start3A_34, %dma_start3A_35] : memref<10000x64xf32, #tpu.memory_space<hbm>> -> memref<10000x64xf32, #tpu.memory_space<hbm>>
      tpu.enqueue_indirect_dma source(%dma_start3A_36 : memref<10000x64xf32, #tpu.memory_space<hbm>>) target(%dma_start3A_30 : memref<80x64xf32, #tpu.memory_space<vmem>>) offsets(%dma_start3A_33 : memref<80xi32, #tpu.memory_space<vmem>>) semaphore(%arg13 : memref<!tpu.dma_semaphore, #tpu.memory_space<semaphore_mem>>)
      %add3A_37 = arith.constant 1 : i32
      %add3A_38 = arith.addi %mul3A_15, %add3A_37 : i32
      %dma_start3A_39 = arith.constant 80 : i32
      %dma_start3A_40 = arith.constant 0 : i32
      %dma_start3A_41 = tpu.memref_slice %arg10[%dma_start3A_39, %dma_start3A_40] : memref<400x64xf32, #tpu.memory_space<vmem>> -> memref<80x64xf32, #tpu.memory_space<vmem>>
      %dma_start3A_42 = arith.constant 0 : i32
      %dma_start3A_43 = tpu.memref_slice %arg8[%add3A_38, %dma_start3A_42] : memref<125x80xi32, #tpu.memory_space<vmem>> -> memref<1x80xi32, #tpu.memory_space<vmem>>
      %dma_start3A_44 = tpu.memref_squeeze %dma_start3A_43 : memref<1x80xi32, #tpu.memory_space<vmem>> -> memref<80xi32, #tpu.memory_space<vmem>>
      %dma_start3A_45 = arith.constant 0 : i32
      %dma_start3A_46 = arith.constant 0 : i32
      %dma_start3A_47 = tpu.memref_slice %arg2[%dma_start3A_45, %dma_start3A_46] : memref<10000x64xf32, #tpu.memory_space<hbm>> -> memref<10000x64xf32, #tpu.memory_space<hbm>>
      tpu.enqueue_indirect_dma source(%dma_start3A_47 : memref<10000x64xf32, #tpu.memory_space<hbm>>) target(%dma_start3A_41 : memref<80x64xf32, #tpu.memory_space<vmem>>) offsets(%dma_start3A_44 : memref<80xi32, #tpu.memory_space<vmem>>) semaphore(%arg13 : memref<!tpu.dma_semaphore, #tpu.memory_space<semaphore_mem>>)
      %add3A_48 = arith.constant 1 : i32
      %add3A_49 = arith.addi %mul3A_15, %add3A_48 : i32
      %dma_start3A_50 = arith.constant 80 : i32
      %dma_start3A_51 = arith.constant 0 : i32
      %dma_start3A_52 = tpu.memref_slice %arg11[%dma_start3A_50, %dma_start3A_51] : memref<400x64xf32, #tpu.memory_space<vmem>> -> memref<80x64xf32, #tpu.memory_space<vmem>>
      %dma_start3A_53 = arith.constant 0 : i32
      %dma_start3A_54 = tpu.memref_slice %arg9[%add3A_49, %dma_start3A_53] : memref<125x80xi32, #tpu.memory_space<vmem>> -> memref<1x80xi32, #tpu.memory_space<vmem>>
      %dma_start3A_55 = tpu.memref_squeeze %dma_start3A_54 : memref<1x80xi32, #tpu.memory_space<vmem>> -> memref<80xi32, #tpu.memory_space<vmem>>
      %dma_start3A_56 = arith.constant 0 : i32
      %dma_start3A_57 = arith.constant 0 : i32
      %dma_start3A_58 = tpu.memref_slice %arg3[%dma_start3A_56, %dma_start3A_57] : memref<10000x64xf32, #tpu.memory_space<hbm>> -> memref<10000x64xf32, #tpu.memory_space<hbm>>
      tpu.enqueue_indirect_dma source(%dma_start3A_58 : memref<10000x64xf32, #tpu.memory_space<hbm>>) target(%dma_start3A_52 : memref<80x64xf32, #tpu.memory_space<vmem>>) offsets(%dma_start3A_55 : memref<80xi32, #tpu.memory_space<vmem>>) semaphore(%arg13 : memref<!tpu.dma_semaphore, #tpu.memory_space<semaphore_mem>>)
      %add3A_59 = arith.constant 2 : i32
      %add3A_60 = arith.addi %mul3A_15, %add3A_59 : i32
      %dma_start3A_61 = arith.constant 160 : i32
      %dma_start3A_62 = arith.constant 0 : i32
      %dma_start3A_63 = tpu.memref_slice %arg10[%dma_start3A_61, %dma_start3A_62] : memref<400x64xf32, #tpu.memory_space<vmem>> -> memref<80x64xf32, #tpu.memory_space<vmem>>
      %dma_start3A_64 = arith.constant 0 : i32
      %dma_start3A_65 = tpu.memref_slice %arg8[%add3A_60, %dma_start3A_64] : memref<125x80xi32, #tpu.memory_space<vmem>> -> memref<1x80xi32, #tpu.memory_space<vmem>>
      %dma_start3A_66 = tpu.memref_squeeze %dma_start3A_65 : memref<1x80xi32, #tpu.memory_space<vmem>> -> memref<80xi32, #tpu.memory_space<vmem>>
      %dma_start3A_67 = arith.constant 0 : i32
      %dma_start3A_68 = arith.constant 0 : i32
      %dma_start3A_69 = tpu.memref_slice %arg2[%dma_start3A_67, %dma_start3A_68] : memref<10000x64xf32, #tpu.memory_space<hbm>> -> memref<10000x64xf32, #tpu.memory_space<hbm>>
      tpu.enqueue_indirect_dma source(%dma_start3A_69 : memref<10000x64xf32, #tpu.memory_space<hbm>>) target(%dma_start3A_63 : memref<80x64xf32, #tpu.memory_space<vmem>>) offsets(%dma_start3A_66 : memref<80xi32, #tpu.memory_space<vmem>>) semaphore(%arg13 : memref<!tpu.dma_semaphore, #tpu.memory_space<semaphore_mem>>)
      %add3A_70 = arith.constant 2 : i32
      %add3A_71 = arith.addi %mul3A_15, %add3A_70 : i32
      %dma_start3A_72 = arith.constant 160 : i32
      %dma_start3A_73 = arith.constant 0 : i32
      %dma_start3A_74 = tpu.memref_slice %arg11[%dma_start3A_72, %dma_start3A_73] : memref<400x64xf32, #tpu.memory_space<vmem>> -> memref<80x64xf32, #tpu.memory_space<vmem>>
      %dma_start3A_75 = arith.constant 0 : i32
      %dma_start3A_76 = tpu.memref_slice %arg9[%add3A_71, %dma_start3A_75] : memref<125x80xi32, #tpu.memory_space<vmem>> -> memref<1x80xi32, #tpu.memory_space<vmem>>
      %dma_start3A_77 = tpu.memref_squeeze %dma_start3A_76 : memref<1x80xi32, #tpu.memory_space<vmem>> -> memref<80xi32, #tpu.memory_space<vmem>>
      %dma_start3A_78 = arith.constant 0 : i32
      %dma_start3A_79 = arith.constant 0 : i32
      %dma_start3A_80 = tpu.memref_slice %arg3[%dma_start3A_78, %dma_start3A_79] : memref<10000x64xf32, #tpu.memory_space<hbm>> -> memref<10000x64xf32, #tpu.memory_space<hbm>>
      tpu.enqueue_indirect_dma source(%dma_start3A_80 : memref<10000x64xf32, #tpu.memory_space<hbm>>) target(%dma_start3A_74 : memref<80x64xf32, #tpu.memory_space<vmem>>) offsets(%dma_start3A_77 : memref<80xi32, #tpu.memory_space<vmem>>) semaphore(%arg13 : memref<!tpu.dma_semaphore, #tpu.memory_space<semaphore_mem>>)
      %add3A_81 = arith.constant 3 : i32
      %add3A_82 = arith.addi %mul3A_15, %add3A_81 : i32
      %dma_start3A_83 = arith.constant 240 : i32
      %dma_start3A_84 = arith.constant 0 : i32
      %dma_start3A_85 = tpu.memref_slice %arg10[%dma_start3A_83, %dma_start3A_84] : memref<400x64xf32, #tpu.memory_space<vmem>> -> memref<80x64xf32, #tpu.memory_space<vmem>>
      %dma_start3A_86 = arith.constant 0 : i32
      %dma_start3A_87 = tpu.memref_slice %arg8[%add3A_82, %dma_start3A_86] : memref<125x80xi32, #tpu.memory_space<vmem>> -> memref<1x80xi32, #tpu.memory_space<vmem>>
      %dma_start3A_88 = tpu.memref_squeeze %dma_start3A_87 : memref<1x80xi32, #tpu.memory_space<vmem>> -> memref<80xi32, #tpu.memory_space<vmem>>
      %dma_start3A_89 = arith.constant 0 : i32
      %dma_start3A_90 = arith.constant 0 : i32
      %dma_start3A_91 = tpu.memref_slice %arg2[%dma_start3A_89, %dma_start3A_90] : memref<10000x64xf32, #tpu.memory_space<hbm>> -> memref<10000x64xf32, #tpu.memory_space<hbm>>
      tpu.enqueue_indirect_dma source(%dma_start3A_91 : memref<10000x64xf32, #tpu.memory_space<hbm>>) target(%dma_start3A_85 : memref<80x64xf32, #tpu.memory_space<vmem>>) offsets(%dma_start3A_88 : memref<80xi32, #tpu.memory_space<vmem>>) semaphore(%arg13 : memref<!tpu.dma_semaphore, #tpu.memory_space<semaphore_mem>>)
      %add3A_92 = arith.constant 3 : i32
      %add3A_93 = arith.addi %mul3A_15, %add3A_92 : i32
      %dma_start3A_94 = arith.constant 240 : i32
      %dma_start3A_95 = arith.constant 0 : i32
      %dma_start3A_96 = tpu.memref_slice %arg11[%dma_start3A_94, %dma_start3A_95] : memref<400x64xf32, #tpu.memory_space<vmem>> -> memref<80x64xf32, #tpu.memory_space<vmem>>
      %dma_start3A_97 = arith.constant 0 : i32
      %dma_start3A_98 = tpu.memref_slice %arg9[%add3A_93, %dma_start3A_97] : memref<125x80xi32, #tpu.memory_space<vmem>> -> memref<1x80xi32, #tpu.memory_space<vmem>>
      %dma_start3A_99 = tpu.memref_squeeze %dma_start3A_98 : memref<1x80xi32, #tpu.memory_space<vmem>> -> memref<80xi32, #tpu.memory_space<vmem>>
      %dma_start3A_100 = arith.constant 0 : i32
      %dma_start3A_101 = arith.constant 0 : i32
      %dma_start3A_102 = tpu.memref_slice %arg3[%dma_start3A_100, %dma_start3A_101] : memref<10000x64xf32, #tpu.memory_space<hbm>> -> memref<10000x64xf32, #tpu.memory_space<hbm>>
      tpu.enqueue_indirect_dma source(%dma_start3A_102 : memref<10000x64xf32, #tpu.memory_space<hbm>>) target(%dma_start3A_96 : memref<80x64xf32, #tpu.memory_space<vmem>>) offsets(%dma_start3A_99 : memref<80xi32, #tpu.memory_space<vmem>>) semaphore(%arg13 : memref<!tpu.dma_semaphore, #tpu.memory_space<semaphore_mem>>)
      %add3A_103 = arith.constant 4 : i32
      %add3A_104 = arith.addi %mul3A_15, %add3A_103 : i32
      %dma_start3A_105 = arith.constant 320 : i32
      %dma_start3A_106 = arith.constant 0 : i32
      %dma_start3A_107 = tpu.memref_slice %arg10[%dma_start3A_105, %dma_start3A_106] : memref<400x64xf32, #tpu.memory_space<vmem>> -> memref<80x64xf32, #tpu.memory_space<vmem>>
      %dma_start3A_108 = arith.constant 0 : i32
      %dma_start3A_109 = tpu.memref_slice %arg8[%add3A_104, %dma_start3A_108] : memref<125x80xi32, #tpu.memory_space<vmem>> -> memref<1x80xi32, #tpu.memory_space<vmem>>
      %dma_start3A_110 = tpu.memref_squeeze %dma_start3A_109 : memref<1x80xi32, #tpu.memory_space<vmem>> -> memref<80xi32, #tpu.memory_space<vmem>>
      %dma_start3A_111 = arith.constant 0 : i32
      %dma_start3A_112 = arith.constant 0 : i32
      %dma_start3A_113 = tpu.memref_slice %arg2[%dma_start3A_111, %dma_start3A_112] : memref<10000x64xf32, #tpu.memory_space<hbm>> -> memref<10000x64xf32, #tpu.memory_space<hbm>>
      tpu.enqueue_indirect_dma source(%dma_start3A_113 : memref<10000x64xf32, #tpu.memory_space<hbm>>) target(%dma_start3A_107 : memref<80x64xf32, #tpu.memory_space<vmem>>) offsets(%dma_start3A_110 : memref<80xi32, #tpu.memory_space<vmem>>) semaphore(%arg13 : memref<!tpu.dma_semaphore, #tpu.memory_space<semaphore_mem>>)
      %add3A_114 = arith.constant 4 : i32
      %add3A_115 = arith.addi %mul3A_15, %add3A_114 : i32
      %dma_start3A_116 = arith.constant 320 : i32
      %dma_start3A_117 = arith.constant 0 : i32
      %dma_start3A_118 = tpu.memref_slice %arg11[%dma_start3A_116, %dma_start3A_117] : memref<400x64xf32, #tpu.memory_space<vmem>> -> memref<80x64xf32, #tpu.memory_space<vmem>>
      %dma_start3A_119 = arith.constant 0 : i32
      %dma_start3A_120 = tpu.memref_slice %arg9[%add3A_115, %dma_start3A_119] : memref<125x80xi32, #tpu.memory_space<vmem>> -> memref<1x80xi32, #tpu.memory_space<vmem>>
      %dma_start3A_121 = tpu.memref_squeeze %dma_start3A_120 : memref<1x80xi32, #tpu.memory_space<vmem>> -> memref<80xi32, #tpu.memory_space<vmem>>
      %dma_start3A_122 = arith.constant 0 : i32
      %dma_start3A_123 = arith.constant 0 : i32
      %dma_start3A_124 = tpu.memref_slice %arg3[%dma_start3A_122, %dma_start3A_123] : memref<10000x64xf32, #tpu.memory_space<hbm>> -> memref<10000x64xf32, #tpu.memory_space<hbm>>
      tpu.enqueue_indirect_dma source(%dma_start3A_124 : memref<10000x64xf32, #tpu.memory_space<hbm>>) target(%dma_start3A_118 : memref<80x64xf32, #tpu.memory_space<vmem>>) offsets(%dma_start3A_121 : memref<80xi32, #tpu.memory_space<vmem>>) semaphore(%arg13 : memref<!tpu.dma_semaphore, #tpu.memory_space<semaphore_mem>>)
      %dma_wait3A = arith.constant 0 : i32
      %dma_wait3A_125 = arith.constant 0 : i32
      %dma_wait3A_126 = tpu.memref_slice %arg10[%dma_wait3A, %dma_wait3A_125] : memref<400x64xf32, #tpu.memory_space<vmem>> -> memref<80x64xf32, #tpu.memory_space<vmem>>
      %dma_wait3A_127 = arith.constant 0 : i32
      %dma_wait3A_128 = tpu.memref_slice %arg8[%add3A_17, %dma_wait3A_127] : memref<125x80xi32, #tpu.memory_space<vmem>> -> memref<1x80xi32, #tpu.memory_space<vmem>>
      %dma_wait3A_129 = tpu.memref_squeeze %dma_wait3A_128 : memref<1x80xi32, #tpu.memory_space<vmem>> -> memref<80xi32, #tpu.memory_space<vmem>>
      %dma_wait3A_130 = arith.constant 0 : i32
      %dma_wait3A_131 = arith.constant 0 : i32
      %dma_wait3A_132 = tpu.memref_slice %arg2[%dma_wait3A_130, %dma_wait3A_131] : memref<10000x64xf32, #tpu.memory_space<hbm>> -> memref<10000x64xf32, #tpu.memory_space<hbm>>
      tpu.wait_indirect_dma semaphore(%arg13 : memref<!tpu.dma_semaphore, #tpu.memory_space<semaphore_mem>>) src(%dma_wait3A_132 : memref<10000x64xf32, #tpu.memory_space<hbm>>) dst(%dma_wait3A_126 : memref<80x64xf32, #tpu.memory_space<vmem>>)
      %dma_wait3A_133 = arith.constant 0 : i32
      %dma_wait3A_134 = arith.constant 0 : i32
      %dma_wait3A_135 = tpu.memref_slice %arg11[%dma_wait3A_133, %dma_wait3A_134] : memref<400x64xf32, #tpu.memory_space<vmem>> -> memref<80x64xf32, #tpu.memory_space<vmem>>
      %dma_wait3A_136 = arith.constant 0 : i32
      %dma_wait3A_137 = tpu.memref_slice %arg9[%add3A_27, %dma_wait3A_136] : memref<125x80xi32, #tpu.memory_space<vmem>> -> memref<1x80xi32, #tpu.memory_space<vmem>>
      %dma_wait3A_138 = tpu.memref_squeeze %dma_wait3A_137 : memref<1x80xi32, #tpu.memory_space<vmem>> -> memref<80xi32, #tpu.memory_space<vmem>>
      %dma_wait3A_139 = arith.constant 0 : i32
      %dma_wait3A_140 = arith.constant 0 : i32
      %dma_wait3A_141 = tpu.memref_slice %arg3[%dma_wait3A_139, %dma_wait3A_140] : memref<10000x64xf32, #tpu.memory_space<hbm>> -> memref<10000x64xf32, #tpu.memory_space<hbm>>
      tpu.wait_indirect_dma semaphore(%arg13 : memref<!tpu.dma_semaphore, #tpu.memory_space<semaphore_mem>>) src(%dma_wait3A_141 : memref<10000x64xf32, #tpu.memory_space<hbm>>) dst(%dma_wait3A_135 : memref<80x64xf32, #tpu.memory_space<vmem>>)
      %dma_wait3A_142 = arith.constant 80 : i32
      %dma_wait3A_143 = arith.constant 0 : i32
      %dma_wait3A_144 = tpu.memref_slice %arg10[%dma_wait3A_142, %dma_wait3A_143] : memref<400x64xf32, #tpu.memory_space<vmem>> -> memref<80x64xf32, #tpu.memory_space<vmem>>
      %dma_wait3A_145 = arith.constant 0 : i32
      %dma_wait3A_146 = tpu.memref_slice %arg8[%add3A_38, %dma_wait3A_145] : memref<125x80xi32, #tpu.memory_space<vmem>> -> memref<1x80xi32, #tpu.memory_space<vmem>>
      %dma_wait3A_147 = tpu.memref_squeeze %dma_wait3A_146 : memref<1x80xi32, #tpu.memory_space<vmem>> -> memref<80xi32, #tpu.memory_space<vmem>>
      %dma_wait3A_148 = arith.constant 0 : i32
      %dma_wait3A_149 = arith.constant 0 : i32
      %dma_wait3A_150 = tpu.memref_slice %arg2[%dma_wait3A_148, %dma_wait3A_149] : memref<10000x64xf32, #tpu.memory_space<hbm>> -> memref<10000x64xf32, #tpu.memory_space<hbm>>
      tpu.wait_indirect_dma semaphore(%arg13 : memref<!tpu.dma_semaphore, #tpu.memory_space<semaphore_mem>>) src(%dma_wait3A_150 : memref<10000x64xf32, #tpu.memory_space<hbm>>) dst(%dma_wait3A_144 : memref<80x64xf32, #tpu.memory_space<vmem>>)
      %dma_wait3A_151 = arith.constant 80 : i32
      %dma_wait3A_152 = arith.constant 0 : i32
      %dma_wait3A_153 = tpu.memref_slice %arg11[%dma_wait3A_151, %dma_wait3A_152] : memref<400x64xf32, #tpu.memory_space<vmem>> -> memref<80x64xf32, #tpu.memory_space<vmem>>
      %dma_wait3A_154 = arith.constant 0 : i32
      %dma_wait3A_155 = tpu.memref_slice %arg9[%add3A_49, %dma_wait3A_154] : memref<125x80xi32, #tpu.memory_space<vmem>> -> memref<1x80xi32, #tpu.memory_space<vmem>>
      %dma_wait3A_156 = tpu.memref_squeeze %dma_wait3A_155 : memref<1x80xi32, #tpu.memory_space<vmem>> -> memref<80xi32, #tpu.memory_space<vmem>>
      %dma_wait3A_157 = arith.constant 0 : i32
      %dma_wait3A_158 = arith.constant 0 : i32
      %dma_wait3A_159 = tpu.memref_slice %arg3[%dma_wait3A_157, %dma_wait3A_158] : memref<10000x64xf32, #tpu.memory_space<hbm>> -> memref<10000x64xf32, #tpu.memory_space<hbm>>
      tpu.wait_indirect_dma semaphore(%arg13 : memref<!tpu.dma_semaphore, #tpu.memory_space<semaphore_mem>>) src(%dma_wait3A_159 : memref<10000x64xf32, #tpu.memory_space<hbm>>) dst(%dma_wait3A_153 : memref<80x64xf32, #tpu.memory_space<vmem>>)
      %dma_wait3A_160 = arith.constant 160 : i32
      %dma_wait3A_161 = arith.constant 0 : i32
      %dma_wait3A_162 = tpu.memref_slice %arg10[%dma_wait3A_160, %dma_wait3A_161] : memref<400x64xf32, #tpu.memory_space<vmem>> -> memref<80x64xf32, #tpu.memory_space<vmem>>
      %dma_wait3A_163 = arith.constant 0 : i32
      %dma_wait3A_164 = tpu.memref_slice %arg8[%add3A_60, %dma_wait3A_163] : memref<125x80xi32, #tpu.memory_space<vmem>> -> memref<1x80xi32, #tpu.memory_space<vmem>>
      %dma_wait3A_165 = tpu.memref_squeeze %dma_wait3A_164 : memref<1x80xi32, #tpu.memory_space<vmem>> -> memref<80xi32, #tpu.memory_space<vmem>>
      %dma_wait3A_166 = arith.constant 0 : i32
      %dma_wait3A_167 = arith.constant 0 : i32
      %dma_wait3A_168 = tpu.memref_slice %arg2[%dma_wait3A_166, %dma_wait3A_167] : memref<10000x64xf32, #tpu.memory_space<hbm>> -> memref<10000x64xf32, #tpu.memory_space<hbm>>
      tpu.wait_indirect_dma semaphore(%arg13 : memref<!tpu.dma_semaphore, #tpu.memory_space<semaphore_mem>>) src(%dma_wait3A_168 : memref<10000x64xf32, #tpu.memory_space<hbm>>) dst(%dma_wait3A_162 : memref<80x64xf32, #tpu.memory_space<vmem>>)
      %dma_wait3A_169 = arith.constant 160 : i32
      %dma_wait3A_170 = arith.constant 0 : i32
      %dma_wait3A_171 = tpu.memref_slice %arg11[%dma_wait3A_169, %dma_wait3A_170] : memref<400x64xf32, #tpu.memory_space<vmem>> -> memref<80x64xf32, #tpu.memory_space<vmem>>
      %dma_wait3A_172 = arith.constant 0 : i32
      %dma_wait3A_173 = tpu.memref_slice %arg9[%add3A_71, %dma_wait3A_172] : memref<125x80xi32, #tpu.memory_space<vmem>> -> memref<1x80xi32, #tpu.memory_space<vmem>>
      %dma_wait3A_174 = tpu.memref_squeeze %dma_wait3A_173 : memref<1x80xi32, #tpu.memory_space<vmem>> -> memref<80xi32, #tpu.memory_space<vmem>>
      %dma_wait3A_175 = arith.constant 0 : i32
      %dma_wait3A_176 = arith.constant 0 : i32
      %dma_wait3A_177 = tpu.memref_slice %arg3[%dma_wait3A_175, %dma_wait3A_176] : memref<10000x64xf32, #tpu.memory_space<hbm>> -> memref<10000x64xf32, #tpu.memory_space<hbm>>
      tpu.wait_indirect_dma semaphore(%arg13 : memref<!tpu.dma_semaphore, #tpu.memory_space<semaphore_mem>>) src(%dma_wait3A_177 : memref<10000x64xf32, #tpu.memory_space<hbm>>) dst(%dma_wait3A_171 : memref<80x64xf32, #tpu.memory_space<vmem>>)
      %dma_wait3A_178 = arith.constant 240 : i32
      %dma_wait3A_179 = arith.constant 0 : i32
      %dma_wait3A_180 = tpu.memref_slice %arg10[%dma_wait3A_178, %dma_wait3A_179] : memref<400x64xf32, #tpu.memory_space<vmem>> -> memref<80x64xf32, #tpu.memory_space<vmem>>
      %dma_wait3A_181 = arith.constant 0 : i32
      %dma_wait3A_182 = tpu.memref_slice %arg8[%add3A_82, %dma_wait3A_181] : memref<125x80xi32, #tpu.memory_space<vmem>> -> memref<1x80xi32, #tpu.memory_space<vmem>>
      %dma_wait3A_183 = tpu.memref_squeeze %dma_wait3A_182 : memref<1x80xi32, #tpu.memory_space<vmem>> -> memref<80xi32, #tpu.memory_space<vmem>>
      %dma_wait3A_184 = arith.constant 0 : i32
      %dma_wait3A_185 = arith.constant 0 : i32
      %dma_wait3A_186 = tpu.memref_slice %arg2[%dma_wait3A_184, %dma_wait3A_185] : memref<10000x64xf32, #tpu.memory_space<hbm>> -> memref<10000x64xf32, #tpu.memory_space<hbm>>
      tpu.wait_indirect_dma semaphore(%arg13 : memref<!tpu.dma_semaphore, #tpu.memory_space<semaphore_mem>>) src(%dma_wait3A_186 : memref<10000x64xf32, #tpu.memory_space<hbm>>) dst(%dma_wait3A_180 : memref<80x64xf32, #tpu.memory_space<vmem>>)
      %dma_wait3A_187 = arith.constant 240 : i32
      %dma_wait3A_188 = arith.constant 0 : i32
      %dma_wait3A_189 = tpu.memref_slice %arg11[%dma_wait3A_187, %dma_wait3A_188] : memref<400x64xf32, #tpu.memory_space<vmem>> -> memref<80x64xf32, #tpu.memory_space<vmem>>
      %dma_wait3A_190 = arith.constant 0 : i32
      %dma_wait3A_191 = tpu.memref_slice %arg9[%add3A_93, %dma_wait3A_190] : memref<125x80xi32, #tpu.memory_space<vmem>> -> memref<1x80xi32, #tpu.memory_space<vmem>>
      %dma_wait3A_192 = tpu.memref_squeeze %dma_wait3A_191 : memref<1x80xi32, #tpu.memory_space<vmem>> -> memref<80xi32, #tpu.memory_space<vmem>>
      %dma_wait3A_193 = arith.constant 0 : i32
      %dma_wait3A_194 = arith.constant 0 : i32
      %dma_wait3A_195 = tpu.memref_slice %arg3[%dma_wait3A_193, %dma_wait3A_194] : memref<10000x64xf32, #tpu.memory_space<hbm>> -> memref<10000x64xf32, #tpu.memory_space<hbm>>
      tpu.wait_indirect_dma semaphore(%arg13 : memref<!tpu.dma_semaphore, #tpu.memory_space<semaphore_mem>>) src(%dma_wait3A_195 : memref<10000x64xf32, #tpu.memory_space<hbm>>) dst(%dma_wait3A_189 : memref<80x64xf32, #tpu.memory_space<vmem>>)
      %dma_wait3A_196 = arith.constant 320 : i32
      %dma_wait3A_197 = arith.constant 0 : i32
      %dma_wait3A_198 = tpu.memref_slice %arg10[%dma_wait3A_196, %dma_wait3A_197] : memref<400x64xf32, #tpu.memory_space<vmem>> -> memref<80x64xf32, #tpu.memory_space<vmem>>
      %dma_wait3A_199 = arith.constant 0 : i32
      %dma_wait3A_200 = tpu.memref_slice %arg8[%add3A_104, %dma_wait3A_199] : memref<125x80xi32, #tpu.memory_space<vmem>> -> memref<1x80xi32, #tpu.memory_space<vmem>>
      %dma_wait3A_201 = tpu.memref_squeeze %dma_wait3A_200 : memref<1x80xi32, #tpu.memory_space<vmem>> -> memref<80xi32, #tpu.memory_space<vmem>>
      %dma_wait3A_202 = arith.constant 0 : i32
      %dma_wait3A_203 = arith.constant 0 : i32
      %dma_wait3A_204 = tpu.memref_slice %arg2[%dma_wait3A_202, %dma_wait3A_203] : memref<10000x64xf32, #tpu.memory_space<hbm>> -> memref<10000x64xf32, #tpu.memory_space<hbm>>
      tpu.wait_indirect_dma semaphore(%arg13 : memref<!tpu.dma_semaphore, #tpu.memory_space<semaphore_mem>>) src(%dma_wait3A_204 : memref<10000x64xf32, #tpu.memory_space<hbm>>) dst(%dma_wait3A_198 : memref<80x64xf32, #tpu.memory_space<vmem>>)
      %dma_wait3A_205 = arith.constant 320 : i32
      %dma_wait3A_206 = arith.constant 0 : i32
      %dma_wait3A_207 = tpu.memref_slice %arg11[%dma_wait3A_205, %dma_wait3A_206] : memref<400x64xf32, #tpu.memory_space<vmem>> -> memref<80x64xf32, #tpu.memory_space<vmem>>
      %dma_wait3A_208 = arith.constant 0 : i32
      %dma_wait3A_209 = tpu.memref_slice %arg9[%add3A_115, %dma_wait3A_208] : memref<125x80xi32, #tpu.memory_space<vmem>> -> memref<1x80xi32, #tpu.memory_space<vmem>>
      %dma_wait3A_210 = tpu.memref_squeeze %dma_wait3A_209 : memref<1x80xi32, #tpu.memory_space<vmem>> -> memref<80xi32, #tpu.memory_space<vmem>>
      %dma_wait3A_211 = arith.constant 0 : i32
      %dma_wait3A_212 = arith.constant 0 : i32
      %dma_wait3A_213 = tpu.memref_slice %arg3[%dma_wait3A_211, %dma_wait3A_212] : memref<10000x64xf32, #tpu.memory_space<hbm>> -> memref<10000x64xf32, #tpu.memory_space<hbm>>
      tpu.wait_indirect_dma semaphore(%arg13 : memref<!tpu.dma_semaphore, #tpu.memory_space<semaphore_mem>>) src(%dma_wait3A_213 : memref<10000x64xf32, #tpu.memory_space<hbm>>) dst(%dma_wait3A_207 : memref<80x64xf32, #tpu.memory_space<vmem>>)
      %scan3A_214 = arith.constant 0 : i32
      %scan3A_215 = arith.constant 0 : i32
      %scan3A_216 = arith.constant 400 : i32
      %scan3A_217 = arith.addi %scan3A_215, %scan3A_216 : i32
      %scan3A_218 = arith.constant 1 : i32
      %scan3A_219 = scf.for %scan3A_222 = %scan3A_215 to %scan3A_217 step %scan3A_218 iter_args(%scan3A_223 = %scan3A_214) -> (i32)  : i32 {
        %get3A = arith.index_cast %scan3A_222 : i32 to index
        %get3A_224 = arith.constant 0 : index
        %get3A_225 = tpu.vector_load %arg10[%get3A, %get3A_224] {strides = array<i32>} : memref<400x64xf32, #tpu.memory_space<vmem>>, vector<1x16xf32>,
        %get3A_226 = vector.shape_cast %get3A_225 : vector<1x16xf32> to vector<16xf32>
        %get3A_227 = arith.index_cast %scan3A_222 : i32 to index
        %get3A_228 = arith.constant 0 : index
        %get3A_229 = tpu.vector_load %arg11[%get3A_227, %get3A_228] {strides = array<i32>} : memref<400x64xf32, #tpu.memory_space<vmem>>, vector<1x16xf32>,
        %get3A_230 = vector.shape_cast %get3A_229 : vector<1x16xf32> to vector<16xf32>
        %get3A_231 = arith.index_cast %scan3A_222 : i32 to index
        %get3A_232 = arith.constant 0 : index
        %get3A_233 = tpu.vector_load %arg12[%get3A_231, %get3A_232] {strides = array<i32>} : memref<400x64xf32, #tpu.memory_space<vmem>>, vector<1x16xf32>,
        %get3A_234 = vector.shape_cast %get3A_233 : vector<1x16xf32> to vector<16xf32>
        %add3A_235 = arith.addf %get3A_226, %get3A_230 : vector<16xf32>
        %add3A_236 = arith.addf %add3A_235, %get3A_234 : vector<16xf32>
        %max3A = arith.constant 0.000000e+00 : f32
        %max3A_237 = vector.broadcast %max3A : f32 to vector<16xf32>
        %max3A_238 = arith.maximumf %add3A_236, %max3A_237 : vector<16xf32>
        %swap3A = arith.index_cast %scan3A_222 : i32 to index
        %swap3A_239 = arith.constant 0 : index
        %swap3A_240 = tpu.vector_load %arg10[%swap3A, %swap3A_239] {strides = array<i32>} : memref<400x64xf32, #tpu.memory_space<vmem>>, vector<1x16xf32>,
        %swap3A_241 = vector.shape_cast %swap3A_240 : vector<1x16xf32> to vector<16xf32>
        %swap3A_242 = vector.shape_cast %max3A_238 : vector<16xf32> to vector<1x16xf32>
        tpu.vector_store %arg10[%swap3A, %swap3A_239], %swap3A_242 {strides = array<i32>} : memref<400x64xf32, #tpu.memory_space<vmem>>, vector<1x16xf32>,
        %get3A_243 = arith.index_cast %scan3A_222 : i32 to index
        %get3A_244 = arith.constant 16 : index
        %get3A_245 = tpu.vector_load %arg10[%get3A_243, %get3A_244] {strides = array<i32>} : memref<400x64xf32, #tpu.memory_space<vmem>>, vector<1x16xf32>,
        %get3A_246 = vector.shape_cast %get3A_245 : vector<1x16xf32> to vector<16xf32>
        %get3A_247 = arith.index_cast %scan3A_222 : i32 to index
        %get3A_248 = arith.constant 16 : index
        %get3A_249 = tpu.vector_load %arg11[%get3A_247, %get3A_248] {strides = array<i32>} : memref<400x64xf32, #tpu.memory_space<vmem>>, vector<1x16xf32>,
        %get3A_250 = vector.shape_cast %get3A_249 : vector<1x16xf32> to vector<16xf32>
        %get3A_251 = arith.index_cast %scan3A_222 : i32 to index
        %get3A_252 = arith.constant 16 : index
        %get3A_253 = tpu.vector_load %arg12[%get3A_251, %get3A_252] {strides = array<i32>} : memref<400x64xf32, #tpu.memory_space<vmem>>, vector<1x16xf32>,
        %get3A_254 = vector.shape_cast %get3A_253 : vector<1x16xf32> to vector<16xf32>
        %add3A_255 = arith.addf %get3A_246, %get3A_250 : vector<16xf32>
        %add3A_256 = arith.addf %add3A_255, %get3A_254 : vector<16xf32>
        %max3A_257 = arith.constant 0.000000e+00 : f32
        %max3A_258 = vector.broadcast %max3A_257 : f32 to vector<16xf32>
        %max3A_259 = arith.maximumf %add3A_256, %max3A_258 : vector<16xf32>
        %swap3A_260 = arith.index_cast %scan3A_222 : i32 to index
        %swap3A_261 = arith.constant 16 : index
        %swap3A_262 = tpu.vector_load %arg10[%swap3A_260, %swap3A_261] {strides = array<i32>} : memref<400x64xf32, #tpu.memory_space<vmem>>, vector<1x16xf32>,
        %swap3A_263 = vector.shape_cast %swap3A_262 : vector<1x16xf32> to vector<16xf32>
        %swap3A_264 = vector.shape_cast %max3A_259 : vector<16xf32> to vector<1x16xf32>
        tpu.vector_store %arg10[%swap3A_260, %swap3A_261], %swap3A_264 {strides = array<i32>} : memref<400x64xf32, #tpu.memory_space<vmem>>, vector<1x16xf32>,
        %get3A_265 = arith.index_cast %scan3A_222 : i32 to index
        %get3A_266 = arith.constant 32 : index
        %get3A_267 = tpu.vector_load %arg10[%get3A_265, %get3A_266] {strides = array<i32>} : memref<400x64xf32, #tpu.memory_space<vmem>>, vector<1x16xf32>,
        %get3A_268 = vector.shape_cast %get3A_267 : vector<1x16xf32> to vector<16xf32>
        %get3A_269 = arith.index_cast %scan3A_222 : i32 to index
        %get3A_270 = arith.constant 32 : index
        %get3A_271 = tpu.vector_load %arg11[%get3A_269, %get3A_270] {strides = array<i32>} : memref<400x64xf32, #tpu.memory_space<vmem>>, vector<1x16xf32>,
        %get3A_272 = vector.shape_cast %get3A_271 : vector<1x16xf32> to vector<16xf32>
        %get3A_273 = arith.index_cast %scan3A_222 : i32 to index
        %get3A_274 = arith.constant 32 : index
        %get3A_275 = tpu.vector_load %arg12[%get3A_273, %get3A_274] {strides = array<i32>} : memref<400x64xf32, #tpu.memory_space<vmem>>, vector<1x16xf32>,
        %get3A_276 = vector.shape_cast %get3A_275 : vector<1x16xf32> to vector<16xf32>
        %add3A_277 = arith.addf %get3A_268, %get3A_272 : vector<16xf32>
        %add3A_278 = arith.addf %add3A_277, %get3A_276 : vector<16xf32>
        %max3A_279 = arith.constant 0.000000e+00 : f32
        %max3A_280 = vector.broadcast %max3A_279 : f32 to vector<16xf32>
        %max3A_281 = arith.maximumf %add3A_278, %max3A_280 : vector<16xf32>
        %swap3A_282 = arith.index_cast %scan3A_222 : i32 to index
        %swap3A_283 = arith.constant 32 : index
        %swap3A_284 = tpu.vector_load %arg10[%swap3A_282, %swap3A_283] {strides = array<i32>} : memref<400x64xf32, #tpu.memory_space<vmem>>, vector<1x16xf32>,
        %swap3A_285 = vector.shape_cast %swap3A_284 : vector<1x16xf32> to vector<16xf32>
        %swap3A_286 = vector.shape_cast %max3A_281 : vector<16xf32> to vector<1x16xf32>
        tpu.vector_store %arg10[%swap3A_282, %swap3A_283], %swap3A_286 {strides = array<i32>} : memref<400x64xf32, #tpu.memory_space<vmem>>, vector<1x16xf32>,
        %get3A_287 = arith.index_cast %scan3A_222 : i32 to index
        %get3A_288 = arith.constant 48 : index
        %get3A_289 = tpu.vector_load %arg10[%get3A_287, %get3A_288] {strides = array<i32>} : memref<400x64xf32, #tpu.memory_space<vmem>>, vector<1x16xf32>,
        %get3A_290 = vector.shape_cast %get3A_289 : vector<1x16xf32> to vector<16xf32>
        %get3A_291 = arith.index_cast %scan3A_222 : i32 to index
        %get3A_292 = arith.constant 48 : index
        %get3A_293 = tpu.vector_load %arg11[%get3A_291, %get3A_292] {strides = array<i32>} : memref<400x64xf32, #tpu.memory_space<vmem>>, vector<1x16xf32>,
        %get3A_294 = vector.shape_cast %get3A_293 : vector<1x16xf32> to vector<16xf32>
        %get3A_295 = arith.index_cast %scan3A_222 : i32 to index
        %get3A_296 = arith.constant 48 : index
        %get3A_297 = tpu.vector_load %arg12[%get3A_295, %get3A_296] {strides = array<i32>} : memref<400x64xf32, #tpu.memory_space<vmem>>, vector<1x16xf32>,
        %get3A_298 = vector.shape_cast %get3A_297 : vector<1x16xf32> to vector<16xf32>
        %add3A_299 = arith.addf %get3A_290, %get3A_294 : vector<16xf32>
        %add3A_300 = arith.addf %add3A_299, %get3A_298 : vector<16xf32>
        %max3A_301 = arith.constant 0.000000e+00 : f32
        %max3A_302 = vector.broadcast %max3A_301 : f32 to vector<16xf32>
        %max3A_303 = arith.maximumf %add3A_300, %max3A_302 : vector<16xf32>
        %swap3A_304 = arith.index_cast %scan3A_222 : i32 to index
        %swap3A_305 = arith.constant 48 : index
        %swap3A_306 = tpu.vector_load %arg10[%swap3A_304, %swap3A_305] {strides = array<i32>} : memref<400x64xf32, #tpu.memory_space<vmem>>, vector<1x16xf32>,
        %swap3A_307 = vector.shape_cast %swap3A_306 : vector<1x16xf32> to vector<16xf32>
        %swap3A_308 = vector.shape_cast %max3A_303 : vector<16xf32> to vector<1x16xf32>
        tpu.vector_store %arg10[%swap3A_304, %swap3A_305], %swap3A_308 {strides = array<i32>} : memref<400x64xf32, #tpu.memory_space<vmem>>, vector<1x16xf32>,
        %scan3A_309 = arith.constant 0 : i32
        scf.yield %scan3A_309 : i32
      }
      %scan3A_220 = arith.constant 400 : i32
      "tpu.region"() ({
        %run_scoped3A = tpu.sem_alloc : memref<!tpu.dma_semaphore, #tpu.memory_space<semaphore_mem>>
        %dma_start3A_222 = arith.constant 0 : i32
        %dma_start3A_223 = tpu.memref_slice %arg7[%add3A_13, %dma_start3A_222] : memref<320000x64xf32, #tpu.memory_space<hbm>> -> memref<400x64xf32, #tpu.memory_space<hbm>>
        %dma_start3A_224 = arith.constant 0 : i32
        %dma_start3A_225 = tpu.memref_slice %arg7[%add3A_13, %dma_start3A_224] : memref<320000x64xf32, #tpu.memory_space<hbm>> -> memref<400x64xf32, #tpu.memory_space<hbm>>
        tpu.enqueue_dma source(%arg10 : memref<400x64xf32, #tpu.memory_space<vmem>>) target(%dma_start3A_225 : memref<400x64xf32, #tpu.memory_space<hbm>>) target_semaphore(%run_scoped3A : memref<!tpu.dma_semaphore, #tpu.memory_space<semaphore_mem>>)
        %dma_wait3A_226 = arith.constant 0 : i32
        %dma_wait3A_227 = tpu.memref_slice %arg7[%add3A_13, %dma_wait3A_226] : memref<320000x64xf32, #tpu.memory_space<hbm>> -> memref<400x64xf32, #tpu.memory_space<hbm>>
        %dma_wait3A_228 = arith.constant 0 : i32
        %dma_wait3A_229 = tpu.memref_slice %arg7[%add3A_13, %dma_wait3A_228] : memref<320000x64xf32, #tpu.memory_space<hbm>> -> memref<400x64xf32, #tpu.memory_space<hbm>>
        tpu.wait_dma2 semaphore(%run_scoped3A : memref<!tpu.dma_semaphore, #tpu.memory_space<semaphore_mem>>) src(%arg10 : memref<400x64xf32, #tpu.memory_space<vmem>>) dst(%dma_wait3A_229 : memref<400x64xf32, #tpu.memory_space<hbm>>)
        tpu.yield
      }) : () -> ()
      %scan3A_221 = arith.constant 0 : i32
      scf.yield %scan3A_221 : i32
    }
    %scan3A_6 = arith.constant 25 : i32
    return
  }
}

#map = affine_map<(d0, d1) -> (0, 0)>
#map1 = affine_map<(d0, d1) -> (0, 0, 0)>
module attributes {stable_mosaic.version = 14 : i64} {
  func.func @_scatter_body(%arg0: i32, %arg1: i32, %arg2: memref<320000x64xf32, #tpu.memory_space<hbm>>, %arg3: memref<32x125x80xi32, #tpu.memory_space<hbm>>, %arg4: memref<2x10240x64xf32, #tpu.memory_space<hbm>>, %arg5: memref<125x80xi32, #tpu.memory_space<vmem>>, %arg6: memref<400x64xf32, #tpu.memory_space<vmem>>, %arg7: memref<640x64xf32, #tpu.memory_space<vmem>>, %arg8: memref<10240x64xf32, #tpu.memory_space<vmem_shared>>, %arg9: memref<!tpu.dma_semaphore, #tpu.memory_space<semaphore_mem>>) attributes {dimension_semantics = [#tpu.dimension_semantics<core_parallel>, #tpu.dimension_semantics<subcore_parallel>], iteration_bounds = array<i64: 2, 16>, scalar_prefetch = 0 : i64, scratch_operands = 5 : i64, tpu.core_type = #tpu.core_type<sc_vector_subcore>, window_params = [{transform_indices = #map}, {transform_indices = #map1}, {transform_indices = #map1}]} {
    %mul3A = arith.constant 2 : i32
    %mul3A_0 = arith.muli %arg1, %mul3A : i32
    %add3A = arith.addi %mul3A_0, %arg0 : i32
    %scan3A = arith.constant 0 : i32
    %scan3A_1 = arith.constant 0 : i32
    %scan3A_2 = arith.constant 640 : i32
    %scan3A_3 = arith.addi %scan3A_1, %scan3A_2 : i32
    %scan3A_4 = arith.constant 1 : i32
    %scan3A_5 = scf.for %scan3A_21 = %scan3A_1 to %scan3A_3 step %scan3A_4 iter_args(%scan3A_22 = %scan3A) -> (i32)  : i32 {
      %broadcast_in_dim3A = arith.constant 0.000000e+00 : f32
      %broadcast_in_dim3A_23 = vector.broadcast %broadcast_in_dim3A : f32 to vector<16xf32>
      %swap3A = arith.index_cast %scan3A_21 : i32 to index
      %swap3A_24 = arith.constant 0 : index
      %swap3A_25 = tpu.vector_load %arg7[%swap3A, %swap3A_24] {strides = array<i32>} : memref<640x64xf32, #tpu.memory_space<vmem>>, vector<1x16xf32>,
      %swap3A_26 = vector.shape_cast %swap3A_25 : vector<1x16xf32> to vector<16xf32>
      %swap3A_27 = vector.shape_cast %broadcast_in_dim3A_23 : vector<16xf32> to vector<1x16xf32>
      tpu.vector_store %arg7[%swap3A, %swap3A_24], %swap3A_27 {strides = array<i32>} : memref<640x64xf32, #tpu.memory_space<vmem>>, vector<1x16xf32>,
      %broadcast_in_dim3A_28 = arith.constant 0.000000e+00 : f32
      %broadcast_in_dim3A_29 = vector.broadcast %broadcast_in_dim3A_28 : f32 to vector<16xf32>
      %swap3A_30 = arith.index_cast %scan3A_21 : i32 to index
      %swap3A_31 = arith.constant 16 : index
      %swap3A_32 = tpu.vector_load %arg7[%swap3A_30, %swap3A_31] {strides = array<i32>} : memref<640x64xf32, #tpu.memory_space<vmem>>, vector<1x16xf32>,
      %swap3A_33 = vector.shape_cast %swap3A_32 : vector<1x16xf32> to vector<16xf32>
      %swap3A_34 = vector.shape_cast %broadcast_in_dim3A_29 : vector<16xf32> to vector<1x16xf32>
      tpu.vector_store %arg7[%swap3A_30, %swap3A_31], %swap3A_34 {strides = array<i32>} : memref<640x64xf32, #tpu.memory_space<vmem>>, vector<1x16xf32>,
      %broadcast_in_dim3A_35 = arith.constant 0.000000e+00 : f32
      %broadcast_in_dim3A_36 = vector.broadcast %broadcast_in_dim3A_35 : f32 to vector<16xf32>
      %swap3A_37 = arith.index_cast %scan3A_21 : i32 to index
      %swap3A_38 = arith.constant 32 : index
      %swap3A_39 = tpu.vector_load %arg7[%swap3A_37, %swap3A_38] {strides = array<i32>} : memref<640x64xf32, #tpu.memory_space<vmem>>, vector<1x16xf32>,
      %swap3A_40 = vector.shape_cast %swap3A_39 : vector<1x16xf32> to vector<16xf32>
      %swap3A_41 = vector.shape_cast %broadcast_in_dim3A_36 : vector<16xf32> to vector<1x16xf32>
      tpu.vector_store %arg7[%swap3A_37, %swap3A_38], %swap3A_41 {strides = array<i32>} : memref<640x64xf32, #tpu.memory_space<vmem>>, vector<1x16xf32>,
      %broadcast_in_dim3A_42 = arith.constant 0.000000e+00 : f32
      %broadcast_in_dim3A_43 = vector.broadcast %broadcast_in_dim3A_42 : f32 to vector<16xf32>
      %swap3A_44 = arith.index_cast %scan3A_21 : i32 to index
      %swap3A_45 = arith.constant 48 : index
      %swap3A_46 = tpu.vector_load %arg7[%swap3A_44, %swap3A_45] {strides = array<i32>} : memref<640x64xf32, #tpu.memory_space<vmem>>, vector<1x16xf32>,
      %swap3A_47 = vector.shape_cast %swap3A_46 : vector<1x16xf32> to vector<16xf32>
      %swap3A_48 = vector.shape_cast %broadcast_in_dim3A_43 : vector<16xf32> to vector<1x16xf32>
      tpu.vector_store %arg7[%swap3A_44, %swap3A_45], %swap3A_48 {strides = array<i32>} : memref<640x64xf32, #tpu.memory_space<vmem>>, vector<1x16xf32>,
      %scan3A_49 = arith.constant 0 : i32
      scf.yield %scan3A_49 : i32
    }
    %scan3A_6 = arith.constant 640 : i32
    %mul3A_7 = arith.constant 640 : i32
    %mul3A_8 = arith.muli %arg1, %mul3A_7 : i32
    "tpu.region"() ({
      %run_scoped3A = tpu.sem_alloc : memref<!tpu.dma_semaphore, #tpu.memory_space<semaphore_mem>>
      %dma_start3A = arith.constant 0 : i32
      %dma_start3A_21 = tpu.memref_slice %arg8[%mul3A_8, %dma_start3A] : memref<10240x64xf32, #tpu.memory_space<vmem_shared>> -> memref<640x64xf32, #tpu.memory_space<vmem_shared>>
      %dma_start3A_22 = arith.constant 0 : i32
      %dma_start3A_23 = tpu.memref_slice %arg8[%mul3A_8, %dma_start3A_22] : memref<10240x64xf32, #tpu.memory_space<vmem_shared>> -> memref<640x64xf32, #tpu.memory_space<vmem_shared>>
      tpu.enqueue_dma source(%arg7 : memref<640x64xf32, #tpu.memory_space<vmem>>) target(%dma_start3A_23 : memref<640x64xf32, #tpu.memory_space<vmem_shared>>) target_semaphore(%run_scoped3A : memref<!tpu.dma_semaphore, #tpu.memory_space<semaphore_mem>>)
      %dma_wait3A = arith.constant 0 : i32
      %dma_wait3A_24 = tpu.memref_slice %arg8[%mul3A_8, %dma_wait3A] : memref<10240x64xf32, #tpu.memory_space<vmem_shared>> -> memref<640x64xf32, #tpu.memory_space<vmem_shared>>
      %dma_wait3A_25 = arith.constant 0 : i32
      %dma_wait3A_26 = tpu.memref_slice %arg8[%mul3A_8, %dma_wait3A_25] : memref<10240x64xf32, #tpu.memory_space<vmem_shared>> -> memref<640x64xf32, #tpu.memory_space<vmem_shared>>
      tpu.wait_dma2 semaphore(%run_scoped3A : memref<!tpu.dma_semaphore, #tpu.memory_space<semaphore_mem>>) src(%arg7 : memref<640x64xf32, #tpu.memory_space<vmem>>) dst(%dma_wait3A_26 : memref<640x64xf32, #tpu.memory_space<vmem_shared>>)
      tpu.yield
    }) : () -> ()
    %barrier3A = arith.constant 0 : index
    tpu.barrier barrier_id(%barrier3A)
    "tpu.region"() ({
      %run_scoped3A = tpu.sem_alloc : memref<!tpu.dma_semaphore, #tpu.memory_space<semaphore_mem>>
      %dma_start3A = arith.constant 0 : i32
      %dma_start3A_21 = arith.constant 0 : i32
      %dma_start3A_22 = tpu.memref_slice %arg3[%add3A, %dma_start3A, %dma_start3A_21] : memref<32x125x80xi32, #tpu.memory_space<hbm>> -> memref<1x125x80xi32, #tpu.memory_space<hbm>>
      %dma_start3A_23 = tpu.memref_squeeze %dma_start3A_22 : memref<1x125x80xi32, #tpu.memory_space<hbm>> -> memref<125x80xi32, #tpu.memory_space<hbm>>
      %dma_start3A_24 = arith.constant 0 : i32
      %dma_start3A_25 = arith.constant 0 : i32
      %dma_start3A_26 = tpu.memref_slice %arg3[%add3A, %dma_start3A_24, %dma_start3A_25] : memref<32x125x80xi32, #tpu.memory_space<hbm>> -> memref<1x125x80xi32, #tpu.memory_space<hbm>>
      %dma_start3A_27 = tpu.memref_squeeze %dma_start3A_26 : memref<1x125x80xi32, #tpu.memory_space<hbm>> -> memref<125x80xi32, #tpu.memory_space<hbm>>
      tpu.enqueue_dma source(%dma_start3A_27 : memref<125x80xi32, #tpu.memory_space<hbm>>) target(%arg5 : memref<125x80xi32, #tpu.memory_space<vmem>>) target_semaphore(%run_scoped3A : memref<!tpu.dma_semaphore, #tpu.memory_space<semaphore_mem>>)
      %dma_wait3A = arith.constant 0 : i32
      %dma_wait3A_28 = arith.constant 0 : i32
      %dma_wait3A_29 = tpu.memref_slice %arg3[%add3A, %dma_wait3A, %dma_wait3A_28] : memref<32x125x80xi32, #tpu.memory_space<hbm>> -> memref<1x125x80xi32, #tpu.memory_space<hbm>>
      %dma_wait3A_30 = tpu.memref_squeeze %dma_wait3A_29 : memref<1x125x80xi32, #tpu.memory_space<hbm>> -> memref<125x80xi32, #tpu.memory_space<hbm>>
      %dma_wait3A_31 = arith.constant 0 : i32
      %dma_wait3A_32 = arith.constant 0 : i32
      %dma_wait3A_33 = tpu.memref_slice %arg3[%add3A, %dma_wait3A_31, %dma_wait3A_32] : memref<32x125x80xi32, #tpu.memory_space<hbm>> -> memref<1x125x80xi32, #tpu.memory_space<hbm>>
      %dma_wait3A_34 = tpu.memref_squeeze %dma_wait3A_33 : memref<1x125x80xi32, #tpu.memory_space<hbm>> -> memref<125x80xi32, #tpu.memory_space<hbm>>
      tpu.wait_dma2 semaphore(%run_scoped3A : memref<!tpu.dma_semaphore, #tpu.memory_space<semaphore_mem>>) src(%dma_wait3A_34 : memref<125x80xi32, #tpu.memory_space<hbm>>) dst(%arg5 : memref<125x80xi32, #tpu.memory_space<vmem>>)
      tpu.yield
    }) : () -> ()
    %scan3A_9 = arith.constant 0 : i32
    %scan3A_10 = arith.constant 0 : i32
    %scan3A_11 = arith.constant 25 : i32
    %scan3A_12 = arith.addi %scan3A_10, %scan3A_11 : i32
    %scan3A_13 = arith.constant 1 : i32
    %scan3A_14 = scf.for %scan3A_21 = %scan3A_10 to %scan3A_12 step %scan3A_13 iter_args(%scan3A_22 = %scan3A_9) -> (i32)  : i32 {
      %mul3A_23 = arith.constant 10000 : i32
      %mul3A_24 = arith.muli %add3A, %mul3A_23 : i32
      %mul3A_25 = arith.constant 400 : i32
      %mul3A_26 = arith.muli %scan3A_21, %mul3A_25 : i32
      %add3A_27 = arith.addi %mul3A_24, %mul3A_26 : i32
      %mul3A_28 = arith.constant 5 : i32
      %mul3A_29 = arith.muli %scan3A_21, %mul3A_28 : i32
      "tpu.region"() ({
        %run_scoped3A = tpu.sem_alloc : memref<!tpu.dma_semaphore, #tpu.memory_space<semaphore_mem>>
        %dma_start3A = arith.constant 0 : i32
        %dma_start3A_41 = tpu.memref_slice %arg2[%add3A_27, %dma_start3A] : memref<320000x64xf32, #tpu.memory_space<hbm>> -> memref<400x64xf32, #tpu.memory_space<hbm>>
        %dma_start3A_42 = arith.constant 0 : i32
        %dma_start3A_43 = tpu.memref_slice %arg2[%add3A_27, %dma_start3A_42] : memref<320000x64xf32, #tpu.memory_space<hbm>> -> memref<400x64xf32, #tpu.memory_space<hbm>>
        tpu.enqueue_dma source(%dma_start3A_43 : memref<400x64xf32, #tpu.memory_space<hbm>>) target(%arg6 : memref<400x64xf32, #tpu.memory_space<vmem>>) target_semaphore(%run_scoped3A : memref<!tpu.dma_semaphore, #tpu.memory_space<semaphore_mem>>)
        %dma_wait3A = arith.constant 0 : i32
        %dma_wait3A_44 = tpu.memref_slice %arg2[%add3A_27, %dma_wait3A] : memref<320000x64xf32, #tpu.memory_space<hbm>> -> memref<400x64xf32, #tpu.memory_space<hbm>>
        %dma_wait3A_45 = arith.constant 0 : i32
        %dma_wait3A_46 = tpu.memref_slice %arg2[%add3A_27, %dma_wait3A_45] : memref<320000x64xf32, #tpu.memory_space<hbm>> -> memref<400x64xf32, #tpu.memory_space<hbm>>
        tpu.wait_dma2 semaphore(%run_scoped3A : memref<!tpu.dma_semaphore, #tpu.memory_space<semaphore_mem>>) src(%dma_wait3A_46 : memref<400x64xf32, #tpu.memory_space<hbm>>) dst(%arg6 : memref<400x64xf32, #tpu.memory_space<vmem>>)
        tpu.yield
      }) : () -> ()
      %add3A_30 = arith.constant 0 : i32
      %add3A_31 = arith.addi %mul3A_29, %add3A_30 : i32
      "tpu.region"() ({
        %run_scoped3A = tpu.sem_alloc : memref<!tpu.dma_semaphore, #tpu.memory_space<semaphore_mem>>
        %dma_start3A = arith.constant 0 : i32
        %dma_start3A_41 = arith.constant 0 : i32
        %dma_start3A_42 = tpu.memref_slice %arg6[%dma_start3A, %dma_start3A_41] : memref<400x64xf32, #tpu.memory_space<vmem>> -> memref<80x64xf32, #tpu.memory_space<vmem>>
        %dma_start3A_43 = arith.constant 0 : i32
        %dma_start3A_44 = tpu.memref_slice %arg5[%add3A_31, %dma_start3A_43] : memref<125x80xi32, #tpu.memory_space<vmem>> -> memref<1x80xi32, #tpu.memory_space<vmem>>
        %dma_start3A_45 = tpu.memref_squeeze %dma_start3A_44 : memref<1x80xi32, #tpu.memory_space<vmem>> -> memref<80xi32, #tpu.memory_space<vmem>>
        %dma_start3A_46 = arith.constant 0 : i32
        %dma_start3A_47 = arith.constant 0 : i32
        %dma_start3A_48 = tpu.memref_slice %arg8[%dma_start3A_46, %dma_start3A_47] : memref<10240x64xf32, #tpu.memory_space<vmem_shared>> -> memref<10240x64xf32, #tpu.memory_space<vmem_shared>>
        tpu.enqueue_indirect_dma source(%dma_start3A_42 : memref<80x64xf32, #tpu.memory_space<vmem>>) target(%dma_start3A_48 : memref<10240x64xf32, #tpu.memory_space<vmem_shared>>) offsets(%dma_start3A_45 : memref<80xi32, #tpu.memory_space<vmem>>) semaphore(%run_scoped3A : memref<!tpu.dma_semaphore, #tpu.memory_space<semaphore_mem>>) {add = true}
        %dma_wait3A = arith.constant 0 : i32
        %dma_wait3A_49 = arith.constant 0 : i32
        %dma_wait3A_50 = tpu.memref_slice %arg6[%dma_wait3A, %dma_wait3A_49] : memref<400x64xf32, #tpu.memory_space<vmem>> -> memref<80x64xf32, #tpu.memory_space<vmem>>
        %dma_wait3A_51 = arith.constant 0 : i32
        %dma_wait3A_52 = tpu.memref_slice %arg5[%add3A_31, %dma_wait3A_51] : memref<125x80xi32, #tpu.memory_space<vmem>> -> memref<1x80xi32, #tpu.memory_space<vmem>>
        %dma_wait3A_53 = tpu.memref_squeeze %dma_wait3A_52 : memref<1x80xi32, #tpu.memory_space<vmem>> -> memref<80xi32, #tpu.memory_space<vmem>>
        %dma_wait3A_54 = arith.constant 0 : i32
        %dma_wait3A_55 = arith.constant 0 : i32
        %dma_wait3A_56 = tpu.memref_slice %arg8[%dma_wait3A_54, %dma_wait3A_55] : memref<10240x64xf32, #tpu.memory_space<vmem_shared>> -> memref<10240x64xf32, #tpu.memory_space<vmem_shared>>
        tpu.wait_indirect_dma semaphore(%run_scoped3A : memref<!tpu.dma_semaphore, #tpu.memory_space<semaphore_mem>>) src(%dma_wait3A_50 : memref<80x64xf32, #tpu.memory_space<vmem>>) dst(%dma_wait3A_56 : memref<10240x64xf32, #tpu.memory_space<vmem_shared>>)
        tpu.yield
      }) : () -> ()
      %add3A_32 = arith.constant 1 : i32
      %add3A_33 = arith.addi %mul3A_29, %add3A_32 : i32
      "tpu.region"() ({
        %run_scoped3A = tpu.sem_alloc : memref<!tpu.dma_semaphore, #tpu.memory_space<semaphore_mem>>
        %dma_start3A = arith.constant 80 : i32
        %dma_start3A_41 = arith.constant 0 : i32
        %dma_start3A_42 = tpu.memref_slice %arg6[%dma_start3A, %dma_start3A_41] : memref<400x64xf32, #tpu.memory_space<vmem>> -> memref<80x64xf32, #tpu.memory_space<vmem>>
        %dma_start3A_43 = arith.constant 0 : i32
        %dma_start3A_44 = tpu.memref_slice %arg5[%add3A_33, %dma_start3A_43] : memref<125x80xi32, #tpu.memory_space<vmem>> -> memref<1x80xi32, #tpu.memory_space<vmem>>
        %dma_start3A_45 = tpu.memref_squeeze %dma_start3A_44 : memref<1x80xi32, #tpu.memory_space<vmem>> -> memref<80xi32, #tpu.memory_space<vmem>>
        %dma_start3A_46 = arith.constant 0 : i32
        %dma_start3A_47 = arith.constant 0 : i32
        %dma_start3A_48 = tpu.memref_slice %arg8[%dma_start3A_46, %dma_start3A_47] : memref<10240x64xf32, #tpu.memory_space<vmem_shared>> -> memref<10240x64xf32, #tpu.memory_space<vmem_shared>>
        tpu.enqueue_indirect_dma source(%dma_start3A_42 : memref<80x64xf32, #tpu.memory_space<vmem>>) target(%dma_start3A_48 : memref<10240x64xf32, #tpu.memory_space<vmem_shared>>) offsets(%dma_start3A_45 : memref<80xi32, #tpu.memory_space<vmem>>) semaphore(%run_scoped3A : memref<!tpu.dma_semaphore, #tpu.memory_space<semaphore_mem>>) {add = true}
        %dma_wait3A = arith.constant 80 : i32
        %dma_wait3A_49 = arith.constant 0 : i32
        %dma_wait3A_50 = tpu.memref_slice %arg6[%dma_wait3A, %dma_wait3A_49] : memref<400x64xf32, #tpu.memory_space<vmem>> -> memref<80x64xf32, #tpu.memory_space<vmem>>
        %dma_wait3A_51 = arith.constant 0 : i32
        %dma_wait3A_52 = tpu.memref_slice %arg5[%add3A_33, %dma_wait3A_51] : memref<125x80xi32, #tpu.memory_space<vmem>> -> memref<1x80xi32, #tpu.memory_space<vmem>>
        %dma_wait3A_53 = tpu.memref_squeeze %dma_wait3A_52 : memref<1x80xi32, #tpu.memory_space<vmem>> -> memref<80xi32, #tpu.memory_space<vmem>>
        %dma_wait3A_54 = arith.constant 0 : i32
        %dma_wait3A_55 = arith.constant 0 : i32
        %dma_wait3A_56 = tpu.memref_slice %arg8[%dma_wait3A_54, %dma_wait3A_55] : memref<10240x64xf32, #tpu.memory_space<vmem_shared>> -> memref<10240x64xf32, #tpu.memory_space<vmem_shared>>
        tpu.wait_indirect_dma semaphore(%run_scoped3A : memref<!tpu.dma_semaphore, #tpu.memory_space<semaphore_mem>>) src(%dma_wait3A_50 : memref<80x64xf32, #tpu.memory_space<vmem>>) dst(%dma_wait3A_56 : memref<10240x64xf32, #tpu.memory_space<vmem_shared>>)
        tpu.yield
      }) : () -> ()
      %add3A_34 = arith.constant 2 : i32
      %add3A_35 = arith.addi %mul3A_29, %add3A_34 : i32
      "tpu.region"() ({
        %run_scoped3A = tpu.sem_alloc : memref<!tpu.dma_semaphore, #tpu.memory_space<semaphore_mem>>
        %dma_start3A = arith.constant 160 : i32
        %dma_start3A_41 = arith.constant 0 : i32
        %dma_start3A_42 = tpu.memref_slice %arg6[%dma_start3A, %dma_start3A_41] : memref<400x64xf32, #tpu.memory_space<vmem>> -> memref<80x64xf32, #tpu.memory_space<vmem>>
        %dma_start3A_43 = arith.constant 0 : i32
        %dma_start3A_44 = tpu.memref_slice %arg5[%add3A_35, %dma_start3A_43] : memref<125x80xi32, #tpu.memory_space<vmem>> -> memref<1x80xi32, #tpu.memory_space<vmem>>
        %dma_start3A_45 = tpu.memref_squeeze %dma_start3A_44 : memref<1x80xi32, #tpu.memory_space<vmem>> -> memref<80xi32, #tpu.memory_space<vmem>>
        %dma_start3A_46 = arith.constant 0 : i32
        %dma_start3A_47 = arith.constant 0 : i32
        %dma_start3A_48 = tpu.memref_slice %arg8[%dma_start3A_46, %dma_start3A_47] : memref<10240x64xf32, #tpu.memory_space<vmem_shared>> -> memref<10240x64xf32, #tpu.memory_space<vmem_shared>>
        tpu.enqueue_indirect_dma source(%dma_start3A_42 : memref<80x64xf32, #tpu.memory_space<vmem>>) target(%dma_start3A_48 : memref<10240x64xf32, #tpu.memory_space<vmem_shared>>) offsets(%dma_start3A_45 : memref<80xi32, #tpu.memory_space<vmem>>) semaphore(%run_scoped3A : memref<!tpu.dma_semaphore, #tpu.memory_space<semaphore_mem>>) {add = true}
        %dma_wait3A = arith.constant 160 : i32
        %dma_wait3A_49 = arith.constant 0 : i32
        %dma_wait3A_50 = tpu.memref_slice %arg6[%dma_wait3A, %dma_wait3A_49] : memref<400x64xf32, #tpu.memory_space<vmem>> -> memref<80x64xf32, #tpu.memory_space<vmem>>
        %dma_wait3A_51 = arith.constant 0 : i32
        %dma_wait3A_52 = tpu.memref_slice %arg5[%add3A_35, %dma_wait3A_51] : memref<125x80xi32, #tpu.memory_space<vmem>> -> memref<1x80xi32, #tpu.memory_space<vmem>>
        %dma_wait3A_53 = tpu.memref_squeeze %dma_wait3A_52 : memref<1x80xi32, #tpu.memory_space<vmem>> -> memref<80xi32, #tpu.memory_space<vmem>>
        %dma_wait3A_54 = arith.constant 0 : i32
        %dma_wait3A_55 = arith.constant 0 : i32
        %dma_wait3A_56 = tpu.memref_slice %arg8[%dma_wait3A_54, %dma_wait3A_55] : memref<10240x64xf32, #tpu.memory_space<vmem_shared>> -> memref<10240x64xf32, #tpu.memory_space<vmem_shared>>
        tpu.wait_indirect_dma semaphore(%run_scoped3A : memref<!tpu.dma_semaphore, #tpu.memory_space<semaphore_mem>>) src(%dma_wait3A_50 : memref<80x64xf32, #tpu.memory_space<vmem>>) dst(%dma_wait3A_56 : memref<10240x64xf32, #tpu.memory_space<vmem_shared>>)
        tpu.yield
      }) : () -> ()
      %add3A_36 = arith.constant 3 : i32
      %add3A_37 = arith.addi %mul3A_29, %add3A_36 : i32
      "tpu.region"() ({
        %run_scoped3A = tpu.sem_alloc : memref<!tpu.dma_semaphore, #tpu.memory_space<semaphore_mem>>
        %dma_start3A = arith.constant 240 : i32
        %dma_start3A_41 = arith.constant 0 : i32
        %dma_start3A_42 = tpu.memref_slice %arg6[%dma_start3A, %dma_start3A_41] : memref<400x64xf32, #tpu.memory_space<vmem>> -> memref<80x64xf32, #tpu.memory_space<vmem>>
        %dma_start3A_43 = arith.constant 0 : i32
        %dma_start3A_44 = tpu.memref_slice %arg5[%add3A_37, %dma_start3A_43] : memref<125x80xi32, #tpu.memory_space<vmem>> -> memref<1x80xi32, #tpu.memory_space<vmem>>
        %dma_start3A_45 = tpu.memref_squeeze %dma_start3A_44 : memref<1x80xi32, #tpu.memory_space<vmem>> -> memref<80xi32, #tpu.memory_space<vmem>>
        %dma_start3A_46 = arith.constant 0 : i32
        %dma_start3A_47 = arith.constant 0 : i32
        %dma_start3A_48 = tpu.memref_slice %arg8[%dma_start3A_46, %dma_start3A_47] : memref<10240x64xf32, #tpu.memory_space<vmem_shared>> -> memref<10240x64xf32, #tpu.memory_space<vmem_shared>>
        tpu.enqueue_indirect_dma source(%dma_start3A_42 : memref<80x64xf32, #tpu.memory_space<vmem>>) target(%dma_start3A_48 : memref<10240x64xf32, #tpu.memory_space<vmem_shared>>) offsets(%dma_start3A_45 : memref<80xi32, #tpu.memory_space<vmem>>) semaphore(%run_scoped3A : memref<!tpu.dma_semaphore, #tpu.memory_space<semaphore_mem>>) {add = true}
        %dma_wait3A = arith.constant 240 : i32
        %dma_wait3A_49 = arith.constant 0 : i32
        %dma_wait3A_50 = tpu.memref_slice %arg6[%dma_wait3A, %dma_wait3A_49] : memref<400x64xf32, #tpu.memory_space<vmem>> -> memref<80x64xf32, #tpu.memory_space<vmem>>
        %dma_wait3A_51 = arith.constant 0 : i32
        %dma_wait3A_52 = tpu.memref_slice %arg5[%add3A_37, %dma_wait3A_51] : memref<125x80xi32, #tpu.memory_space<vmem>> -> memref<1x80xi32, #tpu.memory_space<vmem>>
        %dma_wait3A_53 = tpu.memref_squeeze %dma_wait3A_52 : memref<1x80xi32, #tpu.memory_space<vmem>> -> memref<80xi32, #tpu.memory_space<vmem>>
        %dma_wait3A_54 = arith.constant 0 : i32
        %dma_wait3A_55 = arith.constant 0 : i32
        %dma_wait3A_56 = tpu.memref_slice %arg8[%dma_wait3A_54, %dma_wait3A_55] : memref<10240x64xf32, #tpu.memory_space<vmem_shared>> -> memref<10240x64xf32, #tpu.memory_space<vmem_shared>>
        tpu.wait_indirect_dma semaphore(%run_scoped3A : memref<!tpu.dma_semaphore, #tpu.memory_space<semaphore_mem>>) src(%dma_wait3A_50 : memref<80x64xf32, #tpu.memory_space<vmem>>) dst(%dma_wait3A_56 : memref<10240x64xf32, #tpu.memory_space<vmem_shared>>)
        tpu.yield
      }) : () -> ()
      %add3A_38 = arith.constant 4 : i32
      %add3A_39 = arith.addi %mul3A_29, %add3A_38 : i32
      "tpu.region"() ({
        %run_scoped3A = tpu.sem_alloc : memref<!tpu.dma_semaphore, #tpu.memory_space<semaphore_mem>>
        %dma_start3A = arith.constant 320 : i32
        %dma_start3A_41 = arith.constant 0 : i32
        %dma_start3A_42 = tpu.memref_slice %arg6[%dma_start3A, %dma_start3A_41] : memref<400x64xf32, #tpu.memory_space<vmem>> -> memref<80x64xf32, #tpu.memory_space<vmem>>
        %dma_start3A_43 = arith.constant 0 : i32
        %dma_start3A_44 = tpu.memref_slice %arg5[%add3A_39, %dma_start3A_43] : memref<125x80xi32, #tpu.memory_space<vmem>> -> memref<1x80xi32, #tpu.memory_space<vmem>>
        %dma_start3A_45 = tpu.memref_squeeze %dma_start3A_44 : memref<1x80xi32, #tpu.memory_space<vmem>> -> memref<80xi32, #tpu.memory_space<vmem>>
        %dma_start3A_46 = arith.constant 0 : i32
        %dma_start3A_47 = arith.constant 0 : i32
        %dma_start3A_48 = tpu.memref_slice %arg8[%dma_start3A_46, %dma_start3A_47] : memref<10240x64xf32, #tpu.memory_space<vmem_shared>> -> memref<10240x64xf32, #tpu.memory_space<vmem_shared>>
        tpu.enqueue_indirect_dma source(%dma_start3A_42 : memref<80x64xf32, #tpu.memory_space<vmem>>) target(%dma_start3A_48 : memref<10240x64xf32, #tpu.memory_space<vmem_shared>>) offsets(%dma_start3A_45 : memref<80xi32, #tpu.memory_space<vmem>>) semaphore(%run_scoped3A : memref<!tpu.dma_semaphore, #tpu.memory_space<semaphore_mem>>) {add = true}
        %dma_wait3A = arith.constant 320 : i32
        %dma_wait3A_49 = arith.constant 0 : i32
        %dma_wait3A_50 = tpu.memref_slice %arg6[%dma_wait3A, %dma_wait3A_49] : memref<400x64xf32, #tpu.memory_space<vmem>> -> memref<80x64xf32, #tpu.memory_space<vmem>>
        %dma_wait3A_51 = arith.constant 0 : i32
        %dma_wait3A_52 = tpu.memref_slice %arg5[%add3A_39, %dma_wait3A_51] : memref<125x80xi32, #tpu.memory_space<vmem>> -> memref<1x80xi32, #tpu.memory_space<vmem>>
        %dma_wait3A_53 = tpu.memref_squeeze %dma_wait3A_52 : memref<1x80xi32, #tpu.memory_space<vmem>> -> memref<80xi32, #tpu.memory_space<vmem>>
        %dma_wait3A_54 = arith.constant 0 : i32
        %dma_wait3A_55 = arith.constant 0 : i32
        %dma_wait3A_56 = tpu.memref_slice %arg8[%dma_wait3A_54, %dma_wait3A_55] : memref<10240x64xf32, #tpu.memory_space<vmem_shared>> -> memref<10240x64xf32, #tpu.memory_space<vmem_shared>>
        tpu.wait_indirect_dma semaphore(%run_scoped3A : memref<!tpu.dma_semaphore, #tpu.memory_space<semaphore_mem>>) src(%dma_wait3A_50 : memref<80x64xf32, #tpu.memory_space<vmem>>) dst(%dma_wait3A_56 : memref<10240x64xf32, #tpu.memory_space<vmem_shared>>)
        tpu.yield
      }) : () -> ()
      %scan3A_40 = arith.constant 0 : i32
      scf.yield %scan3A_40 : i32
    }
    %scan3A_15 = arith.constant 25 : i32
    %barrier3A_16 = arith.constant 0 : index
    tpu.barrier barrier_id(%barrier3A_16)
    %mul3A_17 = arith.constant 640 : i32
    %mul3A_18 = arith.muli %arg1, %mul3A_17 : i32
    "tpu.region"() ({
      %run_scoped3A = tpu.sem_alloc : memref<!tpu.dma_semaphore, #tpu.memory_space<semaphore_mem>>
      %dma_start3A = arith.constant 0 : i32
      %dma_start3A_21 = tpu.memref_slice %arg8[%mul3A_18, %dma_start3A] : memref<10240x64xf32, #tpu.memory_space<vmem_shared>> -> memref<640x64xf32, #tpu.memory_space<vmem_shared>>
      %dma_start3A_22 = arith.constant 0 : i32
      %dma_start3A_23 = tpu.memref_slice %arg8[%mul3A_18, %dma_start3A_22] : memref<10240x64xf32, #tpu.memory_space<vmem_shared>> -> memref<640x64xf32, #tpu.memory_space<vmem_shared>>
      tpu.enqueue_dma source(%dma_start3A_23 : memref<640x64xf32, #tpu.memory_space<vmem_shared>>) target(%arg7 : memref<640x64xf32, #tpu.memory_space<vmem>>) target_semaphore(%run_scoped3A : memref<!tpu.dma_semaphore, #tpu.memory_space<semaphore_mem>>)
      %dma_wait3A = arith.constant 0 : i32
      %dma_wait3A_24 = tpu.memref_slice %arg8[%mul3A_18, %dma_wait3A] : memref<10240x64xf32, #tpu.memory_space<vmem_shared>> -> memref<640x64xf32, #tpu.memory_space<vmem_shared>>
      %dma_wait3A_25 = arith.constant 0 : i32
      %dma_wait3A_26 = tpu.memref_slice %arg8[%mul3A_18, %dma_wait3A_25] : memref<10240x64xf32, #tpu.memory_space<vmem_shared>> -> memref<640x64xf32, #tpu.memory_space<vmem_shared>>
      tpu.wait_dma2 semaphore(%run_scoped3A : memref<!tpu.dma_semaphore, #tpu.memory_space<semaphore_mem>>) src(%dma_wait3A_26 : memref<640x64xf32, #tpu.memory_space<vmem_shared>>) dst(%arg7 : memref<640x64xf32, #tpu.memory_space<vmem>>)
      tpu.yield
    }) : () -> ()
    %mul3A_19 = arith.constant 640 : i32
    %mul3A_20 = arith.muli %arg1, %mul3A_19 : i32
    "tpu.region"() ({
      %run_scoped3A = tpu.sem_alloc : memref<!tpu.dma_semaphore, #tpu.memory_space<semaphore_mem>>
      %dma_start3A = arith.constant 0 : i32
      %dma_start3A_21 = tpu.memref_slice %arg4[%arg0, %mul3A_20, %dma_start3A] : memref<2x10240x64xf32, #tpu.memory_space<hbm>> -> memref<1x640x64xf32, #tpu.memory_space<hbm>>
      %dma_start3A_22 = tpu.memref_squeeze %dma_start3A_21 : memref<1x640x64xf32, #tpu.memory_space<hbm>> -> memref<640x64xf32, #tpu.memory_space<hbm>>
      %dma_start3A_23 = arith.constant 0 : i32
      %dma_start3A_24 = tpu.memref_slice %arg4[%arg0, %mul3A_20, %dma_start3A_23] : memref<2x10240x64xf32, #tpu.memory_space<hbm>> -> memref<1x640x64xf32, #tpu.memory_space<hbm>>
      %dma_start3A_25 = tpu.memref_squeeze %dma_start3A_24 : memref<1x640x64xf32, #tpu.memory_space<hbm>> -> memref<640x64xf32, #tpu.memory_space<hbm>>
      tpu.enqueue_dma source(%arg7 : memref<640x64xf32, #tpu.memory_space<vmem>>) target(%dma_start3A_25 : memref<640x64xf32, #tpu.memory_space<hbm>>) target_semaphore(%run_scoped3A : memref<!tpu.dma_semaphore, #tpu.memory_space<semaphore_mem>>)
      %dma_wait3A = arith.constant 0 : i32
      %dma_wait3A_26 = tpu.memref_slice %arg4[%arg0, %mul3A_20, %dma_wait3A] : memref<2x10240x64xf32, #tpu.memory_space<hbm>> -> memref<1x640x64xf32, #tpu.memory_space<hbm>>
      %dma_wait3A_27 = tpu.memref_squeeze %dma_wait3A_26 : memref<1x640x64xf32, #tpu.memory_space<hbm>> -> memref<640x64xf32, #tpu.memory_space<hbm>>
      %dma_wait3A_28 = arith.constant 0 : i32
      %dma_wait3A_29 = tpu.memref_slice %arg4[%arg0, %mul3A_20, %dma_wait3A_28] : memref<2x10240x64xf32, #tpu.memory_space<hbm>> -> memref<1x640x64xf32, #tpu.memory_space<hbm>>
      %dma_wait3A_30 = tpu.memref_squeeze %dma_wait3A_29 : memref<1x640x64xf32, #tpu.memory_space<hbm>> -> memref<640x64xf32, #tpu.memory_space<hbm>>
      tpu.wait_dma2 semaphore(%run_scoped3A : memref<!tpu.dma_semaphore, #tpu.memory_space<semaphore_mem>>) src(%arg7 : memref<640x64xf32, #tpu.memory_space<vmem>>) dst(%dma_wait3A_30 : memref<640x64xf32, #tpu.memory_space<hbm>>)
      tpu.yield
    }) : () -> ()
    return
  }
}

module attributes {stable_mosaic.version = 14 : i64} {
  func.func @_proj_body(%arg0: i32, %arg1: memref<2000x128xf32, #tpu.memory_space<vmem>>, %arg2: memref<128x64xf32, #tpu.memory_space<vmem>>, %arg3: memref<128x64xf32, #tpu.memory_space<vmem>>, %arg4: memref<2000x64xf32, #tpu.memory_space<vmem>>, %arg5: memref<2000x64xf32, #tpu.memory_space<vmem>>) attributes {dimension_semantics = [#tpu.dimension_semantics<arbitrary>], iteration_bounds = array<i64: 5>, scalar_prefetch = 0 : i64, scratch_operands = 0 : i64, tpu.core_type = #tpu.core_type<tc>, window_params = [{transform_indices = @transform_0, window_bounds = array<i64: 2000, 128>}, {pipeline_mode = #tpu.pipeline_mode<synchronous>, transform_indices = @transform_1, window_bounds = array<i64: 128, 64>}, {pipeline_mode = #tpu.pipeline_mode<synchronous>, transform_indices = @transform_2, window_bounds = array<i64: 128, 64>}, {transform_indices = @transform_3, window_bounds = array<i64: 2000, 64>}, {transform_indices = @transform_4, window_bounds = array<i64: 2000, 64>}]} {
    %get3A = arith.constant 0 : index
    %get3A_0 = arith.constant 0 : index
    %get3A_1 = vector.load %arg1[%get3A, %get3A_0] : memref<2000x128xf32, #tpu.memory_space<vmem>>, vector<2000x128xf32>
    %get3A_2 = arith.constant 0 : index
    %get3A_3 = arith.constant 0 : index
    %get3A_4 = vector.load %arg2[%get3A_2, %get3A_3] : memref<128x64xf32, #tpu.memory_space<vmem>>, vector<128x64xf32>
    %dot_general3A = arith.constant dense<0.000000e+00> : vector<2000x64xf32>
    %dot_general3A_5 = tpu.matmul %get3A_1, %get3A_4, %dot_general3A {dimension_numbers = #tpu.dot_dimension_numbers<[1], [0], [0], [1], [0, 0, 1, 1], [], []>, transpose_lhs_hint = false} : vector<2000x128xf32>, vector<128x64xf32>, vector<2000x64xf32> -> vector<2000x64xf32>
    %swap3A = arith.constant 0 : index
    %swap3A_6 = arith.constant 0 : index
    %swap3A_7 = vector.load %arg4[%swap3A, %swap3A_6] : memref<2000x64xf32, #tpu.memory_space<vmem>>, vector<2000x64xf32>
    tpu.vector_store %arg4[%swap3A, %swap3A_6], %dot_general3A_5 {strides = array<i32>} : memref<2000x64xf32, #tpu.memory_space<vmem>>, vector<2000x64xf32>,
    %get3A_8 = arith.constant 0 : index
    %get3A_9 = arith.constant 0 : index
    %get3A_10 = vector.load %arg3[%get3A_8, %get3A_9] : memref<128x64xf32, #tpu.memory_space<vmem>>, vector<128x64xf32>
    %dot_general3A_11 = arith.constant dense<0.000000e+00> : vector<2000x64xf32>
    %dot_general3A_12 = tpu.matmul %get3A_1, %get3A_10, %dot_general3A_11 {dimension_numbers = #tpu.dot_dimension_numbers<[1], [0], [0], [1], [0, 0, 1, 1], [], []>, transpose_lhs_hint = false} : vector<2000x128xf32>, vector<128x64xf32>, vector<2000x64xf32> -> vector<2000x64xf32>
    %swap3A_13 = arith.constant 0 : index
    %swap3A_14 = arith.constant 0 : index
    %swap3A_15 = vector.load %arg5[%swap3A_13, %swap3A_14] : memref<2000x64xf32, #tpu.memory_space<vmem>>, vector<2000x64xf32>
    tpu.vector_store %arg5[%swap3A_13, %swap3A_14], %dot_general3A_12 {strides = array<i32>} : memref<2000x64xf32, #tpu.memory_space<vmem>>, vector<2000x64xf32>,
    return
  }
  func.func @transform_0(%arg0: i32) -> (i32, i32) {
    %c0_i32 = arith.constant 0 : i32
    %c0_i32_0 = arith.constant 0 : i32
    return %arg0, %c0_i32 : i32, i32
  }
  func.func @transform_1(%arg0: i32) -> (i32, i32) {
    %c0_i32 = arith.constant 0 : i32
    %c0_i32_0 = arith.constant 0 : i32
    %c0_i32_1 = arith.constant 0 : i32
    return %c0_i32, %c0_i32_0 : i32, i32
  }
  func.func @transform_2(%arg0: i32) -> (i32, i32) {
    %c0_i32 = arith.constant 0 : i32
    %c0_i32_0 = arith.constant 0 : i32
    %c0_i32_1 = arith.constant 0 : i32
    return %c0_i32, %c0_i32_0 : i32, i32
  }
  func.func @transform_3(%arg0: i32) -> (i32, i32) {
    %c0_i32 = arith.constant 0 : i32
    %c0_i32_0 = arith.constant 0 : i32
    return %arg0, %c0_i32 : i32, i32
  }
  func.func @transform_4(%arg0: i32) -> (i32, i32) {
    %c0_i32 = arith.constant 0 : i32
    %c0_i32_0 = arith.constant 0 : i32
    return %arg0, %c0_i32 : i32, i32
  }
}

module attributes {stable_mosaic.version = 14 : i64} {
  func.func @_qe0_body(%arg0: i32, %arg1: memref<16x3200xf32, #tpu.memory_space<vmem>>, %arg2: memref<16x3200xf32, #tpu.memory_space<vmem>>, %arg3: memref<16x64xf32, #tpu.memory_space<vmem>>, %arg4: memref<1x64xf32, #tpu.memory_space<vmem>>, %arg5: memref<3200x128xf32, #tpu.memory_space<vmem>>) attributes {dimension_semantics = [#tpu.dimension_semantics<arbitrary>], iteration_bounds = array<i64: 50>, scalar_prefetch = 0 : i64, scratch_operands = 0 : i64, tpu.core_type = #tpu.core_type<tc>, window_params = [{transform_indices = @transform_0, window_bounds = array<i64: 16, 3200>}, {transform_indices = @transform_1, window_bounds = array<i64: 16, 3200>}, {pipeline_mode = #tpu.pipeline_mode<synchronous>, transform_indices = @transform_2, window_bounds = array<i64: 16, 64>}, {pipeline_mode = #tpu.pipeline_mode<synchronous>, transform_indices = @transform_3, window_bounds = array<i64: 1, 64>}, {transform_indices = @transform_4, window_bounds = array<i64: 3200, 128>}]} {
    %get3A = arith.constant 0 : index
    %get3A_0 = arith.constant 0 : index
    %get3A_1 = vector.load %arg3[%get3A, %get3A_0] : memref<16x64xf32, #tpu.memory_space<vmem>>, vector<16x64xf32>
    %get3A_2 = arith.constant 0 : index
    %get3A_3 = arith.constant 0 : index
    %get3A_4 = vector.load %arg4[%get3A_2, %get3A_3] : memref<1x64xf32, #tpu.memory_space<vmem>>, vector<1x64xf32>
    %get3A_5 = arith.constant 0 : index
    %get3A_6 = arith.constant 0 : index
    %get3A_7 = vector.load %arg1[%get3A_5, %get3A_6] : memref<16x3200xf32, #tpu.memory_space<vmem>>, vector<16x3200xf32>
    %transpose3A = tpu.transpose %get3A_7, [1, 0] : vector<16x3200xf32> -> vector<3200x16xf32>
    %dot_general3A = arith.constant dense<0.000000e+00> : vector<3200x64xf32>
    %dot_general3A_8 = tpu.matmul %transpose3A, %get3A_1, %dot_general3A {dimension_numbers = #tpu.dot_dimension_numbers<[1], [0], [0], [1], [0, 0, 1, 1], [], []>, transpose_lhs_hint = false} : vector<3200x16xf32>, vector<16x64xf32>, vector<3200x64xf32> -> vector<3200x64xf32>
    %add3A = vector.broadcast %get3A_4 : vector<1x64xf32> to vector<3200x64xf32>
    %add3A_9 = arith.addf %dot_general3A_8, %add3A : vector<3200x64xf32>
    %get3A_10 = arith.constant 0 : index
    %get3A_11 = arith.constant 0 : index
    %get3A_12 = vector.load %arg2[%get3A_10, %get3A_11] : memref<16x3200xf32, #tpu.memory_space<vmem>>, vector<16x3200xf32>
    %transpose3A_13 = tpu.transpose %get3A_12, [1, 0] : vector<16x3200xf32> -> vector<3200x16xf32>
    %dot_general3A_14 = arith.constant dense<0.000000e+00> : vector<3200x64xf32>
    %dot_general3A_15 = tpu.matmul %transpose3A_13, %get3A_1, %dot_general3A_14 {dimension_numbers = #tpu.dot_dimension_numbers<[1], [0], [0], [1], [0, 0, 1, 1], [], []>, transpose_lhs_hint = false} : vector<3200x16xf32>, vector<16x64xf32>, vector<3200x64xf32> -> vector<3200x64xf32>
    %add3A_16 = vector.broadcast %get3A_4 : vector<1x64xf32> to vector<3200x64xf32>
    %add3A_17 = arith.addf %dot_general3A_15, %add3A_16 : vector<3200x64xf32>
    %concatenate3A = tpu.concatenate %add3A_9, %add3A_17 in 1 : vector<3200x64xf32>, vector<3200x64xf32> -> vector<3200x128xf32>
    %swap3A = arith.constant 0 : index
    %swap3A_18 = arith.constant 0 : index
    %swap3A_19 = vector.load %arg5[%swap3A, %swap3A_18] : memref<3200x128xf32, #tpu.memory_space<vmem>>, vector<3200x128xf32>
    tpu.vector_store %arg5[%swap3A, %swap3A_18], %concatenate3A {strides = array<i32>} : memref<3200x128xf32, #tpu.memory_space<vmem>>, vector<3200x128xf32>,
    return
  }
  func.func @transform_0(%arg0: i32) -> (i32, i32) {
    %c0_i32 = arith.constant 0 : i32
    %c0_i32_0 = arith.constant 0 : i32
    return %c0_i32, %arg0 : i32, i32
  }
  func.func @transform_1(%arg0: i32) -> (i32, i32) {
    %add3A = arith.constant 50 : i32
    %add3A_0 = arith.addi %arg0, %add3A : i32
    %c0_i32 = arith.constant 0 : i32
    %c0_i32_1 = arith.constant 0 : i32
    return %c0_i32, %add3A_0 : i32, i32
  }
  func.func @transform_2(%arg0: i32) -> (i32, i32) {
    %c0_i32 = arith.constant 0 : i32
    %c0_i32_0 = arith.constant 0 : i32
    %c0_i32_1 = arith.constant 0 : i32
    return %c0_i32, %c0_i32_0 : i32, i32
  }
  func.func @transform_3(%arg0: i32) -> (i32, i32) {
    %c0_i32 = arith.constant 0 : i32
    %c0_i32_0 = arith.constant 0 : i32
    %c0_i32_1 = arith.constant 0 : i32
    return %c0_i32, %c0_i32_0 : i32, i32
  }
  func.func @transform_4(%arg0: i32) -> (i32, i32) {
    %c0_i32 = arith.constant 0 : i32
    %c0_i32_0 = arith.constant 0 : i32
    return %arg0, %c0_i32 : i32, i32
  }
}

module attributes {stable_mosaic.version = 14 : i64} {
  func.func @_edge_body(%arg0: i32, %arg1: memref<3200x128xf32, #tpu.memory_space<vmem>>, %arg2: memref<128x128xf32, #tpu.memory_space<vmem>>, %arg3: memref<1x128xf32, #tpu.memory_space<vmem>>, %arg4: memref<128x128xf32, #tpu.memory_space<vmem>>, %arg5: memref<1x128xf32, #tpu.memory_space<vmem>>, %arg6: memref<3200x128xf32, #tpu.memory_space<vmem>>, %arg7: memref<3200x128xf32, #tpu.memory_space<vmem>>) attributes {dimension_semantics = [#tpu.dimension_semantics<arbitrary>], iteration_bounds = array<i64: 50>, scalar_prefetch = 0 : i64, scratch_operands = 0 : i64, tpu.core_type = #tpu.core_type<tc>, window_params = [{transform_indices = @transform_0, window_bounds = array<i64: 3200, 128>}, {pipeline_mode = #tpu.pipeline_mode<synchronous>, transform_indices = @transform_1, window_bounds = array<i64: 128, 128>}, {pipeline_mode = #tpu.pipeline_mode<synchronous>, transform_indices = @transform_2, window_bounds = array<i64: 1, 128>}, {pipeline_mode = #tpu.pipeline_mode<synchronous>, transform_indices = @transform_3, window_bounds = array<i64: 128, 128>}, {pipeline_mode = #tpu.pipeline_mode<synchronous>, transform_indices = @transform_4, window_bounds = array<i64: 1, 128>}, {transform_indices = @transform_5, window_bounds = array<i64: 3200, 128>}, {transform_indices = @transform_6, window_bounds = array<i64: 3200, 128>}]} {
    %get3A = arith.constant 0 : index
    %get3A_0 = arith.constant 0 : index
    %get3A_1 = vector.load %arg1[%get3A, %get3A_0] : memref<3200x128xf32, #tpu.memory_space<vmem>>, vector<3200x128xf32>
    %get3A_2 = arith.constant 0 : index
    %get3A_3 = arith.constant 0 : index
    %get3A_4 = vector.load %arg2[%get3A_2, %get3A_3] : memref<128x128xf32, #tpu.memory_space<vmem>>, vector<128x128xf32>
    %dot_general3A = arith.constant dense<0.000000e+00> : vector<3200x128xf32>
    %dot_general3A_5 = tpu.matmul %get3A_1, %get3A_4, %dot_general3A {dimension_numbers = #tpu.dot_dimension_numbers<[1], [0], [0], [1], [0, 0, 1, 1], [], []>, transpose_lhs_hint = false} : vector<3200x128xf32>, vector<128x128xf32>, vector<3200x128xf32> -> vector<3200x128xf32>
    %get3A_6 = arith.constant 0 : index
    %get3A_7 = arith.constant 0 : index
    %get3A_8 = vector.load %arg3[%get3A_6, %get3A_7] : memref<1x128xf32, #tpu.memory_space<vmem>>, vector<1x128xf32>
    %add3A = vector.broadcast %get3A_8 : vector<1x128xf32> to vector<3200x128xf32>
    %add3A_9 = arith.addf %dot_general3A_5, %add3A : vector<3200x128xf32>
    %swap3A = arith.constant 0 : index
    %swap3A_10 = arith.constant 0 : index
    %swap3A_11 = vector.load %arg6[%swap3A, %swap3A_10] : memref<3200x128xf32, #tpu.memory_space<vmem>>, vector<3200x128xf32>
    tpu.vector_store %arg6[%swap3A, %swap3A_10], %add3A_9 {strides = array<i32>} : memref<3200x128xf32, #tpu.memory_space<vmem>>, vector<3200x128xf32>,
    %get3A_12 = arith.constant 0 : index
    %get3A_13 = arith.constant 0 : index
    %get3A_14 = vector.load %arg4[%get3A_12, %get3A_13] : memref<128x128xf32, #tpu.memory_space<vmem>>, vector<128x128xf32>
    %dot_general3A_15 = arith.constant dense<0.000000e+00> : vector<3200x128xf32>
    %dot_general3A_16 = tpu.matmul %add3A_9, %get3A_14, %dot_general3A_15 {dimension_numbers = #tpu.dot_dimension_numbers<[1], [0], [0], [1], [0, 0, 1, 1], [], []>, transpose_lhs_hint = false} : vector<3200x128xf32>, vector<128x128xf32>, vector<3200x128xf32> -> vector<3200x128xf32>
    %get3A_17 = arith.constant 0 : index
    %get3A_18 = arith.constant 0 : index
    %get3A_19 = vector.load %arg5[%get3A_17, %get3A_18] : memref<1x128xf32, #tpu.memory_space<vmem>>, vector<1x128xf32>
    %add3A_20 = vector.broadcast %get3A_19 : vector<1x128xf32> to vector<3200x128xf32>
    %add3A_21 = arith.addf %dot_general3A_16, %add3A_20 : vector<3200x128xf32>
    %swap3A_22 = arith.constant 0 : index
    %swap3A_23 = arith.constant 0 : index
    %swap3A_24 = vector.load %arg7[%swap3A_22, %swap3A_23] : memref<3200x128xf32, #tpu.memory_space<vmem>>, vector<3200x128xf32>
    tpu.vector_store %arg7[%swap3A_22, %swap3A_23], %add3A_21 {strides = array<i32>} : memref<3200x128xf32, #tpu.memory_space<vmem>>, vector<3200x128xf32>,
    return
  }
  func.func @transform_0(%arg0: i32) -> (i32, i32) {
    %c0_i32 = arith.constant 0 : i32
    %c0_i32_0 = arith.constant 0 : i32
    return %arg0, %c0_i32 : i32, i32
  }
  func.func @transform_1(%arg0: i32) -> (i32, i32) {
    %c0_i32 = arith.constant 0 : i32
    %c0_i32_0 = arith.constant 0 : i32
    %c0_i32_1 = arith.constant 0 : i32
    return %c0_i32, %c0_i32_0 : i32, i32
  }
  func.func @transform_2(%arg0: i32) -> (i32, i32) {
    %c0_i32 = arith.constant 0 : i32
    %c0_i32_0 = arith.constant 0 : i32
    %c0_i32_1 = arith.constant 0 : i32
    return %c0_i32, %c0_i32_0 : i32, i32
  }
  func.func @transform_3(%arg0: i32) -> (i32, i32) {
    %c0_i32 = arith.constant 0 : i32
    %c0_i32_0 = arith.constant 0 : i32
    %c0_i32_1 = arith.constant 0 : i32
    return %c0_i32, %c0_i32_0 : i32, i32
  }
  func.func @transform_4(%arg0: i32) -> (i32, i32) {
    %c0_i32 = arith.constant 0 : i32
    %c0_i32_0 = arith.constant 0 : i32
    %c0_i32_1 = arith.constant 0 : i32
    return %c0_i32, %c0_i32_0 : i32, i32
  }
  func.func @transform_5(%arg0: i32) -> (i32, i32) {
    %c0_i32 = arith.constant 0 : i32
    %c0_i32_0 = arith.constant 0 : i32
    return %arg0, %c0_i32 : i32, i32
  }
  func.func @transform_6(%arg0: i32) -> (i32, i32) {
    %c0_i32 = arith.constant 0 : i32
    %c0_i32_0 = arith.constant 0 : i32
    return %arg0, %c0_i32 : i32, i32
  }
}

module attributes {stable_mosaic.version = 14 : i64} {
  func.func @_eot_body(%arg0: i32, %arg1: memref<3200x128xf32, #tpu.memory_space<vmem>>, %arg2: memref<64x3200xf32, #tpu.memory_space<vmem>>) attributes {dimension_semantics = [#tpu.dimension_semantics<arbitrary>], iteration_bounds = array<i64: 100>, scalar_prefetch = 0 : i64, scratch_operands = 0 : i64, tpu.core_type = #tpu.core_type<tc>, window_params = [{transform_indices = @transform_0, window_bounds = array<i64: 3200, 128>}, {transform_indices = @transform_1, window_bounds = array<i64: 64, 3200>}]} {
    %get3A = arith.constant 0 : index
    %get3A_0 = arith.constant 0 : index
    %get3A_1 = vector.load %arg1[%get3A, %get3A_0] : memref<3200x128xf32, #tpu.memory_space<vmem>>, vector<3200x128xf32>
    %jit3A = arith.constant 50 : i32
    %div3A = arith.divsi %arg0, %jit3A : i32
    %sign3A = arith.constant 0 : i32
    %sign3A_2 = arith.cmpi sgt, %arg0, %sign3A : i32
    %sign3A_3 = arith.extui %sign3A_2 : i1 to i32
    %sign3A_4 = arith.constant 0 : i32
    %sign3A_5 = arith.cmpi slt, %arg0, %sign3A_4 : i32
    %sign3A_6 = arith.extui %sign3A_5 : i1 to i32
    %sign3A_7 = arith.subi %sign3A_3, %sign3A_6 : i32
    %sign3A_8 = arith.constant 0 : i32
    %sign3A_9 = arith.cmpi sgt, %jit3A, %sign3A_8 : i32
    %sign3A_10 = arith.extui %sign3A_9 : i1 to i32
    %sign3A_11 = arith.constant 0 : i32
    %sign3A_12 = arith.cmpi slt, %jit3A, %sign3A_11 : i32
    %sign3A_13 = arith.extui %sign3A_12 : i1 to i32
    %sign3A_14 = arith.subi %sign3A_10, %sign3A_13 : i32
    %ne3A = arith.cmpi ne, %sign3A_7, %sign3A_14 : i32
    %rem3A = arith.remsi %arg0, %jit3A : i32
    %ne3A_15 = arith.constant 0 : i32
    %ne3A_16 = arith.cmpi ne, %rem3A, %ne3A_15 : i32
    %and3A = arith.andi %ne3A, %ne3A_16 : i1
    %sub3A = arith.constant 1 : i32
    %sub3A_17 = arith.subi %div3A, %sub3A : i32
    %select_n3A = arith.select %and3A, %sub3A_17, %div3A : i32
    %eq3A = arith.constant 0 : i32
    %eq3A_18 = arith.cmpi eq, %select_n3A, %eq3A : i32
    %slice3A = vector.extract_strided_slice %get3A_1 {offsets = [0, 0], sizes = [3200, 64], strides = [1, 1]} : vector<3200x128xf32> to vector<3200x64xf32>
    %slice3A_19 = vector.extract_strided_slice %get3A_1 {offsets = [0, 64], sizes = [3200, 64], strides = [1, 1]} : vector<3200x128xf32> to vector<3200x64xf32>
    %select_n3A_20 = arith.select %eq3A_18, %slice3A, %slice3A_19 : vector<3200x64xf32>
    %transpose3A = tpu.transpose %select_n3A_20, [1, 0] : vector<3200x64xf32> -> vector<64x3200xf32>
    %swap3A = arith.constant 0 : index
    %swap3A_21 = arith.constant 0 : index
    %swap3A_22 = vector.load %arg2[%swap3A, %swap3A_21] : memref<64x3200xf32, #tpu.memory_space<vmem>>, vector<64x3200xf32>
    tpu.vector_store %arg2[%swap3A, %swap3A_21], %transpose3A {strides = array<i32>} : memref<64x3200xf32, #tpu.memory_space<vmem>>, vector<64x3200xf32>,
    return
  }
  func.func @transform_0(%arg0: i32) -> (i32, i32) {
    %jit3A = arith.constant 50 : i32
    %eq3A = arith.constant 0 : i32
    %eq3A_0 = arith.cmpi eq, %jit3A, %eq3A : i32
    %jit3A_1 = arith.constant 1 : i32
    %select_n3A = arith.select %eq3A_0, %jit3A_1, %jit3A : i32
    %rem3A = arith.remsi %arg0, %select_n3A : i32
    %ne3A = arith.constant 0 : i32
    %ne3A_2 = arith.cmpi ne, %rem3A, %ne3A : i32
    %lt3A = arith.constant 0 : i32
    %lt3A_3 = arith.cmpi slt, %rem3A, %lt3A : i32
    %lt3A_4 = arith.constant 0 : i32
    %lt3A_5 = arith.cmpi slt, %select_n3A, %lt3A_4 : i32
    %ne3A_6 = arith.xori %lt3A_3, %lt3A_5 : i1
    %and3A = arith.andi %ne3A_6, %ne3A_2 : i1
    %add3A = arith.addi %rem3A, %select_n3A : i32
    %select_n3A_7 = arith.select %and3A, %add3A, %rem3A : i32
    %c0_i32 = arith.constant 0 : i32
    %c0_i32_8 = arith.constant 0 : i32
    return %select_n3A_7, %c0_i32 : i32, i32
  }
  func.func @transform_1(%arg0: i32) -> (i32, i32) {
    %c0_i32 = arith.constant 0 : i32
    %c0_i32_0 = arith.constant 0 : i32
    return %c0_i32, %arg0 : i32, i32
  }
}

module attributes {stable_mosaic.version = 14 : i64} {
  func.func @body(%arg0: i32, %arg1: memref<2000x128xf32, #tpu.memory_space<vmem>>, %arg2: memref<2000x64xf32, #tpu.memory_space<vmem>>, %arg3: memref<2000x64xf32, #tpu.memory_space<vmem>>, %arg4: memref<64x40xf32, #tpu.memory_space<vmem>>, %arg5: memref<128x40xf32, #tpu.memory_space<vmem>>, %arg6: memref<1x40xf32, #tpu.memory_space<vmem>>, %arg7: memref<40x64xf32, #tpu.memory_space<vmem>>, %arg8: memref<1x64xf32, #tpu.memory_space<vmem>>, %arg9: memref<128x64xf32, #tpu.memory_space<vmem>>, %arg10: memref<1x64xf32, #tpu.memory_space<vmem>>, %arg11: memref<64x64xf32, #tpu.memory_space<vmem>>, %arg12: memref<1x64xf32, #tpu.memory_space<vmem>>, %arg13: memref<64x64xf32, #tpu.memory_space<vmem>>, %arg14: memref<64x64xf32, #tpu.memory_space<vmem>>, %arg15: memref<1x1xf32, #tpu.memory_space<vmem>>, %arg16: memref<2000x64xf32, #tpu.memory_space<vmem>>, %arg17: memref<2000x64xf32, #tpu.memory_space<vmem>>, %arg18: memref<2000x64xf32, #tpu.memory_space<vmem>>) attributes {dimension_semantics = [#tpu.dimension_semantics<arbitrary>], iteration_bounds = array<i64: 5>, scalar_prefetch = 0 : i64, scratch_operands = 0 : i64, tpu.core_type = #tpu.core_type<tc>, window_params = [{transform_indices = @transform_0, window_bounds = array<i64: 2000, 128>}, {transform_indices = @transform_1, window_bounds = array<i64: 2000, 64>}, {transform_indices = @transform_2, window_bounds = array<i64: 2000, 64>}, {pipeline_mode = #tpu.pipeline_mode<synchronous>, transform_indices = @transform_3, window_bounds = array<i64: 64, 40>}, {pipeline_mode = #tpu.pipeline_mode<synchronous>, transform_indices = @transform_4, window_bounds = array<i64: 128, 40>}, {pipeline_mode = #tpu.pipeline_mode<synchronous>, transform_indices = @transform_5, window_bounds = array<i64: 1, 40>}, {pipeline_mode = #tpu.pipeline_mode<synchronous>, transform_indices = @transform_6, window_bounds = array<i64: 40, 64>}, {pipeline_mode = #tpu.pipeline_mode<synchronous>, transform_indices = @transform_7, window_bounds = array<i64: 1, 64>}, {pipeline_mode = #tpu.pipeline_mode<synchronous>, transform_indices = @transform_8, window_bounds = array<i64: 128, 64>}, {pipeline_mode = #tpu.pipeline_mode<synchronous>, transform_indices = @transform_9, window_bounds = array<i64: 1, 64>}, {pipeline_mode = #tpu.pipeline_mode<synchronous>, transform_indices = @transform_10, window_bounds = array<i64: 64, 64>}, {pipeline_mode = #tpu.pipeline_mode<synchronous>, transform_indices = @transform_11, window_bounds = array<i64: 1, 64>}, {pipeline_mode = #tpu.pipeline_mode<synchronous>, transform_indices = @transform_12, window_bounds = array<i64: 64, 64>}, {pipeline_mode = #tpu.pipeline_mode<synchronous>, transform_indices = @transform_13, window_bounds = array<i64: 64, 64>}, {pipeline_mode = #tpu.pipeline_mode<synchronous>, transform_indices = @transform_14, window_bounds = array<i64: 1, 1>}, {transform_indices = @transform_15, window_bounds = array<i64: 2000, 64>}, {transform_indices = @transform_16, window_bounds = array<i64: 2000, 64>}, {transform_indices = @transform_17, window_bounds = array<i64: 2000, 64>}]} {
    %get3A = arith.constant 0 : index
    %get3A_0 = arith.constant 0 : index
    %get3A_1 = vector.load %arg1[%get3A, %get3A_0] : memref<2000x128xf32, #tpu.memory_space<vmem>>, vector<2000x128xf32>
    %get3A_2 = arith.constant 0 : index
    %get3A_3 = arith.constant 0 : index
    %get3A_4 = vector.load %arg15[%get3A_2, %get3A_3] : memref<1x1xf32, #tpu.memory_space<vmem>>, vector<1x1xf32>
    %get3A_5 = vector.extract %get3A_4[0, 0] : f32 from vector<1x1xf32>
    %mul3A = arith.constant 0.000000e+00 : f32
    %mul3A_6 = arith.mulf %get3A_5, %mul3A : f32
    %add3A = vector.broadcast %mul3A_6 : f32 to vector<2000x128xf32>
    %add3A_7 = arith.addf %get3A_1, %add3A : vector<2000x128xf32>
    %get3A_8 = arith.constant 0 : index
    %get3A_9 = arith.constant 0 : index
    %get3A_10 = vector.load %arg2[%get3A_8, %get3A_9] : memref<2000x64xf32, #tpu.memory_space<vmem>>, vector<2000x64xf32>
    %get3A_11 = arith.constant 0 : index
    %get3A_12 = arith.constant 0 : index
    %get3A_13 = vector.load %arg3[%get3A_11, %get3A_12] : memref<2000x64xf32, #tpu.memory_space<vmem>>, vector<2000x64xf32>
    %add3A_14 = arith.addf %get3A_10, %get3A_13 : vector<2000x64xf32>
    %get3A_15 = arith.constant 0 : index
    %get3A_16 = arith.constant 0 : index
    %get3A_17 = vector.load %arg5[%get3A_15, %get3A_16] : memref<128x40xf32, #tpu.memory_space<vmem>>, vector<128x40xf32>
    %dot_general3A = arith.constant dense<0.000000e+00> : vector<2000x40xf32>
    %dot_general3A_18 = tpu.matmul %add3A_7, %get3A_17, %dot_general3A {dimension_numbers = #tpu.dot_dimension_numbers<[1], [0], [0], [1], [0, 0, 1, 1], [], []>, transpose_lhs_hint = false} : vector<2000x128xf32>, vector<128x40xf32>, vector<2000x40xf32> -> vector<2000x40xf32>
    %get3A_19 = arith.constant 0 : index
    %get3A_20 = arith.constant 0 : index
    %get3A_21 = vector.load %arg4[%get3A_19, %get3A_20] : memref<64x40xf32, #tpu.memory_space<vmem>>, vector<64x40xf32>
    %dot_general3A_22 = arith.constant dense<0.000000e+00> : vector<2000x40xf32>
    %dot_general3A_23 = tpu.matmul %add3A_14, %get3A_21, %dot_general3A_22 {dimension_numbers = #tpu.dot_dimension_numbers<[1], [0], [0], [1], [0, 0, 1, 1], [], []>, transpose_lhs_hint = false} : vector<2000x64xf32>, vector<64x40xf32>, vector<2000x40xf32> -> vector<2000x40xf32>
    %add3A_24 = arith.addf %dot_general3A_18, %dot_general3A_23 : vector<2000x40xf32>
    %get3A_25 = arith.constant 0 : index
    %get3A_26 = arith.constant 0 : index
    %get3A_27 = vector.load %arg6[%get3A_25, %get3A_26] : memref<1x40xf32, #tpu.memory_space<vmem>>, vector<1x40xf32>
    %add3A_28 = vector.broadcast %get3A_27 : vector<1x40xf32> to vector<2000x40xf32>
    %add3A_29 = arith.addf %add3A_24, %add3A_28 : vector<2000x40xf32>
    %max3A = arith.constant 0.000000e+00 : f32
    %max3A_30 = vector.broadcast %max3A : f32 to vector<2000x40xf32>
    %max3A_31 = arith.maximumf %add3A_29, %max3A_30 : vector<2000x40xf32>
    %get3A_32 = arith.constant 0 : index
    %get3A_33 = arith.constant 0 : index
    %get3A_34 = vector.load %arg7[%get3A_32, %get3A_33] : memref<40x64xf32, #tpu.memory_space<vmem>>, vector<40x64xf32>
    %dot_general3A_35 = arith.constant dense<0.000000e+00> : vector<2000x64xf32>
    %dot_general3A_36 = tpu.matmul %max3A_31, %get3A_34, %dot_general3A_35 {dimension_numbers = #tpu.dot_dimension_numbers<[1], [0], [0], [1], [0, 0, 1, 1], [], []>, transpose_lhs_hint = false} : vector<2000x40xf32>, vector<40x64xf32>, vector<2000x64xf32> -> vector<2000x64xf32>
    %get3A_37 = arith.constant 0 : index
    %get3A_38 = arith.constant 0 : index
    %get3A_39 = vector.load %arg8[%get3A_37, %get3A_38] : memref<1x64xf32, #tpu.memory_space<vmem>>, vector<1x64xf32>
    %add3A_40 = vector.broadcast %get3A_39 : vector<1x64xf32> to vector<2000x64xf32>
    %add3A_41 = arith.addf %dot_general3A_36, %add3A_40 : vector<2000x64xf32>
    %get3A_42 = arith.constant 0 : index
    %get3A_43 = arith.constant 0 : index
    %get3A_44 = vector.load %arg9[%get3A_42, %get3A_43] : memref<128x64xf32, #tpu.memory_space<vmem>>, vector<128x64xf32>
    %dot_general3A_45 = arith.constant dense<0.000000e+00> : vector<2000x64xf32>
    %dot_general3A_46 = tpu.matmul %add3A_7, %get3A_44, %dot_general3A_45 {dimension_numbers = #tpu.dot_dimension_numbers<[1], [0], [0], [1], [0, 0, 1, 1], [], []>, transpose_lhs_hint = false} : vector<2000x128xf32>, vector<128x64xf32>, vector<2000x64xf32> -> vector<2000x64xf32>
    %get3A_47 = arith.constant 0 : index
    %get3A_48 = arith.constant 0 : index
    %get3A_49 = vector.load %arg10[%get3A_47, %get3A_48] : memref<1x64xf32, #tpu.memory_space<vmem>>, vector<1x64xf32>
    %add3A_50 = vector.broadcast %get3A_49 : vector<1x64xf32> to vector<2000x64xf32>
    %add3A_51 = arith.addf %dot_general3A_46, %add3A_50 : vector<2000x64xf32>
    %max3A_52 = arith.constant 0.000000e+00 : f32
    %max3A_53 = vector.broadcast %max3A_52 : f32 to vector<2000x64xf32>
    %max3A_54 = arith.maximumf %add3A_51, %max3A_53 : vector<2000x64xf32>
    %get3A_55 = arith.constant 0 : index
    %get3A_56 = arith.constant 0 : index
    %get3A_57 = vector.load %arg11[%get3A_55, %get3A_56] : memref<64x64xf32, #tpu.memory_space<vmem>>, vector<64x64xf32>
    %dot_general3A_58 = arith.constant dense<0.000000e+00> : vector<2000x64xf32>
    %dot_general3A_59 = tpu.matmul %max3A_54, %get3A_57, %dot_general3A_58 {dimension_numbers = #tpu.dot_dimension_numbers<[1], [0], [0], [1], [0, 0, 1, 1], [], []>, transpose_lhs_hint = false} : vector<2000x64xf32>, vector<64x64xf32>, vector<2000x64xf32> -> vector<2000x64xf32>
    %get3A_60 = arith.constant 0 : index
    %get3A_61 = arith.constant 0 : index
    %get3A_62 = vector.load %arg12[%get3A_60, %get3A_61] : memref<1x64xf32, #tpu.memory_space<vmem>>, vector<1x64xf32>
    %add3A_63 = vector.broadcast %get3A_62 : vector<1x64xf32> to vector<2000x64xf32>
    %add3A_64 = arith.addf %dot_general3A_59, %add3A_63 : vector<2000x64xf32>
    %max3A_65 = arith.constant 0.000000e+00 : f32
    %max3A_66 = vector.broadcast %max3A_65 : f32 to vector<2000x64xf32>
    %max3A_67 = arith.maximumf %add3A_64, %max3A_66 : vector<2000x64xf32>
    %mul3A_68 = arith.constant 5.000000e-01 : f32
    %mul3A_69 = vector.broadcast %mul3A_68 : f32 to vector<2000x64xf32>
    %mul3A_70 = arith.mulf %mul3A_69, %max3A_67 : vector<2000x64xf32>
    %max3A_71 = arith.constant 0.000000e+00 : f32
    %max3A_72 = vector.broadcast %max3A_71 : f32 to vector<2000x64xf32>
    %max3A_73 = arith.maximumf %add3A_41, %max3A_72 : vector<2000x64xf32>
    %mul3A_74 = arith.constant 5.000000e-01 : f32
    %mul3A_75 = vector.broadcast %mul3A_74 : f32 to vector<2000x64xf32>
    %mul3A_76 = arith.mulf %mul3A_75, %max3A_73 : vector<2000x64xf32>
    %add3A_77 = arith.addf %mul3A_70, %mul3A_76 : vector<2000x64xf32>
    %swap3A = arith.constant 0 : index
    %swap3A_78 = arith.constant 0 : index
    %swap3A_79 = vector.load %arg16[%swap3A, %swap3A_78] : memref<2000x64xf32, #tpu.memory_space<vmem>>, vector<2000x64xf32>
    tpu.vector_store %arg16[%swap3A, %swap3A_78], %add3A_77 {strides = array<i32>} : memref<2000x64xf32, #tpu.memory_space<vmem>>, vector<2000x64xf32>,
    %get3A_80 = arith.constant 0 : index
    %get3A_81 = arith.constant 0 : index
    %get3A_82 = vector.load %arg13[%get3A_80, %get3A_81] : memref<64x64xf32, #tpu.memory_space<vmem>>, vector<64x64xf32>
    %dot_general3A_83 = arith.constant dense<0.000000e+00> : vector<2000x64xf32>
    %dot_general3A_84 = tpu.matmul %add3A_77, %get3A_82, %dot_general3A_83 {dimension_numbers = #tpu.dot_dimension_numbers<[1], [0], [0], [1], [0, 0, 1, 1], [], []>, transpose_lhs_hint = false} : vector<2000x64xf32>, vector<64x64xf32>, vector<2000x64xf32> -> vector<2000x64xf32>
    %swap3A_85 = arith.constant 0 : index
    %swap3A_86 = arith.constant 0 : index
    %swap3A_87 = vector.load %arg17[%swap3A_85, %swap3A_86] : memref<2000x64xf32, #tpu.memory_space<vmem>>, vector<2000x64xf32>
    tpu.vector_store %arg17[%swap3A_85, %swap3A_86], %dot_general3A_84 {strides = array<i32>} : memref<2000x64xf32, #tpu.memory_space<vmem>>, vector<2000x64xf32>,
    %get3A_88 = arith.constant 0 : index
    %get3A_89 = arith.constant 0 : index
    %get3A_90 = vector.load %arg14[%get3A_88, %get3A_89] : memref<64x64xf32, #tpu.memory_space<vmem>>, vector<64x64xf32>
    %dot_general3A_91 = arith.constant dense<0.000000e+00> : vector<2000x64xf32>
    %dot_general3A_92 = tpu.matmul %add3A_77, %get3A_90, %dot_general3A_91 {dimension_numbers = #tpu.dot_dimension_numbers<[1], [0], [0], [1], [0, 0, 1, 1], [], []>, transpose_lhs_hint = false} : vector<2000x64xf32>, vector<64x64xf32>, vector<2000x64xf32> -> vector<2000x64xf32>
    %swap3A_93 = arith.constant 0 : index
    %swap3A_94 = arith.constant 0 : index
    %swap3A_95 = vector.load %arg18[%swap3A_93, %swap3A_94] : memref<2000x64xf32, #tpu.memory_space<vmem>>, vector<2000x64xf32>
    tpu.vector_store %arg18[%swap3A_93, %swap3A_94], %dot_general3A_92 {strides = array<i32>} : memref<2000x64xf32, #tpu.memory_space<vmem>>, vector<2000x64xf32>,
    return
  }
  func.func @transform_0(%arg0: i32) -> (i32, i32) {
    %c0_i32 = arith.constant 0 : i32
    %c0_i32_0 = arith.constant 0 : i32
    return %arg0, %c0_i32 : i32, i32
  }
  func.func @transform_1(%arg0: i32) -> (i32, i32) {
    %c0_i32 = arith.constant 0 : i32
    %c0_i32_0 = arith.constant 0 : i32
    return %arg0, %c0_i32 : i32, i32
  }
  func.func @transform_2(%arg0: i32) -> (i32, i32) {
    %c0_i32 = arith.constant 0 : i32
    %c0_i32_0 = arith.constant 0 : i32
    return %arg0, %c0_i32 : i32, i32
  }
  func.func @transform_3(%arg0: i32) -> (i32, i32) {
    %c0_i32 = arith.constant 0 : i32
    %c0_i32_0 = arith.constant 0 : i32
    %c0_i32_1 = arith.constant 0 : i32
    return %c0_i32, %c0_i32_0 : i32, i32
  }
  func.func @transform_4(%arg0: i32) -> (i32, i32) {
    %c0_i32 = arith.constant 0 : i32
    %c0_i32_0 = arith.constant 0 : i32
    %c0_i32_1 = arith.constant 0 : i32
    return %c0_i32, %c0_i32_0 : i32, i32
  }
  func.func @transform_5(%arg0: i32) -> (i32, i32) {
    %c0_i32 = arith.constant 0 : i32
    %c0_i32_0 = arith.constant 0 : i32
    %c0_i32_1 = arith.constant 0 : i32
    return %c0_i32, %c0_i32_0 : i32, i32
  }
  func.func @transform_6(%arg0: i32) -> (i32, i32) {
    %c0_i32 = arith.constant 0 : i32
    %c0_i32_0 = arith.constant 0 : i32
    %c0_i32_1 = arith.constant 0 : i32
    return %c0_i32, %c0_i32_0 : i32, i32
  }
  func.func @transform_7(%arg0: i32) -> (i32, i32) {
    %c0_i32 = arith.constant 0 : i32
    %c0_i32_0 = arith.constant 0 : i32
    %c0_i32_1 = arith.constant 0 : i32
    return %c0_i32, %c0_i32_0 : i32, i32
  }
  func.func @transform_8(%arg0: i32) -> (i32, i32) {
    %c0_i32 = arith.constant 0 : i32
    %c0_i32_0 = arith.constant 0 : i32
    %c0_i32_1 = arith.constant 0 : i32
    return %c0_i32, %c0_i32_0 : i32, i32
  }
  func.func @transform_9(%arg0: i32) -> (i32, i32) {
    %c0_i32 = arith.constant 0 : i32
    %c0_i32_0 = arith.constant 0 : i32
    %c0_i32_1 = arith.constant 0 : i32
    return %c0_i32, %c0_i32_0 : i32, i32
  }
  func.func @transform_10(%arg0: i32) -> (i32, i32) {
    %c0_i32 = arith.constant 0 : i32
    %c0_i32_0 = arith.constant 0 : i32
    %c0_i32_1 = arith.constant 0 : i32
    return %c0_i32, %c0_i32_0 : i32, i32
  }
  func.func @transform_11(%arg0: i32) -> (i32, i32) {
    %c0_i32 = arith.constant 0 : i32
    %c0_i32_0 = arith.constant 0 : i32
    %c0_i32_1 = arith.constant 0 : i32
    return %c0_i32, %c0_i32_0 : i32, i32
  }
  func.func @transform_12(%arg0: i32) -> (i32, i32) {
    %c0_i32 = arith.constant 0 : i32
    %c0_i32_0 = arith.constant 0 : i32
    %c0_i32_1 = arith.constant 0 : i32
    return %c0_i32, %c0_i32_0 : i32, i32
  }
  func.func @transform_13(%arg0: i32) -> (i32, i32) {
    %c0_i32 = arith.constant 0 : i32
    %c0_i32_0 = arith.constant 0 : i32
    %c0_i32_1 = arith.constant 0 : i32
    return %c0_i32, %c0_i32_0 : i32, i32
  }
  func.func @transform_14(%arg0: i32) -> (i32, i32) {
    %c0_i32 = arith.constant 0 : i32
    %c0_i32_0 = arith.constant 0 : i32
    %c0_i32_1 = arith.constant 0 : i32
    return %c0_i32, %c0_i32_0 : i32, i32
  }
  func.func @transform_15(%arg0: i32) -> (i32, i32) {
    %c0_i32 = arith.constant 0 : i32
    %c0_i32_0 = arith.constant 0 : i32
    return %arg0, %c0_i32 : i32, i32
  }
  func.func @transform_16(%arg0: i32) -> (i32, i32) {
    %c0_i32 = arith.constant 0 : i32
    %c0_i32_0 = arith.constant 0 : i32
    return %arg0, %c0_i32 : i32, i32
  }
  func.func @transform_17(%arg0: i32) -> (i32, i32) {
    %c0_i32 = arith.constant 0 : i32
    %c0_i32_0 = arith.constant 0 : i32
    return %arg0, %c0_i32 : i32, i32
  }
}

module attributes {stable_mosaic.version = 14 : i64} {
  func.func @body(%arg0: i32, %arg1: memref<2000x64xf32, #tpu.memory_space<vmem>>, %arg2: memref<2000x64xf32, #tpu.memory_space<vmem>>, %arg3: memref<2000x64xf32, #tpu.memory_space<vmem>>, %arg4: memref<64x40xf32, #tpu.memory_space<vmem>>, %arg5: memref<64x40xf32, #tpu.memory_space<vmem>>, %arg6: memref<1x40xf32, #tpu.memory_space<vmem>>, %arg7: memref<40x64xf32, #tpu.memory_space<vmem>>, %arg8: memref<1x64xf32, #tpu.memory_space<vmem>>, %arg9: memref<64x64xf32, #tpu.memory_space<vmem>>, %arg10: memref<64x64xf32, #tpu.memory_space<vmem>>, %arg11: memref<1x1xf32, #tpu.memory_space<vmem>>, %arg12: memref<2000x64xf32, #tpu.memory_space<vmem>>, %arg13: memref<2000x64xf32, #tpu.memory_space<vmem>>, %arg14: memref<2000x64xf32, #tpu.memory_space<vmem>>) attributes {dimension_semantics = [#tpu.dimension_semantics<arbitrary>], iteration_bounds = array<i64: 5>, scalar_prefetch = 0 : i64, scratch_operands = 0 : i64, tpu.core_type = #tpu.core_type<tc>, window_params = [{transform_indices = @transform_0, window_bounds = array<i64: 2000, 64>}, {transform_indices = @transform_1, window_bounds = array<i64: 2000, 64>}, {transform_indices = @transform_2, window_bounds = array<i64: 2000, 64>}, {pipeline_mode = #tpu.pipeline_mode<synchronous>, transform_indices = @transform_3, window_bounds = array<i64: 64, 40>}, {pipeline_mode = #tpu.pipeline_mode<synchronous>, transform_indices = @transform_4, window_bounds = array<i64: 64, 40>}, {pipeline_mode = #tpu.pipeline_mode<synchronous>, transform_indices = @transform_5, window_bounds = array<i64: 1, 40>}, {pipeline_mode = #tpu.pipeline_mode<synchronous>, transform_indices = @transform_6, window_bounds = array<i64: 40, 64>}, {pipeline_mode = #tpu.pipeline_mode<synchronous>, transform_indices = @transform_7, window_bounds = array<i64: 1, 64>}, {pipeline_mode = #tpu.pipeline_mode<synchronous>, transform_indices = @transform_8, window_bounds = array<i64: 64, 64>}, {pipeline_mode = #tpu.pipeline_mode<synchronous>, transform_indices = @transform_9, window_bounds = array<i64: 64, 64>}, {pipeline_mode = #tpu.pipeline_mode<synchronous>, transform_indices = @transform_10, window_bounds = array<i64: 1, 1>}, {transform_indices = @transform_11, window_bounds = array<i64: 2000, 64>}, {transform_indices = @transform_12, window_bounds = array<i64: 2000, 64>}, {transform_indices = @transform_13, window_bounds = array<i64: 2000, 64>}]} {
    %get3A = arith.constant 0 : index
    %get3A_0 = arith.constant 0 : index
    %get3A_1 = vector.load %arg1[%get3A, %get3A_0] : memref<2000x64xf32, #tpu.memory_space<vmem>>, vector<2000x64xf32>
    %get3A_2 = arith.constant 0 : index
    %get3A_3 = arith.constant 0 : index
    %get3A_4 = vector.load %arg11[%get3A_2, %get3A_3] : memref<1x1xf32, #tpu.memory_space<vmem>>, vector<1x1xf32>
    %get3A_5 = vector.extract %get3A_4[0, 0] : f32 from vector<1x1xf32>
    %mul3A = arith.constant 0.000000e+00 : f32
    %mul3A_6 = arith.mulf %get3A_5, %mul3A : f32
    %add3A = vector.broadcast %mul3A_6 : f32 to vector<2000x64xf32>
    %add3A_7 = arith.addf %get3A_1, %add3A : vector<2000x64xf32>
    %get3A_8 = arith.constant 0 : index
    %get3A_9 = arith.constant 0 : index
    %get3A_10 = vector.load %arg2[%get3A_8, %get3A_9] : memref<2000x64xf32, #tpu.memory_space<vmem>>, vector<2000x64xf32>
    %get3A_11 = arith.constant 0 : index
    %get3A_12 = arith.constant 0 : index
    %get3A_13 = vector.load %arg3[%get3A_11, %get3A_12] : memref<2000x64xf32, #tpu.memory_space<vmem>>, vector<2000x64xf32>
    %add3A_14 = arith.addf %get3A_10, %get3A_13 : vector<2000x64xf32>
    %get3A_15 = arith.constant 0 : index
    %get3A_16 = arith.constant 0 : index
    %get3A_17 = vector.load %arg5[%get3A_15, %get3A_16] : memref<64x40xf32, #tpu.memory_space<vmem>>, vector<64x40xf32>
    %dot_general3A = arith.constant dense<0.000000e+00> : vector<2000x40xf32>
    %dot_general3A_18 = tpu.matmul %add3A_7, %get3A_17, %dot_general3A {dimension_numbers = #tpu.dot_dimension_numbers<[1], [0], [0], [1], [0, 0, 1, 1], [], []>, transpose_lhs_hint = false} : vector<2000x64xf32>, vector<64x40xf32>, vector<2000x40xf32> -> vector<2000x40xf32>
    %get3A_19 = arith.constant 0 : index
    %get3A_20 = arith.constant 0 : index
    %get3A_21 = vector.load %arg4[%get3A_19, %get3A_20] : memref<64x40xf32, #tpu.memory_space<vmem>>, vector<64x40xf32>
    %dot_general3A_22 = arith.constant dense<0.000000e+00> : vector<2000x40xf32>
    %dot_general3A_23 = tpu.matmul %add3A_14, %get3A_21, %dot_general3A_22 {dimension_numbers = #tpu.dot_dimension_numbers<[1], [0], [0], [1], [0, 0, 1, 1], [], []>, transpose_lhs_hint = false} : vector<2000x64xf32>, vector<64x40xf32>, vector<2000x40xf32> -> vector<2000x40xf32>
    %add3A_24 = arith.addf %dot_general3A_18, %dot_general3A_23 : vector<2000x40xf32>
    %get3A_25 = arith.constant 0 : index
    %get3A_26 = arith.constant 0 : index
    %get3A_27 = vector.load %arg6[%get3A_25, %get3A_26] : memref<1x40xf32, #tpu.memory_space<vmem>>, vector<1x40xf32>
    %add3A_28 = vector.broadcast %get3A_27 : vector<1x40xf32> to vector<2000x40xf32>
    %add3A_29 = arith.addf %add3A_24, %add3A_28 : vector<2000x40xf32>
    %max3A = arith.constant 0.000000e+00 : f32
    %max3A_30 = vector.broadcast %max3A : f32 to vector<2000x40xf32>
    %max3A_31 = arith.maximumf %add3A_29, %max3A_30 : vector<2000x40xf32>
    %get3A_32 = arith.constant 0 : index
    %get3A_33 = arith.constant 0 : index
    %get3A_34 = vector.load %arg7[%get3A_32, %get3A_33] : memref<40x64xf32, #tpu.memory_space<vmem>>, vector<40x64xf32>
    %dot_general3A_35 = arith.constant dense<0.000000e+00> : vector<2000x64xf32>
    %dot_general3A_36 = tpu.matmul %max3A_31, %get3A_34, %dot_general3A_35 {dimension_numbers = #tpu.dot_dimension_numbers<[1], [0], [0], [1], [0, 0, 1, 1], [], []>, transpose_lhs_hint = false} : vector<2000x40xf32>, vector<40x64xf32>, vector<2000x64xf32> -> vector<2000x64xf32>
    %get3A_37 = arith.constant 0 : index
    %get3A_38 = arith.constant 0 : index
    %get3A_39 = vector.load %arg8[%get3A_37, %get3A_38] : memref<1x64xf32, #tpu.memory_space<vmem>>, vector<1x64xf32>
    %add3A_40 = vector.broadcast %get3A_39 : vector<1x64xf32> to vector<2000x64xf32>
    %add3A_41 = arith.addf %dot_general3A_36, %add3A_40 : vector<2000x64xf32>
    %mul3A_42 = arith.constant 5.000000e-01 : f32
    %mul3A_43 = vector.broadcast %mul3A_42 : f32 to vector<2000x64xf32>
    %mul3A_44 = arith.mulf %mul3A_43, %add3A_7 : vector<2000x64xf32>
    %max3A_45 = arith.constant 0.000000e+00 : f32
    %max3A_46 = vector.broadcast %max3A_45 : f32 to vector<2000x64xf32>
    %max3A_47 = arith.maximumf %add3A_41, %max3A_46 : vector<2000x64xf32>
    %mul3A_48 = arith.constant 5.000000e-01 : f32
    %mul3A_49 = vector.broadcast %mul3A_48 : f32 to vector<2000x64xf32>
    %mul3A_50 = arith.mulf %mul3A_49, %max3A_47 : vector<2000x64xf32>
    %add3A_51 = arith.addf %mul3A_44, %mul3A_50 : vector<2000x64xf32>
    %swap3A = arith.constant 0 : index
    %swap3A_52 = arith.constant 0 : index
    %swap3A_53 = vector.load %arg12[%swap3A, %swap3A_52] : memref<2000x64xf32, #tpu.memory_space<vmem>>, vector<2000x64xf32>
    tpu.vector_store %arg12[%swap3A, %swap3A_52], %add3A_51 {strides = array<i32>} : memref<2000x64xf32, #tpu.memory_space<vmem>>, vector<2000x64xf32>,
    %get3A_54 = arith.constant 0 : index
    %get3A_55 = arith.constant 0 : index
    %get3A_56 = vector.load %arg9[%get3A_54, %get3A_55] : memref<64x64xf32, #tpu.memory_space<vmem>>, vector<64x64xf32>
    %dot_general3A_57 = arith.constant dense<0.000000e+00> : vector<2000x64xf32>
    %dot_general3A_58 = tpu.matmul %add3A_51, %get3A_56, %dot_general3A_57 {dimension_numbers = #tpu.dot_dimension_numbers<[1], [0], [0], [1], [0, 0, 1, 1], [], []>, transpose_lhs_hint = false} : vector<2000x64xf32>, vector<64x64xf32>, vector<2000x64xf32> -> vector<2000x64xf32>
    %swap3A_59 = arith.constant 0 : index
    %swap3A_60 = arith.constant 0 : index
    %swap3A_61 = vector.load %arg13[%swap3A_59, %swap3A_60] : memref<2000x64xf32, #tpu.memory_space<vmem>>, vector<2000x64xf32>
    tpu.vector_store %arg13[%swap3A_59, %swap3A_60], %dot_general3A_58 {strides = array<i32>} : memref<2000x64xf32, #tpu.memory_space<vmem>>, vector<2000x64xf32>,
    %get3A_62 = arith.constant 0 : index
    %get3A_63 = arith.constant 0 : index
    %get3A_64 = vector.load %arg10[%get3A_62, %get3A_63] : memref<64x64xf32, #tpu.memory_space<vmem>>, vector<64x64xf32>
    %dot_general3A_65 = arith.constant dense<0.000000e+00> : vector<2000x64xf32>
    %dot_general3A_66 = tpu.matmul %add3A_51, %get3A_64, %dot_general3A_65 {dimension_numbers = #tpu.dot_dimension_numbers<[1], [0], [0], [1], [0, 0, 1, 1], [], []>, transpose_lhs_hint = false} : vector<2000x64xf32>, vector<64x64xf32>, vector<2000x64xf32> -> vector<2000x64xf32>
    %swap3A_67 = arith.constant 0 : index
    %swap3A_68 = arith.constant 0 : index
    %swap3A_69 = vector.load %arg14[%swap3A_67, %swap3A_68] : memref<2000x64xf32, #tpu.memory_space<vmem>>, vector<2000x64xf32>
    tpu.vector_store %arg14[%swap3A_67, %swap3A_68], %dot_general3A_66 {strides = array<i32>} : memref<2000x64xf32, #tpu.memory_space<vmem>>, vector<2000x64xf32>,
    return
  }
  func.func @transform_0(%arg0: i32) -> (i32, i32) {
    %c0_i32 = arith.constant 0 : i32
    %c0_i32_0 = arith.constant 0 : i32
    return %arg0, %c0_i32 : i32, i32
  }
  func.func @transform_1(%arg0: i32) -> (i32, i32) {
    %c0_i32 = arith.constant 0 : i32
    %c0_i32_0 = arith.constant 0 : i32
    return %arg0, %c0_i32 : i32, i32
  }
  func.func @transform_2(%arg0: i32) -> (i32, i32) {
    %c0_i32 = arith.constant 0 : i32
    %c0_i32_0 = arith.constant 0 : i32
    return %arg0, %c0_i32 : i32, i32
  }
  func.func @transform_3(%arg0: i32) -> (i32, i32) {
    %c0_i32 = arith.constant 0 : i32
    %c0_i32_0 = arith.constant 0 : i32
    %c0_i32_1 = arith.constant 0 : i32
    return %c0_i32, %c0_i32_0 : i32, i32
  }
  func.func @transform_4(%arg0: i32) -> (i32, i32) {
    %c0_i32 = arith.constant 0 : i32
    %c0_i32_0 = arith.constant 0 : i32
    %c0_i32_1 = arith.constant 0 : i32
    return %c0_i32, %c0_i32_0 : i32, i32
  }
  func.func @transform_5(%arg0: i32) -> (i32, i32) {
    %c0_i32 = arith.constant 0 : i32
    %c0_i32_0 = arith.constant 0 : i32
    %c0_i32_1 = arith.constant 0 : i32
    return %c0_i32, %c0_i32_0 : i32, i32
  }
  func.func @transform_6(%arg0: i32) -> (i32, i32) {
    %c0_i32 = arith.constant 0 : i32
    %c0_i32_0 = arith.constant 0 : i32
    %c0_i32_1 = arith.constant 0 : i32
    return %c0_i32, %c0_i32_0 : i32, i32
  }
  func.func @transform_7(%arg0: i32) -> (i32, i32) {
    %c0_i32 = arith.constant 0 : i32
    %c0_i32_0 = arith.constant 0 : i32
    %c0_i32_1 = arith.constant 0 : i32
    return %c0_i32, %c0_i32_0 : i32, i32
  }
  func.func @transform_8(%arg0: i32) -> (i32, i32) {
    %c0_i32 = arith.constant 0 : i32
    %c0_i32_0 = arith.constant 0 : i32
    %c0_i32_1 = arith.constant 0 : i32
    return %c0_i32, %c0_i32_0 : i32, i32
  }
  func.func @transform_9(%arg0: i32) -> (i32, i32) {
    %c0_i32 = arith.constant 0 : i32
    %c0_i32_0 = arith.constant 0 : i32
    %c0_i32_1 = arith.constant 0 : i32
    return %c0_i32, %c0_i32_0 : i32, i32
  }
  func.func @transform_10(%arg0: i32) -> (i32, i32) {
    %c0_i32 = arith.constant 0 : i32
    %c0_i32_0 = arith.constant 0 : i32
    %c0_i32_1 = arith.constant 0 : i32
    return %c0_i32, %c0_i32_0 : i32, i32
  }
  func.func @transform_11(%arg0: i32) -> (i32, i32) {
    %c0_i32 = arith.constant 0 : i32
    %c0_i32_0 = arith.constant 0 : i32
    return %arg0, %c0_i32 : i32, i32
  }
  func.func @transform_12(%arg0: i32) -> (i32, i32) {
    %c0_i32 = arith.constant 0 : i32
    %c0_i32_0 = arith.constant 0 : i32
    return %arg0, %c0_i32 : i32, i32
  }
  func.func @transform_13(%arg0: i32) -> (i32, i32) {
    %c0_i32 = arith.constant 0 : i32
    %c0_i32_0 = arith.constant 0 : i32
    return %arg0, %c0_i32 : i32, i32
  }
}

module attributes {stable_mosaic.version = 14 : i64} {
  func.func @_edge_last_body(%arg0: i32, %arg1: memref<3200x128xf32, #tpu.memory_space<vmem>>, %arg2: memref<128x128xf32, #tpu.memory_space<vmem>>, %arg3: memref<1x128xf32, #tpu.memory_space<vmem>>, %arg4: memref<3200x128xf32, #tpu.memory_space<vmem>>) attributes {dimension_semantics = [#tpu.dimension_semantics<arbitrary>], iteration_bounds = array<i64: 50>, scalar_prefetch = 0 : i64, scratch_operands = 0 : i64, tpu.core_type = #tpu.core_type<tc>, window_params = [{transform_indices = @transform_0, window_bounds = array<i64: 3200, 128>}, {pipeline_mode = #tpu.pipeline_mode<synchronous>, transform_indices = @transform_1, window_bounds = array<i64: 128, 128>}, {pipeline_mode = #tpu.pipeline_mode<synchronous>, transform_indices = @transform_2, window_bounds = array<i64: 1, 128>}, {transform_indices = @transform_3, window_bounds = array<i64: 3200, 128>}]} {
    %get3A = arith.constant 0 : index
    %get3A_0 = arith.constant 0 : index
    %get3A_1 = vector.load %arg1[%get3A, %get3A_0] : memref<3200x128xf32, #tpu.memory_space<vmem>>, vector<3200x128xf32>
    %get3A_2 = arith.constant 0 : index
    %get3A_3 = arith.constant 0 : index
    %get3A_4 = vector.load %arg2[%get3A_2, %get3A_3] : memref<128x128xf32, #tpu.memory_space<vmem>>, vector<128x128xf32>
    %dot_general3A = arith.constant dense<0.000000e+00> : vector<3200x128xf32>
    %dot_general3A_5 = tpu.matmul %get3A_1, %get3A_4, %dot_general3A {dimension_numbers = #tpu.dot_dimension_numbers<[1], [0], [0], [1], [0, 0, 1, 1], [], []>, transpose_lhs_hint = false} : vector<3200x128xf32>, vector<128x128xf32>, vector<3200x128xf32> -> vector<3200x128xf32>
    %get3A_6 = arith.constant 0 : index
    %get3A_7 = arith.constant 0 : index
    %get3A_8 = vector.load %arg3[%get3A_6, %get3A_7] : memref<1x128xf32, #tpu.memory_space<vmem>>, vector<1x128xf32>
    %add3A = vector.broadcast %get3A_8 : vector<1x128xf32> to vector<3200x128xf32>
    %add3A_9 = arith.addf %dot_general3A_5, %add3A : vector<3200x128xf32>
    %swap3A = arith.constant 0 : index
    %swap3A_10 = arith.constant 0 : index
    %swap3A_11 = vector.load %arg4[%swap3A, %swap3A_10] : memref<3200x128xf32, #tpu.memory_space<vmem>>, vector<3200x128xf32>
    tpu.vector_store %arg4[%swap3A, %swap3A_10], %add3A_9 {strides = array<i32>} : memref<3200x128xf32, #tpu.memory_space<vmem>>, vector<3200x128xf32>,
    return
  }
  func.func @transform_0(%arg0: i32) -> (i32, i32) {
    %c0_i32 = arith.constant 0 : i32
    %c0_i32_0 = arith.constant 0 : i32
    return %arg0, %c0_i32 : i32, i32
  }
  func.func @transform_1(%arg0: i32) -> (i32, i32) {
    %c0_i32 = arith.constant 0 : i32
    %c0_i32_0 = arith.constant 0 : i32
    %c0_i32_1 = arith.constant 0 : i32
    return %c0_i32, %c0_i32_0 : i32, i32
  }
  func.func @transform_2(%arg0: i32) -> (i32, i32) {
    %c0_i32 = arith.constant 0 : i32
    %c0_i32_0 = arith.constant 0 : i32
    %c0_i32_1 = arith.constant 0 : i32
    return %c0_i32, %c0_i32_0 : i32, i32
  }
  func.func @transform_3(%arg0: i32) -> (i32, i32) {
    %c0_i32 = arith.constant 0 : i32
    %c0_i32_0 = arith.constant 0 : i32
    return %arg0, %c0_i32 : i32, i32
  }
}

module attributes {stable_mosaic.version = 14 : i64} {
  func.func @_eot_body(%arg0: i32, %arg1: memref<3200x128xf32, #tpu.memory_space<vmem>>, %arg2: memref<8x3200xf32, #tpu.memory_space<vmem>>) attributes {dimension_semantics = [#tpu.dimension_semantics<arbitrary>], iteration_bounds = array<i64: 100>, scalar_prefetch = 0 : i64, scratch_operands = 0 : i64, tpu.core_type = #tpu.core_type<tc>, window_params = [{transform_indices = @transform_0, window_bounds = array<i64: 3200, 128>}, {transform_indices = @transform_1, window_bounds = array<i64: 8, 3200>}]} {
    %get3A = arith.constant 0 : index
    %get3A_0 = arith.constant 0 : index
    %get3A_1 = vector.load %arg1[%get3A, %get3A_0] : memref<3200x128xf32, #tpu.memory_space<vmem>>, vector<3200x128xf32>
    %jit3A = arith.constant 50 : i32
    %div3A = arith.divsi %arg0, %jit3A : i32
    %sign3A = arith.constant 0 : i32
    %sign3A_2 = arith.cmpi sgt, %arg0, %sign3A : i32
    %sign3A_3 = arith.extui %sign3A_2 : i1 to i32
    %sign3A_4 = arith.constant 0 : i32
    %sign3A_5 = arith.cmpi slt, %arg0, %sign3A_4 : i32
    %sign3A_6 = arith.extui %sign3A_5 : i1 to i32
    %sign3A_7 = arith.subi %sign3A_3, %sign3A_6 : i32
    %sign3A_8 = arith.constant 0 : i32
    %sign3A_9 = arith.cmpi sgt, %jit3A, %sign3A_8 : i32
    %sign3A_10 = arith.extui %sign3A_9 : i1 to i32
    %sign3A_11 = arith.constant 0 : i32
    %sign3A_12 = arith.cmpi slt, %jit3A, %sign3A_11 : i32
    %sign3A_13 = arith.extui %sign3A_12 : i1 to i32
    %sign3A_14 = arith.subi %sign3A_10, %sign3A_13 : i32
    %ne3A = arith.cmpi ne, %sign3A_7, %sign3A_14 : i32
    %rem3A = arith.remsi %arg0, %jit3A : i32
    %ne3A_15 = arith.constant 0 : i32
    %ne3A_16 = arith.cmpi ne, %rem3A, %ne3A_15 : i32
    %and3A = arith.andi %ne3A, %ne3A_16 : i1
    %sub3A = arith.constant 1 : i32
    %sub3A_17 = arith.subi %div3A, %sub3A : i32
    %select_n3A = arith.select %and3A, %sub3A_17, %div3A : i32
    %eq3A = arith.constant 0 : i32
    %eq3A_18 = arith.cmpi eq, %select_n3A, %eq3A : i32
    %slice3A = vector.extract_strided_slice %get3A_1 {offsets = [0, 0], sizes = [3200, 64], strides = [1, 1]} : vector<3200x128xf32> to vector<3200x64xf32>
    %slice3A_19 = vector.extract_strided_slice %get3A_1 {offsets = [0, 64], sizes = [3200, 64], strides = [1, 1]} : vector<3200x128xf32> to vector<3200x64xf32>
    %select_n3A_20 = arith.select %eq3A_18, %slice3A, %slice3A_19 : vector<3200x64xf32>
    %slice3A_21 = vector.extract_strided_slice %select_n3A_20 {offsets = [0, 0], sizes = [3200, 8], strides = [1, 1]} : vector<3200x64xf32> to vector<3200x8xf32>
    %transpose3A = tpu.transpose %slice3A_21, [1, 0] : vector<3200x8xf32> -> vector<8x3200xf32>
    %swap3A = arith.constant 0 : index
    %swap3A_22 = arith.constant 0 : index
    %swap3A_23 = vector.load %arg2[%swap3A, %swap3A_22] : memref<8x3200xf32, #tpu.memory_space<vmem>>, vector<8x3200xf32>
    tpu.vector_store %arg2[%swap3A, %swap3A_22], %transpose3A {strides = array<i32>} : memref<8x3200xf32, #tpu.memory_space<vmem>>, vector<8x3200xf32>,
    return
  }
  func.func @transform_0(%arg0: i32) -> (i32, i32) {
    %jit3A = arith.constant 50 : i32
    %eq3A = arith.constant 0 : i32
    %eq3A_0 = arith.cmpi eq, %jit3A, %eq3A : i32
    %jit3A_1 = arith.constant 1 : i32
    %select_n3A = arith.select %eq3A_0, %jit3A_1, %jit3A : i32
    %rem3A = arith.remsi %arg0, %select_n3A : i32
    %ne3A = arith.constant 0 : i32
    %ne3A_2 = arith.cmpi ne, %rem3A, %ne3A : i32
    %lt3A = arith.constant 0 : i32
    %lt3A_3 = arith.cmpi slt, %rem3A, %lt3A : i32
    %lt3A_4 = arith.constant 0 : i32
    %lt3A_5 = arith.cmpi slt, %select_n3A, %lt3A_4 : i32
    %ne3A_6 = arith.xori %lt3A_3, %lt3A_5 : i1
    %and3A = arith.andi %ne3A_6, %ne3A_2 : i1
    %add3A = arith.addi %rem3A, %select_n3A : i32
    %select_n3A_7 = arith.select %and3A, %add3A, %rem3A : i32
    %c0_i32 = arith.constant 0 : i32
    %c0_i32_8 = arith.constant 0 : i32
    return %select_n3A_7, %c0_i32 : i32, i32
  }
  func.func @transform_1(%arg0: i32) -> (i32, i32) {
    %c0_i32 = arith.constant 0 : i32
    %c0_i32_0 = arith.constant 0 : i32
    return %c0_i32, %arg0 : i32, i32
  }
}

module attributes {stable_mosaic.version = 14 : i64} {
  func.func @body(%arg0: i32, %arg1: memref<2000x64xf32, #tpu.memory_space<vmem>>, %arg2: memref<2000x64xf32, #tpu.memory_space<vmem>>, %arg3: memref<2000x64xf32, #tpu.memory_space<vmem>>, %arg4: memref<64x40xf32, #tpu.memory_space<vmem>>, %arg5: memref<64x40xf32, #tpu.memory_space<vmem>>, %arg6: memref<1x40xf32, #tpu.memory_space<vmem>>, %arg7: memref<40x8xf32, #tpu.memory_space<vmem>>, %arg8: memref<1x8xf32, #tpu.memory_space<vmem>>, %arg9: memref<64x8xf32, #tpu.memory_space<vmem>>, %arg10: memref<1x8xf32, #tpu.memory_space<vmem>>, %arg11: memref<8x8xf32, #tpu.memory_space<vmem>>, %arg12: memref<1x8xf32, #tpu.memory_space<vmem>>, %arg13: memref<1x1xf32, #tpu.memory_space<vmem>>, %arg14: memref<2000x8xf32, #tpu.memory_space<vmem>>) attributes {dimension_semantics = [#tpu.dimension_semantics<arbitrary>], iteration_bounds = array<i64: 5>, scalar_prefetch = 0 : i64, scratch_operands = 0 : i64, tpu.core_type = #tpu.core_type<tc>, window_params = [{transform_indices = @transform_0, window_bounds = array<i64: 2000, 64>}, {transform_indices = @transform_1, window_bounds = array<i64: 2000, 64>}, {transform_indices = @transform_2, window_bounds = array<i64: 2000, 64>}, {pipeline_mode = #tpu.pipeline_mode<synchronous>, transform_indices = @transform_3, window_bounds = array<i64: 64, 40>}, {pipeline_mode = #tpu.pipeline_mode<synchronous>, transform_indices = @transform_4, window_bounds = array<i64: 64, 40>}, {pipeline_mode = #tpu.pipeline_mode<synchronous>, transform_indices = @transform_5, window_bounds = array<i64: 1, 40>}, {pipeline_mode = #tpu.pipeline_mode<synchronous>, transform_indices = @transform_6, window_bounds = array<i64: 40, 8>}, {pipeline_mode = #tpu.pipeline_mode<synchronous>, transform_indices = @transform_7, window_bounds = array<i64: 1, 8>}, {pipeline_mode = #tpu.pipeline_mode<synchronous>, transform_indices = @transform_8, window_bounds = array<i64: 64, 8>}, {pipeline_mode = #tpu.pipeline_mode<synchronous>, transform_indices = @transform_9, window_bounds = array<i64: 1, 8>}, {pipeline_mode = #tpu.pipeline_mode<synchronous>, transform_indices = @transform_10, window_bounds = array<i64: 8, 8>}, {pipeline_mode = #tpu.pipeline_mode<synchronous>, transform_indices = @transform_11, window_bounds = array<i64: 1, 8>}, {pipeline_mode = #tpu.pipeline_mode<synchronous>, transform_indices = @transform_12, window_bounds = array<i64: 1, 1>}, {transform_indices = @transform_13, window_bounds = array<i64: 2000, 8>}]} {
    %get3A = arith.constant 0 : index
    %get3A_0 = arith.constant 0 : index
    %get3A_1 = vector.load %arg1[%get3A, %get3A_0] : memref<2000x64xf32, #tpu.memory_space<vmem>>, vector<2000x64xf32>
    %get3A_2 = arith.constant 0 : index
    %get3A_3 = arith.constant 0 : index
    %get3A_4 = vector.load %arg13[%get3A_2, %get3A_3] : memref<1x1xf32, #tpu.memory_space<vmem>>, vector<1x1xf32>
    %get3A_5 = vector.extract %get3A_4[0, 0] : f32 from vector<1x1xf32>
    %mul3A = arith.constant 0.000000e+00 : f32
    %mul3A_6 = arith.mulf %get3A_5, %mul3A : f32
    %add3A = vector.broadcast %mul3A_6 : f32 to vector<2000x64xf32>
    %add3A_7 = arith.addf %get3A_1, %add3A : vector<2000x64xf32>
    %get3A_8 = arith.constant 0 : index
    %get3A_9 = arith.constant 0 : index
    %get3A_10 = vector.load %arg2[%get3A_8, %get3A_9] : memref<2000x64xf32, #tpu.memory_space<vmem>>, vector<2000x64xf32>
    %get3A_11 = arith.constant 0 : index
    %get3A_12 = arith.constant 0 : index
    %get3A_13 = vector.load %arg3[%get3A_11, %get3A_12] : memref<2000x64xf32, #tpu.memory_space<vmem>>, vector<2000x64xf32>
    %add3A_14 = arith.addf %get3A_10, %get3A_13 : vector<2000x64xf32>
    %get3A_15 = arith.constant 0 : index
    %get3A_16 = arith.constant 0 : index
    %get3A_17 = vector.load %arg5[%get3A_15, %get3A_16] : memref<64x40xf32, #tpu.memory_space<vmem>>, vector<64x40xf32>
    %dot_general3A = arith.constant dense<0.000000e+00> : vector<2000x40xf32>
    %dot_general3A_18 = tpu.matmul %add3A_7, %get3A_17, %dot_general3A {dimension_numbers = #tpu.dot_dimension_numbers<[1], [0], [0], [1], [0, 0, 1, 1], [], []>, transpose_lhs_hint = false} : vector<2000x64xf32>, vector<64x40xf32>, vector<2000x40xf32> -> vector<2000x40xf32>
    %get3A_19 = arith.constant 0 : index
    %get3A_20 = arith.constant 0 : index
    %get3A_21 = vector.load %arg4[%get3A_19, %get3A_20] : memref<64x40xf32, #tpu.memory_space<vmem>>, vector<64x40xf32>
    %dot_general3A_22 = arith.constant dense<0.000000e+00> : vector<2000x40xf32>
    %dot_general3A_23 = tpu.matmul %add3A_14, %get3A_21, %dot_general3A_22 {dimension_numbers = #tpu.dot_dimension_numbers<[1], [0], [0], [1], [0, 0, 1, 1], [], []>, transpose_lhs_hint = false} : vector<2000x64xf32>, vector<64x40xf32>, vector<2000x40xf32> -> vector<2000x40xf32>
    %add3A_24 = arith.addf %dot_general3A_18, %dot_general3A_23 : vector<2000x40xf32>
    %get3A_25 = arith.constant 0 : index
    %get3A_26 = arith.constant 0 : index
    %get3A_27 = vector.load %arg6[%get3A_25, %get3A_26] : memref<1x40xf32, #tpu.memory_space<vmem>>, vector<1x40xf32>
    %add3A_28 = vector.broadcast %get3A_27 : vector<1x40xf32> to vector<2000x40xf32>
    %add3A_29 = arith.addf %add3A_24, %add3A_28 : vector<2000x40xf32>
    %max3A = arith.constant 0.000000e+00 : f32
    %max3A_30 = vector.broadcast %max3A : f32 to vector<2000x40xf32>
    %max3A_31 = arith.maximumf %add3A_29, %max3A_30 : vector<2000x40xf32>
    %get3A_32 = arith.constant 0 : index
    %get3A_33 = arith.constant 0 : index
    %get3A_34 = vector.load %arg7[%get3A_32, %get3A_33] : memref<40x8xf32, #tpu.memory_space<vmem>>, vector<40x8xf32>
    %dot_general3A_35 = arith.constant dense<0.000000e+00> : vector<2000x8xf32>
    %dot_general3A_36 = tpu.matmul %max3A_31, %get3A_34, %dot_general3A_35 {dimension_numbers = #tpu.dot_dimension_numbers<[1], [0], [0], [1], [0, 0, 1, 1], [], []>, transpose_lhs_hint = false} : vector<2000x40xf32>, vector<40x8xf32>, vector<2000x8xf32> -> vector<2000x8xf32>
    %get3A_37 = arith.constant 0 : index
    %get3A_38 = arith.constant 0 : index
    %get3A_39 = vector.load %arg8[%get3A_37, %get3A_38] : memref<1x8xf32, #tpu.memory_space<vmem>>, vector<1x8xf32>
    %add3A_40 = vector.broadcast %get3A_39 : vector<1x8xf32> to vector<2000x8xf32>
    %add3A_41 = arith.addf %dot_general3A_36, %add3A_40 : vector<2000x8xf32>
    %get3A_42 = arith.constant 0 : index
    %get3A_43 = arith.constant 0 : index
    %get3A_44 = vector.load %arg9[%get3A_42, %get3A_43] : memref<64x8xf32, #tpu.memory_space<vmem>>, vector<64x8xf32>
    %dot_general3A_45 = arith.constant dense<0.000000e+00> : vector<2000x8xf32>
    %dot_general3A_46 = tpu.matmul %add3A_7, %get3A_44, %dot_general3A_45 {dimension_numbers = #tpu.dot_dimension_numbers<[1], [0], [0], [1], [0, 0, 1, 1], [], []>, transpose_lhs_hint = false} : vector<2000x64xf32>, vector<64x8xf32>, vector<2000x8xf32> -> vector<2000x8xf32>
    %get3A_47 = arith.constant 0 : index
    %get3A_48 = arith.constant 0 : index
    %get3A_49 = vector.load %arg10[%get3A_47, %get3A_48] : memref<1x8xf32, #tpu.memory_space<vmem>>, vector<1x8xf32>
    %add3A_50 = vector.broadcast %get3A_49 : vector<1x8xf32> to vector<2000x8xf32>
    %add3A_51 = arith.addf %dot_general3A_46, %add3A_50 : vector<2000x8xf32>
    %max3A_52 = arith.constant 0.000000e+00 : f32
    %max3A_53 = vector.broadcast %max3A_52 : f32 to vector<2000x8xf32>
    %max3A_54 = arith.maximumf %add3A_51, %max3A_53 : vector<2000x8xf32>
    %get3A_55 = arith.constant 0 : index
    %get3A_56 = arith.constant 0 : index
    %get3A_57 = vector.load %arg11[%get3A_55, %get3A_56] : memref<8x8xf32, #tpu.memory_space<vmem>>, vector<8x8xf32>
    %dot_general3A_58 = arith.constant dense<0.000000e+00> : vector<2000x8xf32>
    %dot_general3A_59 = tpu.matmul %max3A_54, %get3A_57, %dot_general3A_58 {dimension_numbers = #tpu.dot_dimension_numbers<[1], [0], [0], [1], [0, 0, 1, 1], [], []>, transpose_lhs_hint = false} : vector<2000x8xf32>, vector<8x8xf32>, vector<2000x8xf32> -> vector<2000x8xf32>
    %get3A_60 = arith.constant 0 : index
    %get3A_61 = arith.constant 0 : index
    %get3A_62 = vector.load %arg12[%get3A_60, %get3A_61] : memref<1x8xf32, #tpu.memory_space<vmem>>, vector<1x8xf32>
    %add3A_63 = vector.broadcast %get3A_62 : vector<1x8xf32> to vector<2000x8xf32>
    %add3A_64 = arith.addf %dot_general3A_59, %add3A_63 : vector<2000x8xf32>
    %max3A_65 = arith.constant 0.000000e+00 : f32
    %max3A_66 = vector.broadcast %max3A_65 : f32 to vector<2000x8xf32>
    %max3A_67 = arith.maximumf %add3A_64, %max3A_66 : vector<2000x8xf32>
    %mul3A_68 = arith.constant 5.000000e-01 : f32
    %mul3A_69 = vector.broadcast %mul3A_68 : f32 to vector<2000x8xf32>
    %mul3A_70 = arith.mulf %mul3A_69, %max3A_67 : vector<2000x8xf32>
    %max3A_71 = arith.constant 0.000000e+00 : f32
    %max3A_72 = vector.broadcast %max3A_71 : f32 to vector<2000x8xf32>
    %max3A_73 = arith.maximumf %add3A_41, %max3A_72 : vector<2000x8xf32>
    %mul3A_74 = arith.constant 5.000000e-01 : f32
    %mul3A_75 = vector.broadcast %mul3A_74 : f32 to vector<2000x8xf32>
    %mul3A_76 = arith.mulf %mul3A_75, %max3A_73 : vector<2000x8xf32>
    %add3A_77 = arith.addf %mul3A_70, %mul3A_76 : vector<2000x8xf32>
    %swap3A = arith.constant 0 : index
    %swap3A_78 = arith.constant 0 : index
    %swap3A_79 = vector.load %arg14[%swap3A, %swap3A_78] : memref<2000x8xf32, #tpu.memory_space<vmem>>, vector<2000x8xf32>
    tpu.vector_store %arg14[%swap3A, %swap3A_78], %add3A_77 {strides = array<i32>} : memref<2000x8xf32, #tpu.memory_space<vmem>>, vector<2000x8xf32>,
    return
  }
  func.func @transform_0(%arg0: i32) -> (i32, i32) {
    %c0_i32 = arith.constant 0 : i32
    %c0_i32_0 = arith.constant 0 : i32
    return %arg0, %c0_i32 : i32, i32
  }
  func.func @transform_1(%arg0: i32) -> (i32, i32) {
    %c0_i32 = arith.constant 0 : i32
    %c0_i32_0 = arith.constant 0 : i32
    return %arg0, %c0_i32 : i32, i32
  }
  func.func @transform_2(%arg0: i32) -> (i32, i32) {
    %c0_i32 = arith.constant 0 : i32
    %c0_i32_0 = arith.constant 0 : i32
    return %arg0, %c0_i32 : i32, i32
  }
  func.func @transform_3(%arg0: i32) -> (i32, i32) {
    %c0_i32 = arith.constant 0 : i32
    %c0_i32_0 = arith.constant 0 : i32
    %c0_i32_1 = arith.constant 0 : i32
    return %c0_i32, %c0_i32_0 : i32, i32
  }
  func.func @transform_4(%arg0: i32) -> (i32, i32) {
    %c0_i32 = arith.constant 0 : i32
    %c0_i32_0 = arith.constant 0 : i32
    %c0_i32_1 = arith.constant 0 : i32
    return %c0_i32, %c0_i32_0 : i32, i32
  }
  func.func @transform_5(%arg0: i32) -> (i32, i32) {
    %c0_i32 = arith.constant 0 : i32
    %c0_i32_0 = arith.constant 0 : i32
    %c0_i32_1 = arith.constant 0 : i32
    return %c0_i32, %c0_i32_0 : i32, i32
  }
  func.func @transform_6(%arg0: i32) -> (i32, i32) {
    %c0_i32 = arith.constant 0 : i32
    %c0_i32_0 = arith.constant 0 : i32
    %c0_i32_1 = arith.constant 0 : i32
    return %c0_i32, %c0_i32_0 : i32, i32
  }
  func.func @transform_7(%arg0: i32) -> (i32, i32) {
    %c0_i32 = arith.constant 0 : i32
    %c0_i32_0 = arith.constant 0 : i32
    %c0_i32_1 = arith.constant 0 : i32
    return %c0_i32, %c0_i32_0 : i32, i32
  }
  func.func @transform_8(%arg0: i32) -> (i32, i32) {
    %c0_i32 = arith.constant 0 : i32
    %c0_i32_0 = arith.constant 0 : i32
    %c0_i32_1 = arith.constant 0 : i32
    return %c0_i32, %c0_i32_0 : i32, i32
  }
  func.func @transform_9(%arg0: i32) -> (i32, i32) {
    %c0_i32 = arith.constant 0 : i32
    %c0_i32_0 = arith.constant 0 : i32
    %c0_i32_1 = arith.constant 0 : i32
    return %c0_i32, %c0_i32_0 : i32, i32
  }
  func.func @transform_10(%arg0: i32) -> (i32, i32) {
    %c0_i32 = arith.constant 0 : i32
    %c0_i32_0 = arith.constant 0 : i32
    %c0_i32_1 = arith.constant 0 : i32
    return %c0_i32, %c0_i32_0 : i32, i32
  }
  func.func @transform_11(%arg0: i32) -> (i32, i32) {
    %c0_i32 = arith.constant 0 : i32
    %c0_i32_0 = arith.constant 0 : i32
    %c0_i32_1 = arith.constant 0 : i32
    return %c0_i32, %c0_i32_0 : i32, i32
  }
  func.func @transform_12(%arg0: i32) -> (i32, i32) {
    %c0_i32 = arith.constant 0 : i32
    %c0_i32_0 = arith.constant 0 : i32
    %c0_i32_1 = arith.constant 0 : i32
    return %c0_i32, %c0_i32_0 : i32, i32
  }
  func.func @transform_13(%arg0: i32) -> (i32, i32) {
    %c0_i32 = arith.constant 0 : i32
    %c0_i32_0 = arith.constant 0 : i32
    return %arg0, %c0_i32 : i32, i32
  }
}

</mosaic_0001>

<sc_bundles>
// kernel: gather_offload_async_start.1
scs
__scs_entry_jumppad:
0x0: {  	(pc) =	sbr.rel $0x88, $3  }
0x1: {  	(tag) =	ssettag $0x0;
	lr =	simm.s32 $0x1  }
0x2: {  	[smem:$0x3F7E] =	sst lr;
	_ =	strace $0xD0000000  }
0x3: {  	_ = 	snop  }
0x4: {  	_ = 	snop  }
0x5: {  	_ = 	snop  }
0x6: {  	_ = 	snop  }
0x7: {  	_ = 	snop  }
__scs_overlays_trampoline_lowered:
0x8: {  	[smem:$0x3F8D] =	sst s0  }
0x9: {  	[smem:$0x3F8E] =	sst s1  }
0xa: {  	[smem:$0x3F8F] =	sst s2  }
0xb: {  	[smem:$0x3F90] =	sst s3  }
0xc: {  	[smem:$0x3F91] =	sst s4  }
0xd: {  	[smem:$0x3F92] =	sst s5  }
0xe: {  	[smem:$0x3F93] =	sst s6  }
0xf: {  	[smem:$0x3F94] =	sst s7  }
0x10: {  	[smem:$0x3F95] =	sst s8  }
0x11: {  	[smem:$0x3F96] =	sst s9;
	s0 =	simm.s32 @!p0 $0x0  }
0x12: {  	s1 =	sld [smem:$0x3F7C];
	s0 =	simm.s32 @p0 $0x1  }
0x13: {  	[smem:$0x3F97] =	sst s0;
	s0 =	simm.s32 @!p1 $0x0  }
0x14: {  	s2 =	sld [smem:$0x3F7B];
	s0 =	simm.s32 @p1 $0x1  }
0x15: {  	[smem:$0x3F98] =	sst s0;
	s0 =	simm.s32 @!p2 $0x0  }
0x16: {  	s3 =	sld [smem:$0x3FDB];
	s0 =	simm.s32 @p2 $0x1  }
0x17: {  	s4 =	simm.s32 $0x1BF5;
	[smem:$0x3F9A] =	sst s0  }
0x18: {  	s0 =	sld [smem:$0x3F7D];
	_ =	swait.ge [sflag:s4], $0x0  }
0x19: {  	s7 =	sld [smem:$0x3F7E]  }
0x1a: {  	s8 =	sadd.s32 $0xFFFFE003, lr  }
0x1b: {  	s9 =	sadd.s32 $0xFFFFFEF7, lr;
	s5 =	simm.s32 $0xFFFFFFFF;
	p2 =	slt.u32 s8, $0xFFFFF086  }
0x1c: {  	p1 =	slt.u32 s9, $0xF7A;
	s5 =	simm.s32 @!p2 $0x0  }
0x1d: {  	s5 =	simm.s32 @p1 $0x1;
	p0 =	seq.s32 s7, s2  }
0x1e: {  	s7 =	smul.u32 @!p0 $0xF7A, s2;
	p2 =	seq.s32 @!p0 s5, $0x0  }
0x1f: {  	s9 =	smul.u32 $0xF7A, s1;
	s8 =	simm.s32 @!p0 $0x1BF5;
	p2 =	por !p2, p0  }
0x20: {  	[sflag:s8] =	ssyncset.s32 @!p0 $0xFFFFF086;
	s6 =	sadd.s32 @!p0 s3, s7;
	s7 =	simm.s32 @!p0 $0x108  }
0x21: {  	s3 =	sadd.s32 s3, s9;
	s6 =	sadd.s32 @!p0 $0x88, s6;
	s7 =	simm.s32 @p2 $0x1082  }
0x22: {  	[simem:s7], [sflag:s8] =	dma.local @!p0 [hbm:s6], $0xF7A  }
0x23: {  	s9 =	sor.u32 $0xD0000000, s2;
	s6 =	simm.s32 $0x108;
	_ =	swait.ge @!p0 [sflag:s8], $0x0  }
0x24: {  	s3 =	sadd.s32 $0x88, s3;
	s6 =	simm.s32 @!p1 $0x1082;
	[sflag:s4] =	ssyncset.s32 $0xFFFFF086  }
0x25: {  	[simem:s6], [sflag:s4] =	dma.local [hbm:s3], $0xF7A  }
0x26: {  	[smem:$0x3F7E] =	sst s1;
	(tag) =	ssettag s2;
	_ =	strace s9  }
0x27: {  	s1 =	sld [smem:$0x3F8E]  }
0x28: {  	s2 =	sld [smem:$0x3F8F]  }
0x29: {  	s4 =	sld [smem:$0x3F91]  }
0x2a: {  	p0 =	seq.s32 s5, $0x0;
	s5 =	sld [smem:$0x3F92]  }
0x2b: {  	s6 =	sld [smem:$0x3F93]  }
0x2c: {  	s7 =	sld [smem:$0x3F94]  }
0x2d: {  	s3 =	simm.s32 $0x108;
	s8 =	sld [smem:$0x3F95]  }
0x2e: {  	s3 =	simm.s32 @!p0 $0x1082;
	s9 =	sld [smem:$0x3F96]  }
0x2f: {  	lr =	sadd.s32 s0, s3;
	s0 =	sld [smem:$0x3F8D]  }
0x30: {  	s3 =	sld [smem:$0x3F90]  }
0x31: {  	[smem:$0x3F99] =	sst s10  }
0x32: {  	s10 =	sld [smem:$0x3F97];
	_ =	sdelay $0x3  }
0x33: {  	p0 =	seq.s32 s10, $0x1;
	s10 =	sld [smem:$0x3F99];
	_ =	sdelay $0x3  }
0x34: {  	[smem:$0x3F99] =	sst s10  }
0x35: {  	s10 =	sld [smem:$0x3F98];
	_ =	sdelay $0x3  }
0x36: {  	p1 =	seq.s32 s10, $0x1;
	s10 =	sld [smem:$0x3F99];
	_ =	sdelay $0x3  }
0x37: {  	[smem:$0x3F99] =	sst s10  }
0x38: {  	s10 =	sld [smem:$0x3F9A]  }
0x39: {  	_ = 	snop;
	(pc) =	sbr.ind lr, $3  }
0x3a: {  	_ = 	snop  }
0x3b: {  	_ = 	snop  }
0x3c: {  	p2 =	seq.s32 s10, $0x1;
	s10 =	sld [smem:$0x3F99]  }
0x3d: {  	_ =	shalt  }
0x3e: {  	_ =	shalt  }
0x3f: {  	_ =	shalt  }
0x40: {  	_ =	shalt  }
0x41: {  	_ =	shalt  }
0x42: {  	_ =	shalt  }
0x43: {  	_ =	shalt  }
0x44: {  	_ =	shalt  }
0x45: {  	_ =	shalt  }
0x46: {  	_ =	shalt  }
0x47: {  	_ =	shalt  }
0x48: {  	_ =	shalt  }
0x49: {  	_ =	shalt  }
0x4a: {  	_ =	shalt  }
0x4b: {  	_ =	shalt  }
0x4c: {  	_ =	shalt  }
0x4d: {  	_ =	shalt  }
0x4e: {  	_ =	shalt  }
0x4f: {  	_ =	shalt  }
0x50: {  	_ =	shalt  }
0x51: {  	_ =	shalt  }
0x52: {  	_ =	shalt  }
0x53: {  	_ =	shalt  }
0x54: {  	_ =	shalt  }
0x55: {  	_ =	shalt  }
0x56: {  	_ =	shalt  }
0x57: {  	_ =	shalt  }
0x58: {  	_ =	shalt  }
0x59: {  	_ =	shalt  }
0x5a: {  	_ =	shalt  }
0x5b: {  	_ =	shalt  }
0x5c: {  	_ =	shalt  }
0x5d: {  	_ =	shalt  }
0x5e: {  	_ =	shalt  }
0x5f: {  	_ =	shalt  }
0x60: {  	_ =	shalt  }
0x61: {  	_ =	shalt  }
0x62: {  	_ =	shalt  }
0x63: {  	_ =	shalt  }
0x64: {  	_ =	shalt  }
0x65: {  	_ =	shalt  }
0x66: {  	_ =	shalt  }
0x67: {  	_ =	shalt  }
0x68: {  	_ =	shalt  }
0x69: {  	_ =	shalt  }
0x6a: {  	_ =	shalt  }
0x6b: {  	_ =	shalt  }
0x6c: {  	_ =	shalt  }
0x6d: {  	_ =	shalt  }
0x6e: {  	_ =	shalt  }
0x6f: {  	_ =	shalt  }
0x70: {  	_ =	shalt  }
0x71: {  	_ =	shalt  }
0x72: {  	_ =	shalt  }
0x73: {  	_ =	shalt  }
0x74: {  	_ =	shalt  }
0x75: {  	_ =	shalt  }
0x76: {  	_ =	shalt  }
0x77: {  	_ =	shalt  }
0x78: {  	_ =	shalt  }
0x79: {  	_ =	shalt  }
0x7a: {  	_ =	shalt  }
0x7b: {  	_ =	shalt  }
0x7c: {  	_ =	shalt  }
0x7d: {  	_ =	shalt  }
0x7e: {  	_ =	shalt  }
0x7f: {  	_ =	shalt  }
0x80: {  	_ =	shalt  }
0x81: {  	_ =	shalt  }
0x82: {  	_ =	shalt  }
0x83: {  	_ =	shalt  }
0x84: {  	_ =	shalt  }
0x85: {  	_ =	shalt  }
0x86: {  	_ =	shalt  }
0x87: {  	_ =	shalt  }
.Lfunc_end0:
.L_simem_size_0:
called_computation.1_lowered:
.L_overlay_start_0:
0x88: {  	s2 =	sld [smem:$0x3FD9]  }
0x89: {  	s3 =	sld [smem:$0x3FFE];
	_ =	sdelay $0x1  }
0x8a: {  	s1 =	srdreg.scid  }
0x8b: {  	s0 =	sand.u32 $0x1, s1  }
0x8c: {  	s14 =	sshll.u32 s0, $0xA;
	s2 =	sadd.s32 s3, s2  }
0x8d: {  	s2 =	sadd.s32 s2, s14  }
0x8e: {  	[smem:$0x3FA5] =	sst s2  }
0x8f: {  	_ = 	snop  }
0x90: {  	s2 =	sld [smem:$0x3FD0];
	_ =	sdelay $0x2  }
0x91: {  	s15 =	simm.s32 $0xB;
	s4 =	simm.s32 $0x10  }
0x92: {  	[smem:s4], [sflag:s15] =	dma.local [hbm:s2], $0x1  }
0x93: {  	_ =	swait.eq [sflag:s15], $0x1  }
0x94: {  	[sflag:s15] =	ssyncset.done $0x0  }
0x95: {  	[sflag:s15] =	ssyncadd.s32 $0xFFFFFFFF  }
0x96: {  	s2 =	sadd.s32 $0x1, s2;
	s5 =	sld [smem:$0x15]  }
0x97: {  	[smem:s4], [sflag:s15] =	dma.local [hbm:s2], $0x1  }
0x98: {  	_ =	swait.eq [sflag:s15], $0x1  }
0x99: {  	[sflag:s15] =	ssyncset.done $0x0  }
0x9a: {  	[sflag:s15] =	ssyncadd.s32 $0xFFFFFFFF  }
0x9b: {  	s16 =	sld [smem:$0x10];
	(tm) =	ssettm $0x1  }
0x9c: {  	s17 =	sld [smem:$0x3FFB];
	_ =	sdelay $0x3  }
0x9d: {  	_ =	strace s17  }
0x9e: {  	s3 =	sld [smem:$0x3FFC];
	_ =	sdelay $0x3  }
0x9f: {  	_ =	strace s3  }
0xa0: {  	s3 =	sld [smem:$0x3FFD];
	_ =	sdelay $0x3  }
0xa1: {  	_ =	strace s3  }
0xa2: {  	_ =	strace $0x8FFFFFFF  }
0xa3: {  	s18 =	sld [smem:$0x3FDB];
	_ =	sdelay $0x1  }
0xa4: {  	s19 =	simm.s32 $_scs_section_size  }
0xa5: {  	s6 =	simm.s32 $_size__tile_overlayer_lowered;
	s7 =	simm.s32 $_tile_overlayer_lowered  }
0xa6: {  	s22 =	simm.s32 $0x1BFF;
	s21 =	sshll.u32 s7, $0x1;
	s3 =	sadd.s32 s19, s18  }
0xa7: {  	s8 =	simm.s32 $0x0;
	s20 =	sshll.u32 s6, $0x1;
	s6 =	sadd.s32 s21, s3  }
0xa8: {  	[timem:s8], [sflag:s22] =	dma.local [hbm:s6], s20  }
0xa9: {  	_ =	swait.ge [sflag:s22], s20  }
0xaa: {  	s4 =	ssub.s32 $0x0, s20;
	[sflag:s22] =	ssyncset.done $0x0  }
0xab: {  	[sflag:s22] =	ssyncadd.s32 s4;
	_ =	sdelay $0x1  }
0xac: {  	s23 =	simm.s32 $0x1B8B  }
0xad: {  	_ =	swait.ge [sflag:s23], $0x1  }
0xae: {  	[sflag:s23] =	ssyncset.done $0x0  }
0xaf: {  	s25 =	simm.s32 $0x1B8E;
	s24 =	sld [smem:$0x3FFE];
	[sflag:s23] =	ssyncadd.s32 $0xFFFFFFFF  }
0xb0: {  	s26 =	simm.s32 $execute0_lowered;
	[smem:$0x3FD2] =	sst s25  }
0xb1: {  	s6 =	sshll.u32 s26, $0x1;
	_ =	strace $0x80000046;
	[dreg:$0x1] =	wrdreg $0xFFFFFFFF  }
0xb2: {  	s28 =	simm.s32 $_size_execute0_lowered;
	s3 =	sadd.s32 s3, s6;
	[dreg:$0x0] =	wrdreg $0x0  }
0xb3: {  	s6 =	sshll.u32 s28, $0x1;
	[dreg:$0x2] =	wrdreg s3  }
0xb4: {  	[dreg:$0x3] =	wrdreg s6  }
0xb5: {  	[dreg:$0x4] =	wrdreg $0xC0  }
0xb6: {  	_ =	task [dreg:s8], $0x5FFFF  }
0xb7: {  	[dreg:$0x1] =	wrdreg $0xFFFFFFFF  }
0xb8: {  	[dreg:$0x0] =	wrdreg $0x60  }
0xb9: {  	[dreg:$0x2] =	wrdreg s16  }
0xba: {  	[dreg:$0x3] =	wrdreg s5  }
0xbb: {  	[dreg:$0x4] =	wrdreg s24  }
0xbc: {  	[dreg:$0x5] =	wrdreg $0xA  }
0xbd: {  	_ =	task.clear_ibuf [dreg:s8], $0x6FFFF;
	_ =	strace $0x90000046  }
0xbe: {  	s29 =	simm.s32 $0xA;
	_ =	strace $0x80000048  }
0xbf: {  	_ =	swait.ge [sflag:s29], $0x1  }
0xc0: {  	[sflag:s29] =	ssyncadd.s32 $0xFFFFFFFF  }
0xc1: {  	_ =	strace $0x90000048  }
0xc2: {  	_ =	sfence  }
0xc3: {  	s30 =	sld [smem:$0x0];
	_ =	sdelay $0x2  }
0xc4: {  	s31 =	sshll.u32 s1, $0xD;
	s1 =	sshrl.u32 s1, $0x2  }
0xc5: {  	s3 =	sand.u32 $0x4000, s31;
	s1 =	sadd.s32 s1, s30  }
0xc6: {  	s0 =	sor.u32 s3, s0;
	s1 =	sshll.u32 s1, $0x11  }
0xc7: {  	s0 =	sor.u32 s1, s0  }
0xc8: {  	s0 =	sadd.s32 $0x8F2B, s0  }
0xc9: {  	[sflag:s0] =	ssyncadd.remote.s32 $0x1  }
0xca: {  	_ =	sfence.sel $0xFFFF  }
0xcb: {  	[dreg:$0x0] =	wrdreg $0xFFFFFFFF;
	(pc) =	sbr.abs _section_cstart, $3  }
0xcc: {  	[dreg:$0x1] =	wrdreg $0xFFFFFFFF  }
0xcd: {  	_ =	task.clear_ibuf [dreg:s8], $0x2FFFF;
	_ =	strace $0x9FFFFFFF  }
0xce: {  	(tm) =	ssettm $0x7FFFFFFF  }
0xcf: {  	_ =	shalt  }
tec
execute0_lowered:
.L_overlay_start_1:
0x0: {  	(tag) =	ssettag $0x1  }
0x1: {  	s2 =	rddreg [dreg:$0x0]  }
0x2: {  	s3 =	rddreg [dreg:$0x1]  }
0x3: {  	s8 =	rddreg [dreg:$0x2];
	s1 =	stileid.u32  }
0x4: {  	s4 =	srdreg.scid;
	s0 =	rddreg [dreg:$0x3];
	_ =	strace $0x80000047  }
0x5: {  	s7 =	simm.s32 $0x1;
	s9 =	simm.s32 $0x1;
	s10 =	simm.s32 $0x3  }
0x6: {  	s13 =	simm.s32 $0x0;
	s5 =	sand.u32 $0x1, s4;
	s6 =	sshll.u32 s1, $0x1  }
0x7: {  	s12 =	simm.s32 $0x0;
	s4 =	simm.s32 $0x1;
	s5 =	sor.u32 s6, s5  }
.Ltmp0:
0x8: {  	[sflag:s4] =	ssyncpa.u1 $0x0;
	p0 =	slt.u32 s5, $0x9;
	(pc) =	sbr.rel .LBB2_1-.Ltmp0, $4  }
0x9: {  	s6 =	simm.s32 $0x2;
	s7 =	simm.s32 @!p0 $0x0;
	p0 =	sne.s32 s5, $0x8  }
0xa: {  	[sflag:s6] =	ssyncpa.u1 $0x0;
	s5 =	smul.u32 $0x1F40, s5;
	s9 =	simm.s32 @!p0 $0x0  }
0xb: {  	s8 =	sadd.s32 $0xBA00, s8;
	[sflag:s10] =	ssyncpa.u1 $0x0;
	s7 =	sadd.s32 s9, s7  }
0xc: {  	vm0 =	vmmov $0xffff;
	s10 =	simm.s32 $0x0;
	s11 =	smov.u32 s5;
	s9 =	sadd.s32 $0x1, s7  }
.LBB2_4:
0xd: {  	v2 =	vnsel vm1, $0x0, v2  }
0xe: {  	vm1 =	vgt.s32 v0, $0x0;
	v2 =	vmin.u32 v2, $0x4E1FF  }
0xf: {  	v0 =	vnsel vm1, $0x0, v0  }
0x10: {  	v0 =	vmin.u32 v0, $0x4E1FF  }
0x11: {  	[tilespmem:s18], [sflag:$0x1] =	stream.indirect_vreg.gather [hbm4b:s2+s10], $0x1, v1, vm0, $0x4038;
	[tilespmem:$0x7D00] =	vst v63  }
0x12: {  	(ifvalue) =	ssetifvalue $0x7FFFFFFF  }
0x13: {  	[tilespmem:s15], [sflag:$0x1] =	stream.indirect_vreg.gather [hbm4b:s2+s10], $0x1, v2, vm0, $0x4038;
	[tilespmem:$0x7D00] =	vst v63  }
0x14: {  	s29 =	sadd.s32 $0x10, s15;
	(ifvalue) =	ssetifvalue $0x7FFFFFFF  }
0x15: {  	[tilespmem:s29], [sflag:$0x1] =	stream.indirect_vreg.gather [hbm4b:s2+s10], $0x1, v0, vm0, $0x4038;
	[tilespmem:$0x7D00] =	vst v63  }
0x16: {  	_ =	swait.ge [sflag:s4], $0x1F40  }
0x17: {  	s30 =	sshrl.u32 s13, $0x3;
	[sflag:s4] =	ssyncset.done $0x0  }
0x18: {  	s31 =	sand.u32 $0x7, s13;
	s15 =	sadd.s32 s8, s30;
	[sflag:s4] =	ssyncadd.s32 $0xFFFFE0C0  }
0x19: {  	[hbm4b:s15+s31] =	stream.linear.scatter [tilespmem:s14], [sflag:$0x3], $0x1F40, $0x38;
	[tilespmem:$0x7D00] =	vst v63  }
.LBB2_5:
0x1a: {  	s15 =	sadd.s32 $0x3E800, s11  }
0x1b: {  	p1 =	sgt.s32 s15, $0x4E1FF  }
0x1c: {  	s15 =	smov.u32 @p1 s5;
	p1 =	sne.s32 s12, s9  }
.Ltmp1:
0x1d: {  	p0 =	slt.u32 s12, $0x2;
	(pc) =	sbr.rel @!p1 .LBB2_6-.Ltmp1, $4  }
0x1e: {  	s14 =	simm.s32 @!p0 $0x3  }
0x1f: {  	_ =	swait.ge @!p0 [sflag:s14], $0x1F40  }
0x20: {  	s16 =	sadd.s32 $0x1, s12;
	s13 =	smov.u32 s11;
	[sflag:s14] =	ssyncset.done @!p0 $0x0  }
0x21: {  	s12 =	smov.u32 s16;
	s11 =	smov.u32 s15;
	[sflag:s14] =	ssyncadd.s32 @!p0 $0xFFFFE0C0  }
.LBB2_1:
0x22: {  	p0 =	sge.u32 s12, s7  }
0x23: {  	s14 =	sxor.u32 @!p0 $0x1, s12  }
0x24: {  	s14 =	smul.u32 @!p0 $0x7D00, s14  }
0x25: {  	s31 =	sadd.s32 $0xFFFFFFFF, s12;
	s15 =	sshrl.u32 @!p0 s11, $0x3  }
0x26: {  	s16 =	sand.u32 @!p0 $0x7, s11;
	s15 =	sadd.s32 @!p0 s3, s15;
	s14 =	sshra.s32 @!p0 s14, $0x2  }
0x27: {  	[tilespmem:s14], [sflag:$0x2] =	stream.linear.gather @!p0 [hbm4b:s15+s16], $0x1F40, $0x38;
	[tilespmem:$0x7D00] =	vst v63  }
0x28: {  	p0 =	sge.u32 s31, s7  }
.Ltmp2:
0x29: {  	_ = 	snop;
	(pc) =	sbr.rel @p0 .LBB2_5-.Ltmp2, $1  }
0x2a: {  	_ =	sdelay $0x3  }
0x2b: {  	s14 =	sand.u32 $0x1, s12  }
0x2c: {  	_ =	swait.ge [sflag:s6], $0x1F40;
	p0 =	seq.s32 s14, $0x1;
	s14 =	simm.s32 $0x1F40  }
0x2d: {  	[sflag:s6] =	ssyncset.done $0x0;
	s14 =	simm.s32 @!p0 $0x0  }
0x2e: {  	[sflag:s6] =	ssyncadd.s32 $0xFFFFE0C0;
	(ifvalue) =	ssetifvalue $0x7FFFFFFF;
	v0 =	vld.msk [tilespmem:s14+$0x0 ss:$0x1], $0xffff;
	_ =	sdelay $0x4  }
0x2f: {  	s15 =	sadd.s32 $0x10, s14;
	vm1 =	vgt.s32 v0, $0x0  }
0x30: {  	v2 =	vld.msk [tilespmem:s15+$0x0 ss:$0x1], $0xffff;
	v1 =	vnsel vm1, $0x0, v0  }
0x31: {  	v1 =	vmin.u32 v1, $0x4E1FF;
	_ =	sdelay $0x2  }
0x32: {  	s17 =	simm.s32 $0x20;
	s14 =	sadd.s32 $0x3E80, s14;
	s16 =	sadd.s32 $0x10, s15  }
0x33: {  	s15 =	sadd.s32 $0x10, s14;
	s18 =	smov.u32 s14;
	v0 =	vld.msk [tilespmem:s16+$0x0 ss:$0x1], $0xffff;
	vm1 =	vgt.s32 v2, $0x0;
	(ifvalue) =	ssetifvalue $0x7FFFFFFF  }
.LBB2_3:
0x34: {  	[tilespmem:s18], [sflag:$0x1] =	stream.indirect_vreg.gather [hbm4b:s2+s10], $0x1, v1, vm0, $0x4038;
	[tilespmem:$0x7D00] =	vst v63  }
0x35: {  	s17 =	sadd.s32 $0x10, s17  }
0x36: {  	v2 =	vnsel vm1, $0x0, v2;
	p0 =	slt.u32 s17, $0x1F30  }
.Ltmp3:
0x37: {  	s18 =	smov.u32 s15;
	v1 =	vmin.u32 v2, $0x4E1FF;
	(pc) =	sbr.rel @p0 .LBB2_3-.Ltmp3, $3  }
0x38: {  	_ =	sdelay $0x1  }
0x39: {  	s16 =	sadd.s32 $0x10, s16  }
0x3a: {  	vm1 =	vgt.s32 v0, $0x0;
	s15 =	sadd.s32 $0x10, s15;
	v2 =	vmov v0;
	(ifvalue) =	ssetifvalue $0x7FFFFFFF;
	v0 =	vld.msk [tilespmem:s16+$0x0 ss:$0x1], $0xffff  }
.Ltmp4:
0x3b: {  	_ = 	snop;
	(pc) =	sbr.rel .LBB2_4-.Ltmp4, $1  }
0x3c: {  	_ =	sdelay $0x3  }
.LBB2_6:
0x3d: {  	_ =	sfence.sel $0x180000  }
0x3e: {  	s2 =	simm.s32 $0x2;
	[bflag:$0x0] =	sbarrier.arrive $0xFFFF  }
0x3f: {  	s30 =	simm.s32 $0x3;
	[sflag:s2] =	ssyncpa.u1 $0x1  }
0x40: {  	s31 =	simm.s32 $0x1;
	[sflag:s30] =	ssyncpa.u1 $0x1  }
0x41: {  	[sflag:s31] =	ssyncpa.u1 $0x1  }
0x42: {  	p0 =	sne.s32 s1, $0x0;
	_ =	strace $0x90000047  }
0x43: {  	s0 =	sadd.s32 @!p0 $0x100000, s0;
	[bflag:$0x2] =	sbarrier.arrive $0xFFFF  }
0x44: {  	[sflag:s0] =	ssyncadd.tile.s32 @!p0 $0x1;
	_ =	shalt  }
.Lfunc_end2:
_tile_overlayer_lowered:
.L_overlay_start_2:
0x45: {  	(tag) =	ssettag $0x2  }
0x46: {  	s0 =	rddreg [dreg:$0x0];
	s2 =	stileid.u32  }
0x47: {  	s1 =	rddreg [dreg:$0x1];
	p0 =	sne.s32 s2, $0x0  }
0x48: {  	s3 =	rddreg [dreg:$0x2];
	[bflag:$0x3] =	sbarrier.arrive $0xFFFF;
	s2 =	simm.s32 @!p0 $0x1C01  }
0x49: {  	[timem:s3], [sflag:s2] =	dma.local @!p0 [hbm:s0], s1  }
0x4a: {  	s0 =	simm.s32 @!p0 $0x1  }
0x4b: {  	_ =	swait.ge @!p0 [sflag:s0], s1  }
0x4c: {  	s1 =	ssub.s32 @!p0 $0x0, s1;
	[sflag:s0] =	ssyncset.done @!p0 $0x0  }
0x4d: {  	[sflag:s0] =	ssyncadd.s32 @!p0 s1  }
0x4e: {  	[bflag:$0x3] =	sbarrier.arrive $0xFFFF  }
0x4f: {  	_ =	shalt  }

// kernel: gather_offload_async_start
scs
__scs_entry_jumppad:
0x0: {  	(pc) =	sbr.rel $0x88, $3  }
0x1: {  	(tag) =	ssettag $0x0;
	lr =	simm.s32 $0x1  }
0x2: {  	[smem:$0x3F7E] =	sst lr;
	_ =	strace $0xD0000000  }
0x3: {  	_ = 	snop  }
0x4: {  	_ = 	snop  }
0x5: {  	_ = 	snop  }
0x6: {  	_ = 	snop  }
0x7: {  	_ = 	snop  }
__scs_overlays_trampoline_lowered:
0x8: {  	[smem:$0x3F8D] =	sst s0  }
0x9: {  	[smem:$0x3F8E] =	sst s1  }
0xa: {  	[smem:$0x3F8F] =	sst s2  }
0xb: {  	[smem:$0x3F90] =	sst s3  }
0xc: {  	[smem:$0x3F91] =	sst s4  }
0xd: {  	[smem:$0x3F92] =	sst s5  }
0xe: {  	[smem:$0x3F93] =	sst s6  }
0xf: {  	[smem:$0x3F94] =	sst s7  }
0x10: {  	[smem:$0x3F95] =	sst s8  }
0x11: {  	[smem:$0x3F96] =	sst s9;
	s0 =	simm.s32 @!p0 $0x0  }
0x12: {  	s1 =	sld [smem:$0x3F7C];
	s0 =	simm.s32 @p0 $0x1  }
0x13: {  	[smem:$0x3F97] =	sst s0;
	s0 =	simm.s32 @!p1 $0x0  }
0x14: {  	s2 =	sld [smem:$0x3F7B];
	s0 =	simm.s32 @p1 $0x1  }
0x15: {  	[smem:$0x3F98] =	sst s0;
	s0 =	simm.s32 @!p2 $0x0  }
0x16: {  	s3 =	sld [smem:$0x3FDB];
	s0 =	simm.s32 @p2 $0x1  }
0x17: {  	s4 =	simm.s32 $0x1BF5;
	[smem:$0x3F9A] =	sst s0  }
0x18: {  	s0 =	sld [smem:$0x3F7D];
	_ =	swait.ge [sflag:s4], $0x0  }
0x19: {  	s7 =	sld [smem:$0x3F7E]  }
0x1a: {  	s8 =	sadd.s32 $0xFFFFE003, lr  }
0x1b: {  	s9 =	sadd.s32 $0xFFFFFEF7, lr;
	s5 =	simm.s32 $0xFFFFFFFF;
	p2 =	slt.u32 s8, $0xFFFFF086  }
0x1c: {  	p1 =	slt.u32 s9, $0xF7A;
	s5 =	simm.s32 @!p2 $0x0  }
0x1d: {  	s5 =	simm.s32 @p1 $0x1;
	p0 =	seq.s32 s7, s2  }
0x1e: {  	s7 =	smul.u32 @!p0 $0xF7A, s2;
	p2 =	seq.s32 @!p0 s5, $0x0  }
0x1f: {  	s9 =	smul.u32 $0xF7A, s1;
	s8 =	simm.s32 @!p0 $0x1BF5;
	p2 =	por !p2, p0  }
0x20: {  	[sflag:s8] =	ssyncset.s32 @!p0 $0xFFFFF086;
	s6 =	sadd.s32 @!p0 s3, s7;
	s7 =	simm.s32 @!p0 $0x108  }
0x21: {  	s3 =	sadd.s32 s3, s9;
	s6 =	sadd.s32 @!p0 $0x88, s6;
	s7 =	simm.s32 @p2 $0x1082  }
0x22: {  	[simem:s7], [sflag:s8] =	dma.local @!p0 [hbm:s6], $0xF7A  }
0x23: {  	s9 =	sor.u32 $0xD0000000, s2;
	s6 =	simm.s32 $0x108;
	_ =	swait.ge @!p0 [sflag:s8], $0x0  }
0x24: {  	s3 =	sadd.s32 $0x88, s3;
	s6 =	simm.s32 @!p1 $0x1082;
	[sflag:s4] =	ssyncset.s32 $0xFFFFF086  }
0x25: {  	[simem:s6], [sflag:s4] =	dma.local [hbm:s3], $0xF7A  }
0x26: {  	[smem:$0x3F7E] =	sst s1;
	(tag) =	ssettag s2;
	_ =	strace s9  }
0x27: {  	s1 =	sld [smem:$0x3F8E]  }
0x28: {  	s2 =	sld [smem:$0x3F8F]  }
0x29: {  	s4 =	sld [smem:$0x3F91]  }
0x2a: {  	p0 =	seq.s32 s5, $0x0;
	s5 =	sld [smem:$0x3F92]  }
0x2b: {  	s6 =	sld [smem:$0x3F93]  }
0x2c: {  	s7 =	sld [smem:$0x3F94]  }
0x2d: {  	s3 =	simm.s32 $0x108;
	s8 =	sld [smem:$0x3F95]  }
0x2e: {  	s3 =	simm.s32 @!p0 $0x1082;
	s9 =	sld [smem:$0x3F96]  }
0x2f: {  	lr =	sadd.s32 s0, s3;
	s0 =	sld [smem:$0x3F8D]  }
0x30: {  	s3 =	sld [smem:$0x3F90]  }
0x31: {  	[smem:$0x3F99] =	sst s10  }
0x32: {  	s10 =	sld [smem:$0x3F97];
	_ =	sdelay $0x3  }
0x33: {  	p0 =	seq.s32 s10, $0x1;
	s10 =	sld [smem:$0x3F99];
	_ =	sdelay $0x3  }
0x34: {  	[smem:$0x3F99] =	sst s10  }
0x35: {  	s10 =	sld [smem:$0x3F98];
	_ =	sdelay $0x3  }
0x36: {  	p1 =	seq.s32 s10, $0x1;
	s10 =	sld [smem:$0x3F99];
	_ =	sdelay $0x3  }
0x37: {  	[smem:$0x3F99] =	sst s10  }
0x38: {  	s10 =	sld [smem:$0x3F9A]  }
0x39: {  	_ = 	snop;
	(pc) =	sbr.ind lr, $3  }
0x3a: {  	_ = 	snop  }
0x3b: {  	_ = 	snop  }
0x3c: {  	p2 =	seq.s32 s10, $0x1;
	s10 =	sld [smem:$0x3F99]  }
0x3d: {  	_ =	shalt  }
0x3e: {  	_ =	shalt  }
0x3f: {  	_ =	shalt  }
0x40: {  	_ =	shalt  }
0x41: {  	_ =	shalt  }
0x42: {  	_ =	shalt  }
0x43: {  	_ =	shalt  }
0x44: {  	_ =	shalt  }
0x45: {  	_ =	shalt  }
0x46: {  	_ =	shalt  }
0x47: {  	_ =	shalt  }
0x48: {  	_ =	shalt  }
0x49: {  	_ =	shalt  }
0x4a: {  	_ =	shalt  }
0x4b: {  	_ =	shalt  }
0x4c: {  	_ =	shalt  }
0x4d: {  	_ =	shalt  }
0x4e: {  	_ =	shalt  }
0x4f: {  	_ =	shalt  }
0x50: {  	_ =	shalt  }
0x51: {  	_ =	shalt  }
0x52: {  	_ =	shalt  }
0x53: {  	_ =	shalt  }
0x54: {  	_ =	shalt  }
0x55: {  	_ =	shalt  }
0x56: {  	_ =	shalt  }
0x57: {  	_ =	shalt  }
0x58: {  	_ =	shalt  }
0x59: {  	_ =	shalt  }
0x5a: {  	_ =	shalt  }
0x5b: {  	_ =	shalt  }
0x5c: {  	_ =	shalt  }
0x5d: {  	_ =	shalt  }
0x5e: {  	_ =	shalt  }
0x5f: {  	_ =	shalt  }
0x60: {  	_ =	shalt  }
0x61: {  	_ =	shalt  }
0x62: {  	_ =	shalt  }
0x63: {  	_ =	shalt  }
0x64: {  	_ =	shalt  }
0x65: {  	_ =	shalt  }
0x66: {  	_ =	shalt  }
0x67: {  	_ =	shalt  }
0x68: {  	_ =	shalt  }
0x69: {  	_ =	shalt  }
0x6a: {  	_ =	shalt  }
0x6b: {  	_ =	shalt  }
0x6c: {  	_ =	shalt  }
0x6d: {  	_ =	shalt  }
0x6e: {  	_ =	shalt  }
0x6f: {  	_ =	shalt  }
0x70: {  	_ =	shalt  }
0x71: {  	_ =	shalt  }
0x72: {  	_ =	shalt  }
0x73: {  	_ =	shalt  }
0x74: {  	_ =	shalt  }
0x75: {  	_ =	shalt  }
0x76: {  	_ =	shalt  }
0x77: {  	_ =	shalt  }
0x78: {  	_ =	shalt  }
0x79: {  	_ =	shalt  }
0x7a: {  	_ =	shalt  }
0x7b: {  	_ =	shalt  }
0x7c: {  	_ =	shalt  }
0x7d: {  	_ =	shalt  }
0x7e: {  	_ =	shalt  }
0x7f: {  	_ =	shalt  }
0x80: {  	_ =	shalt  }
0x81: {  	_ =	shalt  }
0x82: {  	_ =	shalt  }
0x83: {  	_ =	shalt  }
0x84: {  	_ =	shalt  }
0x85: {  	_ =	shalt  }
0x86: {  	_ =	shalt  }
0x87: {  	_ =	shalt  }
.Lfunc_end0:
.L_simem_size_0:
called_computation_lowered:
.L_overlay_start_0:
0x88: {  	s2 =	sld [smem:$0x3FD9]  }
0x89: {  	s3 =	sld [smem:$0x3FFE];
	_ =	sdelay $0x1  }
0x8a: {  	s1 =	srdreg.scid  }
0x8b: {  	s0 =	sand.u32 $0x1, s1  }
0x8c: {  	s16 =	sshll.u32 s0, $0xA;
	s2 =	sadd.s32 s3, s2  }
0x8d: {  	s2 =	sadd.s32 s2, s16  }
0x8e: {  	[smem:$0x3FA5] =	sst s2  }
0x8f: {  	_ = 	snop  }
0x90: {  	s2 =	sld [smem:$0x3FD0];
	_ =	sdelay $0x2  }
0x91: {  	s5 =	simm.s32 $0xB;
	s17 =	simm.s32 $0x10  }
0x92: {  	[smem:s17], [sflag:s5] =	dma.local [hbm:s2], $0x1  }
0x93: {  	_ =	swait.eq [sflag:s5], $0x1  }
0x94: {  	s18 =	sld [smem:$0x11];
	[sflag:s5] =	ssyncset.done $0x0  }
0x95: {  	s4 =	sld [smem:$0x15];
	[sflag:s5] =	ssyncadd.s32 $0xFFFFFFFF  }
0x96: {  	s19 =	sld [smem:$0x16];
	(tm) =	ssettm $0x1  }
0x97: {  	s20 =	sld [smem:$0x3FFB];
	_ =	sdelay $0x3  }
0x98: {  	_ =	strace s20  }
0x99: {  	s2 =	sld [smem:$0x3FFC];
	_ =	sdelay $0x3  }
0x9a: {  	_ =	strace s2  }
0x9b: {  	s2 =	sld [smem:$0x3FFD];
	_ =	sdelay $0x3  }
0x9c: {  	_ =	strace s2  }
0x9d: {  	_ =	strace $0x8FFFFFFF  }
0x9e: {  	s21 =	sld [smem:$0x3FDB];
	_ =	sdelay $0x1  }
0x9f: {  	s6 =	simm.s32 $_scs_section_size  }
0xa0: {  	s7 =	simm.s32 $_size__tile_overlayer_lowered;
	s8 =	simm.s32 $_tile_overlayer_lowered  }
0xa1: {  	s9 =	simm.s32 $0x1BFF;
	s22 =	sshll.u32 s8, $0x1;
	s6 =	sadd.s32 s6, s21  }
0xa2: {  	s23 =	simm.s32 $0x0;
	s7 =	sshll.u32 s7, $0x1;
	s8 =	sadd.s32 s22, s6  }
0xa3: {  	[timem:s23], [sflag:s9] =	dma.local [hbm:s8], s7  }
0xa4: {  	_ =	swait.ge [sflag:s9], s7  }
0xa5: {  	s7 =	ssub.s32 $0x0, s7;
	[sflag:s9] =	ssyncset.done $0x0  }
0xa6: {  	[sflag:s9] =	ssyncadd.s32 s7;
	_ =	sdelay $0x1  }
0xa7: {  	s24 =	simm.s32 $0x1B8B  }
0xa8: {  	_ =	swait.ge [sflag:s24], $0x1  }
0xa9: {  	[sflag:s24] =	ssyncset.done $0x0  }
0xaa: {  	[sflag:s24] =	ssyncadd.s32 $0xFFFFFFFF  }
0xab: {  	s7 =	sld [smem:$0x0]  }
0xac: {  	s8 =	sand.u32 $0xFFFFFFFE, s1  }
0xad: {  	p0 =	sne.s32 s1, s8  }
0xae: {  	s8 =	sshll.u32 @p0 s8, $0xE  }
0xaf: {  	s8 =	sadd.s32 @p0 $0x11B8D, s8;
	s9 =	sshll.u32 @p0 s7, $0x11  }
0xb0: {  	s8 =	sor.u32 @p0 s9, s8  }
0xb1: {  	[sflag:s8] =	ssyncadd.remote.s32 @p0 $0x1;
	_ =	sdelay $0x1  }
0xb2: {  	s8 =	simm.s32 @p0 $0x1B8D  }
0xb3: {  	_ =	swait.eq @p0 [sflag:s8], $0x1  }
0xb4: {  	[sflag:s8] =	ssyncadd.s32 @p0 $0xFFFFFFFF  }
0xb5: {  	s9 =	sshll.u32 @!p0 s1, $0xE  }
0xb6: {  	s9 =	sor.u32 @!p0 $0x4000, s9;
	s8 =	simm.s32 @!p0 $0x1B8D  }
0xb7: {  	s7 =	sshll.u32 @!p0 s7, $0x11;
	s9 =	sadd.s32 @!p0 $0x11B8D, s9;
	_ =	swait.eq @!p0 [sflag:s8], $0x1  }
0xb8: {  	s7 =	sor.u32 @!p0 s7, s9;
	[sflag:s8] =	ssyncadd.s32 @!p0 $0xFFFFFFFF  }
0xb9: {  	s25 =	simm.s32 $0x1B8E;
	[sflag:s7] =	ssyncadd.remote.s32 @!p0 $0x1  }
0xba: {  	s26 =	simm.s32 $execute0_lowered;
	[smem:$0x3FD2] =	sst s25  }
0xbb: {  	s7 =	sshll.u32 s26, $0x1;
	_ =	strace $0x80000049;
	[dreg:$0x1] =	wrdreg $0xFFFFFFFF  }
0xbc: {  	s28 =	simm.s32 $_size_execute0_lowered;
	s6 =	sadd.s32 s6, s7;
	[dreg:$0x0] =	wrdreg $0x0  }
0xbd: {  	s7 =	sshll.u32 s28, $0x1;
	[dreg:$0x2] =	wrdreg s6  }
0xbe: {  	[dreg:$0x3] =	wrdreg s7  }
0xbf: {  	[dreg:$0x4] =	wrdreg $0xC0  }
0xc0: {  	_ =	task [dreg:s23], $0x5FFFF  }
0xc1: {  	[dreg:$0x1] =	wrdreg $0xFFFFFFFF  }
0xc2: {  	[dreg:$0x0] =	wrdreg $0x60  }
0xc3: {  	[dreg:$0x2] =	wrdreg s18  }
0xc4: {  	[dreg:$0x3] =	wrdreg s4  }
0xc5: {  	[dreg:$0x4] =	wrdreg s19  }
0xc6: {  	[dreg:$0x5] =	wrdreg $0x9  }
0xc7: {  	_ =	task.clear_ibuf [dreg:s23], $0x6FFFF;
	_ =	strace $0x90000049  }
0xc8: {  	s29 =	simm.s32 $0x9;
	_ =	strace $0x8000004B  }
0xc9: {  	_ =	swait.ge [sflag:s29], $0x1  }
0xca: {  	[sflag:s29] =	ssyncadd.s32 $0xFFFFFFFF  }
0xcb: {  	_ =	strace $0x9000004B  }
0xcc: {  	_ =	sfence  }
0xcd: {  	s30 =	sld [smem:$0x0];
	_ =	sdelay $0x2  }
0xce: {  	s31 =	sshll.u32 s1, $0xD;
	s1 =	sshrl.u32 s1, $0x2  }
0xcf: {  	s4 =	sand.u32 $0x4000, s31;
	s1 =	sadd.s32 s1, s30  }
0xd0: {  	s0 =	sor.u32 s4, s0;
	s1 =	sshll.u32 s1, $0x11  }
0xd1: {  	s0 =	sor.u32 s1, s0  }
0xd2: {  	s0 =	sadd.s32 $0x8F2B, s0  }
0xd3: {  	[sflag:s0] =	ssyncadd.remote.s32 $0x1  }
0xd4: {  	_ =	sfence.sel $0xFFFF  }
0xd5: {  	[dreg:$0x0] =	wrdreg $0xFFFFFFFF;
	(pc) =	sbr.abs _section_cstart, $3  }
0xd6: {  	[dreg:$0x1] =	wrdreg $0xFFFFFFFF  }
0xd7: {  	_ =	task.clear_ibuf [dreg:s23], $0x2FFFF;
	_ =	strace $0x9FFFFFFF  }
0xd8: {  	(tm) =	ssettm $0x7FFFFFFF  }
0xd9: {  	_ =	shalt  }
tec
execute0_lowered:
.L_overlay_start_1:
0x0: {  	(tag) =	ssettag $0x1  }
0x1: {  	s2 =	rddreg [dreg:$0x0]  }
0x2: {  	s3 =	rddreg [dreg:$0x1]  }
0x3: {  	s4 =	rddreg [dreg:$0x2];
	s1 =	stileid.u32  }
0x4: {  	s5 =	srdreg.scid;
	s0 =	rddreg [dreg:$0x3]  }
0x5: {  	_ =	strace $0x8000004A;
	s8 =	simm.s32 $0x1;
	s9 =	simm.s32 $0x1  }
0x6: {  	s10 =	simm.s32 $0x3;
	s6 =	sand.u32 $0x1, s5;
	s7 =	sshll.u32 s1, $0x1  }
0x7: {  	s13 =	simm.s32 $0x0;
	s5 =	simm.s32 $0x1;
	s6 =	sor.u32 s7, s6  }
.Ltmp0:
0x8: {  	[sflag:s5] =	ssyncpa.u1 $0x0;
	p0 =	slt.u32 s6, $0x9;
	(pc) =	sbr.rel .LBB2_1-.Ltmp0, $4  }
0x9: {  	s7 =	simm.s32 $0x2;
	s8 =	simm.s32 @!p0 $0x0;
	p0 =	sne.s32 s6, $0x8  }
0xa: {  	[sflag:s7] =	ssyncpa.u1 $0x0;
	s6 =	smul.u32 $0x1F40, s6;
	s9 =	simm.s32 @!p0 $0x0  }
0xb: {  	s12 =	simm.s32 $0x0;
	[sflag:s10] =	ssyncpa.u1 $0x0;
	s8 =	sadd.s32 s9, s8  }
0xc: {  	vm0 =	vmmov $0xffff;
	s10 =	simm.s32 $0x0;
	s11 =	smov.u32 s6;
	s9 =	sadd.s32 $0x1, s8  }
.LBB2_4:
0xd: {  	v2 =	vnsel vm1, $0x0, v2  }
0xe: {  	vm1 =	vgt.s32 v0, $0x0;
	v2 =	vmin.u32 v2, $0x4E1FF  }
0xf: {  	v0 =	vnsel vm1, $0x0, v0  }
0x10: {  	v0 =	vmin.u32 v0, $0x4E1FF  }
0x11: {  	[tilespmem:s18], [sflag:$0x1] =	stream.indirect_vreg.gather [hbm4b:s2+s10], $0x1, v1, vm0, $0x4038;
	[tilespmem:$0x7D00] =	vst v63  }
0x12: {  	(ifvalue) =	ssetifvalue $0x7FFFFFFF  }
0x13: {  	[tilespmem:s15], [sflag:$0x1] =	stream.indirect_vreg.gather [hbm4b:s2+s10], $0x1, v2, vm0, $0x4038;
	[tilespmem:$0x7D00] =	vst v63  }
0x14: {  	s29 =	sadd.s32 $0x10, s15;
	(ifvalue) =	ssetifvalue $0x7FFFFFFF  }
0x15: {  	[tilespmem:s29], [sflag:$0x1] =	stream.indirect_vreg.gather [hbm4b:s2+s10], $0x1, v0, vm0, $0x4038;
	[tilespmem:$0x7D00] =	vst v63  }
0x16: {  	_ =	swait.ge [sflag:s5], $0x1F40  }
0x17: {  	s30 =	sshrl.u32 s13, $0x3;
	[sflag:s5] =	ssyncset.done $0x0  }
0x18: {  	s31 =	sand.u32 $0x7, s13;
	s15 =	sadd.s32 s4, s30;
	[sflag:s5] =	ssyncadd.s32 $0xFFFFE0C0  }
0x19: {  	[hbm4b:s15+s31] =	stream.linear.scatter [tilespmem:s14], [sflag:$0x3], $0x1F40, $0x38;
	[tilespmem:$0x7D00] =	vst v63  }
.LBB2_5:
0x1a: {  	s15 =	sadd.s32 $0x3E800, s11  }
0x1b: {  	p1 =	sgt.s32 s15, $0x4E1FF  }
0x1c: {  	s15 =	smov.u32 @p1 s6;
	p1 =	sne.s32 s12, s9  }
.Ltmp1:
0x1d: {  	p0 =	slt.u32 s12, $0x2;
	(pc) =	sbr.rel @!p1 .LBB2_6-.Ltmp1, $4  }
0x1e: {  	s14 =	simm.s32 @!p0 $0x3  }
0x1f: {  	_ =	swait.ge @!p0 [sflag:s14], $0x1F40  }
0x20: {  	s16 =	sadd.s32 $0x1, s12;
	s13 =	smov.u32 s11;
	[sflag:s14] =	ssyncset.done @!p0 $0x0  }
0x21: {  	s12 =	smov.u32 s16;
	s11 =	smov.u32 s15;
	[sflag:s14] =	ssyncadd.s32 @!p0 $0xFFFFE0C0  }
.LBB2_1:
0x22: {  	p0 =	sge.u32 s12, s8  }
0x23: {  	s14 =	sxor.u32 @!p0 $0x1, s12  }
0x24: {  	s14 =	smul.u32 @!p0 $0x7D00, s14  }
0x25: {  	s31 =	sadd.s32 $0xFFFFFFFF, s12;
	s15 =	sshrl.u32 @!p0 s11, $0x3  }
0x26: {  	s16 =	sand.u32 @!p0 $0x7, s11;
	s15 =	sadd.s32 @!p0 s3, s15;
	s14 =	sshra.s32 @!p0 s14, $0x2  }
0x27: {  	[tilespmem:s14], [sflag:$0x2] =	stream.linear.gather @!p0 [hbm4b:s15+s16], $0x1F40, $0x38;
	[tilespmem:$0x7D00] =	vst v63  }
0x28: {  	p0 =	sge.u32 s31, s8  }
.Ltmp2:
0x29: {  	_ = 	snop;
	(pc) =	sbr.rel @p0 .LBB2_5-.Ltmp2, $1  }
0x2a: {  	_ =	sdelay $0x3  }
0x2b: {  	s14 =	sand.u32 $0x1, s12  }
0x2c: {  	_ =	swait.ge [sflag:s7], $0x1F40;
	p0 =	seq.s32 s14, $0x1;
	s14 =	simm.s32 $0x1F40  }
0x2d: {  	[sflag:s7] =	ssyncset.done $0x0;
	s14 =	simm.s32 @!p0 $0x0  }
0x2e: {  	[sflag:s7] =	ssyncadd.s32 $0xFFFFE0C0;
	(ifvalue) =	ssetifvalue $0x7FFFFFFF;
	v0 =	vld.msk [tilespmem:s14+$0x0 ss:$0x1], $0xffff;
	_ =	sdelay $0x4  }
0x2f: {  	s15 =	sadd.s32 $0x10, s14;
	vm1 =	vgt.s32 v0, $0x0  }
0x30: {  	v2 =	vld.msk [tilespmem:s15+$0x0 ss:$0x1], $0xffff;
	v1 =	vnsel vm1, $0x0, v0  }
0x31: {  	v1 =	vmin.u32 v1, $0x4E1FF;
	_ =	sdelay $0x2  }
0x32: {  	s17 =	simm.s32 $0x20;
	s14 =	sadd.s32 $0x3E80, s14;
	s16 =	sadd.s32 $0x10, s15  }
0x33: {  	s15 =	sadd.s32 $0x10, s14;
	s18 =	smov.u32 s14;
	v0 =	vld.msk [tilespmem:s16+$0x0 ss:$0x1], $0xffff;
	vm1 =	vgt.s32 v2, $0x0;
	(ifvalue) =	ssetifvalue $0x7FFFFFFF  }
.LBB2_3:
0x34: {  	[tilespmem:s18], [sflag:$0x1] =	stream.indirect_vreg.gather [hbm4b:s2+s10], $0x1, v1, vm0, $0x4038;
	[tilespmem:$0x7D00] =	vst v63  }
0x35: {  	s17 =	sadd.s32 $0x10, s17  }
0x36: {  	v2 =	vnsel vm1, $0x0, v2;
	p0 =	slt.u32 s17, $0x1F30  }
.Ltmp3:
0x37: {  	s18 =	smov.u32 s15;
	v1 =	vmin.u32 v2, $0x4E1FF;
	(pc) =	sbr.rel @p0 .LBB2_3-.Ltmp3, $3  }
0x38: {  	_ =	sdelay $0x1  }
0x39: {  	s16 =	sadd.s32 $0x10, s16  }
0x3a: {  	vm1 =	vgt.s32 v0, $0x0;
	s15 =	sadd.s32 $0x10, s15;
	v2 =	vmov v0;
	(ifvalue) =	ssetifvalue $0x7FFFFFFF;
	v0 =	vld.msk [tilespmem:s16+$0x0 ss:$0x1], $0xffff  }
.Ltmp4:
0x3b: {  	_ = 	snop;
	(pc) =	sbr.rel .LBB2_4-.Ltmp4, $1  }
0x3c: {  	_ =	sdelay $0x3  }
.LBB2_6:
0x3d: {  	_ =	sfence.sel $0x180000  }
0x3e: {  	s2 =	simm.s32 $0x2;
	[bflag:$0x0] =	sbarrier.arrive $0xFFFF  }
0x3f: {  	s30 =	simm.s32 $0x3;
	[sflag:s2] =	ssyncpa.u1 $0x1  }
0x40: {  	s31 =	simm.s32 $0x1;
	[sflag:s30] =	ssyncpa.u1 $0x1  }
0x41: {  	[sflag:s31] =	ssyncpa.u1 $0x1  }
0x42: {  	p0 =	sne.s32 s1, $0x0;
	_ =	strace $0x9000004A  }
0x43: {  	s0 =	sadd.s32 @!p0 $0x100000, s0;
	[bflag:$0x2] =	sbarrier.arrive $0xFFFF  }
0x44: {  	[sflag:s0] =	ssyncadd.tile.s32 @!p0 $0x1;
	_ =	shalt  }
.Lfunc_end2:
_tile_overlayer_lowered:
.L_overlay_start_2:
0x45: {  	(tag) =	ssettag $0x2  }
0x46: {  	s0 =	rddreg [dreg:$0x0];
	s2 =	stileid.u32  }
0x47: {  	s1 =	rddreg [dreg:$0x1];
	p0 =	sne.s32 s2, $0x0  }
0x48: {  	s3 =	rddreg [dreg:$0x2];
	[bflag:$0x3] =	sbarrier.arrive $0xFFFF;
	s2 =	simm.s32 @!p0 $0x1C01  }
0x49: {  	[timem:s3], [sflag:s2] =	dma.local @!p0 [hbm:s0], s1  }
0x4a: {  	s0 =	simm.s32 @!p0 $0x1  }
0x4b: {  	_ =	swait.ge @!p0 [sflag:s0], s1  }
0x4c: {  	s1 =	ssub.s32 @!p0 $0x0, s1;
	[sflag:s0] =	ssyncset.done @!p0 $0x0  }
0x4d: {  	[sflag:s0] =	ssyncadd.s32 @!p0 s1  }
0x4e: {  	[bflag:$0x3] =	sbarrier.arrive $0xFFFF  }
0x4f: {  	_ =	shalt  }

// kernel: kernel.19.cloned.1.call-start
scs
__scs_entry_jumppad:
0x0: {  	(pc) =	sbr.rel $0x88, $3  }
0x1: {  	(tag) =	ssettag $0x0;
	lr =	simm.s32 $0x1  }
0x2: {  	[smem:$0x3F7E] =	sst lr;
	_ =	strace $0xD0000000  }
0x3: {  	_ = 	snop  }
0x4: {  	_ = 	snop  }
0x5: {  	_ = 	snop  }
0x6: {  	_ = 	snop  }
0x7: {  	_ = 	snop  }
__scs_overlays_trampoline_lowered:
0x8: {  	[smem:$0x3F8D] =	sst s0  }
0x9: {  	[smem:$0x3F8E] =	sst s1  }
0xa: {  	[smem:$0x3F8F] =	sst s2  }
0xb: {  	[smem:$0x3F90] =	sst s3  }
0xc: {  	[smem:$0x3F91] =	sst s4  }
0xd: {  	[smem:$0x3F92] =	sst s5  }
0xe: {  	[smem:$0x3F93] =	sst s6  }
0xf: {  	[smem:$0x3F94] =	sst s7  }
0x10: {  	[smem:$0x3F95] =	sst s8  }
0x11: {  	[smem:$0x3F96] =	sst s9;
	s0 =	simm.s32 @!p0 $0x0  }
0x12: {  	s1 =	sld [smem:$0x3F7C];
	s0 =	simm.s32 @p0 $0x1  }
0x13: {  	[smem:$0x3F97] =	sst s0;
	s0 =	simm.s32 @!p1 $0x0  }
0x14: {  	s2 =	sld [smem:$0x3F7B];
	s0 =	simm.s32 @p1 $0x1  }
0x15: {  	[smem:$0x3F98] =	sst s0;
	s0 =	simm.s32 @!p2 $0x0  }
0x16: {  	s3 =	sld [smem:$0x3FDB];
	s0 =	simm.s32 @p2 $0x1  }
0x17: {  	s4 =	simm.s32 $0x1BF5;
	[smem:$0x3F9A] =	sst s0  }
0x18: {  	s0 =	sld [smem:$0x3F7D];
	_ =	swait.ge [sflag:s4], $0x0  }
0x19: {  	s7 =	sld [smem:$0x3F7E]  }
0x1a: {  	s8 =	sadd.s32 $0xFFFFE003, lr  }
0x1b: {  	s9 =	sadd.s32 $0xFFFFFEF7, lr;
	s5 =	simm.s32 $0xFFFFFFFF;
	p2 =	slt.u32 s8, $0xFFFFF086  }
0x1c: {  	p1 =	slt.u32 s9, $0xF7A;
	s5 =	simm.s32 @!p2 $0x0  }
0x1d: {  	s5 =	simm.s32 @p1 $0x1;
	p0 =	seq.s32 s7, s2  }
0x1e: {  	s7 =	smul.u32 @!p0 $0xF7A, s2;
	p2 =	seq.s32 @!p0 s5, $0x0  }
0x1f: {  	s9 =	smul.u32 $0xF7A, s1;
	s8 =	simm.s32 @!p0 $0x1BF5;
	p2 =	por !p2, p0  }
0x20: {  	[sflag:s8] =	ssyncset.s32 @!p0 $0xFFFFF086;
	s6 =	sadd.s32 @!p0 s3, s7;
	s7 =	simm.s32 @!p0 $0x108  }
0x21: {  	s3 =	sadd.s32 s3, s9;
	s6 =	sadd.s32 @!p0 $0x88, s6;
	s7 =	simm.s32 @p2 $0x1082  }
0x22: {  	[simem:s7], [sflag:s8] =	dma.local @!p0 [hbm:s6], $0xF7A  }
0x23: {  	s9 =	sor.u32 $0xD0000000, s2;
	s6 =	simm.s32 $0x108;
	_ =	swait.ge @!p0 [sflag:s8], $0x0  }
0x24: {  	s3 =	sadd.s32 $0x88, s3;
	s6 =	simm.s32 @!p1 $0x1082;
	[sflag:s4] =	ssyncset.s32 $0xFFFFF086  }
0x25: {  	[simem:s6], [sflag:s4] =	dma.local [hbm:s3], $0xF7A  }
0x26: {  	[smem:$0x3F7E] =	sst s1;
	(tag) =	ssettag s2;
	_ =	strace s9  }
0x27: {  	s1 =	sld [smem:$0x3F8E]  }
0x28: {  	s2 =	sld [smem:$0x3F8F]  }
0x29: {  	s4 =	sld [smem:$0x3F91]  }
0x2a: {  	p0 =	seq.s32 s5, $0x0;
	s5 =	sld [smem:$0x3F92]  }
0x2b: {  	s6 =	sld [smem:$0x3F93]  }
0x2c: {  	s7 =	sld [smem:$0x3F94]  }
0x2d: {  	s3 =	simm.s32 $0x108;
	s8 =	sld [smem:$0x3F95]  }
0x2e: {  	s3 =	simm.s32 @!p0 $0x1082;
	s9 =	sld [smem:$0x3F96]  }
0x2f: {  	lr =	sadd.s32 s0, s3;
	s0 =	sld [smem:$0x3F8D]  }
0x30: {  	s3 =	sld [smem:$0x3F90]  }
0x31: {  	[smem:$0x3F99] =	sst s10  }
0x32: {  	s10 =	sld [smem:$0x3F97];
	_ =	sdelay $0x3  }
0x33: {  	p0 =	seq.s32 s10, $0x1;
	s10 =	sld [smem:$0x3F99];
	_ =	sdelay $0x3  }
0x34: {  	[smem:$0x3F99] =	sst s10  }
0x35: {  	s10 =	sld [smem:$0x3F98];
	_ =	sdelay $0x3  }
0x36: {  	p1 =	seq.s32 s10, $0x1;
	s10 =	sld [smem:$0x3F99];
	_ =	sdelay $0x3  }
0x37: {  	[smem:$0x3F99] =	sst s10  }
0x38: {  	s10 =	sld [smem:$0x3F9A]  }
0x39: {  	_ = 	snop;
	(pc) =	sbr.ind lr, $3  }
0x3a: {  	_ = 	snop  }
0x3b: {  	_ = 	snop  }
0x3c: {  	p2 =	seq.s32 s10, $0x1;
	s10 =	sld [smem:$0x3F99]  }
0x3d: {  	_ =	shalt  }
0x3e: {  	_ =	shalt  }
0x3f: {  	_ =	shalt  }
0x40: {  	_ =	shalt  }
0x41: {  	_ =	shalt  }
0x42: {  	_ =	shalt  }
0x43: {  	_ =	shalt  }
0x44: {  	_ =	shalt  }
0x45: {  	_ =	shalt  }
0x46: {  	_ =	shalt  }
0x47: {  	_ =	shalt  }
0x48: {  	_ =	shalt  }
0x49: {  	_ =	shalt  }
0x4a: {  	_ =	shalt  }
0x4b: {  	_ =	shalt  }
0x4c: {  	_ =	shalt  }
0x4d: {  	_ =	shalt  }
0x4e: {  	_ =	shalt  }
0x4f: {  	_ =	shalt  }
0x50: {  	_ =	shalt  }
0x51: {  	_ =	shalt  }
0x52: {  	_ =	shalt  }
0x53: {  	_ =	shalt  }
0x54: {  	_ =	shalt  }
0x55: {  	_ =	shalt  }
0x56: {  	_ =	shalt  }
0x57: {  	_ =	shalt  }
0x58: {  	_ =	shalt  }
0x59: {  	_ =	shalt  }
0x5a: {  	_ =	shalt  }
0x5b: {  	_ =	shalt  }
0x5c: {  	_ =	shalt  }
0x5d: {  	_ =	shalt  }
0x5e: {  	_ =	shalt  }
0x5f: {  	_ =	shalt  }
0x60: {  	_ =	shalt  }
0x61: {  	_ =	shalt  }
0x62: {  	_ =	shalt  }
0x63: {  	_ =	shalt  }
0x64: {  	_ =	shalt  }
0x65: {  	_ =	shalt  }
0x66: {  	_ =	shalt  }
0x67: {  	_ =	shalt  }
0x68: {  	_ =	shalt  }
0x69: {  	_ =	shalt  }
0x6a: {  	_ =	shalt  }
0x6b: {  	_ =	shalt  }
0x6c: {  	_ =	shalt  }
0x6d: {  	_ =	shalt  }
0x6e: {  	_ =	shalt  }
0x6f: {  	_ =	shalt  }
0x70: {  	_ =	shalt  }
0x71: {  	_ =	shalt  }
0x72: {  	_ =	shalt  }
0x73: {  	_ =	shalt  }
0x74: {  	_ =	shalt  }
0x75: {  	_ =	shalt  }
0x76: {  	_ =	shalt  }
0x77: {  	_ =	shalt  }
0x78: {  	_ =	shalt  }
0x79: {  	_ =	shalt  }
0x7a: {  	_ =	shalt  }
0x7b: {  	_ =	shalt  }
0x7c: {  	_ =	shalt  }
0x7d: {  	_ =	shalt  }
0x7e: {  	_ =	shalt  }
0x7f: {  	_ =	shalt  }
0x80: {  	_ =	shalt  }
0x81: {  	_ =	shalt  }
0x82: {  	_ =	shalt  }
0x83: {  	_ =	shalt  }
0x84: {  	_ =	shalt  }
0x85: {  	_ =	shalt  }
0x86: {  	_ =	shalt  }
0x87: {  	_ =	shalt  }
.Lfunc_end0:
.L_simem_size_0:
called_computation.2_lowered:
.L_overlay_start_0:
0x88: {  	s2 =	sld [smem:$0x3FD9]  }
0x89: {  	s3 =	sld [smem:$0x3FFE];
	_ =	sdelay $0x1  }
0x8a: {  	s1 =	srdreg.scid  }
0x8b: {  	s0 =	sand.u32 $0x1, s1  }
0x8c: {  	s14 =	sshll.u32 s0, $0xA;
	s2 =	sadd.s32 s3, s2  }
0x8d: {  	s2 =	sadd.s32 s2, s14  }
0x8e: {  	[smem:$0x3FA5] =	sst s2  }
0x8f: {  	_ = 	snop  }
0x90: {  	s2 =	sld [smem:$0x3FD0];
	_ =	sdelay $0x2  }
0x91: {  	s15 =	simm.s32 $0xB;
	s4 =	simm.s32 $0x10  }
0x92: {  	[smem:s4], [sflag:s15] =	dma.local [hbm:s2], $0x1  }
0x93: {  	_ =	swait.eq [sflag:s15], $0x1  }
0x94: {  	s16 =	sld [smem:$0x12]  }
0x95: {  	s17 =	sld [smem:$0x13];
	[sflag:s15] =	ssyncset.done $0x0  }
0x96: {  	s5 =	sld [smem:$0x16];
	[sflag:s15] =	ssyncadd.s32 $0xFFFFFFFF  }
0x97: {  	s18 =	sld [smem:$0x17];
	(tm) =	ssettm $0x1  }
0x98: {  	s6 =	sld [smem:$0x3FFB];
	_ =	sdelay $0x3  }
0x99: {  	_ =	strace s6  }
0x9a: {  	s6 =	sld [smem:$0x3FFC];
	_ =	sdelay $0x3  }
0x9b: {  	_ =	strace s6  }
0x9c: {  	s6 =	sld [smem:$0x3FFD];
	_ =	sdelay $0x3  }
0x9d: {  	_ =	strace s6  }
0x9e: {  	_ =	strace $0x8FFFFFFF  }
0x9f: {  	s19 =	sld [smem:$0x3FDB];
	_ =	sdelay $0x1  }
0xa0: {  	s7 =	simm.s32 $_scs_section_size  }
0xa1: {  	s8 =	simm.s32 $_size__tile_overlayer_lowered;
	s9 =	simm.s32 $_tile_overlayer_lowered  }
0xa2: {  	s22 =	simm.s32 $0x1BFF;
	s21 =	sshll.u32 s9, $0x1;
	s6 =	sadd.s32 s7, s19  }
0xa3: {  	s10 =	simm.s32 $0x0;
	s20 =	sshll.u32 s8, $0x1;
	s8 =	sadd.s32 s21, s6  }
0xa4: {  	[timem:s10], [sflag:s22] =	dma.local [hbm:s8], s20  }
0xa5: {  	_ =	swait.ge [sflag:s22], s20  }
0xa6: {  	s7 =	ssub.s32 $0x0, s20;
	[sflag:s22] =	ssyncset.done $0x0  }
0xa7: {  	[sflag:s22] =	ssyncadd.s32 s7;
	_ =	sdelay $0x1  }
0xa8: {  	s23 =	simm.s32 $0x1B8B  }
0xa9: {  	_ =	swait.ge [sflag:s23], $0x1  }
0xaa: {  	[sflag:s23] =	ssyncset.done $0x0  }
0xab: {  	s25 =	simm.s32 $0x1B8E;
	s24 =	sld [smem:$0x3FFE];
	[sflag:s23] =	ssyncadd.s32 $0xFFFFFFFF  }
0xac: {  	s26 =	simm.s32 $execute0_lowered;
	[smem:$0x3FD2] =	sst s25  }
0xad: {  	s8 =	sshll.u32 s26, $0x1;
	_ =	strace $0x8000004C;
	[dreg:$0x1] =	wrdreg $0xFFFFFFFF  }
0xae: {  	s28 =	simm.s32 $_size_execute0_lowered;
	s6 =	sadd.s32 s6, s8;
	[dreg:$0x0] =	wrdreg $0x0  }
0xaf: {  	s8 =	sshll.u32 s28, $0x1;
	[dreg:$0x2] =	wrdreg s6  }
0xb0: {  	[dreg:$0x3] =	wrdreg s8  }
0xb1: {  	[dreg:$0x4] =	wrdreg $0xC0  }
0xb2: {  	_ =	task [dreg:s10], $0x5FFFF  }
0xb3: {  	[dreg:$0x1] =	wrdreg $0xFFFFFFFF  }
0xb4: {  	[dreg:$0x0] =	wrdreg $0x60  }
0xb5: {  	[dreg:$0x2] =	wrdreg s17  }
0xb6: {  	[dreg:$0x3] =	wrdreg s16  }
0xb7: {  	[dreg:$0x4] =	wrdreg s18  }
0xb8: {  	[dreg:$0x5] =	wrdreg s24  }
0xb9: {  	[dreg:$0x6] =	wrdreg s5  }
0xba: {  	[dreg:$0x7] =	wrdreg $0x9  }
0xbb: {  	_ =	task.clear_ibuf [dreg:s10], $0x8FFFF;
	_ =	strace $0x9000004C  }
0xbc: {  	s29 =	simm.s32 $0x9;
	_ =	strace $0x8000004E  }
0xbd: {  	_ =	swait.ge [sflag:s29], $0x1  }
0xbe: {  	[sflag:s29] =	ssyncadd.s32 $0xFFFFFFFF  }
0xbf: {  	_ =	strace $0x9000004E  }
0xc0: {  	_ =	sfence  }
0xc1: {  	s30 =	sld [smem:$0x0];
	_ =	sdelay $0x2  }
0xc2: {  	s31 =	sshll.u32 s1, $0xD;
	s1 =	sshrl.u32 s1, $0x2  }
0xc3: {  	s3 =	sand.u32 $0x4000, s31;
	s1 =	sadd.s32 s1, s30  }
0xc4: {  	s0 =	sor.u32 s3, s0;
	s1 =	sshll.u32 s1, $0x11  }
0xc5: {  	s0 =	sor.u32 s1, s0  }
0xc6: {  	s0 =	sadd.s32 $0x8F2B, s0  }
0xc7: {  	[sflag:s0] =	ssyncadd.remote.s32 $0x1  }
0xc8: {  	_ =	sfence.sel $0xFFFF  }
0xc9: {  	[dreg:$0x0] =	wrdreg $0xFFFFFFFF;
	(pc) =	sbr.abs _section_cstart, $3  }
0xca: {  	[dreg:$0x1] =	wrdreg $0xFFFFFFFF  }
0xcb: {  	_ =	task.clear_ibuf [dreg:s10], $0x2FFFF;
	_ =	strace $0x9FFFFFFF  }
0xcc: {  	(tm) =	ssettm $0x7FFFFFFF  }
0xcd: {  	_ =	shalt  }
tec
execute0_lowered:
.L_overlay_start_1:
0x0: {  	(tag) =	ssettag $0x1  }
0x1: {  	s1 =	rddreg [dreg:$0x0]  }
0x2: {  	s2 =	rddreg [dreg:$0x1]  }
0x3: {  	s3 =	rddreg [dreg:$0x2]  }
0x4: {  	s4 =	srdreg.scid;
	s9 =	rddreg [dreg:$0x3]  }
0x5: {  	s0 =	stileid.u32;
	s5 =	rddreg [dreg:$0x4];
	s7 =	simm.s32 $0x0  }
0x6: {  	s11 =	simm.s32 $0x2;
	s12 =	simm.s32 $0x2710;
	s13 =	simm.s32 $0x11620  }
0x7: {  	s14 =	simm.s32 $0x50;
	s15 =	simm.s32 $0x4E20;
	s16 =	simm.s32 $0xB220  }
0x8: {  	s17 =	simm.s32 $0x6220;
	s18 =	simm.s32 $0xC620;
	s19 =	simm.s32 $0x7620  }
0x9: {  	s20 =	simm.s32 $0xDA20;
	s8 =	sand.u32 $0x1, s4;
	s30 =	sshll.u32 s0, $0x1  }
0xa: {  	s21 =	simm.s32 $0x8A20;
	s22 =	simm.s32 $0xEE20;
	s4 =	sor.u32 s8, s30  }
0xb: {  	s23 =	simm.s32 $0x9E20;
	s24 =	simm.s32 $0x10220;
	s6 =	smul.u32 $0x2710, s4  }
0xc: {  	s25 =	simm.s32 $0x1;
	s26 =	simm.s32 $0x0;
	s8 =	ssub.s32 $0x2, s8  }
0xd: {  	[smem:$0x7FF] =	sst s7;
	s31 =	sshrl.u32 s8, $0x1;
	s10 =	sshrl.u32 s6, $0x3  }
0xe: {  	_ =	strace $0x8000004D;
	s9 =	sadd.s32 s10, s9;
	s10 =	ssub.s32 s8, s31  }
0xf: {  	s8 =	sadd.s32 $0xBA00, s9;
	s9 =	sadd.s32 $0x15800, s9;
	s10 =	smax.u32 s10, $0x1  }
.LBB2_1:
0x10: {  	[tilespmem:s7], [sflag:$0x2] =	stream.linear.gather [hbm4b:s8+s7], $0x2710, $0x38;
	[tilespmem:$0x17A20] =	vst v63  }
0x11: {  	_ =	swait.ge [sflag:s11], $0x2710  }
0x12: {  	[sflag:s11] =	ssyncset.done $0x0  }
0x13: {  	[sflag:s11] =	ssyncadd.s32 $0xFFFFD8F0  }
0x14: {  	[tilespmem:s12], [sflag:$0x2] =	stream.linear.gather [hbm4b:s9+s7], $0x2710, $0x38;
	[tilespmem:$0x17A20] =	vst v63  }
0x15: {  	_ =	swait.ge [sflag:s11], $0x2710  }
0x16: {  	[sflag:s11] =	ssyncset.done $0x0  }
0x17: {  	s28 =	simm.s32 $0x0;
	[sflag:s11] =	ssyncadd.s32 $0xFFFFD8F0  }
.LBB2_2:
0x18: {  	s30 =	smul.u32 $0x190, s28;
	_ =	sdelay $0x1  }
0x19: {  	s29 =	sadd.s32 s6, s30  }
0x1a: {  	s29 =	sshll.u32 s29, $0x3  }
0x1b: {  	s4 =	simm.s32 $0x0;
	s31 =	sadd.s32 s3, s29  }
0x1c: {  	[tilespmem:s13], [sflag:$0x2] =	stream.linear.gather [hbm4b:s31+s4], $0x6400, $0x38;
	[tilespmem:$0x17A20] =	vst v63  }
0x1d: {  	_ =	swait.ge [sflag:s11], $0x6400  }
0x1e: {  	[sflag:s11] =	ssyncset.done $0x0  }
0x1f: {  	[sflag:s11] =	ssyncadd.s32 $0xFFFF9C00  }
0x20: {  	[tilespmem:s15], [sflag:$0x1] =	stream.indirect.gather [hbm4b:s1+s14], $0x40, s30, s14, $0xb8;
	[tilespmem:$0x17A20] =	vst v63  }
0x21: {  	s4 =	sadd.s32 $0x2710, s30  }
0x22: {  	[tilespmem:s16], [sflag:$0x1] =	stream.indirect.gather [hbm4b:s2+s14], $0x40, s4, s14, $0xb8;
	[tilespmem:$0x17A20] =	vst v63  }
0x23: {  	s4 =	sadd.s32 $0x50, s30  }
0x24: {  	[tilespmem:s17], [sflag:$0x1] =	stream.indirect.gather [hbm4b:s1+s14], $0x40, s4, s14, $0xb8;
	[tilespmem:$0x17A20] =	vst v63  }
0x25: {  	s4 =	sadd.s32 $0x2760, s30  }
0x26: {  	[tilespmem:s18], [sflag:$0x1] =	stream.indirect.gather [hbm4b:s2+s14], $0x40, s4, s14, $0xb8;
	[tilespmem:$0x17A20] =	vst v63  }
0x27: {  	s4 =	sadd.s32 $0xA0, s30  }
0x28: {  	[tilespmem:s19], [sflag:$0x1] =	stream.indirect.gather [hbm4b:s1+s14], $0x40, s4, s14, $0xb8;
	[tilespmem:$0x17A20] =	vst v63  }
0x29: {  	s4 =	sadd.s32 $0x27B0, s30  }
0x2a: {  	[tilespmem:s20], [sflag:$0x1] =	stream.indirect.gather [hbm4b:s2+s14], $0x40, s4, s14, $0xb8;
	[tilespmem:$0x17A20] =	vst v63  }
0x2b: {  	s4 =	sadd.s32 $0xF0, s30  }
0x2c: {  	[tilespmem:s21], [sflag:$0x1] =	stream.indirect.gather [hbm4b:s1+s14], $0x40, s4, s14, $0xb8;
	[tilespmem:$0x17A20] =	vst v63  }
0x2d: {  	s4 =	sadd.s32 $0x2800, s30  }
0x2e: {  	[tilespmem:s22], [sflag:$0x1] =	stream.indirect.gather [hbm4b:s2+s14], $0x40, s4, s14, $0xb8;
	[tilespmem:$0x17A20] =	vst v63  }
0x2f: {  	s4 =	sadd.s32 $0x140, s30  }
0x30: {  	[tilespmem:s23], [sflag:$0x1] =	stream.indirect.gather [hbm4b:s1+s14], $0x40, s4, s14, $0xb8;
	[tilespmem:$0x17A20] =	vst v63  }
0x31: {  	s4 =	sadd.s32 $0x2850, s30  }
0x32: {  	[tilespmem:s24], [sflag:$0x1] =	stream.indirect.gather [hbm4b:s2+s14], $0x40, s4, s14, $0xb8;
	[tilespmem:$0x17A20] =	vst v63  }
0x33: {  	_ =	swait.ge [sflag:s25], $0x1400  }
0x34: {  	[sflag:s25] =	ssyncset.done $0x0  }
0x35: {  	[sflag:s25] =	ssyncadd.s32 $0xFFFFEC00  }
0x36: {  	_ =	swait.ge [sflag:s25], $0x1400  }
0x37: {  	[sflag:s25] =	ssyncset.done $0x0  }
0x38: {  	[sflag:s25] =	ssyncadd.s32 $0xFFFFEC00  }
0x39: {  	_ =	swait.ge [sflag:s25], $0x1400  }
0x3a: {  	[sflag:s25] =	ssyncset.done $0x0  }
0x3b: {  	[sflag:s25] =	ssyncadd.s32 $0xFFFFEC00  }
0x3c: {  	_ =	swait.ge [sflag:s25], $0x1400  }
0x3d: {  	[sflag:s25] =	ssyncset.done $0x0  }
0x3e: {  	[sflag:s25] =	ssyncadd.s32 $0xFFFFEC00  }
0x3f: {  	_ =	swait.ge [sflag:s25], $0x1400  }
0x40: {  	[sflag:s25] =	ssyncset.done $0x0  }
0x41: {  	[sflag:s25] =	ssyncadd.s32 $0xFFFFEC00  }
0x42: {  	_ =	swait.ge [sflag:s25], $0x1400  }
0x43: {  	[sflag:s25] =	ssyncset.done $0x0  }
0x44: {  	[sflag:s25] =	ssyncadd.s32 $0xFFFFEC00  }
0x45: {  	_ =	swait.ge [sflag:s25], $0x1400  }
0x46: {  	[sflag:s25] =	ssyncset.done $0x0  }
0x47: {  	[sflag:s25] =	ssyncadd.s32 $0xFFFFEC00  }
0x48: {  	_ =	swait.ge [sflag:s25], $0x1400  }
0x49: {  	[sflag:s25] =	ssyncset.done $0x0  }
0x4a: {  	[sflag:s25] =	ssyncadd.s32 $0xFFFFEC00  }
0x4b: {  	_ =	swait.ge [sflag:s25], $0x1400  }
0x4c: {  	[sflag:s25] =	ssyncset.done $0x0  }
0x4d: {  	[sflag:s25] =	ssyncadd.s32 $0xFFFFEC00  }
0x4e: {  	_ =	swait.ge [sflag:s25], $0x1400  }
0x4f: {  	[sflag:s25] =	ssyncset.done $0x0  }
0x50: {  	s30 =	simm.s32 $0x0;
	[sflag:s25] =	ssyncadd.s32 $0xFFFFEC00  }
0x51: {  	v4 =	vld [tilespmem:s30+$0x11620]  }
0x52: {  	v5 =	vld [tilespmem:s30+$0x11630]  }
0x53: {  	v3 =	vld [tilespmem:s30+$0xB220]  }
0x54: {  	v2 =	vld [tilespmem:s30+$0xB230]  }
0x55: {  	v0 =	vld [tilespmem:s30+$0xB240]  }
0x56: {  	v1 =	vld [tilespmem:s30+$0xB250]  }
0x57: {  	v7 =	vld [tilespmem:s30+$0x4E20]  }
0x58: {  	v8 =	vld [tilespmem:s30+$0x4E30]  }
0x59: {  	s31 =	simm.s32 $0x100;
	v6 =	vld [tilespmem:s30+$0x4E40]  }
.LBB2_3:
0x5a: {  	p0 =	sne.s32 s31, $0x18F00;
	v9 =	vld [tilespmem:s30+$0x4E50]  }
0x5b: {  	v10 =	vld [tilespmem:s30+$0x11640]  }
0x5c: {  	s4 =	sshra.s32 s31, $0x2;
	v3 =	vadd.f32 v3, v7;
	v7 =	vld [tilespmem:s30+$0x11650]  }
0x5d: {  	v11 =	vld [tilespmem:s4+$0x11620];
	v2 =	vadd.f32 v2, v8  }
0x5e: {  	v8 =	vld [tilespmem:s4+$0x11630];
	v4 =	vadd.f32 v4, v3;
	v0 =	vadd.f32 v0, v6  }
0x5f: {  	v3 =	vld [tilespmem:s4+$0xB220];
	v5 =	vadd.f32 v5, v2;
	v1 =	vadd.f32 v1, v9  }
0x60: {  	v2 =	vld [tilespmem:s4+$0xB230];
	v12 =	vmax.f32 v4, $0.0e+00;
	v6 =	vadd.f32 v10, v0  }
.Ltmp0:
0x61: {  	v0 =	vld [tilespmem:s4+$0xB240];
	[tilespmem:s30+$0x4E20] =	vst v12;
	v9 =	vmax.f32 v5, $0.0e+00;
	v10 =	vadd.f32 v7, v1;
	(pc) =	sbr.rel @p0 .LBB2_3-.Ltmp0, $4  }
0x62: {  	v1 =	vld [tilespmem:s4+$0xB250];
	[tilespmem:s30+$0x4E30] =	vst v9;
	v6 =	vmax.f32 v6, $0.0e+00;
	v4 =	vmov v11  }
0x63: {  	v7 =	vld [tilespmem:s4+$0x4E20];
	[tilespmem:s30+$0x4E40] =	vst v6;
	v6 =	vmax.f32 v10, $0.0e+00;
	v5 =	vmov v8  }
0x64: {  	v8 =	vld [tilespmem:s4+$0x4E30];
	[tilespmem:s30+$0x4E50] =	vst v6;
	s30 =	smov.u32 s4  }
0x65: {  	s31 =	sadd.s32 $0x100, s31;
	v6 =	vld [tilespmem:s30+$0x4E40]  }
0x66: {  	v9 =	vld [tilespmem:s30+$0x4E50]  }
0x67: {  	v10 =	vld [tilespmem:s30+$0x11640]  }
0x68: {  	v62 =	vld [tilespmem:s30+$0x11650];
	v3 =	vadd.f32 v3, v7  }
0x69: {  	v2 =	vadd.f32 v2, v8  }
0x6a: {  	v3 =	vadd.f32 v4, v3;
	v0 =	vadd.f32 v0, v6  }
0x6b: {  	v2 =	vadd.f32 v5, v2;
	v1 =	vadd.f32 v1, v9  }
0x6c: {  	v3 =	vmax.f32 v3, $0.0e+00;
	v0 =	vadd.f32 v10, v0  }
0x6d: {  	[tilespmem:s30+$0x4E20] =	vst v3;
	v2 =	vmax.f32 v2, $0.0e+00;
	v1 =	vadd.f32 v62, v1  }
0x6e: {  	s28 =	sadd.s32 $0x1, s28;
	[tilespmem:s30+$0x4E30] =	vst v2;
	v0 =	vmax.f32 v0, $0.0e+00  }
0x6f: {  	p0 =	sne.s32 s28, $0x19;
	[tilespmem:s30+$0x4E40] =	vst v0;
	v63 =	vmax.f32 v1, $0.0e+00  }
.Ltmp1:
0x70: {  	s4 =	sadd.s32 s5, s29;
	[tilespmem:s30+$0x4E50] =	vst v63;
	(pc) =	sbr.rel @p0 .LBB2_2-.Ltmp1, $4  }
0x71: {  	[hbm4b:s4+s7] =	stream.linear.scatter [tilespmem:s15], [sflag:$0x2], $0x6400, $0x38;
	[tilespmem:$0x17A20] =	vst v63  }
0x72: {  	_ =	swait.ge [sflag:s11], $0x6400  }
0x73: {  	[sflag:s11] =	ssyncset.done $0x0  }
0x74: {  	[sflag:s11] =	ssyncadd.s32 $0xFFFF9C00  }
0x75: {  	s26 =	sadd.s32 $0x1, s26  }
0x76: {  	p0 =	sne.s32 s26, s10  }
.Ltmp2:
0x77: {  	_ = 	snop;
	(pc) =	sbr.rel @p0 .LBB2_1-.Ltmp2, $1  }
0x78: {  	_ =	sdelay $0x3  }
0x79: {  	_ =	sfence.sel $0x180000  }
0x7a: {  	[bflag:$0x0] =	sbarrier.arrive $0xFFFF  }
0x7b: {  	_ =	strace $0x9000004D  }
0x7c: {  	[bflag:$0x2] =	sbarrier.arrive $0xFFFF  }
0x7d: {  	p0 =	sne.s32 s0, $0x0;
	s0 =	rddreg [dreg:$0x5]  }
0x7e: {  	s0 =	sadd.s32 @!p0 $0x100000, s0  }
0x7f: {  	[sflag:s0] =	ssyncadd.tile.s32 @!p0 $0x1;
	_ =	shalt  }
.Lfunc_end2:
_tile_overlayer_lowered:
.L_overlay_start_2:
0x80: {  	(tag) =	ssettag $0x2  }
0x81: {  	s0 =	rddreg [dreg:$0x0];
	s2 =	stileid.u32  }
0x82: {  	s1 =	rddreg [dreg:$0x1];
	p0 =	sne.s32 s2, $0x0  }
0x83: {  	s3 =	rddreg [dreg:$0x2];
	[bflag:$0x3] =	sbarrier.arrive $0xFFFF;
	s2 =	simm.s32 @!p0 $0x1C02  }
0x84: {  	[timem:s3], [sflag:s2] =	dma.local @!p0 [hbm:s0], s1  }
0x85: {  	s0 =	simm.s32 @!p0 $0x2  }
0x86: {  	_ =	swait.ge @!p0 [sflag:s0], s1  }
0x87: {  	s1 =	ssub.s32 @!p0 $0x0, s1;
	[sflag:s0] =	ssyncset.done @!p0 $0x0  }
0x88: {  	[sflag:s0] =	ssyncadd.s32 @!p0 s1  }
0x89: {  	[bflag:$0x3] =	sbarrier.arrive $0xFFFF  }
0x8a: {  	_ =	shalt  }

// kernel: kernel.22.cloned.1.call-start
scs
__scs_entry_jumppad:
0x0: {  	(pc) =	sbr.rel $0x88, $3  }
0x1: {  	(tag) =	ssettag $0x0;
	lr =	simm.s32 $0x1  }
0x2: {  	[smem:$0x3F7E] =	sst lr;
	_ =	strace $0xD0000000  }
0x3: {  	_ = 	snop  }
0x4: {  	_ = 	snop  }
0x5: {  	_ = 	snop  }
0x6: {  	_ = 	snop  }
0x7: {  	_ = 	snop  }
__scs_overlays_trampoline_lowered:
0x8: {  	[smem:$0x3F8D] =	sst s0  }
0x9: {  	[smem:$0x3F8E] =	sst s1  }
0xa: {  	[smem:$0x3F8F] =	sst s2  }
0xb: {  	[smem:$0x3F90] =	sst s3  }
0xc: {  	[smem:$0x3F91] =	sst s4  }
0xd: {  	[smem:$0x3F92] =	sst s5  }
0xe: {  	[smem:$0x3F93] =	sst s6  }
0xf: {  	[smem:$0x3F94] =	sst s7  }
0x10: {  	[smem:$0x3F95] =	sst s8  }
0x11: {  	[smem:$0x3F96] =	sst s9;
	s0 =	simm.s32 @!p0 $0x0  }
0x12: {  	s1 =	sld [smem:$0x3F7C];
	s0 =	simm.s32 @p0 $0x1  }
0x13: {  	[smem:$0x3F97] =	sst s0;
	s0 =	simm.s32 @!p1 $0x0  }
0x14: {  	s2 =	sld [smem:$0x3F7B];
	s0 =	simm.s32 @p1 $0x1  }
0x15: {  	[smem:$0x3F98] =	sst s0;
	s0 =	simm.s32 @!p2 $0x0  }
0x16: {  	s3 =	sld [smem:$0x3FDB];
	s0 =	simm.s32 @p2 $0x1  }
0x17: {  	s4 =	simm.s32 $0x1BF5;
	[smem:$0x3F9A] =	sst s0  }
0x18: {  	s0 =	sld [smem:$0x3F7D];
	_ =	swait.ge [sflag:s4], $0x0  }
0x19: {  	s7 =	sld [smem:$0x3F7E]  }
0x1a: {  	s8 =	sadd.s32 $0xFFFFE003, lr  }
0x1b: {  	s9 =	sadd.s32 $0xFFFFFEF7, lr;
	s5 =	simm.s32 $0xFFFFFFFF;
	p2 =	slt.u32 s8, $0xFFFFF086  }
0x1c: {  	p1 =	slt.u32 s9, $0xF7A;
	s5 =	simm.s32 @!p2 $0x0  }
0x1d: {  	s5 =	simm.s32 @p1 $0x1;
	p0 =	seq.s32 s7, s2  }
0x1e: {  	s7 =	smul.u32 @!p0 $0xF7A, s2;
	p2 =	seq.s32 @!p0 s5, $0x0  }
0x1f: {  	s9 =	smul.u32 $0xF7A, s1;
	s8 =	simm.s32 @!p0 $0x1BF5;
	p2 =	por !p2, p0  }
0x20: {  	[sflag:s8] =	ssyncset.s32 @!p0 $0xFFFFF086;
	s6 =	sadd.s32 @!p0 s3, s7;
	s7 =	simm.s32 @!p0 $0x108  }
0x21: {  	s3 =	sadd.s32 s3, s9;
	s6 =	sadd.s32 @!p0 $0x88, s6;
	s7 =	simm.s32 @p2 $0x1082  }
0x22: {  	[simem:s7], [sflag:s8] =	dma.local @!p0 [hbm:s6], $0xF7A  }
0x23: {  	s9 =	sor.u32 $0xD0000000, s2;
	s6 =	simm.s32 $0x108;
	_ =	swait.ge @!p0 [sflag:s8], $0x0  }
0x24: {  	s3 =	sadd.s32 $0x88, s3;
	s6 =	simm.s32 @!p1 $0x1082;
	[sflag:s4] =	ssyncset.s32 $0xFFFFF086  }
0x25: {  	[simem:s6], [sflag:s4] =	dma.local [hbm:s3], $0xF7A  }
0x26: {  	[smem:$0x3F7E] =	sst s1;
	(tag) =	ssettag s2;
	_ =	strace s9  }
0x27: {  	s1 =	sld [smem:$0x3F8E]  }
0x28: {  	s2 =	sld [smem:$0x3F8F]  }
0x29: {  	s4 =	sld [smem:$0x3F91]  }
0x2a: {  	p0 =	seq.s32 s5, $0x0;
	s5 =	sld [smem:$0x3F92]  }
0x2b: {  	s6 =	sld [smem:$0x3F93]  }
0x2c: {  	s7 =	sld [smem:$0x3F94]  }
0x2d: {  	s3 =	simm.s32 $0x108;
	s8 =	sld [smem:$0x3F95]  }
0x2e: {  	s3 =	simm.s32 @!p0 $0x1082;
	s9 =	sld [smem:$0x3F96]  }
0x2f: {  	lr =	sadd.s32 s0, s3;
	s0 =	sld [smem:$0x3F8D]  }
0x30: {  	s3 =	sld [smem:$0x3F90]  }
0x31: {  	[smem:$0x3F99] =	sst s10  }
0x32: {  	s10 =	sld [smem:$0x3F97];
	_ =	sdelay $0x3  }
0x33: {  	p0 =	seq.s32 s10, $0x1;
	s10 =	sld [smem:$0x3F99];
	_ =	sdelay $0x3  }
0x34: {  	[smem:$0x3F99] =	sst s10  }
0x35: {  	s10 =	sld [smem:$0x3F98];
	_ =	sdelay $0x3  }
0x36: {  	p1 =	seq.s32 s10, $0x1;
	s10 =	sld [smem:$0x3F99];
	_ =	sdelay $0x3  }
0x37: {  	[smem:$0x3F99] =	sst s10  }
0x38: {  	s10 =	sld [smem:$0x3F9A]  }
0x39: {  	_ = 	snop;
	(pc) =	sbr.ind lr, $3  }
0x3a: {  	_ = 	snop  }
0x3b: {  	_ = 	snop  }
0x3c: {  	p2 =	seq.s32 s10, $0x1;
	s10 =	sld [smem:$0x3F99]  }
0x3d: {  	_ =	shalt  }
0x3e: {  	_ =	shalt  }
0x3f: {  	_ =	shalt  }
0x40: {  	_ =	shalt  }
0x41: {  	_ =	shalt  }
0x42: {  	_ =	shalt  }
0x43: {  	_ =	shalt  }
0x44: {  	_ =	shalt  }
0x45: {  	_ =	shalt  }
0x46: {  	_ =	shalt  }
0x47: {  	_ =	shalt  }
0x48: {  	_ =	shalt  }
0x49: {  	_ =	shalt  }
0x4a: {  	_ =	shalt  }
0x4b: {  	_ =	shalt  }
0x4c: {  	_ =	shalt  }
0x4d: {  	_ =	shalt  }
0x4e: {  	_ =	shalt  }
0x4f: {  	_ =	shalt  }
0x50: {  	_ =	shalt  }
0x51: {  	_ =	shalt  }
0x52: {  	_ =	shalt  }
0x53: {  	_ =	shalt  }
0x54: {  	_ =	shalt  }
0x55: {  	_ =	shalt  }
0x56: {  	_ =	shalt  }
0x57: {  	_ =	shalt  }
0x58: {  	_ =	shalt  }
0x59: {  	_ =	shalt  }
0x5a: {  	_ =	shalt  }
0x5b: {  	_ =	shalt  }
0x5c: {  	_ =	shalt  }
0x5d: {  	_ =	shalt  }
0x5e: {  	_ =	shalt  }
0x5f: {  	_ =	shalt  }
0x60: {  	_ =	shalt  }
0x61: {  	_ =	shalt  }
0x62: {  	_ =	shalt  }
0x63: {  	_ =	shalt  }
0x64: {  	_ =	shalt  }
0x65: {  	_ =	shalt  }
0x66: {  	_ =	shalt  }
0x67: {  	_ =	shalt  }
0x68: {  	_ =	shalt  }
0x69: {  	_ =	shalt  }
0x6a: {  	_ =	shalt  }
0x6b: {  	_ =	shalt  }
0x6c: {  	_ =	shalt  }
0x6d: {  	_ =	shalt  }
0x6e: {  	_ =	shalt  }
0x6f: {  	_ =	shalt  }
0x70: {  	_ =	shalt  }
0x71: {  	_ =	shalt  }
0x72: {  	_ =	shalt  }
0x73: {  	_ =	shalt  }
0x74: {  	_ =	shalt  }
0x75: {  	_ =	shalt  }
0x76: {  	_ =	shalt  }
0x77: {  	_ =	shalt  }
0x78: {  	_ =	shalt  }
0x79: {  	_ =	shalt  }
0x7a: {  	_ =	shalt  }
0x7b: {  	_ =	shalt  }
0x7c: {  	_ =	shalt  }
0x7d: {  	_ =	shalt  }
0x7e: {  	_ =	shalt  }
0x7f: {  	_ =	shalt  }
0x80: {  	_ =	shalt  }
0x81: {  	_ =	shalt  }
0x82: {  	_ =	shalt  }
0x83: {  	_ =	shalt  }
0x84: {  	_ =	shalt  }
0x85: {  	_ =	shalt  }
0x86: {  	_ =	shalt  }
0x87: {  	_ =	shalt  }
.Lfunc_end0:
.L_simem_size_0:
called_computation.3_lowered:
.L_overlay_start_0:
0x88: {  	s2 =	sld [smem:$0x3FD9]  }
0x89: {  	s3 =	sld [smem:$0x3FFE];
	_ =	sdelay $0x1  }
0x8a: {  	s1 =	srdreg.scid  }
0x8b: {  	s0 =	sand.u32 $0x1, s1  }
0x8c: {  	s14 =	sshll.u32 s0, $0xA;
	s2 =	sadd.s32 s3, s2  }
0x8d: {  	s2 =	sadd.s32 s2, s14  }
0x8e: {  	[smem:$0x3FA5] =	sst s2  }
0x8f: {  	_ = 	snop  }
0x90: {  	s2 =	sld [smem:$0x3FD0];
	_ =	sdelay $0x2  }
0x91: {  	s15 =	simm.s32 $0xB;
	s4 =	simm.s32 $0x10  }
0x92: {  	[smem:s4], [sflag:s15] =	dma.local [hbm:s2], $0x1  }
0x93: {  	_ =	swait.eq [sflag:s15], $0x1  }
0x94: {  	[sflag:s15] =	ssyncset.done $0x0  }
0x95: {  	s16 =	sld [smem:$0x15];
	[sflag:s15] =	ssyncadd.s32 $0xFFFFFFFF  }
0x96: {  	s17 =	sld [smem:$0x17];
	(tm) =	ssettm $0x1  }
0x97: {  	s18 =	sld [smem:$0x3FFB];
	_ =	sdelay $0x3  }
0x98: {  	_ =	strace s18  }
0x99: {  	s4 =	sld [smem:$0x3FFC];
	_ =	sdelay $0x3  }
0x9a: {  	_ =	strace s4  }
0x9b: {  	s4 =	sld [smem:$0x3FFD];
	_ =	sdelay $0x3  }
0x9c: {  	_ =	strace s4  }
0x9d: {  	_ =	strace $0x8FFFFFFF  }
0x9e: {  	s19 =	sld [smem:$0x3FDB];
	_ =	sdelay $0x1  }
0x9f: {  	s5 =	simm.s32 $_scs_section_size  }
0xa0: {  	s6 =	simm.s32 $_size__tile_overlayer_lowered;
	s7 =	simm.s32 $_tile_overlayer_lowered  }
0xa1: {  	s22 =	simm.s32 $0x1BFF;
	s21 =	sshll.u32 s7, $0x1;
	s4 =	sadd.s32 s5, s19  }
0xa2: {  	s8 =	simm.s32 $0x0;
	s20 =	sshll.u32 s6, $0x1;
	s6 =	sadd.s32 s21, s4  }
0xa3: {  	[timem:s8], [sflag:s22] =	dma.local [hbm:s6], s20  }
0xa4: {  	_ =	swait.ge [sflag:s22], s20  }
0xa5: {  	s5 =	ssub.s32 $0x0, s20;
	[sflag:s22] =	ssyncset.done $0x0  }
0xa6: {  	[sflag:s22] =	ssyncadd.s32 s5;
	_ =	sdelay $0x1  }
0xa7: {  	s23 =	simm.s32 $0x1B8B  }
0xa8: {  	_ =	swait.ge [sflag:s23], $0x1  }
0xa9: {  	[sflag:s23] =	ssyncset.done $0x0  }
0xaa: {  	s25 =	simm.s32 $0x1B8E;
	s24 =	sld [smem:$0x3FFE];
	[sflag:s23] =	ssyncadd.s32 $0xFFFFFFFF  }
0xab: {  	s26 =	simm.s32 $execute0_lowered;
	[smem:$0x3FD2] =	sst s25  }
0xac: {  	s6 =	sshll.u32 s26, $0x1;
	_ =	strace $0x8000004F;
	[dreg:$0x1] =	wrdreg $0xFFFFFFFF  }
0xad: {  	s28 =	simm.s32 $_size_execute0_lowered;
	s4 =	sadd.s32 s4, s6;
	[dreg:$0x0] =	wrdreg $0x0  }
0xae: {  	s6 =	sshll.u32 s28, $0x1;
	[dreg:$0x2] =	wrdreg s4  }
0xaf: {  	[dreg:$0x3] =	wrdreg s6  }
0xb0: {  	[dreg:$0x4] =	wrdreg $0xC0  }
0xb1: {  	_ =	task [dreg:s8], $0x5FFFF  }
0xb2: {  	[dreg:$0x1] =	wrdreg $0xFFFFFFFF  }
0xb3: {  	[dreg:$0x0] =	wrdreg $0x60  }
0xb4: {  	[dreg:$0x2] =	wrdreg s17  }
0xb5: {  	[dreg:$0x3] =	wrdreg s24  }
0xb6: {  	[dreg:$0x4] =	wrdreg s16  }
0xb7: {  	[dreg:$0x5] =	wrdreg $0x12B100  }
0xb8: {  	[dreg:$0x6] =	wrdreg $0x9  }
0xb9: {  	_ =	task.clear_ibuf [dreg:s8], $0x7FFFF;
	_ =	strace $0x9000004F  }
0xba: {  	s29 =	simm.s32 $0x9;
	_ =	strace $0x80000051  }
0xbb: {  	_ =	swait.ge [sflag:s29], $0x1  }
0xbc: {  	[sflag:s29] =	ssyncadd.s32 $0xFFFFFFFF  }
0xbd: {  	_ =	strace $0x90000051  }
0xbe: {  	_ =	sfence  }
0xbf: {  	s30 =	sld [smem:$0x0];
	_ =	sdelay $0x2  }
0xc0: {  	s31 =	sshll.u32 s1, $0xD;
	s1 =	sshrl.u32 s1, $0x2  }
0xc1: {  	s3 =	sand.u32 $0x4000, s31;
	s1 =	sadd.s32 s1, s30  }
0xc2: {  	s0 =	sor.u32 s3, s0;
	s1 =	sshll.u32 s1, $0x11  }
0xc3: {  	s0 =	sor.u32 s1, s0  }
0xc4: {  	s0 =	sadd.s32 $0x8F2B, s0  }
0xc5: {  	[sflag:s0] =	ssyncadd.remote.s32 $0x1  }
0xc6: {  	_ =	sfence.sel $0xFFFF  }
0xc7: {  	[dreg:$0x0] =	wrdreg $0xFFFFFFFF;
	(pc) =	sbr.abs _section_cstart, $3  }
0xc8: {  	[dreg:$0x1] =	wrdreg $0xFFFFFFFF  }
0xc9: {  	_ =	task.clear_ibuf [dreg:s8], $0x2FFFF;
	_ =	strace $0x9FFFFFFF  }
0xca: {  	(tm) =	ssettm $0x7FFFFFFF  }
0xcb: {  	_ =	shalt  }
tec
execute0_lowered:
.L_overlay_start_1:
0x0: {  	(tag) =	ssettag $0x1  }
0x1: {  	s6 =	rddreg [dreg:$0x0]  }
0x2: {  	s4 =	rddreg [dreg:$0x1]  }
0x3: {  	s7 =	rddreg [dreg:$0x2];
	s1 =	srdreg.scid  }
0x4: {  	s0 =	stileid.u32;
	s2 =	rddreg [dreg:$0x3];
	s3 =	simm.s32 $0x0  }
0x5: {  	s13 =	simm.s32 $0x3B10;
	s14 =	simm.s32 $0x4F10;
	s15 =	simm.s32 $0x6310  }
0x6: {  	s16 =	simm.s32 $0x7710;
	s17 =	simm.s32 $0x0;
	s10 =	smul.u32 $0xA000, s0  }
0x7: {  	s5 =	sand.u32 $0x1, s1;
	s8 =	sshll.u32 s0, $0x1;
	s28 =	smul.u32 $0x27100, s0  }
0x8: {  	s1 =	rddreg [dreg:$0x4];
	s8 =	sor.u32 s5, s8;
	s12 =	smul.u32 $0xA0000, s5  }
0x9: {  	[smem:$0x7FF] =	sst s3;
	s9 =	ssub.s32 $0x2, s5;
	s8 =	smul.u32 $0x2710, s8  }
0xa: {  	_ =	strace $0x80000050;
	s29 =	smul.u32 $0x13880, s5;
	s11 =	sshrl.u32 s9, $0x1  }
0xb: {  	s31 =	sadd.s32 s28, s6;
	s9 =	ssub.s32 s9, s11;
	s8 =	sshrl.u32 s8, $0x3  }
0xc: {  	s11 =	simm.s32 $0x2710;
	s8 =	sadd.s32 s8, s4;
	s4 =	sadd.s32 s10, s2  }
0xd: {  	s10 =	sadd.s32 s10, s12;
	s12 =	simm.s32 $0x50;
	s5 =	sadd.s32 $0x15800, s8  }
0xe: {  	s30 =	sshrl.u32 s10, $0x3;
	s8 =	sadd.s32 s29, s31;
	s10 =	simm.s32 $0x1  }
0xf: {  	v0 =	vimm.f32 $0.0e+00;
	s6 =	sadd.s32 s7, s30;
	s7 =	smax.u32 s9, $0x1;
	s9 =	simm.s32 $0x8B10  }
.LBB2_1:
0x10: {  	s19 =	simm.s32 $0x100;
	s18 =	simm.s32 $0x0  }
.LBB2_2:
0x11: {  	p0 =	sne.s32 s19, $0x27F00;
	[tilespmem:s18+$0x8B40] =	vst v0;
	s20 =	smov.u32 s19;
	s19 =	sadd.s32 $0x100, s19  }
.Ltmp0:
0x12: {  	[tilespmem:s18+$0x8B30] =	vst v0;
	(pc) =	sbr.rel @p0 .LBB2_2-.Ltmp0, $3  }
0x13: {  	[tilespmem:s18+$0x8B10] =	vst v0  }
0x14: {  	[tilespmem:s18+$0x8B20] =	vst v0;
	_ =	sdelay $0x1  }
0x15: {  	s18 =	sshra.s32 s20, $0x2  }
0x16: {  	[tilespmem:s18+$0x8B40] =	vst v0  }
0x17: {  	[tilespmem:s18+$0x8B30] =	vst v0  }
0x18: {  	[tilespmem:s18+$0x8B10] =	vst v0  }
0x19: {  	[tilespmem:s18+$0x8B20] =	vst v0  }
0x1a: {  	[spmem:s4] =	stream.linear.scatter [tilespmem:s9], [sflag:$0x1], $0xA000, $0x38;
	[tilespmem:$0x1CB10] =	vst v63  }
0x1b: {  	_ =	swait.ge [sflag:s10], $0xA000  }
0x1c: {  	[sflag:s10] =	ssyncset.done $0x0  }
0x1d: {  	[sflag:s10] =	ssyncadd.s32 $0xFFFF6000  }
0x1e: {  	s25 =	simm.s32 $0x0;
	[bflag:$0x0] =	sbarrier.arrive $0xFFFF  }
0x1f: {  	[tilespmem:s25], [sflag:$0x1] =	stream.linear.gather [hbm4b:s5+s25], $0x2710, $0x38;
	[tilespmem:$0x1CB10] =	vst v63  }
0x20: {  	_ =	swait.ge [sflag:s10], $0x2710  }
0x21: {  	[sflag:s10] =	ssyncset.done $0x0  }
0x22: {  	[sflag:s10] =	ssyncadd.s32 $0xFFFFD8F0  }
0x23: {  	[tilespmem:s11], [sflag:$0x1] =	stream.linear.gather [hbm4b:s8+s3], $0x6400, $0x38;
	[tilespmem:$0x1CB10] =	vst v63  }
0x24: {  	_ =	swait.ge [sflag:s10], $0x6400  }
0x25: {  	[sflag:s10] =	ssyncset.done $0x0  }
0x26: {  	s26 =	simm.s32 $0x0;
	[sflag:s10] =	ssyncadd.s32 $0xFFFF9C00  }
0x27: {  	[spmem:s2] =	stream.indirect.scatter.add.f32 [tilespmem:s11], [sflag:$0x1], $0x40, s26, s12, $0xb8;
	[tilespmem:$0x1CB10] =	vst v63  }
0x28: {  	_ =	swait.ge [sflag:s10], $0x1400  }
0x29: {  	[sflag:s10] =	ssyncset.done $0x0  }
0x2a: {  	s28 =	simm.s32 $0x50;
	[sflag:s10] =	ssyncadd.s32 $0xFFFFEC00  }
0x2b: {  	[spmem:s2] =	stream.indirect.scatter.add.f32 [tilespmem:s13], [sflag:$0x1], $0x40, s28, s12, $0xb8;
	[tilespmem:$0x1CB10] =	vst v63  }
0x2c: {  	_ =	swait.ge [sflag:s10], $0x1400  }
0x2d: {  	[sflag:s10] =	ssyncset.done $0x0  }
0x2e: {  	s29 =	simm.s32 $0xA0;
	[sflag:s10] =	ssyncadd.s32 $0xFFFFEC00  }
0x2f: {  	[spmem:s2] =	stream.indirect.scatter.add.f32 [tilespmem:s14], [sflag:$0x1], $0x40, s29, s12, $0xb8;
	[tilespmem:$0x1CB10] =	vst v63  }
0x30: {  	_ =	swait.ge [sflag:s10], $0x1400  }
0x31: {  	[sflag:s10] =	ssyncset.done $0x0  }
0x32: {  	s30 =	simm.s32 $0xF0;
	[sflag:s10] =	ssyncadd.s32 $0xFFFFEC00  }
0x33: {  	[spmem:s2] =	stream.indirect.scatter.add.f32 [tilespmem:s15], [sflag:$0x1], $0x40, s30, s12, $0xb8;
	[tilespmem:$0x1CB10] =	vst v63  }
0x34: {  	_ =	swait.ge [sflag:s10], $0x1400  }
0x35: {  	[sflag:s10] =	ssyncset.done $0x0  }
0x36: {  	s31 =	simm.s32 $0x140;
	[sflag:s10] =	ssyncadd.s32 $0xFFFFEC00  }
0x37: {  	[spmem:s2] =	stream.indirect.scatter.add.f32 [tilespmem:s16], [sflag:$0x1], $0x40, s31, s12, $0xb8;
	[tilespmem:$0x1CB10] =	vst v63  }
0x38: {  	_ =	swait.ge [sflag:s10], $0x1400  }
0x39: {  	s18 =	simm.s32 $0x640;
	s19 =	smov.u32 s8;
	[sflag:s10] =	ssyncset.done $0x0  }
.LBB2_4:
0x3a: {  	p0 =	sne.s32 s18, $0x9600;
	[sflag:s10] =	ssyncadd.s32 $0xFFFFEC00;
	s19 =	sadd.s32 $0xC80, s19  }
0x3b: {  	[tilespmem:s11], [sflag:$0x1] =	stream.linear.gather [hbm4b:s19+s3], $0x6400, $0x38;
	[tilespmem:$0x1CB10] =	vst v63  }
0x3c: {  	s20 =	smov.u32 s18;
	s18 =	sadd.s32 $0x640, s18;
	_ =	swait.ge [sflag:s10], $0x6400  }
0x3d: {  	[sflag:s10] =	ssyncset.done $0x0  }
0x3e: {  	s20 =	sshra.s32 s20, $0x2;
	[sflag:s10] =	ssyncadd.s32 $0xFFFF9C00  }
0x3f: {  	[spmem:s2] =	stream.indirect.scatter.add.f32 [tilespmem:s11], [sflag:$0x1], $0x40, s20, s12, $0xb8;
	[tilespmem:$0x1CB10] =	vst v63  }
0x40: {  	_ =	swait.ge [sflag:s10], $0x1400  }
0x41: {  	[sflag:s10] =	ssyncset.done $0x0  }
0x42: {  	s21 =	sadd.s32 $0x50, s20;
	[sflag:s10] =	ssyncadd.s32 $0xFFFFEC00  }
0x43: {  	[spmem:s2] =	stream.indirect.scatter.add.f32 [tilespmem:s13], [sflag:$0x1], $0x40, s21, s12, $0xb8;
	[tilespmem:$0x1CB10] =	vst v63  }
0x44: {  	_ =	swait.ge [sflag:s10], $0x1400  }
0x45: {  	[sflag:s10] =	ssyncset.done $0x0  }
0x46: {  	s21 =	sadd.s32 $0xA0, s20;
	[sflag:s10] =	ssyncadd.s32 $0xFFFFEC00  }
0x47: {  	[spmem:s2] =	stream.indirect.scatter.add.f32 [tilespmem:s14], [sflag:$0x1], $0x40, s21, s12, $0xb8;
	[tilespmem:$0x1CB10] =	vst v63  }
0x48: {  	_ =	swait.ge [sflag:s10], $0x1400  }
0x49: {  	[sflag:s10] =	ssyncset.done $0x0  }
0x4a: {  	s21 =	sadd.s32 $0xF0, s20;
	[sflag:s10] =	ssyncadd.s32 $0xFFFFEC00  }
0x4b: {  	[spmem:s2] =	stream.indirect.scatter.add.f32 [tilespmem:s15], [sflag:$0x1], $0x40, s21, s12, $0xb8;
	[tilespmem:$0x1CB10] =	vst v63  }
0x4c: {  	_ =	swait.ge [sflag:s10], $0x1400  }
.Ltmp1:
0x4d: {  	[sflag:s10] =	ssyncset.done $0x0;
	(pc) =	sbr.rel @p0 .LBB2_4-.Ltmp1, $4  }
0x4e: {  	s20 =	sadd.s32 $0x140, s20;
	[sflag:s10] =	ssyncadd.s32 $0xFFFFEC00  }
0x4f: {  	[spmem:s2] =	stream.indirect.scatter.add.f32 [tilespmem:s16], [sflag:$0x1], $0x40, s20, s12, $0xb8;
	[tilespmem:$0x1CB10] =	vst v63  }
0x50: {  	_ =	swait.ge [sflag:s10], $0x1400  }
0x51: {  	[sflag:s10] =	ssyncset.done $0x0  }
0x52: {  	[sflag:s10] =	ssyncadd.s32 $0xFFFFEC00  }
0x53: {  	[bflag:$0x0] =	sbarrier.arrive $0xFFFF  }
0x54: {  	[tilespmem:s9], [sflag:$0x1] =	stream.linear.gather [spmem:s4], $0xA000, $0x38;
	[tilespmem:$0x1CB10] =	vst v63  }
0x55: {  	s17 =	sadd.s32 $0x1, s17;
	_ =	swait.ge [sflag:s10], $0xA000  }
0x56: {  	p0 =	sne.s32 s17, s7;
	[sflag:s10] =	ssyncset.done $0x0  }
.Ltmp2:
0x57: {  	[sflag:s10] =	ssyncadd.s32 $0xFFFF6000;
	(pc) =	sbr.rel @p0 .LBB2_1-.Ltmp2, $4  }
0x58: {  	[hbm4b:s6+s3] =	stream.linear.scatter [tilespmem:s9], [sflag:$0x1], $0xA000, $0x38;
	[tilespmem:$0x1CB10] =	vst v63  }
0x59: {  	_ =	swait.ge [sflag:s10], $0xA000  }
0x5a: {  	[sflag:s10] =	ssyncset.done $0x0  }
0x5b: {  	[sflag:s10] =	ssyncadd.s32 $0xFFFF6000  }
0x5c: {  	_ =	sfence.sel $0x180000  }
0x5d: {  	[bflag:$0x0] =	sbarrier.arrive $0xFFFF  }
0x5e: {  	p0 =	sne.s32 s0, $0x0;
	_ =	strace $0x90000050  }
0x5f: {  	s0 =	sadd.s32 @!p0 $0x100000, s1;
	[bflag:$0x2] =	sbarrier.arrive $0xFFFF  }
0x60: {  	[sflag:s0] =	ssyncadd.tile.s32 @!p0 $0x1;
	_ =	shalt  }
.Lfunc_end2:
_tile_overlayer_lowered:
.L_overlay_start_2:
0x61: {  	(tag) =	ssettag $0x2  }
0x62: {  	s0 =	rddreg [dreg:$0x0];
	s2 =	stileid.u32  }
0x63: {  	s1 =	rddreg [dreg:$0x1];
	p0 =	sne.s32 s2, $0x0  }
0x64: {  	s3 =	rddreg [dreg:$0x2];
	[bflag:$0x3] =	sbarrier.arrive $0xFFFF;
	s2 =	simm.s32 @!p0 $0x1C01  }
0x65: {  	[timem:s3], [sflag:s2] =	dma.local @!p0 [hbm:s0], s1  }
0x66: {  	s0 =	simm.s32 @!p0 $0x1  }
0x67: {  	_ =	swait.ge @!p0 [sflag:s0], s1  }
0x68: {  	s1 =	ssub.s32 @!p0 $0x0, s1;
	[sflag:s0] =	ssyncset.done @!p0 $0x0  }
0x69: {  	[sflag:s0] =	ssyncadd.s32 @!p0 s1  }
0x6a: {  	[bflag:$0x3] =	sbarrier.arrive $0xFFFF  }
0x6b: {  	_ =	shalt  }

// kernel: kernel.25.cloned.1.call-start
scs
__scs_entry_jumppad:
0x0: {  	(pc) =	sbr.rel $0x88, $3  }
0x1: {  	(tag) =	ssettag $0x0;
	lr =	simm.s32 $0x1  }
0x2: {  	[smem:$0x3F7E] =	sst lr;
	_ =	strace $0xD0000000  }
0x3: {  	_ = 	snop  }
0x4: {  	_ = 	snop  }
0x5: {  	_ = 	snop  }
0x6: {  	_ = 	snop  }
0x7: {  	_ = 	snop  }
__scs_overlays_trampoline_lowered:
0x8: {  	[smem:$0x3F8D] =	sst s0  }
0x9: {  	[smem:$0x3F8E] =	sst s1  }
0xa: {  	[smem:$0x3F8F] =	sst s2  }
0xb: {  	[smem:$0x3F90] =	sst s3  }
0xc: {  	[smem:$0x3F91] =	sst s4  }
0xd: {  	[smem:$0x3F92] =	sst s5  }
0xe: {  	[smem:$0x3F93] =	sst s6  }
0xf: {  	[smem:$0x3F94] =	sst s7  }
0x10: {  	[smem:$0x3F95] =	sst s8  }
0x11: {  	[smem:$0x3F96] =	sst s9;
	s0 =	simm.s32 @!p0 $0x0  }
0x12: {  	s1 =	sld [smem:$0x3F7C];
	s0 =	simm.s32 @p0 $0x1  }
0x13: {  	[smem:$0x3F97] =	sst s0;
	s0 =	simm.s32 @!p1 $0x0  }
0x14: {  	s2 =	sld [smem:$0x3F7B];
	s0 =	simm.s32 @p1 $0x1  }
0x15: {  	[smem:$0x3F98] =	sst s0;
	s0 =	simm.s32 @!p2 $0x0  }
0x16: {  	s3 =	sld [smem:$0x3FDB];
	s0 =	simm.s32 @p2 $0x1  }
0x17: {  	s4 =	simm.s32 $0x1BF5;
	[smem:$0x3F9A] =	sst s0  }
0x18: {  	s0 =	sld [smem:$0x3F7D];
	_ =	swait.ge [sflag:s4], $0x0  }
0x19: {  	s7 =	sld [smem:$0x3F7E]  }
0x1a: {  	s8 =	sadd.s32 $0xFFFFE003, lr  }
0x1b: {  	s9 =	sadd.s32 $0xFFFFFEF7, lr;
	s5 =	simm.s32 $0xFFFFFFFF;
	p2 =	slt.u32 s8, $0xFFFFF086  }
0x1c: {  	p1 =	slt.u32 s9, $0xF7A;
	s5 =	simm.s32 @!p2 $0x0  }
0x1d: {  	s5 =	simm.s32 @p1 $0x1;
	p0 =	seq.s32 s7, s2  }
0x1e: {  	s7 =	smul.u32 @!p0 $0xF7A, s2;
	p2 =	seq.s32 @!p0 s5, $0x0  }
0x1f: {  	s9 =	smul.u32 $0xF7A, s1;
	s8 =	simm.s32 @!p0 $0x1BF5;
	p2 =	por !p2, p0  }
0x20: {  	[sflag:s8] =	ssyncset.s32 @!p0 $0xFFFFF086;
	s6 =	sadd.s32 @!p0 s3, s7;
	s7 =	simm.s32 @!p0 $0x108  }
0x21: {  	s3 =	sadd.s32 s3, s9;
	s6 =	sadd.s32 @!p0 $0x88, s6;
	s7 =	simm.s32 @p2 $0x1082  }
0x22: {  	[simem:s7], [sflag:s8] =	dma.local @!p0 [hbm:s6], $0xF7A  }
0x23: {  	s9 =	sor.u32 $0xD0000000, s2;
	s6 =	simm.s32 $0x108;
	_ =	swait.ge @!p0 [sflag:s8], $0x0  }
0x24: {  	s3 =	sadd.s32 $0x88, s3;
	s6 =	simm.s32 @!p1 $0x1082;
	[sflag:s4] =	ssyncset.s32 $0xFFFFF086  }
0x25: {  	[simem:s6], [sflag:s4] =	dma.local [hbm:s3], $0xF7A  }
0x26: {  	[smem:$0x3F7E] =	sst s1;
	(tag) =	ssettag s2;
	_ =	strace s9  }
0x27: {  	s1 =	sld [smem:$0x3F8E]  }
0x28: {  	s2 =	sld [smem:$0x3F8F]  }
0x29: {  	s4 =	sld [smem:$0x3F91]  }
0x2a: {  	p0 =	seq.s32 s5, $0x0;
	s5 =	sld [smem:$0x3F92]  }
0x2b: {  	s6 =	sld [smem:$0x3F93]  }
0x2c: {  	s7 =	sld [smem:$0x3F94]  }
0x2d: {  	s3 =	simm.s32 $0x108;
	s8 =	sld [smem:$0x3F95]  }
0x2e: {  	s3 =	simm.s32 @!p0 $0x1082;
	s9 =	sld [smem:$0x3F96]  }
0x2f: {  	lr =	sadd.s32 s0, s3;
	s0 =	sld [smem:$0x3F8D]  }
0x30: {  	s3 =	sld [smem:$0x3F90]  }
0x31: {  	[smem:$0x3F99] =	sst s10  }
0x32: {  	s10 =	sld [smem:$0x3F97];
	_ =	sdelay $0x3  }
0x33: {  	p0 =	seq.s32 s10, $0x1;
	s10 =	sld [smem:$0x3F99];
	_ =	sdelay $0x3  }
0x34: {  	[smem:$0x3F99] =	sst s10  }
0x35: {  	s10 =	sld [smem:$0x3F98];
	_ =	sdelay $0x3  }
0x36: {  	p1 =	seq.s32 s10, $0x1;
	s10 =	sld [smem:$0x3F99];
	_ =	sdelay $0x3  }
0x37: {  	[smem:$0x3F99] =	sst s10  }
0x38: {  	s10 =	sld [smem:$0x3F9A]  }
0x39: {  	_ = 	snop;
	(pc) =	sbr.ind lr, $3  }
0x3a: {  	_ = 	snop  }
0x3b: {  	_ = 	snop  }
0x3c: {  	p2 =	seq.s32 s10, $0x1;
	s10 =	sld [smem:$0x3F99]  }
0x3d: {  	_ =	shalt  }
0x3e: {  	_ =	shalt  }
0x3f: {  	_ =	shalt  }
0x40: {  	_ =	shalt  }
0x41: {  	_ =	shalt  }
0x42: {  	_ =	shalt  }
0x43: {  	_ =	shalt  }
0x44: {  	_ =	shalt  }
0x45: {  	_ =	shalt  }
0x46: {  	_ =	shalt  }
0x47: {  	_ =	shalt  }
0x48: {  	_ =	shalt  }
0x49: {  	_ =	shalt  }
0x4a: {  	_ =	shalt  }
0x4b: {  	_ =	shalt  }
0x4c: {  	_ =	shalt  }
0x4d: {  	_ =	shalt  }
0x4e: {  	_ =	shalt  }
0x4f: {  	_ =	shalt  }
0x50: {  	_ =	shalt  }
0x51: {  	_ =	shalt  }
0x52: {  	_ =	shalt  }
0x53: {  	_ =	shalt  }
0x54: {  	_ =	shalt  }
0x55: {  	_ =	shalt  }
0x56: {  	_ =	shalt  }
0x57: {  	_ =	shalt  }
0x58: {  	_ =	shalt  }
0x59: {  	_ =	shalt  }
0x5a: {  	_ =	shalt  }
0x5b: {  	_ =	shalt  }
0x5c: {  	_ =	shalt  }
0x5d: {  	_ =	shalt  }
0x5e: {  	_ =	shalt  }
0x5f: {  	_ =	shalt  }
0x60: {  	_ =	shalt  }
0x61: {  	_ =	shalt  }
0x62: {  	_ =	shalt  }
0x63: {  	_ =	shalt  }
0x64: {  	_ =	shalt  }
0x65: {  	_ =	shalt  }
0x66: {  	_ =	shalt  }
0x67: {  	_ =	shalt  }
0x68: {  	_ =	shalt  }
0x69: {  	_ =	shalt  }
0x6a: {  	_ =	shalt  }
0x6b: {  	_ =	shalt  }
0x6c: {  	_ =	shalt  }
0x6d: {  	_ =	shalt  }
0x6e: {  	_ =	shalt  }
0x6f: {  	_ =	shalt  }
0x70: {  	_ =	shalt  }
0x71: {  	_ =	shalt  }
0x72: {  	_ =	shalt  }
0x73: {  	_ =	shalt  }
0x74: {  	_ =	shalt  }
0x75: {  	_ =	shalt  }
0x76: {  	_ =	shalt  }
0x77: {  	_ =	shalt  }
0x78: {  	_ =	shalt  }
0x79: {  	_ =	shalt  }
0x7a: {  	_ =	shalt  }
0x7b: {  	_ =	shalt  }
0x7c: {  	_ =	shalt  }
0x7d: {  	_ =	shalt  }
0x7e: {  	_ =	shalt  }
0x7f: {  	_ =	shalt  }
0x80: {  	_ =	shalt  }
0x81: {  	_ =	shalt  }
0x82: {  	_ =	shalt  }
0x83: {  	_ =	shalt  }
0x84: {  	_ =	shalt  }
0x85: {  	_ =	shalt  }
0x86: {  	_ =	shalt  }
0x87: {  	_ =	shalt  }
.Lfunc_end0:
.L_simem_size_0:
called_computation.4_lowered:
.L_overlay_start_0:
0x88: {  	s2 =	sld [smem:$0x3FD9]  }
0x89: {  	s3 =	sld [smem:$0x3FFE];
	_ =	sdelay $0x1  }
0x8a: {  	s1 =	srdreg.scid  }
0x8b: {  	s0 =	sand.u32 $0x1, s1  }
0x8c: {  	s14 =	sshll.u32 s0, $0xA;
	s2 =	sadd.s32 s3, s2  }
0x8d: {  	s2 =	sadd.s32 s2, s14  }
0x8e: {  	[smem:$0x3FA5] =	sst s2  }
0x8f: {  	_ = 	snop  }
0x90: {  	s2 =	sld [smem:$0x3FD0];
	_ =	sdelay $0x2  }
0x91: {  	s15 =	simm.s32 $0xB;
	s4 =	simm.s32 $0x10  }
0x92: {  	[smem:s4], [sflag:s15] =	dma.local [hbm:s2], $0x1  }
0x93: {  	_ =	swait.eq [sflag:s15], $0x1  }
0x94: {  	s16 =	sld [smem:$0x12];
	[sflag:s15] =	ssyncset.done $0x0  }
0x95: {  	s17 =	sld [smem:$0x13];
	[sflag:s15] =	ssyncadd.s32 $0xFFFFFFFF  }
0x96: {  	s18 =	sld [smem:$0x17];
	(tm) =	ssettm $0x1  }
0x97: {  	s5 =	sld [smem:$0x3FFB];
	_ =	sdelay $0x3  }
0x98: {  	_ =	strace s5  }
0x99: {  	s5 =	sld [smem:$0x3FFC];
	_ =	sdelay $0x3  }
0x9a: {  	_ =	strace s5  }
0x9b: {  	s5 =	sld [smem:$0x3FFD];
	_ =	sdelay $0x3  }
0x9c: {  	_ =	strace s5  }
0x9d: {  	_ =	strace $0x8FFFFFFF  }
0x9e: {  	s19 =	sld [smem:$0x3FDB];
	_ =	sdelay $0x1  }
0x9f: {  	s6 =	simm.s32 $_scs_section_size  }
0xa0: {  	s7 =	simm.s32 $_size__tile_overlayer_lowered;
	s8 =	simm.s32 $_tile_overlayer_lowered  }
0xa1: {  	s22 =	simm.s32 $0x1BFF;
	s21 =	sshll.u32 s8, $0x1;
	s5 =	sadd.s32 s6, s19  }
0xa2: {  	s9 =	simm.s32 $0x0;
	s20 =	sshll.u32 s7, $0x1;
	s7 =	sadd.s32 s21, s5  }
0xa3: {  	[timem:s9], [sflag:s22] =	dma.local [hbm:s7], s20  }
0xa4: {  	_ =	swait.ge [sflag:s22], s20  }
0xa5: {  	s6 =	ssub.s32 $0x0, s20;
	[sflag:s22] =	ssyncset.done $0x0  }
0xa6: {  	[sflag:s22] =	ssyncadd.s32 s6;
	_ =	sdelay $0x1  }
0xa7: {  	s23 =	simm.s32 $0x1B8B  }
0xa8: {  	_ =	swait.ge [sflag:s23], $0x1  }
0xa9: {  	[sflag:s23] =	ssyncset.done $0x0  }
0xaa: {  	s25 =	simm.s32 $0x1B8E;
	s24 =	sld [smem:$0x3FFE];
	[sflag:s23] =	ssyncadd.s32 $0xFFFFFFFF  }
0xab: {  	s26 =	simm.s32 $execute0_lowered;
	[smem:$0x3FD2] =	sst s25  }
0xac: {  	s7 =	sshll.u32 s26, $0x1;
	_ =	strace $0x80000052;
	[dreg:$0x1] =	wrdreg $0xFFFFFFFF  }
0xad: {  	s28 =	simm.s32 $_size_execute0_lowered;
	s5 =	sadd.s32 s5, s7;
	[dreg:$0x0] =	wrdreg $0x0  }
0xae: {  	s7 =	sshll.u32 s28, $0x1;
	[dreg:$0x2] =	wrdreg s5  }
0xaf: {  	[dreg:$0x3] =	wrdreg s7  }
0xb0: {  	[dreg:$0x4] =	wrdreg $0xC0  }
0xb1: {  	_ =	task [dreg:s9], $0x5FFFF  }
0xb2: {  	[dreg:$0x1] =	wrdreg $0xFFFFFFFF  }
0xb3: {  	[dreg:$0x0] =	wrdreg $0x60  }
0xb4: {  	[dreg:$0x2] =	wrdreg s17  }
0xb5: {  	[dreg:$0x3] =	wrdreg s16  }
0xb6: {  	[dreg:$0x4] =	wrdreg s24  }
0xb7: {  	[dreg:$0x5] =	wrdreg s18  }
0xb8: {  	[dreg:$0x6] =	wrdreg $0x9  }
0xb9: {  	_ =	task.clear_ibuf [dreg:s9], $0x7FFFF;
	_ =	strace $0x90000052  }
0xba: {  	s29 =	simm.s32 $0x9;
	_ =	strace $0x80000054  }
0xbb: {  	_ =	swait.ge [sflag:s29], $0x1  }
0xbc: {  	[sflag:s29] =	ssyncadd.s32 $0xFFFFFFFF  }
0xbd: {  	_ =	strace $0x90000054  }
0xbe: {  	_ =	sfence  }
0xbf: {  	s30 =	sld [smem:$0x0];
	_ =	sdelay $0x2  }
0xc0: {  	s31 =	sshll.u32 s1, $0xD;
	s1 =	sshrl.u32 s1, $0x2  }
0xc1: {  	s3 =	sand.u32 $0x4000, s31;
	s1 =	sadd.s32 s1, s30  }
0xc2: {  	s0 =	sor.u32 s3, s0;
	s1 =	sshll.u32 s1, $0x11  }
0xc3: {  	s0 =	sor.u32 s1, s0  }
0xc4: {  	s0 =	sadd.s32 $0x8F2B, s0  }
0xc5: {  	[sflag:s0] =	ssyncadd.remote.s32 $0x1  }
0xc6: {  	_ =	sfence.sel $0xFFFF  }
0xc7: {  	[dreg:$0x0] =	wrdreg $0xFFFFFFFF;
	(pc) =	sbr.abs _section_cstart, $3  }
0xc8: {  	[dreg:$0x1] =	wrdreg $0xFFFFFFFF  }
0xc9: {  	_ =	task.clear_ibuf [dreg:s9], $0x2FFFF;
	_ =	strace $0x9FFFFFFF  }
0xca: {  	(tm) =	ssettm $0x7FFFFFFF  }
0xcb: {  	_ =	shalt  }
tec
execute0_lowered:
.L_overlay_start_1:
0x0: {  	(tag) =	ssettag $0x1  }
0x1: {  	s1 =	rddreg [dreg:$0x0]  }
0x2: {  	s3 =	srdreg.scid;
	s2 =	rddreg [dreg:$0x1]  }
0x3: {  	s0 =	stileid.u32;
	s8 =	rddreg [dreg:$0x2]  }
0x4: {  	s4 =	rddreg [dreg:$0x3];
	s6 =	simm.s32 $0x0;
	s12 =	simm.s32 $0x2710  }
0x5: {  	s13 =	simm.s32 $0x11620;
	s14 =	simm.s32 $0x50;
	s15 =	simm.s32 $0x4E20  }
0x6: {  	s16 =	simm.s32 $0xB220;
	s17 =	simm.s32 $0x6220;
	s18 =	simm.s32 $0xC620  }
0x7: {  	s19 =	simm.s32 $0x7620;
	s20 =	simm.s32 $0xDA20;
	s21 =	simm.s32 $0x8A20  }
0x8: {  	s22 =	simm.s32 $0xEE20;
	s7 =	sand.u32 $0x1, s3;
	s31 =	sshll.u32 s0, $0x1  }
0x9: {  	s23 =	simm.s32 $0x9E20;
	s24 =	simm.s32 $0x10220;
	s3 =	sor.u32 s7, s31  }
0xa: {  	s25 =	simm.s32 $0x1;
	[smem:$0x7FF] =	sst s6;
	s5 =	smul.u32 $0x2710, s3  }
0xb: {  	s26 =	simm.s32 $0x0;
	s10 =	ssub.s32 $0x2, s7;
	_ =	strace $0x80000053  }
0xc: {  	s7 =	sadd.s32 $0x1F600, s8;
	s11 =	sshrl.u32 s10, $0x1;
	s9 =	sshrl.u32 s5, $0x3  }
0xd: {  	s10 =	ssub.s32 s10, s11;
	s11 =	simm.s32 $0x2;
	s9 =	sadd.s32 s9, s8  }
0xe: {  	s10 =	smax.u32 s10, $0x1;
	s8 =	sadd.s32 $0xBA00, s9;
	s9 =	sadd.s32 $0x15800, s9  }
.LBB2_1:
0xf: {  	[tilespmem:s6], [sflag:$0x2] =	stream.linear.gather [hbm4b:s8+s6], $0x2710, $0x38;
	[tilespmem:$0x17A20] =	vst v63  }
0x10: {  	_ =	swait.ge [sflag:s11], $0x2710  }
0x11: {  	[sflag:s11] =	ssyncset.done $0x0  }
0x12: {  	[sflag:s11] =	ssyncadd.s32 $0xFFFFD8F0  }
0x13: {  	[tilespmem:s12], [sflag:$0x2] =	stream.linear.gather [hbm4b:s9+s6], $0x2710, $0x38;
	[tilespmem:$0x17A20] =	vst v63  }
0x14: {  	_ =	swait.ge [sflag:s11], $0x2710  }
0x15: {  	[sflag:s11] =	ssyncset.done $0x0  }
0x16: {  	s28 =	simm.s32 $0x0;
	[sflag:s11] =	ssyncadd.s32 $0xFFFFD8F0  }
.LBB2_2:
0x17: {  	s30 =	smul.u32 $0x190, s28;
	_ =	sdelay $0x1  }
0x18: {  	s29 =	sadd.s32 s5, s30  }
0x19: {  	s29 =	sshll.u32 s29, $0x3  }
0x1a: {  	s3 =	simm.s32 $0x0;
	s31 =	sadd.s32 s7, s29  }
0x1b: {  	[tilespmem:s13], [sflag:$0x2] =	stream.linear.gather [hbm4b:s31+s3], $0x6400, $0x38;
	[tilespmem:$0x17A20] =	vst v63  }
0x1c: {  	_ =	swait.ge [sflag:s11], $0x6400  }
0x1d: {  	[sflag:s11] =	ssyncset.done $0x0  }
0x1e: {  	[sflag:s11] =	ssyncadd.s32 $0xFFFF9C00  }
0x1f: {  	[tilespmem:s15], [sflag:$0x1] =	stream.indirect.gather [hbm4b:s1+s14], $0x40, s30, s14, $0xb8;
	[tilespmem:$0x17A20] =	vst v63  }
0x20: {  	s3 =	sadd.s32 $0x2710, s30  }
0x21: {  	[tilespmem:s16], [sflag:$0x1] =	stream.indirect.gather [hbm4b:s2+s14], $0x40, s3, s14, $0xb8;
	[tilespmem:$0x17A20] =	vst v63  }
0x22: {  	s3 =	sadd.s32 $0x50, s30  }
0x23: {  	[tilespmem:s17], [sflag:$0x1] =	stream.indirect.gather [hbm4b:s1+s14], $0x40, s3, s14, $0xb8;
	[tilespmem:$0x17A20] =	vst v63  }
0x24: {  	s3 =	sadd.s32 $0x2760, s30  }
0x25: {  	[tilespmem:s18], [sflag:$0x1] =	stream.indirect.gather [hbm4b:s2+s14], $0x40, s3, s14, $0xb8;
	[tilespmem:$0x17A20] =	vst v63  }
0x26: {  	s3 =	sadd.s32 $0xA0, s30  }
0x27: {  	[tilespmem:s19], [sflag:$0x1] =	stream.indirect.gather [hbm4b:s1+s14], $0x40, s3, s14, $0xb8;
	[tilespmem:$0x17A20] =	vst v63  }
0x28: {  	s3 =	sadd.s32 $0x27B0, s30  }
0x29: {  	[tilespmem:s20], [sflag:$0x1] =	stream.indirect.gather [hbm4b:s2+s14], $0x40, s3, s14, $0xb8;
	[tilespmem:$0x17A20] =	vst v63  }
0x2a: {  	s3 =	sadd.s32 $0xF0, s30  }
0x2b: {  	[tilespmem:s21], [sflag:$0x1] =	stream.indirect.gather [hbm4b:s1+s14], $0x40, s3, s14, $0xb8;
	[tilespmem:$0x17A20] =	vst v63  }
0x2c: {  	s3 =	sadd.s32 $0x2800, s30  }
0x2d: {  	[tilespmem:s22], [sflag:$0x1] =	stream.indirect.gather [hbm4b:s2+s14], $0x40, s3, s14, $0xb8;
	[tilespmem:$0x17A20] =	vst v63  }
0x2e: {  	s3 =	sadd.s32 $0x140, s30  }
0x2f: {  	[tilespmem:s23], [sflag:$0x1] =	stream.indirect.gather [hbm4b:s1+s14], $0x40, s3, s14, $0xb8;
	[tilespmem:$0x17A20] =	vst v63  }
0x30: {  	s3 =	sadd.s32 $0x2850, s30  }
0x31: {  	[tilespmem:s24], [sflag:$0x1] =	stream.indirect.gather [hbm4b:s2+s14], $0x40, s3, s14, $0xb8;
	[tilespmem:$0x17A20] =	vst v63  }
0x32: {  	_ =	swait.ge [sflag:s25], $0x1400  }
0x33: {  	[sflag:s25] =	ssyncset.done $0x0  }
0x34: {  	[sflag:s25] =	ssyncadd.s32 $0xFFFFEC00  }
0x35: {  	_ =	swait.ge [sflag:s25], $0x1400  }
0x36: {  	[sflag:s25] =	ssyncset.done $0x0  }
0x37: {  	[sflag:s25] =	ssyncadd.s32 $0xFFFFEC00  }
0x38: {  	_ =	swait.ge [sflag:s25], $0x1400  }
0x39: {  	[sflag:s25] =	ssyncset.done $0x0  }
0x3a: {  	[sflag:s25] =	ssyncadd.s32 $0xFFFFEC00  }
0x3b: {  	_ =	swait.ge [sflag:s25], $0x1400  }
0x3c: {  	[sflag:s25] =	ssyncset.done $0x0  }
0x3d: {  	[sflag:s25] =	ssyncadd.s32 $0xFFFFEC00  }
0x3e: {  	_ =	swait.ge [sflag:s25], $0x1400  }
0x3f: {  	[sflag:s25] =	ssyncset.done $0x0  }
0x40: {  	[sflag:s25] =	ssyncadd.s32 $0xFFFFEC00  }
0x41: {  	_ =	swait.ge [sflag:s25], $0x1400  }
0x42: {  	[sflag:s25] =	ssyncset.done $0x0  }
0x43: {  	[sflag:s25] =	ssyncadd.s32 $0xFFFFEC00  }
0x44: {  	_ =	swait.ge [sflag:s25], $0x1400  }
0x45: {  	[sflag:s25] =	ssyncset.done $0x0  }
0x46: {  	[sflag:s25] =	ssyncadd.s32 $0xFFFFEC00  }
0x47: {  	_ =	swait.ge [sflag:s25], $0x1400  }
0x48: {  	[sflag:s25] =	ssyncset.done $0x0  }
0x49: {  	[sflag:s25] =	ssyncadd.s32 $0xFFFFEC00  }
0x4a: {  	_ =	swait.ge [sflag:s25], $0x1400  }
0x4b: {  	[sflag:s25] =	ssyncset.done $0x0  }
0x4c: {  	[sflag:s25] =	ssyncadd.s32 $0xFFFFEC00  }
0x4d: {  	_ =	swait.ge [sflag:s25], $0x1400  }
0x4e: {  	[sflag:s25] =	ssyncset.done $0x0  }
0x4f: {  	s30 =	simm.s32 $0x0;
	[sflag:s25] =	ssyncadd.s32 $0xFFFFEC00  }
0x50: {  	v4 =	vld [tilespmem:s30+$0x11620]  }
0x51: {  	v5 =	vld [tilespmem:s30+$0x11630]  }
0x52: {  	v3 =	vld [tilespmem:s30+$0xB220]  }
0x53: {  	v2 =	vld [tilespmem:s30+$0xB230]  }
0x54: {  	v0 =	vld [tilespmem:s30+$0xB240]  }
0x55: {  	v1 =	vld [tilespmem:s30+$0xB250]  }
0x56: {  	v7 =	vld [tilespmem:s30+$0x4E20]  }
0x57: {  	v8 =	vld [tilespmem:s30+$0x4E30]  }
0x58: {  	s31 =	simm.s32 $0x100;
	v6 =	vld [tilespmem:s30+$0x4E40]  }
.LBB2_3:
0x59: {  	p0 =	sne.s32 s31, $0x18F00;
	v9 =	vld [tilespmem:s30+$0x4E50]  }
0x5a: {  	v10 =	vld [tilespmem:s30+$0x11640]  }
0x5b: {  	s3 =	sshra.s32 s31, $0x2;
	v3 =	vadd.f32 v3, v7;
	v7 =	vld [tilespmem:s30+$0x11650]  }
0x5c: {  	v11 =	vld [tilespmem:s3+$0x11620];
	v2 =	vadd.f32 v2, v8  }
0x5d: {  	v8 =	vld [tilespmem:s3+$0x11630];
	v4 =	vadd.f32 v4, v3;
	v0 =	vadd.f32 v0, v6  }
0x5e: {  	v3 =	vld [tilespmem:s3+$0xB220];
	v5 =	vadd.f32 v5, v2;
	v1 =	vadd.f32 v1, v9  }
0x5f: {  	v2 =	vld [tilespmem:s3+$0xB230];
	v12 =	vmax.f32 v4, $0.0e+00;
	v6 =	vadd.f32 v10, v0  }
.Ltmp0:
0x60: {  	v0 =	vld [tilespmem:s3+$0xB240];
	[tilespmem:s30+$0x4E20] =	vst v12;
	v9 =	vmax.f32 v5, $0.0e+00;
	v10 =	vadd.f32 v7, v1;
	(pc) =	sbr.rel @p0 .LBB2_3-.Ltmp0, $4  }
0x61: {  	v1 =	vld [tilespmem:s3+$0xB250];
	[tilespmem:s30+$0x4E30] =	vst v9;
	v6 =	vmax.f32 v6, $0.0e+00;
	v4 =	vmov v11  }
0x62: {  	v7 =	vld [tilespmem:s3+$0x4E20];
	[tilespmem:s30+$0x4E40] =	vst v6;
	v6 =	vmax.f32 v10, $0.0e+00;
	v5 =	vmov v8  }
0x63: {  	v8 =	vld [tilespmem:s3+$0x4E30];
	[tilespmem:s30+$0x4E50] =	vst v6;
	s30 =	smov.u32 s3  }
0x64: {  	s31 =	sadd.s32 $0x100, s31;
	v6 =	vld [tilespmem:s30+$0x4E40]  }
0x65: {  	v9 =	vld [tilespmem:s30+$0x4E50]  }
0x66: {  	v10 =	vld [tilespmem:s30+$0x11640]  }
0x67: {  	v62 =	vld [tilespmem:s30+$0x11650];
	v3 =	vadd.f32 v3, v7  }
0x68: {  	v2 =	vadd.f32 v2, v8  }
0x69: {  	v3 =	vadd.f32 v4, v3;
	v0 =	vadd.f32 v0, v6  }
0x6a: {  	v2 =	vadd.f32 v5, v2;
	v1 =	vadd.f32 v1, v9  }
0x6b: {  	v3 =	vmax.f32 v3, $0.0e+00;
	v0 =	vadd.f32 v10, v0  }
0x6c: {  	[tilespmem:s30+$0x4E20] =	vst v3;
	v2 =	vmax.f32 v2, $0.0e+00;
	v1 =	vadd.f32 v62, v1  }
0x6d: {  	s28 =	sadd.s32 $0x1, s28;
	[tilespmem:s30+$0x4E30] =	vst v2;
	v0 =	vmax.f32 v0, $0.0e+00  }
0x6e: {  	p0 =	sne.s32 s28, $0x19;
	[tilespmem:s30+$0x4E40] =	vst v0;
	v63 =	vmax.f32 v1, $0.0e+00  }
.Ltmp1:
0x6f: {  	s3 =	sadd.s32 s4, s29;
	[tilespmem:s30+$0x4E50] =	vst v63;
	(pc) =	sbr.rel @p0 .LBB2_2-.Ltmp1, $4  }
0x70: {  	[hbm4b:s3+s6] =	stream.linear.scatter [tilespmem:s15], [sflag:$0x2], $0x6400, $0x38;
	[tilespmem:$0x17A20] =	vst v63  }
0x71: {  	_ =	swait.ge [sflag:s11], $0x6400  }
0x72: {  	[sflag:s11] =	ssyncset.done $0x0  }
0x73: {  	[sflag:s11] =	ssyncadd.s32 $0xFFFF9C00  }
0x74: {  	s26 =	sadd.s32 $0x1, s26  }
0x75: {  	p0 =	sne.s32 s26, s10  }
.Ltmp2:
0x76: {  	_ = 	snop;
	(pc) =	sbr.rel @p0 .LBB2_1-.Ltmp2, $1  }
0x77: {  	_ =	sdelay $0x3  }
0x78: {  	_ =	sfence.sel $0x180000  }
0x79: {  	[bflag:$0x0] =	sbarrier.arrive $0xFFFF  }
0x7a: {  	_ =	strace $0x90000053  }
0x7b: {  	[bflag:$0x2] =	sbarrier.arrive $0xFFFF  }
0x7c: {  	p0 =	sne.s32 s0, $0x0;
	s0 =	rddreg [dreg:$0x4]  }
0x7d: {  	s0 =	sadd.s32 @!p0 $0x100000, s0  }
0x7e: {  	[sflag:s0] =	ssyncadd.tile.s32 @!p0 $0x1;
	_ =	shalt  }
.Lfunc_end2:
_tile_overlayer_lowered:
.L_overlay_start_2:
0x7f: {  	(tag) =	ssettag $0x2  }
0x80: {  	s0 =	rddreg [dreg:$0x0];
	s2 =	stileid.u32  }
0x81: {  	s1 =	rddreg [dreg:$0x1];
	p0 =	sne.s32 s2, $0x0  }
0x82: {  	s3 =	rddreg [dreg:$0x2];
	[bflag:$0x3] =	sbarrier.arrive $0xFFFF;
	s2 =	simm.s32 @!p0 $0x1C02  }
0x83: {  	[timem:s3], [sflag:s2] =	dma.local @!p0 [hbm:s0], s1  }
0x84: {  	s0 =	simm.s32 @!p0 $0x2  }
0x85: {  	_ =	swait.ge @!p0 [sflag:s0], s1  }
0x86: {  	s1 =	ssub.s32 @!p0 $0x0, s1;
	[sflag:s0] =	ssyncset.done @!p0 $0x0  }
0x87: {  	[sflag:s0] =	ssyncadd.s32 @!p0 s1  }
0x88: {  	[bflag:$0x3] =	sbarrier.arrive $0xFFFF  }
0x89: {  	_ =	shalt  }

// kernel: kernel.28.cloned.1.call-start
scs
__scs_entry_jumppad:
0x0: {  	(pc) =	sbr.rel $0x88, $3  }
0x1: {  	(tag) =	ssettag $0x0;
	lr =	simm.s32 $0x1  }
0x2: {  	[smem:$0x3F7E] =	sst lr;
	_ =	strace $0xD0000000  }
0x3: {  	_ = 	snop  }
0x4: {  	_ = 	snop  }
0x5: {  	_ = 	snop  }
0x6: {  	_ = 	snop  }
0x7: {  	_ = 	snop  }
__scs_overlays_trampoline_lowered:
0x8: {  	[smem:$0x3F8D] =	sst s0  }
0x9: {  	[smem:$0x3F8E] =	sst s1  }
0xa: {  	[smem:$0x3F8F] =	sst s2  }
0xb: {  	[smem:$0x3F90] =	sst s3  }
0xc: {  	[smem:$0x3F91] =	sst s4  }
0xd: {  	[smem:$0x3F92] =	sst s5  }
0xe: {  	[smem:$0x3F93] =	sst s6  }
0xf: {  	[smem:$0x3F94] =	sst s7  }
0x10: {  	[smem:$0x3F95] =	sst s8  }
0x11: {  	[smem:$0x3F96] =	sst s9;
	s0 =	simm.s32 @!p0 $0x0  }
0x12: {  	s1 =	sld [smem:$0x3F7C];
	s0 =	simm.s32 @p0 $0x1  }
0x13: {  	[smem:$0x3F97] =	sst s0;
	s0 =	simm.s32 @!p1 $0x0  }
0x14: {  	s2 =	sld [smem:$0x3F7B];
	s0 =	simm.s32 @p1 $0x1  }
0x15: {  	[smem:$0x3F98] =	sst s0;
	s0 =	simm.s32 @!p2 $0x0  }
0x16: {  	s3 =	sld [smem:$0x3FDB];
	s0 =	simm.s32 @p2 $0x1  }
0x17: {  	s4 =	simm.s32 $0x1BF5;
	[smem:$0x3F9A] =	sst s0  }
0x18: {  	s0 =	sld [smem:$0x3F7D];
	_ =	swait.ge [sflag:s4], $0x0  }
0x19: {  	s7 =	sld [smem:$0x3F7E]  }
0x1a: {  	s8 =	sadd.s32 $0xFFFFE003, lr  }
0x1b: {  	s9 =	sadd.s32 $0xFFFFFEF7, lr;
	s5 =	simm.s32 $0xFFFFFFFF;
	p2 =	slt.u32 s8, $0xFFFFF086  }
0x1c: {  	p1 =	slt.u32 s9, $0xF7A;
	s5 =	simm.s32 @!p2 $0x0  }
0x1d: {  	s5 =	simm.s32 @p1 $0x1;
	p0 =	seq.s32 s7, s2  }
0x1e: {  	s7 =	smul.u32 @!p0 $0xF7A, s2;
	p2 =	seq.s32 @!p0 s5, $0x0  }
0x1f: {  	s9 =	smul.u32 $0xF7A, s1;
	s8 =	simm.s32 @!p0 $0x1BF5;
	p2 =	por !p2, p0  }
0x20: {  	[sflag:s8] =	ssyncset.s32 @!p0 $0xFFFFF086;
	s6 =	sadd.s32 @!p0 s3, s7;
	s7 =	simm.s32 @!p0 $0x108  }
0x21: {  	s3 =	sadd.s32 s3, s9;
	s6 =	sadd.s32 @!p0 $0x88, s6;
	s7 =	simm.s32 @p2 $0x1082  }
0x22: {  	[simem:s7], [sflag:s8] =	dma.local @!p0 [hbm:s6], $0xF7A  }
0x23: {  	s9 =	sor.u32 $0xD0000000, s2;
	s6 =	simm.s32 $0x108;
	_ =	swait.ge @!p0 [sflag:s8], $0x0  }
0x24: {  	s3 =	sadd.s32 $0x88, s3;
	s6 =	simm.s32 @!p1 $0x1082;
	[sflag:s4] =	ssyncset.s32 $0xFFFFF086  }
0x25: {  	[simem:s6], [sflag:s4] =	dma.local [hbm:s3], $0xF7A  }
0x26: {  	[smem:$0x3F7E] =	sst s1;
	(tag) =	ssettag s2;
	_ =	strace s9  }
0x27: {  	s1 =	sld [smem:$0x3F8E]  }
0x28: {  	s2 =	sld [smem:$0x3F8F]  }
0x29: {  	s4 =	sld [smem:$0x3F91]  }
0x2a: {  	p0 =	seq.s32 s5, $0x0;
	s5 =	sld [smem:$0x3F92]  }
0x2b: {  	s6 =	sld [smem:$0x3F93]  }
0x2c: {  	s7 =	sld [smem:$0x3F94]  }
0x2d: {  	s3 =	simm.s32 $0x108;
	s8 =	sld [smem:$0x3F95]  }
0x2e: {  	s3 =	simm.s32 @!p0 $0x1082;
	s9 =	sld [smem:$0x3F96]  }
0x2f: {  	lr =	sadd.s32 s0, s3;
	s0 =	sld [smem:$0x3F8D]  }
0x30: {  	s3 =	sld [smem:$0x3F90]  }
0x31: {  	[smem:$0x3F99] =	sst s10  }
0x32: {  	s10 =	sld [smem:$0x3F97];
	_ =	sdelay $0x3  }
0x33: {  	p0 =	seq.s32 s10, $0x1;
	s10 =	sld [smem:$0x3F99];
	_ =	sdelay $0x3  }
0x34: {  	[smem:$0x3F99] =	sst s10  }
0x35: {  	s10 =	sld [smem:$0x3F98];
	_ =	sdelay $0x3  }
0x36: {  	p1 =	seq.s32 s10, $0x1;
	s10 =	sld [smem:$0x3F99];
	_ =	sdelay $0x3  }
0x37: {  	[smem:$0x3F99] =	sst s10  }
0x38: {  	s10 =	sld [smem:$0x3F9A]  }
0x39: {  	_ = 	snop;
	(pc) =	sbr.ind lr, $3  }
0x3a: {  	_ = 	snop  }
0x3b: {  	_ = 	snop  }
0x3c: {  	p2 =	seq.s32 s10, $0x1;
	s10 =	sld [smem:$0x3F99]  }
0x3d: {  	_ =	shalt  }
0x3e: {  	_ =	shalt  }
0x3f: {  	_ =	shalt  }
0x40: {  	_ =	shalt  }
0x41: {  	_ =	shalt  }
0x42: {  	_ =	shalt  }
0x43: {  	_ =	shalt  }
0x44: {  	_ =	shalt  }
0x45: {  	_ =	shalt  }
0x46: {  	_ =	shalt  }
0x47: {  	_ =	shalt  }
0x48: {  	_ =	shalt  }
0x49: {  	_ =	shalt  }
0x4a: {  	_ =	shalt  }
0x4b: {  	_ =	shalt  }
0x4c: {  	_ =	shalt  }
0x4d: {  	_ =	shalt  }
0x4e: {  	_ =	shalt  }
0x4f: {  	_ =	shalt  }
0x50: {  	_ =	shalt  }
0x51: {  	_ =	shalt  }
0x52: {  	_ =	shalt  }
0x53: {  	_ =	shalt  }
0x54: {  	_ =	shalt  }
0x55: {  	_ =	shalt  }
0x56: {  	_ =	shalt  }
0x57: {  	_ =	shalt  }
0x58: {  	_ =	shalt  }
0x59: {  	_ =	shalt  }
0x5a: {  	_ =	shalt  }
0x5b: {  	_ =	shalt  }
0x5c: {  	_ =	shalt  }
0x5d: {  	_ =	shalt  }
0x5e: {  	_ =	shalt  }
0x5f: {  	_ =	shalt  }
0x60: {  	_ =	shalt  }
0x61: {  	_ =	shalt  }
0x62: {  	_ =	shalt  }
0x63: {  	_ =	shalt  }
0x64: {  	_ =	shalt  }
0x65: {  	_ =	shalt  }
0x66: {  	_ =	shalt  }
0x67: {  	_ =	shalt  }
0x68: {  	_ =	shalt  }
0x69: {  	_ =	shalt  }
0x6a: {  	_ =	shalt  }
0x6b: {  	_ =	shalt  }
0x6c: {  	_ =	shalt  }
0x6d: {  	_ =	shalt  }
0x6e: {  	_ =	shalt  }
0x6f: {  	_ =	shalt  }
0x70: {  	_ =	shalt  }
0x71: {  	_ =	shalt  }
0x72: {  	_ =	shalt  }
0x73: {  	_ =	shalt  }
0x74: {  	_ =	shalt  }
0x75: {  	_ =	shalt  }
0x76: {  	_ =	shalt  }
0x77: {  	_ =	shalt  }
0x78: {  	_ =	shalt  }
0x79: {  	_ =	shalt  }
0x7a: {  	_ =	shalt  }
0x7b: {  	_ =	shalt  }
0x7c: {  	_ =	shalt  }
0x7d: {  	_ =	shalt  }
0x7e: {  	_ =	shalt  }
0x7f: {  	_ =	shalt  }
0x80: {  	_ =	shalt  }
0x81: {  	_ =	shalt  }
0x82: {  	_ =	shalt  }
0x83: {  	_ =	shalt  }
0x84: {  	_ =	shalt  }
0x85: {  	_ =	shalt  }
0x86: {  	_ =	shalt  }
0x87: {  	_ =	shalt  }
.Lfunc_end0:
.L_simem_size_0:
called_computation.5_lowered:
.L_overlay_start_0:
0x88: {  	s2 =	sld [smem:$0x3FD9]  }
0x89: {  	s3 =	sld [smem:$0x3FFE];
	_ =	sdelay $0x1  }
0x8a: {  	s1 =	srdreg.scid  }
0x8b: {  	s0 =	sand.u32 $0x1, s1  }
0x8c: {  	s14 =	sshll.u32 s0, $0xA;
	s2 =	sadd.s32 s3, s2  }
0x8d: {  	s2 =	sadd.s32 s2, s14  }
0x8e: {  	[smem:$0x3FA5] =	sst s2  }
0x8f: {  	_ = 	snop  }
0x90: {  	s2 =	sld [smem:$0x3FD0];
	_ =	sdelay $0x2  }
0x91: {  	s15 =	simm.s32 $0xB;
	s4 =	simm.s32 $0x10  }
0x92: {  	[smem:s4], [sflag:s15] =	dma.local [hbm:s2], $0x1  }
0x93: {  	_ =	swait.eq [sflag:s15], $0x1  }
0x94: {  	[sflag:s15] =	ssyncset.done $0x0  }
0x95: {  	[sflag:s15] =	ssyncadd.s32 $0xFFFFFFFF  }
0x96: {  	s16 =	sld [smem:$0x15];
	(tm) =	ssettm $0x1  }
0x97: {  	s17 =	sld [smem:$0x3FFB];
	_ =	sdelay $0x3  }
0x98: {  	_ =	strace s17  }
0x99: {  	s3 =	sld [smem:$0x3FFC];
	_ =	sdelay $0x3  }
0x9a: {  	_ =	strace s3  }
0x9b: {  	s3 =	sld [smem:$0x3FFD];
	_ =	sdelay $0x3  }
0x9c: {  	_ =	strace s3  }
0x9d: {  	_ =	strace $0x8FFFFFFF  }
0x9e: {  	s18 =	sld [smem:$0x3FDB];
	_ =	sdelay $0x1  }
0x9f: {  	s19 =	simm.s32 $_scs_section_size  }
0xa0: {  	s5 =	simm.s32 $_size__tile_overlayer_lowered;
	s6 =	simm.s32 $_tile_overlayer_lowered  }
0xa1: {  	s22 =	simm.s32 $0x1BFF;
	s21 =	sshll.u32 s6, $0x1;
	s3 =	sadd.s32 s19, s18  }
0xa2: {  	s7 =	simm.s32 $0x0;
	s20 =	sshll.u32 s5, $0x1;
	s5 =	sadd.s32 s21, s3  }
0xa3: {  	[timem:s7], [sflag:s22] =	dma.local [hbm:s5], s20  }
0xa4: {  	_ =	swait.ge [sflag:s22], s20  }
0xa5: {  	s4 =	ssub.s32 $0x0, s20;
	[sflag:s22] =	ssyncset.done $0x0  }
0xa6: {  	[sflag:s22] =	ssyncadd.s32 s4;
	_ =	sdelay $0x1  }
0xa7: {  	s23 =	simm.s32 $0x1B8B  }
0xa8: {  	_ =	swait.ge [sflag:s23], $0x1  }
0xa9: {  	[sflag:s23] =	ssyncset.done $0x0  }
0xaa: {  	s25 =	simm.s32 $0x1B8E;
	s24 =	sld [smem:$0x3FFE];
	[sflag:s23] =	ssyncadd.s32 $0xFFFFFFFF  }
0xab: {  	s26 =	simm.s32 $execute0_lowered;
	[smem:$0x3FD2] =	sst s25  }
0xac: {  	s5 =	sshll.u32 s26, $0x1;
	_ =	strace $0x80000055;
	[dreg:$0x1] =	wrdreg $0xFFFFFFFF  }
0xad: {  	s28 =	simm.s32 $_size_execute0_lowered;
	s3 =	sadd.s32 s3, s5;
	[dreg:$0x0] =	wrdreg $0x0  }
0xae: {  	s5 =	sshll.u32 s28, $0x1;
	[dreg:$0x2] =	wrdreg s3  }
0xaf: {  	[dreg:$0x3] =	wrdreg s5  }
0xb0: {  	[dreg:$0x4] =	wrdreg $0xC0  }
0xb1: {  	_ =	task [dreg:s7], $0x5FFFF  }
0xb2: {  	[dreg:$0x1] =	wrdreg $0xFFFFFFFF  }
0xb3: {  	[dreg:$0x0] =	wrdreg $0x60  }
0xb4: {  	[dreg:$0x2] =	wrdreg s24  }
0xb5: {  	[dreg:$0x3] =	wrdreg s16  }
0xb6: {  	[dreg:$0x4] =	wrdreg $0x12B100  }
0xb7: {  	[dreg:$0x5] =	wrdreg $0x9  }
0xb8: {  	_ =	task.clear_ibuf [dreg:s7], $0x6FFFF;
	_ =	strace $0x90000055  }
0xb9: {  	s29 =	simm.s32 $0x9;
	_ =	strace $0x80000057  }
0xba: {  	_ =	swait.ge [sflag:s29], $0x1  }
0xbb: {  	[sflag:s29] =	ssyncadd.s32 $0xFFFFFFFF  }
0xbc: {  	_ =	strace $0x90000057  }
0xbd: {  	_ =	sfence  }
0xbe: {  	s30 =	sld [smem:$0x0];
	_ =	sdelay $0x2  }
0xbf: {  	s31 =	sshll.u32 s1, $0xD;
	s1 =	sshrl.u32 s1, $0x2  }
0xc0: {  	s3 =	sand.u32 $0x4000, s31;
	s1 =	sadd.s32 s1, s30  }
0xc1: {  	s0 =	sor.u32 s3, s0;
	s1 =	sshll.u32 s1, $0x11  }
0xc2: {  	s0 =	sor.u32 s1, s0  }
0xc3: {  	s0 =	sadd.s32 $0x8F2B, s0  }
0xc4: {  	[sflag:s0] =	ssyncadd.remote.s32 $0x1  }
0xc5: {  	_ =	sfence.sel $0xFFFF  }
0xc6: {  	[dreg:$0x0] =	wrdreg $0xFFFFFFFF;
	(pc) =	sbr.abs _section_cstart, $3  }
0xc7: {  	[dreg:$0x1] =	wrdreg $0xFFFFFFFF  }
0xc8: {  	_ =	task.clear_ibuf [dreg:s7], $0x2FFFF;
	_ =	strace $0x9FFFFFFF  }
0xc9: {  	(tm) =	ssettm $0x7FFFFFFF  }
tec
execute0_lowered:
.L_overlay_start_1:
0x0: {  	(tag) =	ssettag $0x1  }
0x1: {  	s4 =	rddreg [dreg:$0x0]  }
0x2: {  	s6 =	rddreg [dreg:$0x1]  }
0x3: {  	s2 =	rddreg [dreg:$0x2];
	s1 =	stileid.u32  }
0x4: {  	s3 =	srdreg.scid;
	s0 =	rddreg [dreg:$0x3];
	s13 =	simm.s32 $0x3B10  }
0x5: {  	s14 =	simm.s32 $0x4F10;
	s15 =	simm.s32 $0x6310;
	s8 =	smul.u32 $0x27100, s1  }
0x6: {  	s16 =	simm.s32 $0x7710;
	s5 =	sand.u32 $0x1, s3;
	s9 =	smul.u32 $0xA000, s1  }
0x7: {  	s17 =	simm.s32 $0x0;
	s7 =	sshll.u32 s1, $0x1;
	s11 =	smul.u32 $0xA0000, s5  }
0x8: {  	s3 =	simm.s32 $0x0;
	s7 =	sor.u32 s5, s7;
	s12 =	smul.u32 $0x13880, s5  }
0x9: {  	[smem:$0x7FF] =	sst s3;
	s10 =	ssub.s32 $0x2, s5;
	s7 =	smul.u32 $0x2710, s7  }
0xa: {  	_ =	strace $0x80000056;
	s8 =	sadd.s32 s8, s4;
	s30 =	sshrl.u32 s10, $0x1  }
0xb: {  	s10 =	ssub.s32 s10, s30;
	s8 =	sadd.s32 s12, s8;
	s7 =	sshrl.u32 s7, $0x3  }
0xc: {  	s12 =	simm.s32 $0x50;
	s8 =	sadd.s32 $0x1F600, s8;
	s7 =	sadd.s32 s7, s4  }
0xd: {  	s4 =	sadd.s32 s9, s2;
	s9 =	sadd.s32 s9, s11;
	s11 =	simm.s32 $0x2710  }
0xe: {  	s5 =	sadd.s32 $0x15800, s7;
	s31 =	sshrl.u32 s9, $0x3;
	s7 =	smax.u32 s10, $0x1  }
0xf: {  	v0 =	vimm.f32 $0.0e+00;
	s9 =	simm.s32 $0x8B10;
	s10 =	simm.s32 $0x1;
	s6 =	sadd.s32 s6, s31  }
.LBB2_1:
0x10: {  	s19 =	simm.s32 $0x100;
	s18 =	simm.s32 $0x0  }
.LBB2_2:
0x11: {  	p0 =	sne.s32 s19, $0x27F00;
	[tilespmem:s18+$0x8B40] =	vst v0;
	s20 =	smov.u32 s19;
	s19 =	sadd.s32 $0x100, s19  }
.Ltmp0:
0x12: {  	[tilespmem:s18+$0x8B30] =	vst v0;
	(pc) =	sbr.rel @p0 .LBB2_2-.Ltmp0, $3  }
0x13: {  	[tilespmem:s18+$0x8B10] =	vst v0  }
0x14: {  	[tilespmem:s18+$0x8B20] =	vst v0;
	_ =	sdelay $0x1  }
0x15: {  	s18 =	sshra.s32 s20, $0x2  }
0x16: {  	[tilespmem:s18+$0x8B40] =	vst v0  }
0x17: {  	[tilespmem:s18+$0x8B30] =	vst v0  }
0x18: {  	[tilespmem:s18+$0x8B10] =	vst v0  }
0x19: {  	[tilespmem:s18+$0x8B20] =	vst v0  }
0x1a: {  	[spmem:s4] =	stream.linear.scatter [tilespmem:s9], [sflag:$0x1], $0xA000, $0x38;
	[tilespmem:$0x1CB10] =	vst v63  }
0x1b: {  	_ =	swait.ge [sflag:s10], $0xA000  }
0x1c: {  	[sflag:s10] =	ssyncset.done $0x0  }
0x1d: {  	[sflag:s10] =	ssyncadd.s32 $0xFFFF6000  }
0x1e: {  	s25 =	simm.s32 $0x0;
	[bflag:$0x0] =	sbarrier.arrive $0xFFFF  }
0x1f: {  	[tilespmem:s25], [sflag:$0x1] =	stream.linear.gather [hbm4b:s5+s25], $0x2710, $0x38;
	[tilespmem:$0x1CB10] =	vst v63  }
0x20: {  	_ =	swait.ge [sflag:s10], $0x2710  }
0x21: {  	[sflag:s10] =	ssyncset.done $0x0  }
0x22: {  	[sflag:s10] =	ssyncadd.s32 $0xFFFFD8F0  }
0x23: {  	[tilespmem:s11], [sflag:$0x1] =	stream.linear.gather [hbm4b:s8+s3], $0x6400, $0x38;
	[tilespmem:$0x1CB10] =	vst v63  }
0x24: {  	_ =	swait.ge [sflag:s10], $0x6400  }
0x25: {  	[sflag:s10] =	ssyncset.done $0x0  }
0x26: {  	s26 =	simm.s32 $0x0;
	[sflag:s10] =	ssyncadd.s32 $0xFFFF9C00  }
0x27: {  	[spmem:s2] =	stream.indirect.scatter.add.f32 [tilespmem:s11], [sflag:$0x1], $0x40, s26, s12, $0xb8;
	[tilespmem:$0x1CB10] =	vst v63  }
0x28: {  	_ =	swait.ge [sflag:s10], $0x1400  }
0x29: {  	[sflag:s10] =	ssyncset.done $0x0  }
0x2a: {  	s28 =	simm.s32 $0x50;
	[sflag:s10] =	ssyncadd.s32 $0xFFFFEC00  }
0x2b: {  	[spmem:s2] =	stream.indirect.scatter.add.f32 [tilespmem:s13], [sflag:$0x1], $0x40, s28, s12, $0xb8;
	[tilespmem:$0x1CB10] =	vst v63  }
0x2c: {  	_ =	swait.ge [sflag:s10], $0x1400  }
0x2d: {  	[sflag:s10] =	ssyncset.done $0x0  }
0x2e: {  	s29 =	simm.s32 $0xA0;
	[sflag:s10] =	ssyncadd.s32 $0xFFFFEC00  }
0x2f: {  	[spmem:s2] =	stream.indirect.scatter.add.f32 [tilespmem:s14], [sflag:$0x1], $0x40, s29, s12, $0xb8;
	[tilespmem:$0x1CB10] =	vst v63  }
0x30: {  	_ =	swait.ge [sflag:s10], $0x1400  }
0x31: {  	[sflag:s10] =	ssyncset.done $0x0  }
0x32: {  	s30 =	simm.s32 $0xF0;
	[sflag:s10] =	ssyncadd.s32 $0xFFFFEC00  }
0x33: {  	[spmem:s2] =	stream.indirect.scatter.add.f32 [tilespmem:s15], [sflag:$0x1], $0x40, s30, s12, $0xb8;
	[tilespmem:$0x1CB10] =	vst v63  }
0x34: {  	_ =	swait.ge [sflag:s10], $0x1400  }
0x35: {  	[sflag:s10] =	ssyncset.done $0x0  }
0x36: {  	s31 =	simm.s32 $0x140;
	[sflag:s10] =	ssyncadd.s32 $0xFFFFEC00  }
0x37: {  	[spmem:s2] =	stream.indirect.scatter.add.f32 [tilespmem:s16], [sflag:$0x1], $0x40, s31, s12, $0xb8;
	[tilespmem:$0x1CB10] =	vst v63  }
0x38: {  	_ =	swait.ge [sflag:s10], $0x1400  }
0x39: {  	s18 =	simm.s32 $0x640;
	s19 =	smov.u32 s8;
	[sflag:s10] =	ssyncset.done $0x0  }
.LBB2_4:
0x3a: {  	p0 =	sne.s32 s18, $0x9600;
	[sflag:s10] =	ssyncadd.s32 $0xFFFFEC00;
	s19 =	sadd.s32 $0xC80, s19  }
0x3b: {  	[tilespmem:s11], [sflag:$0x1] =	stream.linear.gather [hbm4b:s19+s3], $0x6400, $0x38;
	[tilespmem:$0x1CB10] =	vst v63  }
0x3c: {  	s20 =	smov.u32 s18;
	s18 =	sadd.s32 $0x640, s18;
	_ =	swait.ge [sflag:s10], $0x6400  }
0x3d: {  	[sflag:s10] =	ssyncset.done $0x0  }
0x3e: {  	s20 =	sshra.s32 s20, $0x2;
	[sflag:s10] =	ssyncadd.s32 $0xFFFF9C00  }
0x3f: {  	[spmem:s2] =	stream.indirect.scatter.add.f32 [tilespmem:s11], [sflag:$0x1], $0x40, s20, s12, $0xb8;
	[tilespmem:$0x1CB10] =	vst v63  }
0x40: {  	_ =	swait.ge [sflag:s10], $0x1400  }
0x41: {  	[sflag:s10] =	ssyncset.done $0x0  }
0x42: {  	s21 =	sadd.s32 $0x50, s20;
	[sflag:s10] =	ssyncadd.s32 $0xFFFFEC00  }
0x43: {  	[spmem:s2] =	stream.indirect.scatter.add.f32 [tilespmem:s13], [sflag:$0x1], $0x40, s21, s12, $0xb8;
	[tilespmem:$0x1CB10] =	vst v63  }
0x44: {  	_ =	swait.ge [sflag:s10], $0x1400  }
0x45: {  	[sflag:s10] =	ssyncset.done $0x0  }
0x46: {  	s21 =	sadd.s32 $0xA0, s20;
	[sflag:s10] =	ssyncadd.s32 $0xFFFFEC00  }
0x47: {  	[spmem:s2] =	stream.indirect.scatter.add.f32 [tilespmem:s14], [sflag:$0x1], $0x40, s21, s12, $0xb8;
	[tilespmem:$0x1CB10] =	vst v63  }
0x48: {  	_ =	swait.ge [sflag:s10], $0x1400  }
0x49: {  	[sflag:s10] =	ssyncset.done $0x0  }
0x4a: {  	s21 =	sadd.s32 $0xF0, s20;
	[sflag:s10] =	ssyncadd.s32 $0xFFFFEC00  }
0x4b: {  	[spmem:s2] =	stream.indirect.scatter.add.f32 [tilespmem:s15], [sflag:$0x1], $0x40, s21, s12, $0xb8;
	[tilespmem:$0x1CB10] =	vst v63  }
0x4c: {  	_ =	swait.ge [sflag:s10], $0x1400  }
.Ltmp1:
0x4d: {  	[sflag:s10] =	ssyncset.done $0x0;
	(pc) =	sbr.rel @p0 .LBB2_4-.Ltmp1, $4  }
0x4e: {  	s20 =	sadd.s32 $0x140, s20;
	[sflag:s10] =	ssyncadd.s32 $0xFFFFEC00  }
0x4f: {  	[spmem:s2] =	stream.indirect.scatter.add.f32 [tilespmem:s16], [sflag:$0x1], $0x40, s20, s12, $0xb8;
	[tilespmem:$0x1CB10] =	vst v63  }
0x50: {  	_ =	swait.ge [sflag:s10], $0x1400  }
0x51: {  	[sflag:s10] =	ssyncset.done $0x0  }
0x52: {  	[sflag:s10] =	ssyncadd.s32 $0xFFFFEC00  }
0x53: {  	[bflag:$0x0] =	sbarrier.arrive $0xFFFF  }
0x54: {  	[tilespmem:s9], [sflag:$0x1] =	stream.linear.gather [spmem:s4], $0xA000, $0x38;
	[tilespmem:$0x1CB10] =	vst v63  }
0x55: {  	s17 =	sadd.s32 $0x1, s17;
	_ =	swait.ge [sflag:s10], $0xA000  }
0x56: {  	p0 =	sne.s32 s17, s7;
	[sflag:s10] =	ssyncset.done $0x0  }
.Ltmp2:
0x57: {  	[sflag:s10] =	ssyncadd.s32 $0xFFFF6000;
	(pc) =	sbr.rel @p0 .LBB2_1-.Ltmp2, $4  }
0x58: {  	[hbm4b:s6+s3] =	stream.linear.scatter [tilespmem:s9], [sflag:$0x1], $0xA000, $0x38;
	[tilespmem:$0x1CB10] =	vst v63  }
0x59: {  	_ =	swait.ge [sflag:s10], $0xA000  }
0x5a: {  	[sflag:s10] =	ssyncset.done $0x0  }
0x5b: {  	[sflag:s10] =	ssyncadd.s32 $0xFFFF6000  }
0x5c: {  	_ =	sfence.sel $0x180000  }
0x5d: {  	[bflag:$0x0] =	sbarrier.arrive $0xFFFF  }
0x5e: {  	p0 =	sne.s32 s1, $0x0;
	_ =	strace $0x90000056  }
0x5f: {  	s0 =	sadd.s32 @!p0 $0x100000, s0;
	[bflag:$0x2] =	sbarrier.arrive $0xFFFF  }
0x60: {  	[sflag:s0] =	ssyncadd.tile.s32 @!p0 $0x1;
	_ =	shalt  }
.Lfunc_end2:
_tile_overlayer_lowered:
.L_overlay_start_2:
0x61: {  	(tag) =	ssettag $0x2  }
0x62: {  	s0 =	rddreg [dreg:$0x0];
	s2 =	stileid.u32  }
0x63: {  	s1 =	rddreg [dreg:$0x1];
	p0 =	sne.s32 s2, $0x0  }
0x64: {  	s3 =	rddreg [dreg:$0x2];
	[bflag:$0x3] =	sbarrier.arrive $0xFFFF;
	s2 =	simm.s32 @!p0 $0x1C01  }
0x65: {  	[timem:s3], [sflag:s2] =	dma.local @!p0 [hbm:s0], s1  }
0x66: {  	s0 =	simm.s32 @!p0 $0x1  }
0x67: {  	_ =	swait.ge @!p0 [sflag:s0], s1  }
0x68: {  	s1 =	ssub.s32 @!p0 $0x0, s1;
	[sflag:s0] =	ssyncset.done @!p0 $0x0  }
0x69: {  	[sflag:s0] =	ssyncadd.s32 @!p0 s1  }
0x6a: {  	[bflag:$0x3] =	sbarrier.arrive $0xFFFF  }
0x6b: {  	_ =	shalt  }

// kernel: kernel.31.cloned.1.call-start
scs
__scs_entry_jumppad:
0x0: {  	(pc) =	sbr.rel $0x88, $3  }
0x1: {  	(tag) =	ssettag $0x0;
	lr =	simm.s32 $0x1  }
0x2: {  	[smem:$0x3F7E] =	sst lr;
	_ =	strace $0xD0000000  }
0x3: {  	_ = 	snop  }
0x4: {  	_ = 	snop  }
0x5: {  	_ = 	snop  }
0x6: {  	_ = 	snop  }
0x7: {  	_ = 	snop  }
__scs_overlays_trampoline_lowered:
0x8: {  	[smem:$0x3F8D] =	sst s0  }
0x9: {  	[smem:$0x3F8E] =	sst s1  }
0xa: {  	[smem:$0x3F8F] =	sst s2  }
0xb: {  	[smem:$0x3F90] =	sst s3  }
0xc: {  	[smem:$0x3F91] =	sst s4  }
0xd: {  	[smem:$0x3F92] =	sst s5  }
0xe: {  	[smem:$0x3F93] =	sst s6  }
0xf: {  	[smem:$0x3F94] =	sst s7  }
0x10: {  	[smem:$0x3F95] =	sst s8  }
0x11: {  	[smem:$0x3F96] =	sst s9;
	s0 =	simm.s32 @!p0 $0x0  }
0x12: {  	s1 =	sld [smem:$0x3F7C];
	s0 =	simm.s32 @p0 $0x1  }
0x13: {  	[smem:$0x3F97] =	sst s0;
	s0 =	simm.s32 @!p1 $0x0  }
0x14: {  	s2 =	sld [smem:$0x3F7B];
	s0 =	simm.s32 @p1 $0x1  }
0x15: {  	[smem:$0x3F98] =	sst s0;
	s0 =	simm.s32 @!p2 $0x0  }
0x16: {  	s3 =	sld [smem:$0x3FDB];
	s0 =	simm.s32 @p2 $0x1  }
0x17: {  	s4 =	simm.s32 $0x1BF5;
	[smem:$0x3F9A] =	sst s0  }
0x18: {  	s0 =	sld [smem:$0x3F7D];
	_ =	swait.ge [sflag:s4], $0x0  }
0x19: {  	s7 =	sld [smem:$0x3F7E]  }
0x1a: {  	s8 =	sadd.s32 $0xFFFFE003, lr  }
0x1b: {  	s9 =	sadd.s32 $0xFFFFFEF7, lr;
	s5 =	simm.s32 $0xFFFFFFFF;
	p2 =	slt.u32 s8, $0xFFFFF086  }
0x1c: {  	p1 =	slt.u32 s9, $0xF7A;
	s5 =	simm.s32 @!p2 $0x0  }
0x1d: {  	s5 =	simm.s32 @p1 $0x1;
	p0 =	seq.s32 s7, s2  }
0x1e: {  	s7 =	smul.u32 @!p0 $0xF7A, s2;
	p2 =	seq.s32 @!p0 s5, $0x0  }
0x1f: {  	s9 =	smul.u32 $0xF7A, s1;
	s8 =	simm.s32 @!p0 $0x1BF5;
	p2 =	por !p2, p0  }
0x20: {  	[sflag:s8] =	ssyncset.s32 @!p0 $0xFFFFF086;
	s6 =	sadd.s32 @!p0 s3, s7;
	s7 =	simm.s32 @!p0 $0x108  }
0x21: {  	s3 =	sadd.s32 s3, s9;
	s6 =	sadd.s32 @!p0 $0x88, s6;
	s7 =	simm.s32 @p2 $0x1082  }
0x22: {  	[simem:s7], [sflag:s8] =	dma.local @!p0 [hbm:s6], $0xF7A  }
0x23: {  	s9 =	sor.u32 $0xD0000000, s2;
	s6 =	simm.s32 $0x108;
	_ =	swait.ge @!p0 [sflag:s8], $0x0  }
0x24: {  	s3 =	sadd.s32 $0x88, s3;
	s6 =	simm.s32 @!p1 $0x1082;
	[sflag:s4] =	ssyncset.s32 $0xFFFFF086  }
0x25: {  	[simem:s6], [sflag:s4] =	dma.local [hbm:s3], $0xF7A  }
0x26: {  	[smem:$0x3F7E] =	sst s1;
	(tag) =	ssettag s2;
	_ =	strace s9  }
0x27: {  	s1 =	sld [smem:$0x3F8E]  }
0x28: {  	s2 =	sld [smem:$0x3F8F]  }
0x29: {  	s4 =	sld [smem:$0x3F91]  }
0x2a: {  	p0 =	seq.s32 s5, $0x0;
	s5 =	sld [smem:$0x3F92]  }
0x2b: {  	s6 =	sld [smem:$0x3F93]  }
0x2c: {  	s7 =	sld [smem:$0x3F94]  }
0x2d: {  	s3 =	simm.s32 $0x108;
	s8 =	sld [smem:$0x3F95]  }
0x2e: {  	s3 =	simm.s32 @!p0 $0x1082;
	s9 =	sld [smem:$0x3F96]  }
0x2f: {  	lr =	sadd.s32 s0, s3;
	s0 =	sld [smem:$0x3F8D]  }
0x30: {  	s3 =	sld [smem:$0x3F90]  }
0x31: {  	[smem:$0x3F99] =	sst s10  }
0x32: {  	s10 =	sld [smem:$0x3F97];
	_ =	sdelay $0x3  }
0x33: {  	p0 =	seq.s32 s10, $0x1;
	s10 =	sld [smem:$0x3F99];
	_ =	sdelay $0x3  }
0x34: {  	[smem:$0x3F99] =	sst s10  }
0x35: {  	s10 =	sld [smem:$0x3F98];
	_ =	sdelay $0x3  }
0x36: {  	p1 =	seq.s32 s10, $0x1;
	s10 =	sld [smem:$0x3F99];
	_ =	sdelay $0x3  }
0x37: {  	[smem:$0x3F99] =	sst s10  }
0x38: {  	s10 =	sld [smem:$0x3F9A]  }
0x39: {  	_ = 	snop;
	(pc) =	sbr.ind lr, $3  }
0x3a: {  	_ = 	snop  }
0x3b: {  	_ = 	snop  }
0x3c: {  	p2 =	seq.s32 s10, $0x1;
	s10 =	sld [smem:$0x3F99]  }
0x3d: {  	_ =	shalt  }
0x3e: {  	_ =	shalt  }
0x3f: {  	_ =	shalt  }
0x40: {  	_ =	shalt  }
0x41: {  	_ =	shalt  }
0x42: {  	_ =	shalt  }
0x43: {  	_ =	shalt  }
0x44: {  	_ =	shalt  }
0x45: {  	_ =	shalt  }
0x46: {  	_ =	shalt  }
0x47: {  	_ =	shalt  }
0x48: {  	_ =	shalt  }
0x49: {  	_ =	shalt  }
0x4a: {  	_ =	shalt  }
0x4b: {  	_ =	shalt  }
0x4c: {  	_ =	shalt  }
0x4d: {  	_ =	shalt  }
0x4e: {  	_ =	shalt  }
0x4f: {  	_ =	shalt  }
0x50: {  	_ =	shalt  }
0x51: {  	_ =	shalt  }
0x52: {  	_ =	shalt  }
0x53: {  	_ =	shalt  }
0x54: {  	_ =	shalt  }
0x55: {  	_ =	shalt  }
0x56: {  	_ =	shalt  }
0x57: {  	_ =	shalt  }
0x58: {  	_ =	shalt  }
0x59: {  	_ =	shalt  }
0x5a: {  	_ =	shalt  }
0x5b: {  	_ =	shalt  }
0x5c: {  	_ =	shalt  }
0x5d: {  	_ =	shalt  }
0x5e: {  	_ =	shalt  }
0x5f: {  	_ =	shalt  }
0x60: {  	_ =	shalt  }
0x61: {  	_ =	shalt  }
0x62: {  	_ =	shalt  }
0x63: {  	_ =	shalt  }
0x64: {  	_ =	shalt  }
0x65: {  	_ =	shalt  }
0x66: {  	_ =	shalt  }
0x67: {  	_ =	shalt  }
0x68: {  	_ =	shalt  }
0x69: {  	_ =	shalt  }
0x6a: {  	_ =	shalt  }
0x6b: {  	_ =	shalt  }
0x6c: {  	_ =	shalt  }
0x6d: {  	_ =	shalt  }
0x6e: {  	_ =	shalt  }
0x6f: {  	_ =	shalt  }
0x70: {  	_ =	shalt  }
0x71: {  	_ =	shalt  }
0x72: {  	_ =	shalt  }
0x73: {  	_ =	shalt  }
0x74: {  	_ =	shalt  }
0x75: {  	_ =	shalt  }
0x76: {  	_ =	shalt  }
0x77: {  	_ =	shalt  }
0x78: {  	_ =	shalt  }
0x79: {  	_ =	shalt  }
0x7a: {  	_ =	shalt  }
0x7b: {  	_ =	shalt  }
0x7c: {  	_ =	shalt  }
0x7d: {  	_ =	shalt  }
0x7e: {  	_ =	shalt  }
0x7f: {  	_ =	shalt  }
0x80: {  	_ =	shalt  }
0x81: {  	_ =	shalt  }
0x82: {  	_ =	shalt  }
0x83: {  	_ =	shalt  }
0x84: {  	_ =	shalt  }
0x85: {  	_ =	shalt  }
0x86: {  	_ =	shalt  }
0x87: {  	_ =	shalt  }
.Lfunc_end0:
.L_simem_size_0:
called_computation.6_lowered:
.L_overlay_start_0:
0x88: {  	s2 =	sld [smem:$0x3FD9]  }
0x89: {  	s3 =	sld [smem:$0x3FFE];
	_ =	sdelay $0x1  }
0x8a: {  	s1 =	srdreg.scid  }
0x8b: {  	s0 =	sand.u32 $0x1, s1  }
0x8c: {  	s14 =	sshll.u32 s0, $0xA;
	s2 =	sadd.s32 s3, s2  }
0x8d: {  	s2 =	sadd.s32 s2, s14  }
0x8e: {  	[smem:$0x3FA5] =	sst s2  }
0x8f: {  	_ = 	snop  }
0x90: {  	s2 =	sld [smem:$0x3FD0];
	_ =	sdelay $0x2  }
0x91: {  	s15 =	simm.s32 $0xB;
	s4 =	simm.s32 $0x10  }
0x92: {  	[smem:s4], [sflag:s15] =	dma.local [hbm:s2], $0x1  }
0x93: {  	_ =	swait.eq [sflag:s15], $0x1  }
0x94: {  	[sflag:s15] =	ssyncset.done $0x0  }
0x95: {  	s16 =	sld [smem:$0x12];
	[sflag:s15] =	ssyncadd.s32 $0xFFFFFFFF  }
0x96: {  	s17 =	sld [smem:$0x13];
	(tm) =	ssettm $0x1  }
0x97: {  	s18 =	sld [smem:$0x3FFB];
	_ =	sdelay $0x3  }
0x98: {  	_ =	strace s18  }
0x99: {  	s4 =	sld [smem:$0x3FFC];
	_ =	sdelay $0x3  }
0x9a: {  	_ =	strace s4  }
0x9b: {  	s4 =	sld [smem:$0x3FFD];
	_ =	sdelay $0x3  }
0x9c: {  	_ =	strace s4  }
0x9d: {  	_ =	strace $0x8FFFFFFF  }
0x9e: {  	s19 =	sld [smem:$0x3FDB];
	_ =	sdelay $0x1  }
0x9f: {  	s5 =	simm.s32 $_scs_section_size  }
0xa0: {  	s6 =	simm.s32 $_size__tile_overlayer_lowered;
	s7 =	simm.s32 $_tile_overlayer_lowered  }
0xa1: {  	s22 =	simm.s32 $0x1BFF;
	s21 =	sshll.u32 s7, $0x1;
	s4 =	sadd.s32 s5, s19  }
0xa2: {  	s8 =	simm.s32 $0x0;
	s20 =	sshll.u32 s6, $0x1;
	s6 =	sadd.s32 s21, s4  }
0xa3: {  	[timem:s8], [sflag:s22] =	dma.local [hbm:s6], s20  }
0xa4: {  	_ =	swait.ge [sflag:s22], s20  }
0xa5: {  	s5 =	ssub.s32 $0x0, s20;
	[sflag:s22] =	ssyncset.done $0x0  }
0xa6: {  	[sflag:s22] =	ssyncadd.s32 s5;
	_ =	sdelay $0x1  }
0xa7: {  	s23 =	simm.s32 $0x1B8B  }
0xa8: {  	_ =	swait.ge [sflag:s23], $0x1  }
0xa9: {  	[sflag:s23] =	ssyncset.done $0x0  }
0xaa: {  	s25 =	simm.s32 $0x1B8E;
	s24 =	sld [smem:$0x3FFE];
	[sflag:s23] =	ssyncadd.s32 $0xFFFFFFFF  }
0xab: {  	s26 =	simm.s32 $execute0_lowered;
	[smem:$0x3FD2] =	sst s25  }
0xac: {  	s6 =	sshll.u32 s26, $0x1;
	_ =	strace $0x80000058;
	[dreg:$0x1] =	wrdreg $0xFFFFFFFF  }
0xad: {  	s28 =	simm.s32 $_size_execute0_lowered;
	s4 =	sadd.s32 s4, s6;
	[dreg:$0x0] =	wrdreg $0x0  }
0xae: {  	s6 =	sshll.u32 s28, $0x1;
	[dreg:$0x2] =	wrdreg s4  }
0xaf: {  	[dreg:$0x3] =	wrdreg s6  }
0xb0: {  	[dreg:$0x4] =	wrdreg $0xC0  }
0xb1: {  	_ =	task [dreg:s8], $0x5FFFF  }
0xb2: {  	[dreg:$0x1] =	wrdreg $0xFFFFFFFF  }
0xb3: {  	[dreg:$0x0] =	wrdreg $0x60  }
0xb4: {  	[dreg:$0x2] =	wrdreg s17  }
0xb5: {  	[dreg:$0x3] =	wrdreg s16  }
0xb6: {  	[dreg:$0x4] =	wrdreg s24  }
0xb7: {  	[dreg:$0x5] =	wrdreg $0x9  }
0xb8: {  	_ =	task.clear_ibuf [dreg:s8], $0x6FFFF;
	_ =	strace $0x90000058  }
0xb9: {  	s29 =	simm.s32 $0x9;
	_ =	strace $0x8000005A  }
0xba: {  	_ =	swait.ge [sflag:s29], $0x1  }
0xbb: {  	[sflag:s29] =	ssyncadd.s32 $0xFFFFFFFF  }
0xbc: {  	_ =	strace $0x9000005A  }
0xbd: {  	_ =	sfence  }
0xbe: {  	s30 =	sld [smem:$0x0];
	_ =	sdelay $0x2  }
0xbf: {  	s31 =	sshll.u32 s1, $0xD;
	s1 =	sshrl.u32 s1, $0x2  }
0xc0: {  	s3 =	sand.u32 $0x4000, s31;
	s1 =	sadd.s32 s1, s30  }
0xc1: {  	s0 =	sor.u32 s3, s0;
	s1 =	sshll.u32 s1, $0x11  }
0xc2: {  	s0 =	sor.u32 s1, s0  }
0xc3: {  	s0 =	sadd.s32 $0x8F2B, s0  }
0xc4: {  	[sflag:s0] =	ssyncadd.remote.s32 $0x1  }
0xc5: {  	_ =	sfence.sel $0xFFFF  }
0xc6: {  	[dreg:$0x0] =	wrdreg $0xFFFFFFFF;
	(pc) =	sbr.abs _section_cstart, $3  }
0xc7: {  	[dreg:$0x1] =	wrdreg $0xFFFFFFFF  }
0xc8: {  	_ =	task.clear_ibuf [dreg:s8], $0x2FFFF;
	_ =	strace $0x9FFFFFFF  }
0xc9: {  	(tm) =	ssettm $0x7FFFFFFF  }
tec
execute0_lowered:
.L_overlay_start_1:
0x0: {  	(tag) =	ssettag $0x1  }
0x1: {  	s1 =	rddreg [dreg:$0x0]  }
0x2: {  	s2 =	srdreg.scid;
	s3 =	rddreg [dreg:$0x1]  }
0x3: {  	s0 =	stileid.u32;
	s7 =	rddreg [dreg:$0x2]  }
0x4: {  	s4 =	simm.s32 $0x0;
	s12 =	simm.s32 $0x2710;
	s13 =	simm.s32 $0x11620  }
0x5: {  	s14 =	simm.s32 $0x50;
	s15 =	simm.s32 $0x4E20;
	s16 =	simm.s32 $0xB220  }
0x6: {  	s17 =	simm.s32 $0x6220;
	s18 =	simm.s32 $0xC620;
	s19 =	simm.s32 $0x7620  }
0x7: {  	s20 =	simm.s32 $0xDA20;
	s6 =	sand.u32 $0x1, s2;
	s30 =	sshll.u32 s0, $0x1  }
0x8: {  	s21 =	simm.s32 $0x8A20;
	s22 =	simm.s32 $0xEE20;
	s5 =	sor.u32 s6, s30  }
0x9: {  	s23 =	simm.s32 $0x9E20;
	s24 =	simm.s32 $0x10220;
	s5 =	smul.u32 $0x2710, s5  }
0xa: {  	s25 =	simm.s32 $0x1;
	s26 =	simm.s32 $0x0;
	[smem:$0x7FF] =	sst s4  }
0xb: {  	_ =	strace $0x80000059;
	s9 =	ssub.s32 $0x2, s6;
	s8 =	sshrl.u32 s5, $0x3  }
0xc: {  	s6 =	sadd.s32 $0x290600, s7;
	s31 =	sshrl.u32 s9, $0x1;
	s10 =	sadd.s32 s8, s7  }
0xd: {  	s11 =	ssub.s32 s9, s31;
	s7 =	sadd.s32 $0x1F600, s7;
	s8 =	sadd.s32 $0xBA00, s10  }
0xe: {  	s9 =	sadd.s32 $0x15800, s10;
	s10 =	smax.u32 s11, $0x1;
	s11 =	simm.s32 $0x2  }
.LBB2_1:
0xf: {  	[tilespmem:s4], [sflag:$0x2] =	stream.linear.gather [hbm4b:s8+s4], $0x2710, $0x38;
	[tilespmem:$0x17A20] =	vst v63  }
0x10: {  	_ =	swait.ge [sflag:s11], $0x2710  }
0x11: {  	[sflag:s11] =	ssyncset.done $0x0  }
0x12: {  	[sflag:s11] =	ssyncadd.s32 $0xFFFFD8F0  }
0x13: {  	[tilespmem:s12], [sflag:$0x2] =	stream.linear.gather [hbm4b:s9+s4], $0x2710, $0x38;
	[tilespmem:$0x17A20] =	vst v63  }
0x14: {  	_ =	swait.ge [sflag:s11], $0x2710  }
0x15: {  	[sflag:s11] =	ssyncset.done $0x0  }
0x16: {  	s28 =	simm.s32 $0x0;
	[sflag:s11] =	ssyncadd.s32 $0xFFFFD8F0  }
.LBB2_2:
0x17: {  	s30 =	smul.u32 $0x190, s28;
	_ =	sdelay $0x1  }
0x18: {  	s29 =	sadd.s32 s5, s30  }
0x19: {  	s29 =	sshll.u32 s29, $0x3  }
0x1a: {  	s2 =	simm.s32 $0x0;
	s31 =	sadd.s32 s6, s29  }
0x1b: {  	[tilespmem:s13], [sflag:$0x2] =	stream.linear.gather [hbm4b:s31+s2], $0x6400, $0x38;
	[tilespmem:$0x17A20] =	vst v63  }
0x1c: {  	_ =	swait.ge [sflag:s11], $0x6400  }
0x1d: {  	[sflag:s11] =	ssyncset.done $0x0  }
0x1e: {  	[sflag:s11] =	ssyncadd.s32 $0xFFFF9C00  }
0x1f: {  	[tilespmem:s15], [sflag:$0x1] =	stream.indirect.gather [hbm4b:s1+s14], $0x40, s30, s14, $0xb8;
	[tilespmem:$0x17A20] =	vst v63  }
0x20: {  	s2 =	sadd.s32 $0x2710, s30  }
0x21: {  	[tilespmem:s16], [sflag:$0x1] =	stream.indirect.gather [hbm4b:s3+s14], $0x40, s2, s14, $0xb8;
	[tilespmem:$0x17A20] =	vst v63  }
0x22: {  	s2 =	sadd.s32 $0x50, s30  }
0x23: {  	[tilespmem:s17], [sflag:$0x1] =	stream.indirect.gather [hbm4b:s1+s14], $0x40, s2, s14, $0xb8;
	[tilespmem:$0x17A20] =	vst v63  }
0x24: {  	s2 =	sadd.s32 $0x2760, s30  }
0x25: {  	[tilespmem:s18], [sflag:$0x1] =	stream.indirect.gather [hbm4b:s3+s14], $0x40, s2, s14, $0xb8;
	[tilespmem:$0x17A20] =	vst v63  }
0x26: {  	s2 =	sadd.s32 $0xA0, s30  }
0x27: {  	[tilespmem:s19], [sflag:$0x1] =	stream.indirect.gather [hbm4b:s1+s14], $0x40, s2, s14, $0xb8;
	[tilespmem:$0x17A20] =	vst v63  }
0x28: {  	s2 =	sadd.s32 $0x27B0, s30  }
0x29: {  	[tilespmem:s20], [sflag:$0x1] =	stream.indirect.gather [hbm4b:s3+s14], $0x40, s2, s14, $0xb8;
	[tilespmem:$0x17A20] =	vst v63  }
0x2a: {  	s2 =	sadd.s32 $0xF0, s30  }
0x2b: {  	[tilespmem:s21], [sflag:$0x1] =	stream.indirect.gather [hbm4b:s1+s14], $0x40, s2, s14, $0xb8;
	[tilespmem:$0x17A20] =	vst v63  }
0x2c: {  	s2 =	sadd.s32 $0x2800, s30  }
0x2d: {  	[tilespmem:s22], [sflag:$0x1] =	stream.indirect.gather [hbm4b:s3+s14], $0x40, s2, s14, $0xb8;
	[tilespmem:$0x17A20] =	vst v63  }
0x2e: {  	s2 =	sadd.s32 $0x140, s30  }
0x2f: {  	[tilespmem:s23], [sflag:$0x1] =	stream.indirect.gather [hbm4b:s1+s14], $0x40, s2, s14, $0xb8;
	[tilespmem:$0x17A20] =	vst v63  }
0x30: {  	s2 =	sadd.s32 $0x2850, s30  }
0x31: {  	[tilespmem:s24], [sflag:$0x1] =	stream.indirect.gather [hbm4b:s3+s14], $0x40, s2, s14, $0xb8;
	[tilespmem:$0x17A20] =	vst v63  }
0x32: {  	_ =	swait.ge [sflag:s25], $0x1400  }
0x33: {  	[sflag:s25] =	ssyncset.done $0x0  }
0x34: {  	[sflag:s25] =	ssyncadd.s32 $0xFFFFEC00  }
0x35: {  	_ =	swait.ge [sflag:s25], $0x1400  }
0x36: {  	[sflag:s25] =	ssyncset.done $0x0  }
0x37: {  	[sflag:s25] =	ssyncadd.s32 $0xFFFFEC00  }
0x38: {  	_ =	swait.ge [sflag:s25], $0x1400  }
0x39: {  	[sflag:s25] =	ssyncset.done $0x0  }
0x3a: {  	[sflag:s25] =	ssyncadd.s32 $0xFFFFEC00  }
0x3b: {  	_ =	swait.ge [sflag:s25], $0x1400  }
0x3c: {  	[sflag:s25] =	ssyncset.done $0x0  }
0x3d: {  	[sflag:s25] =	ssyncadd.s32 $0xFFFFEC00  }
0x3e: {  	_ =	swait.ge [sflag:s25], $0x1400  }
0x3f: {  	[sflag:s25] =	ssyncset.done $0x0  }
0x40: {  	[sflag:s25] =	ssyncadd.s32 $0xFFFFEC00  }
0x41: {  	_ =	swait.ge [sflag:s25], $0x1400  }
0x42: {  	[sflag:s25] =	ssyncset.done $0x0  }
0x43: {  	[sflag:s25] =	ssyncadd.s32 $0xFFFFEC00  }
0x44: {  	_ =	swait.ge [sflag:s25], $0x1400  }
0x45: {  	[sflag:s25] =	ssyncset.done $0x0  }
0x46: {  	[sflag:s25] =	ssyncadd.s32 $0xFFFFEC00  }
0x47: {  	_ =	swait.ge [sflag:s25], $0x1400  }
0x48: {  	[sflag:s25] =	ssyncset.done $0x0  }
0x49: {  	[sflag:s25] =	ssyncadd.s32 $0xFFFFEC00  }
0x4a: {  	_ =	swait.ge [sflag:s25], $0x1400  }
0x4b: {  	[sflag:s25] =	ssyncset.done $0x0  }
0x4c: {  	[sflag:s25] =	ssyncadd.s32 $0xFFFFEC00  }
0x4d: {  	_ =	swait.ge [sflag:s25], $0x1400  }
0x4e: {  	[sflag:s25] =	ssyncset.done $0x0  }
0x4f: {  	s30 =	simm.s32 $0x0;
	[sflag:s25] =	ssyncadd.s32 $0xFFFFEC00  }
0x50: {  	v4 =	vld [tilespmem:s30+$0x11620]  }
0x51: {  	v5 =	vld [tilespmem:s30+$0x11630]  }
0x52: {  	v3 =	vld [tilespmem:s30+$0xB220]  }
0x53: {  	v2 =	vld [tilespmem:s30+$0xB230]  }
0x54: {  	v0 =	vld [tilespmem:s30+$0xB240]  }
0x55: {  	v1 =	vld [tilespmem:s30+$0xB250]  }
0x56: {  	v7 =	vld [tilespmem:s30+$0x4E20]  }
0x57: {  	v8 =	vld [tilespmem:s30+$0x4E30]  }
0x58: {  	s31 =	simm.s32 $0x100;
	v6 =	vld [tilespmem:s30+$0x4E40]  }
.LBB2_3:
0x59: {  	p0 =	sne.s32 s31, $0x18F00;
	v9 =	vld [tilespmem:s30+$0x4E50]  }
0x5a: {  	v10 =	vld [tilespmem:s30+$0x11640]  }
0x5b: {  	s2 =	sshra.s32 s31, $0x2;
	v3 =	vadd.f32 v3, v7;
	v7 =	vld [tilespmem:s30+$0x11650]  }
0x5c: {  	v11 =	vld [tilespmem:s2+$0x11620];
	v2 =	vadd.f32 v2, v8  }
0x5d: {  	v8 =	vld [tilespmem:s2+$0x11630];
	v4 =	vadd.f32 v4, v3;
	v0 =	vadd.f32 v0, v6  }
0x5e: {  	v3 =	vld [tilespmem:s2+$0xB220];
	v5 =	vadd.f32 v5, v2;
	v1 =	vadd.f32 v1, v9  }
0x5f: {  	v2 =	vld [tilespmem:s2+$0xB230];
	v12 =	vmax.f32 v4, $0.0e+00;
	v6 =	vadd.f32 v10, v0  }
.Ltmp0:
0x60: {  	v0 =	vld [tilespmem:s2+$0xB240];
	[tilespmem:s30+$0x4E20] =	vst v12;
	v9 =	vmax.f32 v5, $0.0e+00;
	v10 =	vadd.f32 v7, v1;
	(pc) =	sbr.rel @p0 .LBB2_3-.Ltmp0, $4  }
0x61: {  	v1 =	vld [tilespmem:s2+$0xB250];
	[tilespmem:s30+$0x4E30] =	vst v9;
	v6 =	vmax.f32 v6, $0.0e+00;
	v4 =	vmov v11  }
0x62: {  	v7 =	vld [tilespmem:s2+$0x4E20];
	[tilespmem:s30+$0x4E40] =	vst v6;
	v6 =	vmax.f32 v10, $0.0e+00;
	v5 =	vmov v8  }
0x63: {  	v8 =	vld [tilespmem:s2+$0x4E30];
	[tilespmem:s30+$0x4E50] =	vst v6;
	s30 =	smov.u32 s2  }
0x64: {  	s31 =	sadd.s32 $0x100, s31;
	v6 =	vld [tilespmem:s30+$0x4E40]  }
0x65: {  	v9 =	vld [tilespmem:s30+$0x4E50]  }
0x66: {  	v10 =	vld [tilespmem:s30+$0x11640]  }
0x67: {  	v62 =	vld [tilespmem:s30+$0x11650];
	v3 =	vadd.f32 v3, v7  }
0x68: {  	v2 =	vadd.f32 v2, v8  }
0x69: {  	v3 =	vadd.f32 v4, v3;
	v0 =	vadd.f32 v0, v6  }
0x6a: {  	v2 =	vadd.f32 v5, v2;
	v1 =	vadd.f32 v1, v9  }
0x6b: {  	v3 =	vmax.f32 v3, $0.0e+00;
	v0 =	vadd.f32 v10, v0  }
0x6c: {  	[tilespmem:s30+$0x4E20] =	vst v3;
	v2 =	vmax.f32 v2, $0.0e+00;
	v1 =	vadd.f32 v62, v1  }
0x6d: {  	s28 =	sadd.s32 $0x1, s28;
	[tilespmem:s30+$0x4E30] =	vst v2;
	v0 =	vmax.f32 v0, $0.0e+00  }
0x6e: {  	p0 =	sne.s32 s28, $0x19;
	[tilespmem:s30+$0x4E40] =	vst v0;
	v63 =	vmax.f32 v1, $0.0e+00  }
.Ltmp1:
0x6f: {  	s2 =	sadd.s32 s7, s29;
	[tilespmem:s30+$0x4E50] =	vst v63;
	(pc) =	sbr.rel @p0 .LBB2_2-.Ltmp1, $4  }
0x70: {  	[hbm4b:s2+s4] =	stream.linear.scatter [tilespmem:s15], [sflag:$0x2], $0x6400, $0x38;
	[tilespmem:$0x17A20] =	vst v63  }
0x71: {  	_ =	swait.ge [sflag:s11], $0x6400  }
0x72: {  	[sflag:s11] =	ssyncset.done $0x0  }
0x73: {  	[sflag:s11] =	ssyncadd.s32 $0xFFFF9C00  }
0x74: {  	s26 =	sadd.s32 $0x1, s26  }
0x75: {  	p0 =	sne.s32 s26, s10  }
.Ltmp2:
0x76: {  	_ = 	snop;
	(pc) =	sbr.rel @p0 .LBB2_1-.Ltmp2, $1  }
0x77: {  	_ =	sdelay $0x3  }
0x78: {  	_ =	sfence.sel $0x180000  }
0x79: {  	[bflag:$0x0] =	sbarrier.arrive $0xFFFF  }
0x7a: {  	_ =	strace $0x90000059  }
0x7b: {  	[bflag:$0x2] =	sbarrier.arrive $0xFFFF  }
0x7c: {  	p0 =	sne.s32 s0, $0x0;
	s0 =	rddreg [dreg:$0x3]  }
0x7d: {  	s0 =	sadd.s32 @!p0 $0x100000, s0  }
0x7e: {  	[sflag:s0] =	ssyncadd.tile.s32 @!p0 $0x1;
	_ =	shalt  }
.Lfunc_end2:
_tile_overlayer_lowered:
.L_overlay_start_2:
0x7f: {  	(tag) =	ssettag $0x2  }
0x80: {  	s0 =	rddreg [dreg:$0x0];
	s2 =	stileid.u32  }
0x81: {  	s1 =	rddreg [dreg:$0x1];
	p0 =	sne.s32 s2, $0x0  }
0x82: {  	s3 =	rddreg [dreg:$0x2];
	[bflag:$0x3] =	sbarrier.arrive $0xFFFF;
	s2 =	simm.s32 @!p0 $0x1C02  }
0x83: {  	[timem:s3], [sflag:s2] =	dma.local @!p0 [hbm:s0], s1  }
0x84: {  	s0 =	simm.s32 @!p0 $0x2  }
0x85: {  	_ =	swait.ge @!p0 [sflag:s0], s1  }
0x86: {  	s1 =	ssub.s32 @!p0 $0x0, s1;
	[sflag:s0] =	ssyncset.done @!p0 $0x0  }
0x87: {  	[sflag:s0] =	ssyncadd.s32 @!p0 s1  }
0x88: {  	[bflag:$0x3] =	sbarrier.arrive $0xFFFF  }
0x89: {  	_ =	shalt  }

// kernel: kernel.34.cloned.1.call-start
scs
__scs_entry_jumppad:
0x0: {  	(pc) =	sbr.rel $0x88, $3  }
0x1: {  	(tag) =	ssettag $0x0;
	lr =	simm.s32 $0x1  }
0x2: {  	[smem:$0x3F7E] =	sst lr;
	_ =	strace $0xD0000000  }
0x3: {  	_ = 	snop  }
0x4: {  	_ = 	snop  }
0x5: {  	_ = 	snop  }
0x6: {  	_ = 	snop  }
0x7: {  	_ = 	snop  }
__scs_overlays_trampoline_lowered:
0x8: {  	[smem:$0x3F8D] =	sst s0  }
0x9: {  	[smem:$0x3F8E] =	sst s1  }
0xa: {  	[smem:$0x3F8F] =	sst s2  }
0xb: {  	[smem:$0x3F90] =	sst s3  }
0xc: {  	[smem:$0x3F91] =	sst s4  }
0xd: {  	[smem:$0x3F92] =	sst s5  }
0xe: {  	[smem:$0x3F93] =	sst s6  }
0xf: {  	[smem:$0x3F94] =	sst s7  }
0x10: {  	[smem:$0x3F95] =	sst s8  }
0x11: {  	[smem:$0x3F96] =	sst s9;
	s0 =	simm.s32 @!p0 $0x0  }
0x12: {  	s1 =	sld [smem:$0x3F7C];
	s0 =	simm.s32 @p0 $0x1  }
0x13: {  	[smem:$0x3F97] =	sst s0;
	s0 =	simm.s32 @!p1 $0x0  }
0x14: {  	s2 =	sld [smem:$0x3F7B];
	s0 =	simm.s32 @p1 $0x1  }
0x15: {  	[smem:$0x3F98] =	sst s0;
	s0 =	simm.s32 @!p2 $0x0  }
0x16: {  	s3 =	sld [smem:$0x3FDB];
	s0 =	simm.s32 @p2 $0x1  }
0x17: {  	s4 =	simm.s32 $0x1BF5;
	[smem:$0x3F9A] =	sst s0  }
0x18: {  	s0 =	sld [smem:$0x3F7D];
	_ =	swait.ge [sflag:s4], $0x0  }
0x19: {  	s7 =	sld [smem:$0x3F7E]  }
0x1a: {  	s8 =	sadd.s32 $0xFFFFE003, lr  }
0x1b: {  	s9 =	sadd.s32 $0xFFFFFEF7, lr;
	s5 =	simm.s32 $0xFFFFFFFF;
	p2 =	slt.u32 s8, $0xFFFFF086  }
0x1c: {  	p1 =	slt.u32 s9, $0xF7A;
	s5 =	simm.s32 @!p2 $0x0  }
0x1d: {  	s5 =	simm.s32 @p1 $0x1;
	p0 =	seq.s32 s7, s2  }
0x1e: {  	s7 =	smul.u32 @!p0 $0xF7A, s2;
	p2 =	seq.s32 @!p0 s5, $0x0  }
0x1f: {  	s9 =	smul.u32 $0xF7A, s1;
	s8 =	simm.s32 @!p0 $0x1BF5;
	p2 =	por !p2, p0  }
0x20: {  	[sflag:s8] =	ssyncset.s32 @!p0 $0xFFFFF086;
	s6 =	sadd.s32 @!p0 s3, s7;
	s7 =	simm.s32 @!p0 $0x108  }
0x21: {  	s3 =	sadd.s32 s3, s9;
	s6 =	sadd.s32 @!p0 $0x88, s6;
	s7 =	simm.s32 @p2 $0x1082  }
0x22: {  	[simem:s7], [sflag:s8] =	dma.local @!p0 [hbm:s6], $0xF7A  }
0x23: {  	s9 =	sor.u32 $0xD0000000, s2;
	s6 =	simm.s32 $0x108;
	_ =	swait.ge @!p0 [sflag:s8], $0x0  }
0x24: {  	s3 =	sadd.s32 $0x88, s3;
	s6 =	simm.s32 @!p1 $0x1082;
	[sflag:s4] =	ssyncset.s32 $0xFFFFF086  }
0x25: {  	[simem:s6], [sflag:s4] =	dma.local [hbm:s3], $0xF7A  }
0x26: {  	[smem:$0x3F7E] =	sst s1;
	(tag) =	ssettag s2;
	_ =	strace s9  }
0x27: {  	s1 =	sld [smem:$0x3F8E]  }
0x28: {  	s2 =	sld [smem:$0x3F8F]  }
0x29: {  	s4 =	sld [smem:$0x3F91]  }
0x2a: {  	p0 =	seq.s32 s5, $0x0;
	s5 =	sld [smem:$0x3F92]  }
0x2b: {  	s6 =	sld [smem:$0x3F93]  }
0x2c: {  	s7 =	sld [smem:$0x3F94]  }
0x2d: {  	s3 =	simm.s32 $0x108;
	s8 =	sld [smem:$0x3F95]  }
0x2e: {  	s3 =	simm.s32 @!p0 $0x1082;
	s9 =	sld [smem:$0x3F96]  }
0x2f: {  	lr =	sadd.s32 s0, s3;
	s0 =	sld [smem:$0x3F8D]  }
0x30: {  	s3 =	sld [smem:$0x3F90]  }
0x31: {  	[smem:$0x3F99] =	sst s10  }
0x32: {  	s10 =	sld [smem:$0x3F97];
	_ =	sdelay $0x3  }
0x33: {  	p0 =	seq.s32 s10, $0x1;
	s10 =	sld [smem:$0x3F99];
	_ =	sdelay $0x3  }
0x34: {  	[smem:$0x3F99] =	sst s10  }
0x35: {  	s10 =	sld [smem:$0x3F98];
	_ =	sdelay $0x3  }
0x36: {  	p1 =	seq.s32 s10, $0x1;
	s10 =	sld [smem:$0x3F99];
	_ =	sdelay $0x3  }
0x37: {  	[smem:$0x3F99] =	sst s10  }
0x38: {  	s10 =	sld [smem:$0x3F9A]  }
0x39: {  	_ = 	snop;
	(pc) =	sbr.ind lr, $3  }
0x3a: {  	_ = 	snop  }
0x3b: {  	_ = 	snop  }
0x3c: {  	p2 =	seq.s32 s10, $0x1;
	s10 =	sld [smem:$0x3F99]  }
0x3d: {  	_ =	shalt  }
0x3e: {  	_ =	shalt  }
0x3f: {  	_ =	shalt  }
0x40: {  	_ =	shalt  }
0x41: {  	_ =	shalt  }
0x42: {  	_ =	shalt  }
0x43: {  	_ =	shalt  }
0x44: {  	_ =	shalt  }
0x45: {  	_ =	shalt  }
0x46: {  	_ =	shalt  }
0x47: {  	_ =	shalt  }
0x48: {  	_ =	shalt  }
0x49: {  	_ =	shalt  }
0x4a: {  	_ =	shalt  }
0x4b: {  	_ =	shalt  }
0x4c: {  	_ =	shalt  }
0x4d: {  	_ =	shalt  }
0x4e: {  	_ =	shalt  }
0x4f: {  	_ =	shalt  }
0x50: {  	_ =	shalt  }
0x51: {  	_ =	shalt  }
0x52: {  	_ =	shalt  }
0x53: {  	_ =	shalt  }
0x54: {  	_ =	shalt  }
0x55: {  	_ =	shalt  }
0x56: {  	_ =	shalt  }
0x57: {  	_ =	shalt  }
0x58: {  	_ =	shalt  }
0x59: {  	_ =	shalt  }
0x5a: {  	_ =	shalt  }
0x5b: {  	_ =	shalt  }
0x5c: {  	_ =	shalt  }
0x5d: {  	_ =	shalt  }
0x5e: {  	_ =	shalt  }
0x5f: {  	_ =	shalt  }
0x60: {  	_ =	shalt  }
0x61: {  	_ =	shalt  }
0x62: {  	_ =	shalt  }
0x63: {  	_ =	shalt  }
0x64: {  	_ =	shalt  }
0x65: {  	_ =	shalt  }
0x66: {  	_ =	shalt  }
0x67: {  	_ =	shalt  }
0x68: {  	_ =	shalt  }
0x69: {  	_ =	shalt  }
0x6a: {  	_ =	shalt  }
0x6b: {  	_ =	shalt  }
0x6c: {  	_ =	shalt  }
0x6d: {  	_ =	shalt  }
0x6e: {  	_ =	shalt  }
0x6f: {  	_ =	shalt  }
0x70: {  	_ =	shalt  }
0x71: {  	_ =	shalt  }
0x72: {  	_ =	shalt  }
0x73: {  	_ =	shalt  }
0x74: {  	_ =	shalt  }
0x75: {  	_ =	shalt  }
0x76: {  	_ =	shalt  }
0x77: {  	_ =	shalt  }
0x78: {  	_ =	shalt  }
0x79: {  	_ =	shalt  }
0x7a: {  	_ =	shalt  }
0x7b: {  	_ =	shalt  }
0x7c: {  	_ =	shalt  }
0x7d: {  	_ =	shalt  }
0x7e: {  	_ =	shalt  }
0x7f: {  	_ =	shalt  }
0x80: {  	_ =	shalt  }
0x81: {  	_ =	shalt  }
0x82: {  	_ =	shalt  }
0x83: {  	_ =	shalt  }
0x84: {  	_ =	shalt  }
0x85: {  	_ =	shalt  }
0x86: {  	_ =	shalt  }
0x87: {  	_ =	shalt  }
.Lfunc_end0:
.L_simem_size_0:
called_computation.7_lowered:
.L_overlay_start_0:
0x88: {  	s2 =	sld [smem:$0x3FD9]  }
0x89: {  	s3 =	sld [smem:$0x3FFE];
	_ =	sdelay $0x1  }
0x8a: {  	s1 =	srdreg.scid  }
0x8b: {  	s0 =	sand.u32 $0x1, s1  }
0x8c: {  	s14 =	sshll.u32 s0, $0xA;
	s2 =	sadd.s32 s3, s2  }
0x8d: {  	s2 =	sadd.s32 s2, s14  }
0x8e: {  	[smem:$0x3FA5] =	sst s2  }
0x8f: {  	_ = 	snop  }
0x90: {  	s2 =	sld [smem:$0x3FD0];
	_ =	sdelay $0x2  }
0x91: {  	s15 =	simm.s32 $0xB;
	s4 =	simm.s32 $0x10  }
0x92: {  	[smem:s4], [sflag:s15] =	dma.local [hbm:s2], $0x1  }
0x93: {  	_ =	swait.eq [sflag:s15], $0x1  }
0x94: {  	[sflag:s15] =	ssyncset.done $0x0  }
0x95: {  	[sflag:s15] =	ssyncadd.s32 $0xFFFFFFFF  }
0x96: {  	s16 =	sld [smem:$0x15];
	(tm) =	ssettm $0x1  }
0x97: {  	s17 =	sld [smem:$0x3FFB];
	_ =	sdelay $0x3  }
0x98: {  	_ =	strace s17  }
0x99: {  	s3 =	sld [smem:$0x3FFC];
	_ =	sdelay $0x3  }
0x9a: {  	_ =	strace s3  }
0x9b: {  	s3 =	sld [smem:$0x3FFD];
	_ =	sdelay $0x3  }
0x9c: {  	_ =	strace s3  }
0x9d: {  	_ =	strace $0x8FFFFFFF  }
0x9e: {  	s18 =	sld [smem:$0x3FDB];
	_ =	sdelay $0x1  }
0x9f: {  	s19 =	simm.s32 $_scs_section_size  }
0xa0: {  	s5 =	simm.s32 $_size__tile_overlayer_lowered;
	s6 =	simm.s32 $_tile_overlayer_lowered  }
0xa1: {  	s22 =	simm.s32 $0x1BFF;
	s21 =	sshll.u32 s6, $0x1;
	s3 =	sadd.s32 s19, s18  }
0xa2: {  	s7 =	simm.s32 $0x0;
	s20 =	sshll.u32 s5, $0x1;
	s5 =	sadd.s32 s21, s3  }
0xa3: {  	[timem:s7], [sflag:s22] =	dma.local [hbm:s5], s20  }
0xa4: {  	_ =	swait.ge [sflag:s22], s20  }
0xa5: {  	s4 =	ssub.s32 $0x0, s20;
	[sflag:s22] =	ssyncset.done $0x0  }
0xa6: {  	[sflag:s22] =	ssyncadd.s32 s4;
	_ =	sdelay $0x1  }
0xa7: {  	s23 =	simm.s32 $0x1B8B  }
0xa8: {  	_ =	swait.ge [sflag:s23], $0x1  }
0xa9: {  	[sflag:s23] =	ssyncset.done $0x0  }
0xaa: {  	s25 =	simm.s32 $0x1B8E;
	s24 =	sld [smem:$0x3FFE];
	[sflag:s23] =	ssyncadd.s32 $0xFFFFFFFF  }
0xab: {  	s26 =	simm.s32 $execute0_lowered;
	[smem:$0x3FD2] =	sst s25  }
0xac: {  	s5 =	sshll.u32 s26, $0x1;
	_ =	strace $0x8000005B;
	[dreg:$0x1] =	wrdreg $0xFFFFFFFF  }
0xad: {  	s28 =	simm.s32 $_size_execute0_lowered;
	s3 =	sadd.s32 s3, s5;
	[dreg:$0x0] =	wrdreg $0x0  }
0xae: {  	s5 =	sshll.u32 s28, $0x1;
	[dreg:$0x2] =	wrdreg s3  }
0xaf: {  	[dreg:$0x3] =	wrdreg s5  }
0xb0: {  	[dreg:$0x4] =	wrdreg $0xC0  }
0xb1: {  	_ =	task [dreg:s7], $0x5FFFF  }
0xb2: {  	[dreg:$0x1] =	wrdreg $0xFFFFFFFF  }
0xb3: {  	[dreg:$0x0] =	wrdreg $0x60  }
0xb4: {  	[dreg:$0x2] =	wrdreg s24  }
0xb5: {  	[dreg:$0x3] =	wrdreg s16  }
0xb6: {  	[dreg:$0x4] =	wrdreg $0x12B100  }
0xb7: {  	[dreg:$0x5] =	wrdreg $0x9  }
0xb8: {  	_ =	task.clear_ibuf [dreg:s7], $0x6FFFF;
	_ =	strace $0x9000005B  }
0xb9: {  	s29 =	simm.s32 $0x9;
	_ =	strace $0x8000005D  }
0xba: {  	_ =	swait.ge [sflag:s29], $0x1  }
0xbb: {  	[sflag:s29] =	ssyncadd.s32 $0xFFFFFFFF  }
0xbc: {  	_ =	strace $0x9000005D  }
0xbd: {  	_ =	sfence  }
0xbe: {  	s30 =	sld [smem:$0x0];
	_ =	sdelay $0x2  }
0xbf: {  	s31 =	sshll.u32 s1, $0xD;
	s1 =	sshrl.u32 s1, $0x2  }
0xc0: {  	s3 =	sand.u32 $0x4000, s31;
	s1 =	sadd.s32 s1, s30  }
0xc1: {  	s0 =	sor.u32 s3, s0;
	s1 =	sshll.u32 s1, $0x11  }
0xc2: {  	s0 =	sor.u32 s1, s0  }
0xc3: {  	s0 =	sadd.s32 $0x8F2B, s0  }
0xc4: {  	[sflag:s0] =	ssyncadd.remote.s32 $0x1  }
0xc5: {  	_ =	sfence.sel $0xFFFF  }
0xc6: {  	[dreg:$0x0] =	wrdreg $0xFFFFFFFF;
	(pc) =	sbr.abs _section_cstart, $3  }
0xc7: {  	[dreg:$0x1] =	wrdreg $0xFFFFFFFF  }
0xc8: {  	_ =	task.clear_ibuf [dreg:s7], $0x2FFFF;
	_ =	strace $0x9FFFFFFF  }
0xc9: {  	(tm) =	ssettm $0x7FFFFFFF  }
tec
execute0_lowered:
.L_overlay_start_1:
0x0: {  	(tag) =	ssettag $0x1  }
0x1: {  	s4 =	rddreg [dreg:$0x0]  }
0x2: {  	s6 =	rddreg [dreg:$0x1]  }
0x3: {  	s2 =	rddreg [dreg:$0x2];
	s1 =	stileid.u32  }
0x4: {  	s3 =	srdreg.scid;
	s0 =	rddreg [dreg:$0x3];
	s13 =	simm.s32 $0x3B10  }
0x5: {  	s14 =	simm.s32 $0x4F10;
	s15 =	simm.s32 $0x6310;
	s8 =	smul.u32 $0x27100, s1  }
0x6: {  	s16 =	simm.s32 $0x7710;
	s5 =	sand.u32 $0x1, s3;
	s9 =	smul.u32 $0xA000, s1  }
0x7: {  	s17 =	simm.s32 $0x0;
	s7 =	sshll.u32 s1, $0x1;
	s11 =	smul.u32 $0xA0000, s5  }
0x8: {  	s3 =	simm.s32 $0x0;
	s7 =	sor.u32 s5, s7;
	s12 =	smul.u32 $0x13880, s5  }
0x9: {  	[smem:$0x7FF] =	sst s3;
	s10 =	ssub.s32 $0x2, s5;
	s7 =	smul.u32 $0x2710, s7  }
0xa: {  	_ =	strace $0x8000005C;
	s8 =	sadd.s32 s8, s4;
	s30 =	sshrl.u32 s10, $0x1  }
0xb: {  	s10 =	ssub.s32 s10, s30;
	s8 =	sadd.s32 s12, s8;
	s7 =	sshrl.u32 s7, $0x3  }
0xc: {  	s12 =	simm.s32 $0x50;
	s8 =	sadd.s32 $0x290600, s8;
	s7 =	sadd.s32 s7, s4  }
0xd: {  	s4 =	sadd.s32 s9, s2;
	s9 =	sadd.s32 s9, s11;
	s11 =	simm.s32 $0x2710  }
0xe: {  	s5 =	sadd.s32 $0x15800, s7;
	s31 =	sshrl.u32 s9, $0x3;
	s7 =	smax.u32 s10, $0x1  }
0xf: {  	v0 =	vimm.f32 $0.0e+00;
	s9 =	simm.s32 $0x8B10;
	s10 =	simm.s32 $0x1;
	s6 =	sadd.s32 s6, s31  }
.LBB2_1:
0x10: {  	s19 =	simm.s32 $0x100;
	s18 =	simm.s32 $0x0  }
.LBB2_2:
0x11: {  	p0 =	sne.s32 s19, $0x27F00;
	[tilespmem:s18+$0x8B40] =	vst v0;
	s20 =	smov.u32 s19;
	s19 =	sadd.s32 $0x100, s19  }
.Ltmp0:
0x12: {  	[tilespmem:s18+$0x8B30] =	vst v0;
	(pc) =	sbr.rel @p0 .LBB2_2-.Ltmp0, $3  }
0x13: {  	[tilespmem:s18+$0x8B10] =	vst v0  }
0x14: {  	[tilespmem:s18+$0x8B20] =	vst v0;
	_ =	sdelay $0x1  }
0x15: {  	s18 =	sshra.s32 s20, $0x2  }
0x16: {  	[tilespmem:s18+$0x8B40] =	vst v0  }
0x17: {  	[tilespmem:s18+$0x8B30] =	vst v0  }
0x18: {  	[tilespmem:s18+$0x8B10] =	vst v0  }
0x19: {  	[tilespmem:s18+$0x8B20] =	vst v0  }
0x1a: {  	[spmem:s4] =	stream.linear.scatter [tilespmem:s9], [sflag:$0x1], $0xA000, $0x38;
	[tilespmem:$0x1CB10] =	vst v63  }
0x1b: {  	_ =	swait.ge [sflag:s10], $0xA000  }
0x1c: {  	[sflag:s10] =	ssyncset.done $0x0  }
0x1d: {  	[sflag:s10] =	ssyncadd.s32 $0xFFFF6000  }
0x1e: {  	s25 =	simm.s32 $0x0;
	[bflag:$0x0] =	sbarrier.arrive $0xFFFF  }
0x1f: {  	[tilespmem:s25], [sflag:$0x1] =	stream.linear.gather [hbm4b:s5+s25], $0x2710, $0x38;
	[tilespmem:$0x1CB10] =	vst v63  }
0x20: {  	_ =	swait.ge [sflag:s10], $0x2710  }
0x21: {  	[sflag:s10] =	ssyncset.done $0x0  }
0x22: {  	[sflag:s10] =	ssyncadd.s32 $0xFFFFD8F0  }
0x23: {  	[tilespmem:s11], [sflag:$0x1] =	stream.linear.gather [hbm4b:s8+s3], $0x6400, $0x38;
	[tilespmem:$0x1CB10] =	vst v63  }
0x24: {  	_ =	swait.ge [sflag:s10], $0x6400  }
0x25: {  	[sflag:s10] =	ssyncset.done $0x0  }
0x26: {  	s26 =	simm.s32 $0x0;
	[sflag:s10] =	ssyncadd.s32 $0xFFFF9C00  }
0x27: {  	[spmem:s2] =	stream.indirect.scatter.add.f32 [tilespmem:s11], [sflag:$0x1], $0x40, s26, s12, $0xb8;
	[tilespmem:$0x1CB10] =	vst v63  }
0x28: {  	_ =	swait.ge [sflag:s10], $0x1400  }
0x29: {  	[sflag:s10] =	ssyncset.done $0x0  }
0x2a: {  	s28 =	simm.s32 $0x50;
	[sflag:s10] =	ssyncadd.s32 $0xFFFFEC00  }
0x2b: {  	[spmem:s2] =	stream.indirect.scatter.add.f32 [tilespmem:s13], [sflag:$0x1], $0x40, s28, s12, $0xb8;
	[tilespmem:$0x1CB10] =	vst v63  }
0x2c: {  	_ =	swait.ge [sflag:s10], $0x1400  }
0x2d: {  	[sflag:s10] =	ssyncset.done $0x0  }
0x2e: {  	s29 =	simm.s32 $0xA0;
	[sflag:s10] =	ssyncadd.s32 $0xFFFFEC00  }
0x2f: {  	[spmem:s2] =	stream.indirect.scatter.add.f32 [tilespmem:s14], [sflag:$0x1], $0x40, s29, s12, $0xb8;
	[tilespmem:$0x1CB10] =	vst v63  }
0x30: {  	_ =	swait.ge [sflag:s10], $0x1400  }
0x31: {  	[sflag:s10] =	ssyncset.done $0x0  }
0x32: {  	s30 =	simm.s32 $0xF0;
	[sflag:s10] =	ssyncadd.s32 $0xFFFFEC00  }
0x33: {  	[spmem:s2] =	stream.indirect.scatter.add.f32 [tilespmem:s15], [sflag:$0x1], $0x40, s30, s12, $0xb8;
	[tilespmem:$0x1CB10] =	vst v63  }
0x34: {  	_ =	swait.ge [sflag:s10], $0x1400  }
0x35: {  	[sflag:s10] =	ssyncset.done $0x0  }
0x36: {  	s31 =	simm.s32 $0x140;
	[sflag:s10] =	ssyncadd.s32 $0xFFFFEC00  }
0x37: {  	[spmem:s2] =	stream.indirect.scatter.add.f32 [tilespmem:s16], [sflag:$0x1], $0x40, s31, s12, $0xb8;
	[tilespmem:$0x1CB10] =	vst v63  }
0x38: {  	_ =	swait.ge [sflag:s10], $0x1400  }
0x39: {  	s18 =	simm.s32 $0x640;
	s19 =	smov.u32 s8;
	[sflag:s10] =	ssyncset.done $0x0  }
.LBB2_4:
0x3a: {  	p0 =	sne.s32 s18, $0x9600;
	[sflag:s10] =	ssyncadd.s32 $0xFFFFEC00;
	s19 =	sadd.s32 $0xC80, s19  }
0x3b: {  	[tilespmem:s11], [sflag:$0x1] =	stream.linear.gather [hbm4b:s19+s3], $0x6400, $0x38;
	[tilespmem:$0x1CB10] =	vst v63  }
0x3c: {  	s20 =	smov.u32 s18;
	s18 =	sadd.s32 $0x640, s18;
	_ =	swait.ge [sflag:s10], $0x6400  }
0x3d: {  	[sflag:s10] =	ssyncset.done $0x0  }
0x3e: {  	s20 =	sshra.s32 s20, $0x2;
	[sflag:s10] =	ssyncadd.s32 $0xFFFF9C00  }
0x3f: {  	[spmem:s2] =	stream.indirect.scatter.add.f32 [tilespmem:s11], [sflag:$0x1], $0x40, s20, s12, $0xb8;
	[tilespmem:$0x1CB10] =	vst v63  }
0x40: {  	_ =	swait.ge [sflag:s10], $0x1400  }
0x41: {  	[sflag:s10] =	ssyncset.done $0x0  }
0x42: {  	s21 =	sadd.s32 $0x50, s20;
	[sflag:s10] =	ssyncadd.s32 $0xFFFFEC00  }
0x43: {  	[spmem:s2] =	stream.indirect.scatter.add.f32 [tilespmem:s13], [sflag:$0x1], $0x40, s21, s12, $0xb8;
	[tilespmem:$0x1CB10] =	vst v63  }
0x44: {  	_ =	swait.ge [sflag:s10], $0x1400  }
0x45: {  	[sflag:s10] =	ssyncset.done $0x0  }
0x46: {  	s21 =	sadd.s32 $0xA0, s20;
	[sflag:s10] =	ssyncadd.s32 $0xFFFFEC00  }
0x47: {  	[spmem:s2] =	stream.indirect.scatter.add.f32 [tilespmem:s14], [sflag:$0x1], $0x40, s21, s12, $0xb8;
	[tilespmem:$0x1CB10] =	vst v63  }
0x48: {  	_ =	swait.ge [sflag:s10], $0x1400  }
0x49: {  	[sflag:s10] =	ssyncset.done $0x0  }
0x4a: {  	s21 =	sadd.s32 $0xF0, s20;
	[sflag:s10] =	ssyncadd.s32 $0xFFFFEC00  }
0x4b: {  	[spmem:s2] =	stream.indirect.scatter.add.f32 [tilespmem:s15], [sflag:$0x1], $0x40, s21, s12, $0xb8;
	[tilespmem:$0x1CB10] =	vst v63  }
0x4c: {  	_ =	swait.ge [sflag:s10], $0x1400  }
.Ltmp1:
0x4d: {  	[sflag:s10] =	ssyncset.done $0x0;
	(pc) =	sbr.rel @p0 .LBB2_4-.Ltmp1, $4  }
0x4e: {  	s20 =	sadd.s32 $0x140, s20;
	[sflag:s10] =	ssyncadd.s32 $0xFFFFEC00  }
0x4f: {  	[spmem:s2] =	stream.indirect.scatter.add.f32 [tilespmem:s16], [sflag:$0x1], $0x40, s20, s12, $0xb8;
	[tilespmem:$0x1CB10] =	vst v63  }
0x50: {  	_ =	swait.ge [sflag:s10], $0x1400  }
0x51: {  	[sflag:s10] =	ssyncset.done $0x0  }
0x52: {  	[sflag:s10] =	ssyncadd.s32 $0xFFFFEC00  }
0x53: {  	[bflag:$0x0] =	sbarrier.arrive $0xFFFF  }
0x54: {  	[tilespmem:s9], [sflag:$0x1] =	stream.linear.gather [spmem:s4], $0xA000, $0x38;
	[tilespmem:$0x1CB10] =	vst v63  }
0x55: {  	s17 =	sadd.s32 $0x1, s17;
	_ =	swait.ge [sflag:s10], $0xA000  }
0x56: {  	p0 =	sne.s32 s17, s7;
	[sflag:s10] =	ssyncset.done $0x0  }
.Ltmp2:
0x57: {  	[sflag:s10] =	ssyncadd.s32 $0xFFFF6000;
	(pc) =	sbr.rel @p0 .LBB2_1-.Ltmp2, $4  }
0x58: {  	[hbm4b:s6+s3] =	stream.linear.scatter [tilespmem:s9], [sflag:$0x1], $0xA000, $0x38;
	[tilespmem:$0x1CB10] =	vst v63  }
0x59: {  	_ =	swait.ge [sflag:s10], $0xA000  }
0x5a: {  	[sflag:s10] =	ssyncset.done $0x0  }
0x5b: {  	[sflag:s10] =	ssyncadd.s32 $0xFFFF6000  }
0x5c: {  	_ =	sfence.sel $0x180000  }
0x5d: {  	[bflag:$0x0] =	sbarrier.arrive $0xFFFF  }
0x5e: {  	p0 =	sne.s32 s1, $0x0;
	_ =	strace $0x9000005C  }
0x5f: {  	s0 =	sadd.s32 @!p0 $0x100000, s0;
	[bflag:$0x2] =	sbarrier.arrive $0xFFFF  }
0x60: {  	[sflag:s0] =	ssyncadd.tile.s32 @!p0 $0x1;
	_ =	shalt  }
.Lfunc_end2:
_tile_overlayer_lowered:
.L_overlay_start_2:
0x61: {  	(tag) =	ssettag $0x2  }
0x62: {  	s0 =	rddreg [dreg:$0x0];
	s2 =	stileid.u32  }
0x63: {  	s1 =	rddreg [dreg:$0x1];
	p0 =	sne.s32 s2, $0x0  }
0x64: {  	s3 =	rddreg [dreg:$0x2];
	[bflag:$0x3] =	sbarrier.arrive $0xFFFF;
	s2 =	simm.s32 @!p0 $0x1C01  }
0x65: {  	[timem:s3], [sflag:s2] =	dma.local @!p0 [hbm:s0], s1  }
0x66: {  	s0 =	simm.s32 @!p0 $0x1  }
0x67: {  	_ =	swait.ge @!p0 [sflag:s0], s1  }
0x68: {  	s1 =	ssub.s32 @!p0 $0x0, s1;
	[sflag:s0] =	ssyncset.done @!p0 $0x0  }
0x69: {  	[sflag:s0] =	ssyncadd.s32 @!p0 s1  }
0x6a: {  	[bflag:$0x3] =	sbarrier.arrive $0xFFFF  }
0x6b: {  	_ =	shalt  }

</sc_bundles>
